<compile_context>
chip_gen: v7x
topology: tpu7x:2x2x1
jax: 0.10.2.dev20260603
libtpu: 0.0.44.dev20260713+nightly
codegen_flags: <defaults>
</compile_context>

<pallas_src>
import functools

import jax
import jax.numpy as jnp
from jax import lax
from jax.experimental import pallas as pl
from jax.experimental.pallas import tpu as pltpu
from jax.experimental.pallas import tpu_sc as plsc

_N = 5000
_NP = 5120
_B = 512
_NB = _NP // _B
_MAX_DET = 300
_MD_PAD = 384
_IOU_THRESH = 0.1

_SC_CORES = 2
_SC_SUBCORES = 16
_NW = _SC_CORES * _SC_SUBCORES
_BPW = _NP // _NW
_IDXW = 80
_NIDX = _BPW // _IDXW


def _decode_body(aT_ref, rT_ref, c_ref, thr_ref, table_ref, sm_ref,
                 *, w_img, h_img):
    aT = aT_ref[...]
    rT = rT_ref[...]
    x1a = aT[0:1, :]
    y1a = aT[1:2, :]
    x2a = aT[2:3, :]
    y2a = aT[3:4, :]
    w = x2a - x1a
    h = y2a - y1a
    cx = x1a + 0.5 * w
    cy = y1a + 0.5 * h
    dx = rT[0:1, :] * 0.1
    dy = rT[1:2, :] * 0.1
    dw = rT[2:3, :] * 0.2
    dh = rT[3:4, :] * 0.2
    pcx = cx + dx * w
    pcy = cy + dy * h
    pw = jnp.exp(dw) * w
    ph = jnp.exp(dh) * h
    bx1 = jnp.maximum(pcx - 0.5 * pw, 0.0)
    by1 = jnp.maximum(pcy - 0.5 * ph, 0.0)
    bx2 = jnp.minimum(pcx + 0.5 * pw, w_img)
    by2 = jnp.minimum(pcy + 0.5 * ph, h_img)
    boxT = jnp.concatenate([bx1, by1, bx2, by2], axis=0)

    c = c_ref[...]
    cmax = jnp.max(c, axis=1, keepdims=True)
    thr = thr_ref[0, 0]
    sm = jnp.where(cmax > thr, cmax, -jnp.inf)
    sm_ref[0:_N, :] = sm
    sm_ref[_N:_NP, :] = jnp.full((_NP - _N, 1), -jnp.inf, jnp.float32)
    idxs = lax.broadcasted_iota(jnp.int32, c.shape, 1)
    cand = jnp.where(c == cmax, jnp.float32(1.0) * idxs, jnp.float32(2**30))
    argm = jnp.min(cand, axis=1, keepdims=True)
    rowid = lax.broadcasted_iota(jnp.int32, (_N, 1), 0).astype(jnp.float32)

    table_ref[0:_N, :] = jnp.concatenate(
        [jnp.transpose(boxT, (1, 0)), sm, cmax, argm, rowid], axis=1)
    pad_rows = jnp.concatenate(
        [jnp.zeros((_NP - _N, 4), jnp.float32),
         jnp.full((_NP - _N, 2), -jnp.inf, jnp.float32),
         jnp.zeros((_NP - _N, 1), jnp.float32),
         jnp.float32(_N) + lax.broadcasted_iota(
             jnp.int32, (_NP - _N, 1), 0).astype(jnp.float32)], axis=1)
    table_ref[_N:_NP, :] = pad_rows


def _sc_gather_body(table_hbm, idx_hbm, out_hbm, idx_v, rows_v, sem):
    wid = lax.axis_index("s") * _SC_CORES + lax.axis_index("c")
    pltpu.sync_copy(idx_hbm.at[wid], idx_v)
    copies = [
        pltpu.async_copy(table_hbm.at[idx_v.at[j]],
                         rows_v.at[pl.ds(j * _IDXW, _IDXW)], sem)
        for j in range(_NIDX)
    ]
    for cp in copies:
        cp.wait()
    pltpu.sync_copy(rows_v, out_hbm.at[pl.ds(wid * _BPW, _BPW)])


def _sorted_gather(table, idx3):
    return pl.kernel(
        _sc_gather_body,
        out_type=jax.ShapeDtypeStruct((_NP, 8), jnp.float32),
        mesh=plsc.VectorSubcoreMesh(
            core_axis_name="c", subcore_axis_name="s",
            num_cores=_SC_CORES, num_subcores=_SC_SUBCORES),
        scratch_types=[
            pltpu.VMEM((_NIDX, _IDXW), jnp.int32),
            pltpu.VMEM((_BPW, 8), jnp.float32),
            pltpu.SemaphoreType.DMA,
        ],
        compiler_params=pltpu.CompilerParams(use_tc_tiling_on_sc=False),
    )(table, idx3)


def _lane_cumsum(x):
    s = 1
    while s < _NP:
        x = x + jnp.concatenate(
            [jnp.zeros((1, s), jnp.float32), x[:, :_NP - s]], axis=1)
        s *= 2
    return x


def _nms_body(tab_ref, out_ref, m_ref, keep_ref):
    keep_ref[...] = jnp.ones((1, _NP), jnp.float32)
    tabT = jnp.transpose(tab_ref[...], (1, 0))

    def tile_mask(r0, c0):
        x1r = tab_ref[r0:r0 + _B, 0:1]
        y1r = tab_ref[r0:r0 + _B, 1:2]
        x2r = tab_ref[r0:r0 + _B, 2:3]
        y2r = tab_ref[r0:r0 + _B, 3:4]
        ar = (x2r - x1r) * (y2r - y1r)
        x1c = tabT[0:1, c0:c0 + _B]
        y1c = tabT[1:2, c0:c0 + _B]
        x2c = tabT[2:3, c0:c0 + _B]
        y2c = tabT[3:4, c0:c0 + _B]
        ac = (x2c - x1c) * (y2c - y1c)
        xx1 = jnp.maximum(x1r, x1c)
        yy1 = jnp.maximum(y1r, y1c)
        xx2 = jnp.minimum(x2r, x2c)
        yy2 = jnp.minimum(y2r, y2c)
        inter = (jnp.maximum(xx2 - xx1, 0.0) * jnp.maximum(yy2 - yy1, 0.0))
        iou = inter / (ar + ac - inter + 1e-8)
        return iou > _IOU_THRESH

    def suppress_from(k_bf16, m_bf16):
        prod = lax.dot_general(k_bf16, m_bf16, (((1,), (0,)), ((), ())),
                               preferred_element_type=jnp.float32)
        return prod

    for b in range(_NB):
        r0 = b * _B
        tri = (lax.broadcasted_iota(jnp.int32, (_B, _B), 0) <
               lax.broadcasted_iota(jnp.int32, (_B, _B), 1))
        wb = tile_mask(r0, r0) & tri
        m_ref[...] = jnp.where(wb, 1.0, 0.0).astype(jnp.bfloat16)
        kb0 = keep_ref[0:1, r0:r0 + _B]

        def w_cond(st):
            return st[1]

        def w_body(st):
            k, _ = st
            prod = suppress_from(k.astype(jnp.bfloat16), m_ref[...])
            knew = jnp.where(prod > 0, 0.0, kb0)
            return (knew, jnp.any(knew != k))

        kfin, _ = lax.while_loop(w_cond, w_body, (kb0, jnp.bool_(True)))
        keep_ref[0:1, r0:r0 + _B] = kfin

        k_bf = kfin.astype(jnp.bfloat16)
        for b2 in range(b + 1, _NB):
            c0 = b2 * _B
            mx = jnp.where(tile_mask(r0, c0), 1.0, 0.0).astype(jnp.bfloat16)
            prod = suppress_from(k_bf, mx)
            keep_ref[0:1, c0:c0 + _B] = (
                keep_ref[0:1, c0:c0 + _B] *
                jnp.where(prod > 0, 0.0, 1.0))

    ss = tabT[4:5, :]
    keep = keep_ref[...] * jnp.where(ss > -jnp.inf, 1.0, 0.0)
    c1 = _lane_cumsum(keep)
    total_kept = c1[0:1, _NP - 1:_NP]
    pos1 = 1.0 + lax.broadcasted_iota(jnp.int32, (1, _NP), 1).astype(
        jnp.float32)
    c0 = pos1 - c1
    rank = jnp.where(keep > 0, c1 - 1.0, total_kept + c0 - 1.0)

    kio = lax.broadcasted_iota(jnp.int32, (_MD_PAD, _NP), 0).astype(
        jnp.float32)
    sel_mask = (rank == kio) & (kio < float(_MAX_DET))
    for ch in range(8):
        row = tabT[ch:ch + 1, :]
        picked = jnp.where(sel_mask, row, 0.0)
        out_ref[:, ch:ch + 1] = jnp.sum(picked, axis=1, keepdims=True)


def kernel(img_batch, anchors, regression, classification, score_threshold):
    h_img = float(img_batch.shape[2])
    w_img = float(img_batch.shape[3])
    a = anchors[0]
    r = regression[0]
    c = classification[0]
    pad_n = _NP - _N
    thr = jnp.reshape(score_threshold.astype(jnp.float32), (1, 1))

    table, sm = pl.pallas_call(
        functools.partial(_decode_body, w_img=w_img, h_img=h_img),
        out_shape=[
            jax.ShapeDtypeStruct((_NP, 8), jnp.float32),
            jax.ShapeDtypeStruct((_NP, 1), jnp.float32),
        ],
    )(a.T, r.T, c, thr)

    sm5 = sm[:_N, 0]
    order = jnp.argsort(-sm5)
    order_p = jnp.concatenate([order, jnp.arange(_N, _NP, dtype=order.dtype)])
    idx3 = order_p.reshape(_NW, _NIDX, _IDXW)
    sorted_tab = _sorted_gather(table, idx3)

    out = pl.pallas_call(
        _nms_body,
        out_shape=jax.ShapeDtypeStruct((_MD_PAD, 8), jnp.float32),
        scratch_shapes=[
            pltpu.VMEM((_B, _B), jnp.bfloat16),
            pltpu.VMEM((1, _NP), jnp.float32),
        ],
    )(sorted_tab)

    nms_boxes = out[:_MAX_DET, 0:4]
    nms_scores = out[:_MAX_DET, 5]
    classes = out[:_MAX_DET, 6].astype(jnp.int32)
    sel = out[:_MAX_DET, 7].astype(jnp.int32)
    return nms_scores, classes, nms_boxes, sel

# --- scband reference (transcript-rebuilt; emitter-appended) ---
"""Pipeline reference for scband-box-sampler-6674379178401 (READ-ONLY COPY).

The authoritative reference and input builder live on the scoring server;
editing this copy changes nothing except your own understanding.
"""

import jax, jax.numpy as jnp
import numpy as np

N = 5000
NUM_CLASSES = 80
MAX_DET = 300
IOU_THRESH = 0.1  # hardcoded inside the original nms() wrapper


def _bbox_transform(anchors, deltas):
    std = jnp.array([0.1, 0.1, 0.2, 0.2], dtype=anchors.dtype)
    widths = anchors[..., 2] - anchors[..., 0]
    heights = anchors[..., 3] - anchors[..., 1]
    ctr_x = anchors[..., 0] + 0.5 * widths
    ctr_y = anchors[..., 1] + 0.5 * heights
    dx = deltas[..., 0] * std[0]
    dy = deltas[..., 1] * std[1]
    dw = deltas[..., 2] * std[2]
    dh = deltas[..., 3] * std[3]
    pred_ctr_x = ctr_x + dx * widths
    pred_ctr_y = ctr_y + dy * heights
    pred_w = jnp.exp(dw) * widths
    pred_h = jnp.exp(dh) * heights
    return jnp.stack([pred_ctr_x - 0.5 * pred_w,
                      pred_ctr_y - 0.5 * pred_h,
                      pred_ctr_x + 0.5 * pred_w,
                      pred_ctr_y + 0.5 * pred_h], axis=-1)


def _clip_boxes(boxes, img):
    H = img.shape[2]
    W = img.shape[3]
    x1 = jnp.clip(boxes[..., 0], 0.0, None)
    y1 = jnp.clip(boxes[..., 1], 0.0, None)
    x2 = jnp.clip(boxes[..., 2], None, float(W))
    y2 = jnp.clip(boxes[..., 3], None, float(H))
    return jnp.stack([x1, y1, x2, y2], axis=-1)


def _iou_matrix(b):
    x1, y1, x2, y2 = b[:, 0], b[:, 1], b[:, 2], b[:, 3]
    areas = (x2 - x1) * (y2 - y1)
    xx1 = jnp.maximum(x1[:, None], x1[None, :])
    yy1 = jnp.maximum(y1[:, None], y1[None, :])
    xx2 = jnp.minimum(x2[:, None], x2[None, :])
    yy2 = jnp.minimum(y2[:, None], y2[None, :])
    inter = jnp.clip(xx2 - xx1, 0.0, None) * jnp.clip(yy2 - yy1, 0.0, None)
    return inter / (areas[:, None] + areas[None, :] - inter + 1e-8)


def _nms_keep(boxes_sorted):
    # greedy NMS over score-sorted boxes; mask is non-differentiable by construction
    iou = _iou_matrix(jax.lax.stop_gradient(boxes_sorted))
    n = boxes_sorted.shape[0]
    idx = jnp.arange(n)
    def body(keep, i):
        sup = (iou[i] > IOU_THRESH) & (idx > i) & keep[i]
        return keep & (~sup), None
    keep, _ = jax.lax.scan(body, jnp.ones((n,), dtype=bool), idx)
    return keep


def setup_inputs(seed: int = 0) -> dict:
    key = jax.random.key(seed)
    k1, k2, k3, k4 = jax.random.split(key, 4)
    img_batch = jax.random.normal(k1, (1, 3, 512, 512), dtype=jnp.float32)
    u = jax.random.uniform(k2, (1, N, 4), dtype=jnp.float32) * 512.0
    x1 = jnp.minimum(u[..., 0], u[..., 2])
    x2 = jnp.maximum(u[..., 0], u[..., 2]) + 1.0
    y1 = jnp.minimum(u[..., 1], u[..., 3])
    y2 = jnp.maximum(u[..., 1], u[..., 3]) + 1.0
    anchors = jnp.stack([x1, y1, x2, y2], axis=-1)
    regression = jax.random.normal(k3, (1, N, 4), dtype=jnp.float32)
    classification = jax.random.uniform(k4, (1, N, NUM_CLASSES), dtype=jnp.float32)
    score_threshold = jnp.float32(0.0)
    return {"img_batch": img_batch, "anchors": anchors, "regression": regression,
            "classification": classification, "score_threshold": score_threshold}


def reference(img_batch, anchors, regression, classification, score_threshold):
    boxes = _clip_boxes(_bbox_transform(anchors, regression), img_batch)
    scores = jnp.max(classification, axis=2)  # [1, N]
    b = boxes[0]
    s = scores[0]
    over = s > score_threshold
    s_masked = jnp.where(over, s, -jnp.inf)
    order = jnp.argsort(-s_masked)
    b_sorted = b[order]
    s_sorted = s_masked[order]
    keep = _nms_keep(b_sorted) & jnp.isfinite(s_sorted)
    final = jnp.where(keep, s_sorted, -jnp.inf)
    _, top_idx = jax.lax.top_k(final, MAX_DET)
    sel = order[top_idx]  # original anchor indices of kept detections (fixed size MAX_DET)
    nms_boxes = b[sel]
    cls_sel = classification[0][sel]  # [MAX_DET, NUM_CLASSES]
    nms_scores = jnp.max(cls_sel, axis=1)
    classes = jnp.argmax(cls_sel, axis=1)
    return nms_scores, classes, nms_boxes, sel

if __name__ == "__main__":
    import jax
    _d = setup_inputs()
    print(jax.jit(kernel)(*tuple(_d.values())))

</pallas_src>

<mosaic_0001>
#map = affine_map<(d0, d1) -> (0, 0)>
#map1 = affine_map<(d0, d1) -> (0, 0, 0)>
module attributes {stable_mosaic.version = 14 : i64} {
  func.func @_sc_gather_body(%arg0: i32, %arg1: i32, %arg2: memref<5120x8xf32, #tpu.memory_space<hbm>>, %arg3: memref<32x2x80xi32, #tpu.memory_space<hbm>>, %arg4: memref<5120x8xf32, #tpu.memory_space<hbm>>, %arg5: memref<2x80xi32, #tpu.memory_space<vmem>>, %arg6: memref<160x8xf32, #tpu.memory_space<vmem>>, %arg7: memref<!tpu.dma_semaphore, #tpu.memory_space<semaphore_mem>>) attributes {dimension_semantics = [#tpu.dimension_semantics<core_parallel>, #tpu.dimension_semantics<subcore_parallel>], iteration_bounds = array<i64: 2, 16>, scalar_prefetch = 0 : i64, scratch_operands = 3 : i64, tpu.core_type = #tpu.core_type<sc_vector_subcore>, window_params = [{transform_indices = #map}, {transform_indices = #map1}, {transform_indices = #map}]} {
    %mul3A = arith.constant 2 : i32
    %mul3A_0 = arith.muli %arg1, %mul3A : i32
    %add3A = arith.addi %mul3A_0, %arg0 : i32
    "tpu.region"() ({
      %run_scoped3A = tpu.sem_alloc : memref<!tpu.dma_semaphore, #tpu.memory_space<semaphore_mem>>
      %dma_start3A_41 = arith.constant 0 : i32
      %dma_start3A_42 = arith.constant 0 : i32
      %dma_start3A_43 = tpu.memref_slice %arg3[%add3A, %dma_start3A_41, %dma_start3A_42] : memref<32x2x80xi32, #tpu.memory_space<hbm>> -> memref<1x2x80xi32, #tpu.memory_space<hbm>>
      %dma_start3A_44 = tpu.memref_squeeze %dma_start3A_43 : memref<1x2x80xi32, #tpu.memory_space<hbm>> -> memref<2x80xi32, #tpu.memory_space<hbm>>
      %dma_start3A_45 = arith.constant 0 : i32
      %dma_start3A_46 = arith.constant 0 : i32
      %dma_start3A_47 = tpu.memref_slice %arg3[%add3A, %dma_start3A_45, %dma_start3A_46] : memref<32x2x80xi32, #tpu.memory_space<hbm>> -> memref<1x2x80xi32, #tpu.memory_space<hbm>>
      %dma_start3A_48 = tpu.memref_squeeze %dma_start3A_47 : memref<1x2x80xi32, #tpu.memory_space<hbm>> -> memref<2x80xi32, #tpu.memory_space<hbm>>
      tpu.enqueue_dma source(%dma_start3A_48 : memref<2x80xi32, #tpu.memory_space<hbm>>) target(%arg5 : memref<2x80xi32, #tpu.memory_space<vmem>>) target_semaphore(%run_scoped3A : memref<!tpu.dma_semaphore, #tpu.memory_space<semaphore_mem>>)
      %dma_wait3A_49 = arith.constant 0 : i32
      %dma_wait3A_50 = arith.constant 0 : i32
      %dma_wait3A_51 = tpu.memref_slice %arg3[%add3A, %dma_wait3A_49, %dma_wait3A_50] : memref<32x2x80xi32, #tpu.memory_space<hbm>> -> memref<1x2x80xi32, #tpu.memory_space<hbm>>
      %dma_wait3A_52 = tpu.memref_squeeze %dma_wait3A_51 : memref<1x2x80xi32, #tpu.memory_space<hbm>> -> memref<2x80xi32, #tpu.memory_space<hbm>>
      %dma_wait3A_53 = arith.constant 0 : i32
      %dma_wait3A_54 = arith.constant 0 : i32
      %dma_wait3A_55 = tpu.memref_slice %arg3[%add3A, %dma_wait3A_53, %dma_wait3A_54] : memref<32x2x80xi32, #tpu.memory_space<hbm>> -> memref<1x2x80xi32, #tpu.memory_space<hbm>>
      %dma_wait3A_56 = tpu.memref_squeeze %dma_wait3A_55 : memref<1x2x80xi32, #tpu.memory_space<hbm>> -> memref<2x80xi32, #tpu.memory_space<hbm>>
      tpu.wait_dma2 semaphore(%run_scoped3A : memref<!tpu.dma_semaphore, #tpu.memory_space<semaphore_mem>>) src(%dma_wait3A_56 : memref<2x80xi32, #tpu.memory_space<hbm>>) dst(%arg5 : memref<2x80xi32, #tpu.memory_space<vmem>>)
      tpu.yield
    }) : () -> ()
    %dma_start3A = arith.constant 0 : i32
    %dma_start3A_1 = arith.constant 0 : i32
    %dma_start3A_2 = arith.constant 0 : i32
    %dma_start3A_3 = tpu.memref_slice %arg6[%dma_start3A_1, %dma_start3A_2] : memref<160x8xf32, #tpu.memory_space<vmem>> -> memref<80x8xf32, #tpu.memory_space<vmem>>
    %dma_start3A_4 = arith.constant 0 : i32
    %dma_start3A_5 = tpu.memref_slice %arg5[%dma_start3A, %dma_start3A_4] : memref<2x80xi32, #tpu.memory_space<vmem>> -> memref<1x80xi32, #tpu.memory_space<vmem>>
    %dma_start3A_6 = tpu.memref_squeeze %dma_start3A_5 : memref<1x80xi32, #tpu.memory_space<vmem>> -> memref<80xi32, #tpu.memory_space<vmem>>
    %dma_start3A_7 = arith.constant 0 : i32
    %dma_start3A_8 = arith.constant 0 : i32
    %dma_start3A_9 = tpu.memref_slice %arg2[%dma_start3A_7, %dma_start3A_8] : memref<5120x8xf32, #tpu.memory_space<hbm>> -> memref<5120x8xf32, #tpu.memory_space<hbm>>
    tpu.enqueue_indirect_dma source(%dma_start3A_9 : memref<5120x8xf32, #tpu.memory_space<hbm>>) target(%dma_start3A_3 : memref<80x8xf32, #tpu.memory_space<vmem>>) offsets(%dma_start3A_6 : memref<80xi32, #tpu.memory_space<vmem>>) semaphore(%arg7 : memref<!tpu.dma_semaphore, #tpu.memory_space<semaphore_mem>>)
    %dma_start3A_10 = arith.constant 1 : i32
    %dma_start3A_11 = arith.constant 80 : i32
    %dma_start3A_12 = arith.constant 0 : i32
    %dma_start3A_13 = tpu.memref_slice %arg6[%dma_start3A_11, %dma_start3A_12] : memref<160x8xf32, #tpu.memory_space<vmem>> -> memref<80x8xf32, #tpu.memory_space<vmem>>
    %dma_start3A_14 = arith.constant 0 : i32
    %dma_start3A_15 = tpu.memref_slice %arg5[%dma_start3A_10, %dma_start3A_14] : memref<2x80xi32, #tpu.memory_space<vmem>> -> memref<1x80xi32, #tpu.memory_space<vmem>>
    %dma_start3A_16 = tpu.memref_squeeze %dma_start3A_15 : memref<1x80xi32, #tpu.memory_space<vmem>> -> memref<80xi32, #tpu.memory_space<vmem>>
    %dma_start3A_17 = arith.constant 0 : i32
    %dma_start3A_18 = arith.constant 0 : i32
    %dma_start3A_19 = tpu.memref_slice %arg2[%dma_start3A_17, %dma_start3A_18] : memref<5120x8xf32, #tpu.memory_space<hbm>> -> memref<5120x8xf32, #tpu.memory_space<hbm>>
    tpu.enqueue_indirect_dma source(%dma_start3A_19 : memref<5120x8xf32, #tpu.memory_space<hbm>>) target(%dma_start3A_13 : memref<80x8xf32, #tpu.memory_space<vmem>>) offsets(%dma_start3A_16 : memref<80xi32, #tpu.memory_space<vmem>>) semaphore(%arg7 : memref<!tpu.dma_semaphore, #tpu.memory_space<semaphore_mem>>)
    %dma_wait3A = arith.constant 0 : i32
    %dma_wait3A_20 = arith.constant 0 : i32
    %dma_wait3A_21 = arith.constant 0 : i32
    %dma_wait3A_22 = tpu.memref_slice %arg6[%dma_wait3A_20, %dma_wait3A_21] : memref<160x8xf32, #tpu.memory_space<vmem>> -> memref<80x8xf32, #tpu.memory_space<vmem>>
    %dma_wait3A_23 = arith.constant 0 : i32
    %dma_wait3A_24 = tpu.memref_slice %arg5[%dma_wait3A, %dma_wait3A_23] : memref<2x80xi32, #tpu.memory_space<vmem>> -> memref<1x80xi32, #tpu.memory_space<vmem>>
    %dma_wait3A_25 = tpu.memref_squeeze %dma_wait3A_24 : memref<1x80xi32, #tpu.memory_space<vmem>> -> memref<80xi32, #tpu.memory_space<vmem>>
    %dma_wait3A_26 = arith.constant 0 : i32
    %dma_wait3A_27 = arith.constant 0 : i32
    %dma_wait3A_28 = tpu.memref_slice %arg2[%dma_wait3A_26, %dma_wait3A_27] : memref<5120x8xf32, #tpu.memory_space<hbm>> -> memref<5120x8xf32, #tpu.memory_space<hbm>>
    tpu.wait_indirect_dma semaphore(%arg7 : memref<!tpu.dma_semaphore, #tpu.memory_space<semaphore_mem>>) src(%dma_wait3A_28 : memref<5120x8xf32, #tpu.memory_space<hbm>>) dst(%dma_wait3A_22 : memref<80x8xf32, #tpu.memory_space<vmem>>)
    %dma_wait3A_29 = arith.constant 1 : i32
    %dma_wait3A_30 = arith.constant 80 : i32
    %dma_wait3A_31 = arith.constant 0 : i32
    %dma_wait3A_32 = tpu.memref_slice %arg6[%dma_wait3A_30, %dma_wait3A_31] : memref<160x8xf32, #tpu.memory_space<vmem>> -> memref<80x8xf32, #tpu.memory_space<vmem>>
    %dma_wait3A_33 = arith.constant 0 : i32
    %dma_wait3A_34 = tpu.memref_slice %arg5[%dma_wait3A_29, %dma_wait3A_33] : memref<2x80xi32, #tpu.memory_space<vmem>> -> memref<1x80xi32, #tpu.memory_space<vmem>>
    %dma_wait3A_35 = tpu.memref_squeeze %dma_wait3A_34 : memref<1x80xi32, #tpu.memory_space<vmem>> -> memref<80xi32, #tpu.memory_space<vmem>>
    %dma_wait3A_36 = arith.constant 0 : i32
    %dma_wait3A_37 = arith.constant 0 : i32
    %dma_wait3A_38 = tpu.memref_slice %arg2[%dma_wait3A_36, %dma_wait3A_37] : memref<5120x8xf32, #tpu.memory_space<hbm>> -> memref<5120x8xf32, #tpu.memory_space<hbm>>
    tpu.wait_indirect_dma semaphore(%arg7 : memref<!tpu.dma_semaphore, #tpu.memory_space<semaphore_mem>>) src(%dma_wait3A_38 : memref<5120x8xf32, #tpu.memory_space<hbm>>) dst(%dma_wait3A_32 : memref<80x8xf32, #tpu.memory_space<vmem>>)
    %mul3A_39 = arith.constant 160 : i32
    %mul3A_40 = arith.muli %add3A, %mul3A_39 : i32
    "tpu.region"() ({
      %run_scoped3A = tpu.sem_alloc : memref<!tpu.dma_semaphore, #tpu.memory_space<semaphore_mem>>
      %dma_start3A_41 = arith.constant 0 : i32
      %dma_start3A_42 = tpu.memref_slice %arg4[%mul3A_40, %dma_start3A_41] : memref<5120x8xf32, #tpu.memory_space<hbm>> -> memref<160x8xf32, #tpu.memory_space<hbm>>
      %dma_start3A_43 = arith.constant 0 : i32
      %dma_start3A_44 = tpu.memref_slice %arg4[%mul3A_40, %dma_start3A_43] : memref<5120x8xf32, #tpu.memory_space<hbm>> -> memref<160x8xf32, #tpu.memory_space<hbm>>
      tpu.enqueue_dma source(%arg6 : memref<160x8xf32, #tpu.memory_space<vmem>>) target(%dma_start3A_44 : memref<160x8xf32, #tpu.memory_space<hbm>>) target_semaphore(%run_scoped3A : memref<!tpu.dma_semaphore, #tpu.memory_space<semaphore_mem>>)
      %dma_wait3A_45 = arith.constant 0 : i32
      %dma_wait3A_46 = tpu.memref_slice %arg4[%mul3A_40, %dma_wait3A_45] : memref<5120x8xf32, #tpu.memory_space<hbm>> -> memref<160x8xf32, #tpu.memory_space<hbm>>
      %dma_wait3A_47 = arith.constant 0 : i32
      %dma_wait3A_48 = tpu.memref_slice %arg4[%mul3A_40, %dma_wait3A_47] : memref<5120x8xf32, #tpu.memory_space<hbm>> -> memref<160x8xf32, #tpu.memory_space<hbm>>
      tpu.wait_dma2 semaphore(%run_scoped3A : memref<!tpu.dma_semaphore, #tpu.memory_space<semaphore_mem>>) src(%arg6 : memref<160x8xf32, #tpu.memory_space<vmem>>) dst(%dma_wait3A_48 : memref<160x8xf32, #tpu.memory_space<hbm>>)
      tpu.yield
    }) : () -> ()
    return
  }
}

module attributes {stable_mosaic.version = 14 : i64} {
  func.func @_decode_body(%arg0: memref<4x5000xf32, #tpu.memory_space<vmem>>, %arg1: memref<4x5000xf32, #tpu.memory_space<vmem>>, %arg2: memref<5000x80xf32, #tpu.memory_space<vmem>>, %arg3: memref<1x1xf32, #tpu.memory_space<vmem>>, %arg4: memref<5120x8xf32, #tpu.memory_space<vmem>>, %arg5: memref<5120x1xf32, #tpu.memory_space<vmem>>) attributes {dimension_semantics = [], scalar_prefetch = 0 : i64, scratch_operands = 0 : i64, tpu.core_type = #tpu.core_type<tc>} {
    %get3A = arith.constant 0 : index
    %get3A_0 = arith.constant 0 : index
    %get3A_1 = vector.load %arg0[%get3A, %get3A_0] : memref<4x5000xf32, #tpu.memory_space<vmem>>, vector<4x5000xf32>
    %get3A_2 = arith.constant 0 : index
    %get3A_3 = arith.constant 0 : index
    %get3A_4 = vector.load %arg1[%get3A_2, %get3A_3] : memref<4x5000xf32, #tpu.memory_space<vmem>>, vector<4x5000xf32>
    %slice3A = vector.extract_strided_slice %get3A_1 {offsets = [0, 0], sizes = [1, 5000], strides = [1, 1]} : vector<4x5000xf32> to vector<1x5000xf32>
    %slice3A_5 = vector.extract_strided_slice %get3A_1 {offsets = [1, 0], sizes = [1, 5000], strides = [1, 1]} : vector<4x5000xf32> to vector<1x5000xf32>
    %slice3A_6 = vector.extract_strided_slice %get3A_1 {offsets = [2, 0], sizes = [1, 5000], strides = [1, 1]} : vector<4x5000xf32> to vector<1x5000xf32>
    %slice3A_7 = vector.extract_strided_slice %get3A_1 {offsets = [3, 0], sizes = [1, 5000], strides = [1, 1]} : vector<4x5000xf32> to vector<1x5000xf32>
    %sub3A = arith.subf %slice3A_6, %slice3A : vector<1x5000xf32>
    %sub3A_8 = arith.subf %slice3A_7, %slice3A_5 : vector<1x5000xf32>
    %mul3A = arith.constant 5.000000e-01 : f32
    %mul3A_9 = vector.broadcast %mul3A : f32 to vector<1x5000xf32>
    %mul3A_10 = arith.mulf %mul3A_9, %sub3A : vector<1x5000xf32>
    %add3A = arith.addf %slice3A, %mul3A_10 : vector<1x5000xf32>
    %mul3A_11 = arith.constant 5.000000e-01 : f32
    %mul3A_12 = vector.broadcast %mul3A_11 : f32 to vector<1x5000xf32>
    %mul3A_13 = arith.mulf %mul3A_12, %sub3A_8 : vector<1x5000xf32>
    %add3A_14 = arith.addf %slice3A_5, %mul3A_13 : vector<1x5000xf32>
    %slice3A_15 = vector.extract_strided_slice %get3A_4 {offsets = [0, 0], sizes = [1, 5000], strides = [1, 1]} : vector<4x5000xf32> to vector<1x5000xf32>
    %mul3A_16 = arith.constant 1.000000e-01 : f32
    %mul3A_17 = vector.broadcast %mul3A_16 : f32 to vector<1x5000xf32>
    %mul3A_18 = arith.mulf %slice3A_15, %mul3A_17 : vector<1x5000xf32>
    %slice3A_19 = vector.extract_strided_slice %get3A_4 {offsets = [1, 0], sizes = [1, 5000], strides = [1, 1]} : vector<4x5000xf32> to vector<1x5000xf32>
    %mul3A_20 = arith.constant 1.000000e-01 : f32
    %mul3A_21 = vector.broadcast %mul3A_20 : f32 to vector<1x5000xf32>
    %mul3A_22 = arith.mulf %slice3A_19, %mul3A_21 : vector<1x5000xf32>
    %slice3A_23 = vector.extract_strided_slice %get3A_4 {offsets = [2, 0], sizes = [1, 5000], strides = [1, 1]} : vector<4x5000xf32> to vector<1x5000xf32>
    %mul3A_24 = arith.constant 2.000000e-01 : f32
    %mul3A_25 = vector.broadcast %mul3A_24 : f32 to vector<1x5000xf32>
    %mul3A_26 = arith.mulf %slice3A_23, %mul3A_25 : vector<1x5000xf32>
    %slice3A_27 = vector.extract_strided_slice %get3A_4 {offsets = [3, 0], sizes = [1, 5000], strides = [1, 1]} : vector<4x5000xf32> to vector<1x5000xf32>
    %mul3A_28 = arith.constant 2.000000e-01 : f32
    %mul3A_29 = vector.broadcast %mul3A_28 : f32 to vector<1x5000xf32>
    %mul3A_30 = arith.mulf %slice3A_27, %mul3A_29 : vector<1x5000xf32>
    %mul3A_31 = arith.mulf %mul3A_18, %sub3A : vector<1x5000xf32>
    %add3A_32 = arith.addf %add3A, %mul3A_31 : vector<1x5000xf32>
    %mul3A_33 = arith.mulf %mul3A_22, %sub3A_8 : vector<1x5000xf32>
    %add3A_34 = arith.addf %add3A_14, %mul3A_33 : vector<1x5000xf32>
    %exp3A = math.exp %mul3A_26 : vector<1x5000xf32>
    %mul3A_35 = arith.mulf %exp3A, %sub3A : vector<1x5000xf32>
    %exp3A_36 = math.exp %mul3A_30 : vector<1x5000xf32>
    %mul3A_37 = arith.mulf %exp3A_36, %sub3A_8 : vector<1x5000xf32>
    %mul3A_38 = arith.constant 5.000000e-01 : f32
    %mul3A_39 = vector.broadcast %mul3A_38 : f32 to vector<1x5000xf32>
    %mul3A_40 = arith.mulf %mul3A_39, %mul3A_35 : vector<1x5000xf32>
    %sub3A_41 = arith.subf %add3A_32, %mul3A_40 : vector<1x5000xf32>
    %max3A = arith.constant 0.000000e+00 : f32
    %max3A_42 = vector.broadcast %max3A : f32 to vector<1x5000xf32>
    %max3A_43 = arith.maximumf %sub3A_41, %max3A_42 : vector<1x5000xf32>
    %mul3A_44 = arith.constant 5.000000e-01 : f32
    %mul3A_45 = vector.broadcast %mul3A_44 : f32 to vector<1x5000xf32>
    %mul3A_46 = arith.mulf %mul3A_45, %mul3A_37 : vector<1x5000xf32>
    %sub3A_47 = arith.subf %add3A_34, %mul3A_46 : vector<1x5000xf32>
    %max3A_48 = arith.constant 0.000000e+00 : f32
    %max3A_49 = vector.broadcast %max3A_48 : f32 to vector<1x5000xf32>
    %max3A_50 = arith.maximumf %sub3A_47, %max3A_49 : vector<1x5000xf32>
    %mul3A_51 = arith.constant 5.000000e-01 : f32
    %mul3A_52 = vector.broadcast %mul3A_51 : f32 to vector<1x5000xf32>
    %mul3A_53 = arith.mulf %mul3A_52, %mul3A_35 : vector<1x5000xf32>
    %add3A_54 = arith.addf %add3A_32, %mul3A_53 : vector<1x5000xf32>
    %min3A = arith.constant 5.120000e+02 : f32
    %min3A_55 = vector.broadcast %min3A : f32 to vector<1x5000xf32>
    %min3A_56 = arith.minimumf %add3A_54, %min3A_55 : vector<1x5000xf32>
    %mul3A_57 = arith.constant 5.000000e-01 : f32
    %mul3A_58 = vector.broadcast %mul3A_57 : f32 to vector<1x5000xf32>
    %mul3A_59 = arith.mulf %mul3A_58, %mul3A_37 : vector<1x5000xf32>
    %add3A_60 = arith.addf %add3A_34, %mul3A_59 : vector<1x5000xf32>
    %min3A_61 = arith.constant 5.120000e+02 : f32
    %min3A_62 = vector.broadcast %min3A_61 : f32 to vector<1x5000xf32>
    %min3A_63 = arith.minimumf %add3A_60, %min3A_62 : vector<1x5000xf32>
    %concatenate3A = tpu.concatenate %max3A_43, %max3A_50, %min3A_56, %min3A_63 in 0 : vector<1x5000xf32>, vector<1x5000xf32>, vector<1x5000xf32>, vector<1x5000xf32> -> vector<4x5000xf32>
    %get3A_64 = arith.constant 0 : index
    %get3A_65 = arith.constant 0 : index
    %get3A_66 = vector.load %arg2[%get3A_64, %get3A_65] : memref<5000x80xf32, #tpu.memory_space<vmem>>, vector<5000x80xf32>
    %reduce_max3A = arith.constant dense<0xFF800000> : vector<5000xf32>
    %reduce_max3A_67 = vector.multi_reduction <maximumf>, %get3A_66, %reduce_max3A [1] : vector<5000x80xf32> to vector<5000xf32>
    %broadcast_in_dim3A = vector.shape_cast %reduce_max3A_67 : vector<5000xf32> to vector<5000x1xf32>
    %get3A_68 = arith.constant 0 : index
    %get3A_69 = arith.constant 0 : index
    %get3A_70 = vector.load %arg3[%get3A_68, %get3A_69] : memref<1x1xf32, #tpu.memory_space<vmem>>, vector<1x1xf32>
    %get3A_71 = vector.extract %get3A_70[0, 0] : f32 from vector<1x1xf32>
    %gt3A = vector.broadcast %get3A_71 : f32 to vector<5000x1xf32>
    %gt3A_72 = arith.cmpf ogt, %broadcast_in_dim3A, %gt3A : vector<5000x1xf32>
    %jit3A = arith.constant 0xFF800000 : f32
    %broadcast_in_dim3A_73 = vector.broadcast %jit3A : f32 to vector<5000x1xf32>
    %select_n3A = arith.select %gt3A_72, %broadcast_in_dim3A, %broadcast_in_dim3A_73 : vector<5000x1xi1>, vector<5000x1xf32>
    %swap3A = arith.constant 0 : index
    %swap3A_74 = arith.constant 0 : index
    %swap3A_75 = vector.load %arg5[%swap3A, %swap3A_74] : memref<5120x1xf32, #tpu.memory_space<vmem>>, vector<5000x1xf32>
    tpu.vector_store %arg5[%swap3A, %swap3A_74], %select_n3A {strides = array<i32>} : memref<5120x1xf32, #tpu.memory_space<vmem>>, vector<5000x1xf32>,
    %broadcast_in_dim3A_76 = arith.constant 0xFF800000 : f32
    %broadcast_in_dim3A_77 = vector.broadcast %broadcast_in_dim3A_76 : f32 to vector<120x1xf32>
    %swap3A_78 = arith.constant 5000 : index
    %swap3A_79 = arith.constant 0 : index
    %swap3A_80 = vector.load %arg5[%swap3A_78, %swap3A_79] : memref<5120x1xf32, #tpu.memory_space<vmem>>, vector<120x1xf32>
    tpu.vector_store %arg5[%swap3A_78, %swap3A_79], %broadcast_in_dim3A_77 {strides = array<i32>} : memref<5120x1xf32, #tpu.memory_space<vmem>>, vector<120x1xf32>,
    %iota3A = tpu.iota {dimensions = array<i32: 1>} : vector<5000x80xi32>
    %eq3A = vector.broadcast %broadcast_in_dim3A : vector<5000x1xf32> to vector<5000x80xf32>
    %eq3A_81 = arith.cmpf oeq, %get3A_66, %eq3A : vector<5000x80xf32>
    %convert_element_type3A = arith.sitofp %iota3A : vector<5000x80xi32> to vector<5000x80xf32>
    %mul3A_82 = arith.constant 1.000000e+00 : f32
    %mul3A_83 = vector.broadcast %mul3A_82 : f32 to vector<5000x80xf32>
    %mul3A_84 = arith.mulf %mul3A_83, %convert_element_type3A : vector<5000x80xf32>
    %jit3A_85 = arith.constant 1.07374182E+9 : f32
    %broadcast_in_dim3A_86 = vector.broadcast %jit3A_85 : f32 to vector<5000x80xf32>
    %select_n3A_87 = arith.select %eq3A_81, %mul3A_84, %broadcast_in_dim3A_86 : vector<5000x80xi1>, vector<5000x80xf32>
    %reduce_min3A = arith.constant dense<0x7F800000> : vector<5000xf32>
    %reduce_min3A_88 = vector.multi_reduction <minimumf>, %select_n3A_87, %reduce_min3A [1] : vector<5000x80xf32> to vector<5000xf32>
    %broadcast_in_dim3A_89 = vector.shape_cast %reduce_min3A_88 : vector<5000xf32> to vector<5000x1xf32>
    %iota3A_90 = tpu.iota {dimensions = array<i32: 0>} : vector<5000x1xi32>
    %convert_element_type3A_91 = arith.sitofp %iota3A_90 : vector<5000x1xi32> to vector<5000x1xf32>
    %transpose3A = tpu.transpose %concatenate3A, [1, 0] : vector<4x5000xf32> -> vector<5000x4xf32>
    %concatenate3A_92 = tpu.concatenate %transpose3A, %select_n3A, %broadcast_in_dim3A, %broadcast_in_dim3A_89, %convert_element_type3A_91 in 1 : vector<5000x4xf32>, vector<5000x1xf32>, vector<5000x1xf32>, vector<5000x1xf32>, vector<5000x1xf32> -> vector<5000x8xf32>
    %swap3A_93 = arith.constant 0 : index
    %swap3A_94 = arith.constant 0 : index
    %swap3A_95 = vector.load %arg4[%swap3A_93, %swap3A_94] : memref<5120x8xf32, #tpu.memory_space<vmem>>, vector<5000x8xf32>
    tpu.vector_store %arg4[%swap3A_93, %swap3A_94], %concatenate3A_92 {strides = array<i32>} : memref<5120x8xf32, #tpu.memory_space<vmem>>, vector<5000x8xf32>,
    %broadcast_in_dim3A_96 = arith.constant 0.000000e+00 : f32
    %broadcast_in_dim3A_97 = vector.broadcast %broadcast_in_dim3A_96 : f32 to vector<120x4xf32>
    %broadcast_in_dim3A_98 = arith.constant 0xFF800000 : f32
    %broadcast_in_dim3A_99 = vector.broadcast %broadcast_in_dim3A_98 : f32 to vector<120x2xf32>
    %broadcast_in_dim3A_100 = arith.constant 0.000000e+00 : f32
    %broadcast_in_dim3A_101 = vector.broadcast %broadcast_in_dim3A_100 : f32 to vector<120x1xf32>
    %iota3A_102 = tpu.iota {dimensions = array<i32: 0>} : vector<120x1xi32>
    %convert_element_type3A_103 = arith.sitofp %iota3A_102 : vector<120x1xi32> to vector<120x1xf32>
    %add3A_104 = arith.constant 5.000000e+03 : f32
    %add3A_105 = vector.broadcast %add3A_104 : f32 to vector<120x1xf32>
    %add3A_106 = arith.addf %add3A_105, %convert_element_type3A_103 : vector<120x1xf32>
    %concatenate3A_107 = tpu.concatenate %broadcast_in_dim3A_97, %broadcast_in_dim3A_99, %broadcast_in_dim3A_101, %add3A_106 in 1 : vector<120x4xf32>, vector<120x2xf32>, vector<120x1xf32>, vector<120x1xf32> -> vector<120x8xf32>
    %swap3A_108 = arith.constant 5000 : index
    %swap3A_109 = arith.constant 0 : index
    %swap3A_110 = vector.load %arg4[%swap3A_108, %swap3A_109] : memref<5120x8xf32, #tpu.memory_space<vmem>>, vector<120x8xf32>
    tpu.vector_store %arg4[%swap3A_108, %swap3A_109], %concatenate3A_107 {strides = array<i32>} : memref<5120x8xf32, #tpu.memory_space<vmem>>, vector<120x8xf32>,
    return
  }
}

module attributes {stable_mosaic.version = 14 : i64} {
  func.func @_nms_body(%arg0: memref<5120x8xf32, #tpu.memory_space<vmem>>, %arg1: memref<384x8xf32, #tpu.memory_space<vmem>>, %arg2: memref<512x512xbf16, #tpu.memory_space<vmem>>, %arg3: memref<1x5120xf32, #tpu.memory_space<vmem>>) attributes {dimension_semantics = [], scalar_prefetch = 0 : i64, scratch_operands = 2 : i64, tpu.core_type = #tpu.core_type<tc>} {
    %broadcast_in_dim3A = arith.constant 1.000000e+00 : f32
    %broadcast_in_dim3A_0 = vector.broadcast %broadcast_in_dim3A : f32 to vector<1x5120xf32>
    %swap3A = arith.constant 0 : index
    %swap3A_1 = arith.constant 0 : index
    %swap3A_2 = vector.load %arg3[%swap3A, %swap3A_1] : memref<1x5120xf32, #tpu.memory_space<vmem>>, vector<1x5120xf32>
    tpu.vector_store %arg3[%swap3A, %swap3A_1], %broadcast_in_dim3A_0 {strides = array<i32>} : memref<1x5120xf32, #tpu.memory_space<vmem>>, vector<1x5120xf32>,
    %get3A = arith.constant 0 : index
    %get3A_3 = arith.constant 0 : index
    %get3A_4 = vector.load %arg0[%get3A, %get3A_3] : memref<5120x8xf32, #tpu.memory_space<vmem>>, vector<5120x8xf32>
    %transpose3A = tpu.transpose %get3A_4, [1, 0] : vector<5120x8xf32> -> vector<8x5120xf32>
    %iota3A = tpu.iota {dimensions = array<i32: 0>} : vector<512x512xi32>
    %iota3A_5 = tpu.iota {dimensions = array<i32: 1>} : vector<512x512xi32>
    %lt3A = arith.cmpi slt, %iota3A, %iota3A_5 : vector<512x512xi32>
    %get3A_6 = arith.constant 0 : index
    %get3A_7 = arith.constant 0 : index
    %get3A_8 = vector.load %arg0[%get3A_6, %get3A_7] : memref<5120x8xf32, #tpu.memory_space<vmem>>, vector<512x1xf32>
    %get3A_9 = arith.constant 0 : index
    %get3A_10 = arith.constant 1 : index
    %get3A_11 = vector.load %arg0[%get3A_9, %get3A_10] : memref<5120x8xf32, #tpu.memory_space<vmem>>, vector<512x1xf32>
    %get3A_12 = arith.constant 0 : index
    %get3A_13 = arith.constant 2 : index
    %get3A_14 = vector.load %arg0[%get3A_12, %get3A_13] : memref<5120x8xf32, #tpu.memory_space<vmem>>, vector<512x1xf32>
    %get3A_15 = arith.constant 0 : index
    %get3A_16 = arith.constant 3 : index
    %get3A_17 = vector.load %arg0[%get3A_15, %get3A_16] : memref<5120x8xf32, #tpu.memory_space<vmem>>, vector<512x1xf32>
    %sub3A = arith.subf %get3A_14, %get3A_8 : vector<512x1xf32>
    %sub3A_18 = arith.subf %get3A_17, %get3A_11 : vector<512x1xf32>
    %mul3A = arith.mulf %sub3A, %sub3A_18 : vector<512x1xf32>
    %slice3A = vector.extract_strided_slice %transpose3A {offsets = [0, 0], sizes = [1, 512], strides = [1, 1]} : vector<8x5120xf32> to vector<1x512xf32>
    %slice3A_19 = vector.extract_strided_slice %transpose3A {offsets = [1, 0], sizes = [1, 512], strides = [1, 1]} : vector<8x5120xf32> to vector<1x512xf32>
    %slice3A_20 = vector.extract_strided_slice %transpose3A {offsets = [2, 0], sizes = [1, 512], strides = [1, 1]} : vector<8x5120xf32> to vector<1x512xf32>
    %slice3A_21 = vector.extract_strided_slice %transpose3A {offsets = [3, 0], sizes = [1, 512], strides = [1, 1]} : vector<8x5120xf32> to vector<1x512xf32>
    %sub3A_22 = arith.subf %slice3A_20, %slice3A : vector<1x512xf32>
    %sub3A_23 = arith.subf %slice3A_21, %slice3A_19 : vector<1x512xf32>
    %mul3A_24 = arith.mulf %sub3A_22, %sub3A_23 : vector<1x512xf32>
    %max3A = vector.broadcast %get3A_8 : vector<512x1xf32> to vector<512x512xf32>
    %max3A_25 = vector.broadcast %slice3A : vector<1x512xf32> to vector<512x512xf32>
    %max3A_26 = arith.maximumf %max3A, %max3A_25 : vector<512x512xf32>
    %max3A_27 = vector.broadcast %get3A_11 : vector<512x1xf32> to vector<512x512xf32>
    %max3A_28 = vector.broadcast %slice3A_19 : vector<1x512xf32> to vector<512x512xf32>
    %max3A_29 = arith.maximumf %max3A_27, %max3A_28 : vector<512x512xf32>
    %min3A = vector.broadcast %get3A_14 : vector<512x1xf32> to vector<512x512xf32>
    %min3A_30 = vector.broadcast %slice3A_20 : vector<1x512xf32> to vector<512x512xf32>
    %min3A_31 = arith.minimumf %min3A, %min3A_30 : vector<512x512xf32>
    %min3A_32 = vector.broadcast %get3A_17 : vector<512x1xf32> to vector<512x512xf32>
    %min3A_33 = vector.broadcast %slice3A_21 : vector<1x512xf32> to vector<512x512xf32>
    %min3A_34 = arith.minimumf %min3A_32, %min3A_33 : vector<512x512xf32>
    %sub3A_35 = arith.subf %min3A_31, %max3A_26 : vector<512x512xf32>
    %max3A_36 = arith.constant 0.000000e+00 : f32
    %max3A_37 = vector.broadcast %max3A_36 : f32 to vector<512x512xf32>
    %max3A_38 = arith.maximumf %sub3A_35, %max3A_37 : vector<512x512xf32>
    %sub3A_39 = arith.subf %min3A_34, %max3A_29 : vector<512x512xf32>
    %max3A_40 = arith.constant 0.000000e+00 : f32
    %max3A_41 = vector.broadcast %max3A_40 : f32 to vector<512x512xf32>
    %max3A_42 = arith.maximumf %sub3A_39, %max3A_41 : vector<512x512xf32>
    %mul3A_43 = arith.mulf %max3A_38, %max3A_42 : vector<512x512xf32>
    %add3A = vector.broadcast %mul3A : vector<512x1xf32> to vector<512x512xf32>
    %add3A_44 = vector.broadcast %mul3A_24 : vector<1x512xf32> to vector<512x512xf32>
    %add3A_45 = arith.addf %add3A, %add3A_44 : vector<512x512xf32>
    %sub3A_46 = arith.subf %add3A_45, %mul3A_43 : vector<512x512xf32>
    %add3A_47 = arith.constant 9.99999993E-9 : f32
    %add3A_48 = vector.broadcast %add3A_47 : f32 to vector<512x512xf32>
    %add3A_49 = arith.addf %sub3A_46, %add3A_48 : vector<512x512xf32>
    %div3A = arith.divf %mul3A_43, %add3A_49 : vector<512x512xf32>
    %gt3A = arith.constant 1.000000e-01 : f32
    %gt3A_50 = vector.broadcast %gt3A : f32 to vector<512x512xf32>
    %gt3A_51 = arith.cmpf ogt, %div3A, %gt3A_50 : vector<512x512xf32>
    %and3A = arith.andi %gt3A_51, %lt3A : vector<512x512xi1>
    %jit3A = arith.constant 1.000000e+00 : f32
    %jit3A_52 = arith.constant 0.000000e+00 : f32
    %broadcast_in_dim3A_53 = vector.broadcast %jit3A : f32 to vector<512x512xf32>
    %broadcast_in_dim3A_54 = vector.broadcast %jit3A_52 : f32 to vector<512x512xf32>
    %select_n3A = arith.select %and3A, %broadcast_in_dim3A_53, %broadcast_in_dim3A_54 : vector<512x512xi1>, vector<512x512xf32>
    %convert_element_type3A = arith.truncf %select_n3A : vector<512x512xf32> to vector<512x512xbf16>
    %swap3A_55 = arith.constant 0 : index
    %swap3A_56 = arith.constant 0 : index
    %swap3A_57 = vector.load %arg2[%swap3A_55, %swap3A_56] : memref<512x512xbf16, #tpu.memory_space<vmem>>, vector<512x512xbf16>
    tpu.vector_store %arg2[%swap3A_55, %swap3A_56], %convert_element_type3A {strides = array<i32>} : memref<512x512xbf16, #tpu.memory_space<vmem>>, vector<512x512xbf16>,
    %get3A_58 = arith.constant 0 : index
    %get3A_59 = arith.constant 0 : index
    %get3A_60 = vector.load %arg3[%get3A_58, %get3A_59] : memref<1x5120xf32, #tpu.memory_space<vmem>>, vector<1x512xf32>
    %while3A = arith.constant true
    %while3A_61:2 = scf.while (%while3A_4411 = %get3A_60, %while3A_4412 = %while3A) : (vector<1x512xf32>, i1) -> (vector<1x512xf32>, i1) {
      scf.condition(%while3A_4412) %while3A_4411, %while3A_4412 : vector<1x512xf32>, i1
    } do {
    ^bb0(%while3A_4411: vector<1x512xf32>, %while3A_4412: i1):
      %convert_element_type3A_4413 = arith.truncf %while3A_4411 : vector<1x512xf32> to vector<1x512xbf16>
      %get3A_4414 = arith.constant 0 : index
      %get3A_4415 = arith.constant 0 : index
      %get3A_4416 = vector.load %arg2[%get3A_4414, %get3A_4415] : memref<512x512xbf16, #tpu.memory_space<vmem>>, vector<512x512xbf16>
      %dot_general3A_4417 = arith.constant dense<0.000000e+00> : vector<1x512xf32>
      %dot_general3A_4418 = tpu.matmul %convert_element_type3A_4413, %get3A_4416, %dot_general3A_4417 {dimension_numbers = #tpu.dot_dimension_numbers<[1], [0], [0], [1], [0, 0, 1, 1], [], []>, transpose_lhs_hint = false} : vector<1x512xbf16>, vector<512x512xbf16>, vector<1x512xf32> -> vector<1x512xf32>
      %gt3A_4419 = arith.constant 0.000000e+00 : f32
      %gt3A_4420 = vector.broadcast %gt3A_4419 : f32 to vector<1x512xf32>
      %gt3A_4421 = arith.cmpf ogt, %dot_general3A_4418, %gt3A_4420 : vector<1x512xf32>
      %jit3A_4422 = arith.constant 0.000000e+00 : f32
      %broadcast_in_dim3A_4423 = vector.broadcast %jit3A_4422 : f32 to vector<1x512xf32>
      %select_n3A_4424 = arith.select %gt3A_4421, %broadcast_in_dim3A_4423, %get3A_60 : vector<1x512xi1>, vector<1x512xf32>
      %ne3A = arith.cmpf one, %select_n3A_4424, %while3A_4411 : vector<1x512xf32>
      %reduce_or3A = arith.constant 1.000000e+00 : f32
      %reduce_or3A_4425 = arith.constant 0.000000e+00 : f32
      %reduce_or3A_4426 = vector.broadcast %reduce_or3A : f32 to vector<1x512xf32>
      %reduce_or3A_4427 = vector.broadcast %reduce_or3A_4425 : f32 to vector<1x512xf32>
      %reduce_or3A_4428 = arith.select %ne3A, %reduce_or3A_4426, %reduce_or3A_4427 : vector<1x512xi1>, vector<1x512xf32>
      %reduce_or3A_4429 = vector.shape_cast %reduce_or3A_4428 : vector<1x512xf32> to vector<1x1x512xf32>
      %reduce_or3A_4430 = arith.constant dense<0xFF800000> : vector<1xf32>
      %reduce_or3A_4431 = vector.multi_reduction <maximumf>, %reduce_or3A_4429, %reduce_or3A_4430 [1, 2] : vector<1x1x512xf32> to vector<1xf32>
      %reduce_or3A_4432 = vector.shape_cast %reduce_or3A_4431 : vector<1xf32> to vector<1x1x1xf32>
      %reduce_or3A_4433 = vector.extract %reduce_or3A_4432[0, 0, 0] : f32 from vector<1x1x1xf32>
      %reduce_or3A_4434 = arith.constant 0.000000e+00 : f32
      %reduce_or3A_4435 = arith.cmpf ogt, %reduce_or3A_4433, %reduce_or3A_4434 : f32
      scf.yield %select_n3A_4424, %reduce_or3A_4435 : vector<1x512xf32>, i1
    }
    %swap3A_62 = arith.constant 0 : index
    %swap3A_63 = arith.constant 0 : index
    %swap3A_64 = vector.load %arg3[%swap3A_62, %swap3A_63] : memref<1x5120xf32, #tpu.memory_space<vmem>>, vector<1x512xf32>
    tpu.vector_store %arg3[%swap3A_62, %swap3A_63], %while3A_61#0 {strides = array<i32>} : memref<1x5120xf32, #tpu.memory_space<vmem>>, vector<1x512xf32>,
    %convert_element_type3A_65 = arith.truncf %while3A_61#0 : vector<1x512xf32> to vector<1x512xbf16>
    %get3A_66 = arith.constant 0 : index
    %get3A_67 = arith.constant 0 : index
    %get3A_68 = vector.load %arg0[%get3A_66, %get3A_67] : memref<5120x8xf32, #tpu.memory_space<vmem>>, vector<512x1xf32>
    %get3A_69 = arith.constant 0 : index
    %get3A_70 = arith.constant 1 : index
    %get3A_71 = vector.load %arg0[%get3A_69, %get3A_70] : memref<5120x8xf32, #tpu.memory_space<vmem>>, vector<512x1xf32>
    %get3A_72 = arith.constant 0 : index
    %get3A_73 = arith.constant 2 : index
    %get3A_74 = vector.load %arg0[%get3A_72, %get3A_73] : memref<5120x8xf32, #tpu.memory_space<vmem>>, vector<512x1xf32>
    %get3A_75 = arith.constant 0 : index
    %get3A_76 = arith.constant 3 : index
    %get3A_77 = vector.load %arg0[%get3A_75, %get3A_76] : memref<5120x8xf32, #tpu.memory_space<vmem>>, vector<512x1xf32>
    %sub3A_78 = arith.subf %get3A_74, %get3A_68 : vector<512x1xf32>
    %sub3A_79 = arith.subf %get3A_77, %get3A_71 : vector<512x1xf32>
    %mul3A_80 = arith.mulf %sub3A_78, %sub3A_79 : vector<512x1xf32>
    %slice3A_81 = vector.extract_strided_slice %transpose3A {offsets = [0, 512], sizes = [1, 512], strides = [1, 1]} : vector<8x5120xf32> to vector<1x512xf32>
    %slice3A_82 = vector.extract_strided_slice %transpose3A {offsets = [1, 512], sizes = [1, 512], strides = [1, 1]} : vector<8x5120xf32> to vector<1x512xf32>
    %slice3A_83 = vector.extract_strided_slice %transpose3A {offsets = [2, 512], sizes = [1, 512], strides = [1, 1]} : vector<8x5120xf32> to vector<1x512xf32>
    %slice3A_84 = vector.extract_strided_slice %transpose3A {offsets = [3, 512], sizes = [1, 512], strides = [1, 1]} : vector<8x5120xf32> to vector<1x512xf32>
    %sub3A_85 = arith.subf %slice3A_83, %slice3A_81 : vector<1x512xf32>
    %sub3A_86 = arith.subf %slice3A_84, %slice3A_82 : vector<1x512xf32>
    %mul3A_87 = arith.mulf %sub3A_85, %sub3A_86 : vector<1x512xf32>
    %max3A_88 = vector.broadcast %get3A_68 : vector<512x1xf32> to vector<512x512xf32>
    %max3A_89 = vector.broadcast %slice3A_81 : vector<1x512xf32> to vector<512x512xf32>
    %max3A_90 = arith.maximumf %max3A_88, %max3A_89 : vector<512x512xf32>
    %max3A_91 = vector.broadcast %get3A_71 : vector<512x1xf32> to vector<512x512xf32>
    %max3A_92 = vector.broadcast %slice3A_82 : vector<1x512xf32> to vector<512x512xf32>
    %max3A_93 = arith.maximumf %max3A_91, %max3A_92 : vector<512x512xf32>
    %min3A_94 = vector.broadcast %get3A_74 : vector<512x1xf32> to vector<512x512xf32>
    %min3A_95 = vector.broadcast %slice3A_83 : vector<1x512xf32> to vector<512x512xf32>
    %min3A_96 = arith.minimumf %min3A_94, %min3A_95 : vector<512x512xf32>
    %min3A_97 = vector.broadcast %get3A_77 : vector<512x1xf32> to vector<512x512xf32>
    %min3A_98 = vector.broadcast %slice3A_84 : vector<1x512xf32> to vector<512x512xf32>
    %min3A_99 = arith.minimumf %min3A_97, %min3A_98 : vector<512x512xf32>
    %sub3A_100 = arith.subf %min3A_96, %max3A_90 : vector<512x512xf32>
    %max3A_101 = arith.constant 0.000000e+00 : f32
    %max3A_102 = vector.broadcast %max3A_101 : f32 to vector<512x512xf32>
    %max3A_103 = arith.maximumf %sub3A_100, %max3A_102 : vector<512x512xf32>
    %sub3A_104 = arith.subf %min3A_99, %max3A_93 : vector<512x512xf32>
    %max3A_105 = arith.constant 0.000000e+00 : f32
    %max3A_106 = vector.broadcast %max3A_105 : f32 to vector<512x512xf32>
    %max3A_107 = arith.maximumf %sub3A_104, %max3A_106 : vector<512x512xf32>
    %mul3A_108 = arith.mulf %max3A_103, %max3A_107 : vector<512x512xf32>
    %add3A_109 = vector.broadcast %mul3A_80 : vector<512x1xf32> to vector<512x512xf32>
    %add3A_110 = vector.broadcast %mul3A_87 : vector<1x512xf32> to vector<512x512xf32>
    %add3A_111 = arith.addf %add3A_109, %add3A_110 : vector<512x512xf32>
    %sub3A_112 = arith.subf %add3A_111, %mul3A_108 : vector<512x512xf32>
    %add3A_113 = arith.constant 9.99999993E-9 : f32
    %add3A_114 = vector.broadcast %add3A_113 : f32 to vector<512x512xf32>
    %add3A_115 = arith.addf %sub3A_112, %add3A_114 : vector<512x512xf32>
    %div3A_116 = arith.divf %mul3A_108, %add3A_115 : vector<512x512xf32>
    %gt3A_117 = arith.constant 1.000000e-01 : f32
    %gt3A_118 = vector.broadcast %gt3A_117 : f32 to vector<512x512xf32>
    %gt3A_119 = arith.cmpf ogt, %div3A_116, %gt3A_118 : vector<512x512xf32>
    %jit3A_120 = arith.constant 1.000000e+00 : f32
    %jit3A_121 = arith.constant 0.000000e+00 : f32
    %broadcast_in_dim3A_122 = vector.broadcast %jit3A_120 : f32 to vector<512x512xf32>
    %broadcast_in_dim3A_123 = vector.broadcast %jit3A_121 : f32 to vector<512x512xf32>
    %select_n3A_124 = arith.select %gt3A_119, %broadcast_in_dim3A_122, %broadcast_in_dim3A_123 : vector<512x512xi1>, vector<512x512xf32>
    %convert_element_type3A_125 = arith.truncf %select_n3A_124 : vector<512x512xf32> to vector<512x512xbf16>
    %dot_general3A = arith.constant dense<0.000000e+00> : vector<1x512xf32>
    %dot_general3A_126 = tpu.matmul %convert_element_type3A_65, %convert_element_type3A_125, %dot_general3A {dimension_numbers = #tpu.dot_dimension_numbers<[1], [0], [0], [1], [0, 0, 1, 1], [], []>, transpose_lhs_hint = false} : vector<1x512xbf16>, vector<512x512xbf16>, vector<1x512xf32> -> vector<1x512xf32>
    %get3A_127 = arith.constant 0 : index
    %get3A_128 = arith.constant 512 : index
    %get3A_129 = vector.load %arg3[%get3A_127, %get3A_128] : memref<1x5120xf32, #tpu.memory_space<vmem>>, vector<1x512xf32>
    %gt3A_130 = arith.constant 0.000000e+00 : f32
    %gt3A_131 = vector.broadcast %gt3A_130 : f32 to vector<1x512xf32>
    %gt3A_132 = arith.cmpf ogt, %dot_general3A_126, %gt3A_131 : vector<1x512xf32>
    %jit3A_133 = arith.constant 0.000000e+00 : f32
    %jit3A_134 = arith.constant 1.000000e+00 : f32
    %broadcast_in_dim3A_135 = vector.broadcast %jit3A_133 : f32 to vector<1x512xf32>
    %broadcast_in_dim3A_136 = vector.broadcast %jit3A_134 : f32 to vector<1x512xf32>
    %select_n3A_137 = arith.select %gt3A_132, %broadcast_in_dim3A_135, %broadcast_in_dim3A_136 : vector<1x512xi1>, vector<1x512xf32>
    %mul3A_138 = arith.mulf %get3A_129, %select_n3A_137 : vector<1x512xf32>
    %swap3A_139 = arith.constant 0 : index
    %swap3A_140 = arith.constant 512 : index
    %swap3A_141 = vector.load %arg3[%swap3A_139, %swap3A_140] : memref<1x5120xf32, #tpu.memory_space<vmem>>, vector<1x512xf32>
    tpu.vector_store %arg3[%swap3A_139, %swap3A_140], %mul3A_138 {strides = array<i32>} : memref<1x5120xf32, #tpu.memory_space<vmem>>, vector<1x512xf32>,
    %get3A_142 = arith.constant 0 : index
    %get3A_143 = arith.constant 0 : index
    %get3A_144 = vector.load %arg0[%get3A_142, %get3A_143] : memref<5120x8xf32, #tpu.memory_space<vmem>>, vector<512x1xf32>
    %get3A_145 = arith.constant 0 : index
    %get3A_146 = arith.constant 1 : index
    %get3A_147 = vector.load %arg0[%get3A_145, %get3A_146] : memref<5120x8xf32, #tpu.memory_space<vmem>>, vector<512x1xf32>
    %get3A_148 = arith.constant 0 : index
    %get3A_149 = arith.constant 2 : index
    %get3A_150 = vector.load %arg0[%get3A_148, %get3A_149] : memref<5120x8xf32, #tpu.memory_space<vmem>>, vector<512x1xf32>
    %get3A_151 = arith.constant 0 : index
    %get3A_152 = arith.constant 3 : index
    %get3A_153 = vector.load %arg0[%get3A_151, %get3A_152] : memref<5120x8xf32, #tpu.memory_space<vmem>>, vector<512x1xf32>
    %sub3A_154 = arith.subf %get3A_150, %get3A_144 : vector<512x1xf32>
    %sub3A_155 = arith.subf %get3A_153, %get3A_147 : vector<512x1xf32>
    %mul3A_156 = arith.mulf %sub3A_154, %sub3A_155 : vector<512x1xf32>
    %slice3A_157 = vector.extract_strided_slice %transpose3A {offsets = [0, 1024], sizes = [1, 512], strides = [1, 1]} : vector<8x5120xf32> to vector<1x512xf32>
    %slice3A_158 = vector.extract_strided_slice %transpose3A {offsets = [1, 1024], sizes = [1, 512], strides = [1, 1]} : vector<8x5120xf32> to vector<1x512xf32>
    %slice3A_159 = vector.extract_strided_slice %transpose3A {offsets = [2, 1024], sizes = [1, 512], strides = [1, 1]} : vector<8x5120xf32> to vector<1x512xf32>
    %slice3A_160 = vector.extract_strided_slice %transpose3A {offsets = [3, 1024], sizes = [1, 512], strides = [1, 1]} : vector<8x5120xf32> to vector<1x512xf32>
    %sub3A_161 = arith.subf %slice3A_159, %slice3A_157 : vector<1x512xf32>
    %sub3A_162 = arith.subf %slice3A_160, %slice3A_158 : vector<1x512xf32>
    %mul3A_163 = arith.mulf %sub3A_161, %sub3A_162 : vector<1x512xf32>
    %max3A_164 = vector.broadcast %get3A_144 : vector<512x1xf32> to vector<512x512xf32>
    %max3A_165 = vector.broadcast %slice3A_157 : vector<1x512xf32> to vector<512x512xf32>
    %max3A_166 = arith.maximumf %max3A_164, %max3A_165 : vector<512x512xf32>
    %max3A_167 = vector.broadcast %get3A_147 : vector<512x1xf32> to vector<512x512xf32>
    %max3A_168 = vector.broadcast %slice3A_158 : vector<1x512xf32> to vector<512x512xf32>
    %max3A_169 = arith.maximumf %max3A_167, %max3A_168 : vector<512x512xf32>
    %min3A_170 = vector.broadcast %get3A_150 : vector<512x1xf32> to vector<512x512xf32>
    %min3A_171 = vector.broadcast %slice3A_159 : vector<1x512xf32> to vector<512x512xf32>
    %min3A_172 = arith.minimumf %min3A_170, %min3A_171 : vector<512x512xf32>
    %min3A_173 = vector.broadcast %get3A_153 : vector<512x1xf32> to vector<512x512xf32>
    %min3A_174 = vector.broadcast %slice3A_160 : vector<1x512xf32> to vector<512x512xf32>
    %min3A_175 = arith.minimumf %min3A_173, %min3A_174 : vector<512x512xf32>
    %sub3A_176 = arith.subf %min3A_172, %max3A_166 : vector<512x512xf32>
    %max3A_177 = arith.constant 0.000000e+00 : f32
    %max3A_178 = vector.broadcast %max3A_177 : f32 to vector<512x512xf32>
    %max3A_179 = arith.maximumf %sub3A_176, %max3A_178 : vector<512x512xf32>
    %sub3A_180 = arith.subf %min3A_175, %max3A_169 : vector<512x512xf32>
    %max3A_181 = arith.constant 0.000000e+00 : f32
    %max3A_182 = vector.broadcast %max3A_181 : f32 to vector<512x512xf32>
    %max3A_183 = arith.maximumf %sub3A_180, %max3A_182 : vector<512x512xf32>
    %mul3A_184 = arith.mulf %max3A_179, %max3A_183 : vector<512x512xf32>
    %add3A_185 = vector.broadcast %mul3A_156 : vector<512x1xf32> to vector<512x512xf32>
    %add3A_186 = vector.broadcast %mul3A_163 : vector<1x512xf32> to vector<512x512xf32>
    %add3A_187 = arith.addf %add3A_185, %add3A_186 : vector<512x512xf32>
    %sub3A_188 = arith.subf %add3A_187, %mul3A_184 : vector<512x512xf32>
    %add3A_189 = arith.constant 9.99999993E-9 : f32
    %add3A_190 = vector.broadcast %add3A_189 : f32 to vector<512x512xf32>
    %add3A_191 = arith.addf %sub3A_188, %add3A_190 : vector<512x512xf32>
    %div3A_192 = arith.divf %mul3A_184, %add3A_191 : vector<512x512xf32>
    %gt3A_193 = arith.constant 1.000000e-01 : f32
    %gt3A_194 = vector.broadcast %gt3A_193 : f32 to vector<512x512xf32>
    %gt3A_195 = arith.cmpf ogt, %div3A_192, %gt3A_194 : vector<512x512xf32>
    %jit3A_196 = arith.constant 1.000000e+00 : f32
    %jit3A_197 = arith.constant 0.000000e+00 : f32
    %broadcast_in_dim3A_198 = vector.broadcast %jit3A_196 : f32 to vector<512x512xf32>
    %broadcast_in_dim3A_199 = vector.broadcast %jit3A_197 : f32 to vector<512x512xf32>
    %select_n3A_200 = arith.select %gt3A_195, %broadcast_in_dim3A_198, %broadcast_in_dim3A_199 : vector<512x512xi1>, vector<512x512xf32>
    %convert_element_type3A_201 = arith.truncf %select_n3A_200 : vector<512x512xf32> to vector<512x512xbf16>
    %dot_general3A_202 = arith.constant dense<0.000000e+00> : vector<1x512xf32>
    %dot_general3A_203 = tpu.matmul %convert_element_type3A_65, %convert_element_type3A_201, %dot_general3A_202 {dimension_numbers = #tpu.dot_dimension_numbers<[1], [0], [0], [1], [0, 0, 1, 1], [], []>, transpose_lhs_hint = false} : vector<1x512xbf16>, vector<512x512xbf16>, vector<1x512xf32> -> vector<1x512xf32>
    %get3A_204 = arith.constant 0 : index
    %get3A_205 = arith.constant 1024 : index
    %get3A_206 = vector.load %arg3[%get3A_204, %get3A_205] : memref<1x5120xf32, #tpu.memory_space<vmem>>, vector<1x512xf32>
    %gt3A_207 = arith.constant 0.000000e+00 : f32
    %gt3A_208 = vector.broadcast %gt3A_207 : f32 to vector<1x512xf32>
    %gt3A_209 = arith.cmpf ogt, %dot_general3A_203, %gt3A_208 : vector<1x512xf32>
    %jit3A_210 = arith.constant 0.000000e+00 : f32
    %jit3A_211 = arith.constant 1.000000e+00 : f32
    %broadcast_in_dim3A_212 = vector.broadcast %jit3A_210 : f32 to vector<1x512xf32>
    %broadcast_in_dim3A_213 = vector.broadcast %jit3A_211 : f32 to vector<1x512xf32>
    %select_n3A_214 = arith.select %gt3A_209, %broadcast_in_dim3A_212, %broadcast_in_dim3A_213 : vector<1x512xi1>, vector<1x512xf32>
    %mul3A_215 = arith.mulf %get3A_206, %select_n3A_214 : vector<1x512xf32>
    %swap3A_216 = arith.constant 0 : index
    %swap3A_217 = arith.constant 1024 : index
    %swap3A_218 = vector.load %arg3[%swap3A_216, %swap3A_217] : memref<1x5120xf32, #tpu.memory_space<vmem>>, vector<1x512xf32>
    tpu.vector_store %arg3[%swap3A_216, %swap3A_217], %mul3A_215 {strides = array<i32>} : memref<1x5120xf32, #tpu.memory_space<vmem>>, vector<1x512xf32>,
    %get3A_219 = arith.constant 0 : index
    %get3A_220 = arith.constant 0 : index
    %get3A_221 = vector.load %arg0[%get3A_219, %get3A_220] : memref<5120x8xf32, #tpu.memory_space<vmem>>, vector<512x1xf32>
    %get3A_222 = arith.constant 0 : index
    %get3A_223 = arith.constant 1 : index
    %get3A_224 = vector.load %arg0[%get3A_222, %get3A_223] : memref<5120x8xf32, #tpu.memory_space<vmem>>, vector<512x1xf32>
    %get3A_225 = arith.constant 0 : index
    %get3A_226 = arith.constant 2 : index
    %get3A_227 = vector.load %arg0[%get3A_225, %get3A_226] : memref<5120x8xf32, #tpu.memory_space<vmem>>, vector<512x1xf32>
    %get3A_228 = arith.constant 0 : index
    %get3A_229 = arith.constant 3 : index
    %get3A_230 = vector.load %arg0[%get3A_228, %get3A_229] : memref<5120x8xf32, #tpu.memory_space<vmem>>, vector<512x1xf32>
    %sub3A_231 = arith.subf %get3A_227, %get3A_221 : vector<512x1xf32>
    %sub3A_232 = arith.subf %get3A_230, %get3A_224 : vector<512x1xf32>
    %mul3A_233 = arith.mulf %sub3A_231, %sub3A_232 : vector<512x1xf32>
    %slice3A_234 = vector.extract_strided_slice %transpose3A {offsets = [0, 1536], sizes = [1, 512], strides = [1, 1]} : vector<8x5120xf32> to vector<1x512xf32>
    %slice3A_235 = vector.extract_strided_slice %transpose3A {offsets = [1, 1536], sizes = [1, 512], strides = [1, 1]} : vector<8x5120xf32> to vector<1x512xf32>
    %slice3A_236 = vector.extract_strided_slice %transpose3A {offsets = [2, 1536], sizes = [1, 512], strides = [1, 1]} : vector<8x5120xf32> to vector<1x512xf32>
    %slice3A_237 = vector.extract_strided_slice %transpose3A {offsets = [3, 1536], sizes = [1, 512], strides = [1, 1]} : vector<8x5120xf32> to vector<1x512xf32>
    %sub3A_238 = arith.subf %slice3A_236, %slice3A_234 : vector<1x512xf32>
    %sub3A_239 = arith.subf %slice3A_237, %slice3A_235 : vector<1x512xf32>
    %mul3A_240 = arith.mulf %sub3A_238, %sub3A_239 : vector<1x512xf32>
    %max3A_241 = vector.broadcast %get3A_221 : vector<512x1xf32> to vector<512x512xf32>
    %max3A_242 = vector.broadcast %slice3A_234 : vector<1x512xf32> to vector<512x512xf32>
    %max3A_243 = arith.maximumf %max3A_241, %max3A_242 : vector<512x512xf32>
    %max3A_244 = vector.broadcast %get3A_224 : vector<512x1xf32> to vector<512x512xf32>
    %max3A_245 = vector.broadcast %slice3A_235 : vector<1x512xf32> to vector<512x512xf32>
    %max3A_246 = arith.maximumf %max3A_244, %max3A_245 : vector<512x512xf32>
    %min3A_247 = vector.broadcast %get3A_227 : vector<512x1xf32> to vector<512x512xf32>
    %min3A_248 = vector.broadcast %slice3A_236 : vector<1x512xf32> to vector<512x512xf32>
    %min3A_249 = arith.minimumf %min3A_247, %min3A_248 : vector<512x512xf32>
    %min3A_250 = vector.broadcast %get3A_230 : vector<512x1xf32> to vector<512x512xf32>
    %min3A_251 = vector.broadcast %slice3A_237 : vector<1x512xf32> to vector<512x512xf32>
    %min3A_252 = arith.minimumf %min3A_250, %min3A_251 : vector<512x512xf32>
    %sub3A_253 = arith.subf %min3A_249, %max3A_243 : vector<512x512xf32>
    %max3A_254 = arith.constant 0.000000e+00 : f32
    %max3A_255 = vector.broadcast %max3A_254 : f32 to vector<512x512xf32>
    %max3A_256 = arith.maximumf %sub3A_253, %max3A_255 : vector<512x512xf32>
    %sub3A_257 = arith.subf %min3A_252, %max3A_246 : vector<512x512xf32>
    %max3A_258 = arith.constant 0.000000e+00 : f32
    %max3A_259 = vector.broadcast %max3A_258 : f32 to vector<512x512xf32>
    %max3A_260 = arith.maximumf %sub3A_257, %max3A_259 : vector<512x512xf32>
    %mul3A_261 = arith.mulf %max3A_256, %max3A_260 : vector<512x512xf32>
    %add3A_262 = vector.broadcast %mul3A_233 : vector<512x1xf32> to vector<512x512xf32>
    %add3A_263 = vector.broadcast %mul3A_240 : vector<1x512xf32> to vector<512x512xf32>
    %add3A_264 = arith.addf %add3A_262, %add3A_263 : vector<512x512xf32>
    %sub3A_265 = arith.subf %add3A_264, %mul3A_261 : vector<512x512xf32>
    %add3A_266 = arith.constant 9.99999993E-9 : f32
    %add3A_267 = vector.broadcast %add3A_266 : f32 to vector<512x512xf32>
    %add3A_268 = arith.addf %sub3A_265, %add3A_267 : vector<512x512xf32>
    %div3A_269 = arith.divf %mul3A_261, %add3A_268 : vector<512x512xf32>
    %gt3A_270 = arith.constant 1.000000e-01 : f32
    %gt3A_271 = vector.broadcast %gt3A_270 : f32 to vector<512x512xf32>
    %gt3A_272 = arith.cmpf ogt, %div3A_269, %gt3A_271 : vector<512x512xf32>
    %jit3A_273 = arith.constant 1.000000e+00 : f32
    %jit3A_274 = arith.constant 0.000000e+00 : f32
    %broadcast_in_dim3A_275 = vector.broadcast %jit3A_273 : f32 to vector<512x512xf32>
    %broadcast_in_dim3A_276 = vector.broadcast %jit3A_274 : f32 to vector<512x512xf32>
    %select_n3A_277 = arith.select %gt3A_272, %broadcast_in_dim3A_275, %broadcast_in_dim3A_276 : vector<512x512xi1>, vector<512x512xf32>
    %convert_element_type3A_278 = arith.truncf %select_n3A_277 : vector<512x512xf32> to vector<512x512xbf16>
    %dot_general3A_279 = arith.constant dense<0.000000e+00> : vector<1x512xf32>
    %dot_general3A_280 = tpu.matmul %convert_element_type3A_65, %convert_element_type3A_278, %dot_general3A_279 {dimension_numbers = #tpu.dot_dimension_numbers<[1], [0], [0], [1], [0, 0, 1, 1], [], []>, transpose_lhs_hint = false} : vector<1x512xbf16>, vector<512x512xbf16>, vector<1x512xf32> -> vector<1x512xf32>
    %get3A_281 = arith.constant 0 : index
    %get3A_282 = arith.constant 1536 : index
    %get3A_283 = vector.load %arg3[%get3A_281, %get3A_282] : memref<1x5120xf32, #tpu.memory_space<vmem>>, vector<1x512xf32>
    %gt3A_284 = arith.constant 0.000000e+00 : f32
    %gt3A_285 = vector.broadcast %gt3A_284 : f32 to vector<1x512xf32>
    %gt3A_286 = arith.cmpf ogt, %dot_general3A_280, %gt3A_285 : vector<1x512xf32>
    %jit3A_287 = arith.constant 0.000000e+00 : f32
    %jit3A_288 = arith.constant 1.000000e+00 : f32
    %broadcast_in_dim3A_289 = vector.broadcast %jit3A_287 : f32 to vector<1x512xf32>
    %broadcast_in_dim3A_290 = vector.broadcast %jit3A_288 : f32 to vector<1x512xf32>
    %select_n3A_291 = arith.select %gt3A_286, %broadcast_in_dim3A_289, %broadcast_in_dim3A_290 : vector<1x512xi1>, vector<1x512xf32>
    %mul3A_292 = arith.mulf %get3A_283, %select_n3A_291 : vector<1x512xf32>
    %swap3A_293 = arith.constant 0 : index
    %swap3A_294 = arith.constant 1536 : index
    %swap3A_295 = vector.load %arg3[%swap3A_293, %swap3A_294] : memref<1x5120xf32, #tpu.memory_space<vmem>>, vector<1x512xf32>
    tpu.vector_store %arg3[%swap3A_293, %swap3A_294], %mul3A_292 {strides = array<i32>} : memref<1x5120xf32, #tpu.memory_space<vmem>>, vector<1x512xf32>,
    %get3A_296 = arith.constant 0 : index
    %get3A_297 = arith.constant 0 : index
    %get3A_298 = vector.load %arg0[%get3A_296, %get3A_297] : memref<5120x8xf32, #tpu.memory_space<vmem>>, vector<512x1xf32>
    %get3A_299 = arith.constant 0 : index
    %get3A_300 = arith.constant 1 : index
    %get3A_301 = vector.load %arg0[%get3A_299, %get3A_300] : memref<5120x8xf32, #tpu.memory_space<vmem>>, vector<512x1xf32>
    %get3A_302 = arith.constant 0 : index
    %get3A_303 = arith.constant 2 : index
    %get3A_304 = vector.load %arg0[%get3A_302, %get3A_303] : memref<5120x8xf32, #tpu.memory_space<vmem>>, vector<512x1xf32>
    %get3A_305 = arith.constant 0 : index
    %get3A_306 = arith.constant 3 : index
    %get3A_307 = vector.load %arg0[%get3A_305, %get3A_306] : memref<5120x8xf32, #tpu.memory_space<vmem>>, vector<512x1xf32>
    %sub3A_308 = arith.subf %get3A_304, %get3A_298 : vector<512x1xf32>
    %sub3A_309 = arith.subf %get3A_307, %get3A_301 : vector<512x1xf32>
    %mul3A_310 = arith.mulf %sub3A_308, %sub3A_309 : vector<512x1xf32>
    %slice3A_311 = vector.extract_strided_slice %transpose3A {offsets = [0, 2048], sizes = [1, 512], strides = [1, 1]} : vector<8x5120xf32> to vector<1x512xf32>
    %slice3A_312 = vector.extract_strided_slice %transpose3A {offsets = [1, 2048], sizes = [1, 512], strides = [1, 1]} : vector<8x5120xf32> to vector<1x512xf32>
    %slice3A_313 = vector.extract_strided_slice %transpose3A {offsets = [2, 2048], sizes = [1, 512], strides = [1, 1]} : vector<8x5120xf32> to vector<1x512xf32>
    %slice3A_314 = vector.extract_strided_slice %transpose3A {offsets = [3, 2048], sizes = [1, 512], strides = [1, 1]} : vector<8x5120xf32> to vector<1x512xf32>
    %sub3A_315 = arith.subf %slice3A_313, %slice3A_311 : vector<1x512xf32>
    %sub3A_316 = arith.subf %slice3A_314, %slice3A_312 : vector<1x512xf32>
    %mul3A_317 = arith.mulf %sub3A_315, %sub3A_316 : vector<1x512xf32>
    %max3A_318 = vector.broadcast %get3A_298 : vector<512x1xf32> to vector<512x512xf32>
    %max3A_319 = vector.broadcast %slice3A_311 : vector<1x512xf32> to vector<512x512xf32>
    %max3A_320 = arith.maximumf %max3A_318, %max3A_319 : vector<512x512xf32>
    %max3A_321 = vector.broadcast %get3A_301 : vector<512x1xf32> to vector<512x512xf32>
    %max3A_322 = vector.broadcast %slice3A_312 : vector<1x512xf32> to vector<512x512xf32>
    %max3A_323 = arith.maximumf %max3A_321, %max3A_322 : vector<512x512xf32>
    %min3A_324 = vector.broadcast %get3A_304 : vector<512x1xf32> to vector<512x512xf32>
    %min3A_325 = vector.broadcast %slice3A_313 : vector<1x512xf32> to vector<512x512xf32>
    %min3A_326 = arith.minimumf %min3A_324, %min3A_325 : vector<512x512xf32>
    %min3A_327 = vector.broadcast %get3A_307 : vector<512x1xf32> to vector<512x512xf32>
    %min3A_328 = vector.broadcast %slice3A_314 : vector<1x512xf32> to vector<512x512xf32>
    %min3A_329 = arith.minimumf %min3A_327, %min3A_328 : vector<512x512xf32>
    %sub3A_330 = arith.subf %min3A_326, %max3A_320 : vector<512x512xf32>
    %max3A_331 = arith.constant 0.000000e+00 : f32
    %max3A_332 = vector.broadcast %max3A_331 : f32 to vector<512x512xf32>
    %max3A_333 = arith.maximumf %sub3A_330, %max3A_332 : vector<512x512xf32>
    %sub3A_334 = arith.subf %min3A_329, %max3A_323 : vector<512x512xf32>
    %max3A_335 = arith.constant 0.000000e+00 : f32
    %max3A_336 = vector.broadcast %max3A_335 : f32 to vector<512x512xf32>
    %max3A_337 = arith.maximumf %sub3A_334, %max3A_336 : vector<512x512xf32>
    %mul3A_338 = arith.mulf %max3A_333, %max3A_337 : vector<512x512xf32>
    %add3A_339 = vector.broadcast %mul3A_310 : vector<512x1xf32> to vector<512x512xf32>
    %add3A_340 = vector.broadcast %mul3A_317 : vector<1x512xf32> to vector<512x512xf32>
    %add3A_341 = arith.addf %add3A_339, %add3A_340 : vector<512x512xf32>
    %sub3A_342 = arith.subf %add3A_341, %mul3A_338 : vector<512x512xf32>
    %add3A_343 = arith.constant 9.99999993E-9 : f32
    %add3A_344 = vector.broadcast %add3A_343 : f32 to vector<512x512xf32>
    %add3A_345 = arith.addf %sub3A_342, %add3A_344 : vector<512x512xf32>
    %div3A_346 = arith.divf %mul3A_338, %add3A_345 : vector<512x512xf32>
    %gt3A_347 = arith.constant 1.000000e-01 : f32
    %gt3A_348 = vector.broadcast %gt3A_347 : f32 to vector<512x512xf32>
    %gt3A_349 = arith.cmpf ogt, %div3A_346, %gt3A_348 : vector<512x512xf32>
    %jit3A_350 = arith.constant 1.000000e+00 : f32
    %jit3A_351 = arith.constant 0.000000e+00 : f32
    %broadcast_in_dim3A_352 = vector.broadcast %jit3A_350 : f32 to vector<512x512xf32>
    %broadcast_in_dim3A_353 = vector.broadcast %jit3A_351 : f32 to vector<512x512xf32>
    %select_n3A_354 = arith.select %gt3A_349, %broadcast_in_dim3A_352, %broadcast_in_dim3A_353 : vector<512x512xi1>, vector<512x512xf32>
    %convert_element_type3A_355 = arith.truncf %select_n3A_354 : vector<512x512xf32> to vector<512x512xbf16>
    %dot_general3A_356 = arith.constant dense<0.000000e+00> : vector<1x512xf32>
    %dot_general3A_357 = tpu.matmul %convert_element_type3A_65, %convert_element_type3A_355, %dot_general3A_356 {dimension_numbers = #tpu.dot_dimension_numbers<[1], [0], [0], [1], [0, 0, 1, 1], [], []>, transpose_lhs_hint = false} : vector<1x512xbf16>, vector<512x512xbf16>, vector<1x512xf32> -> vector<1x512xf32>
    %get3A_358 = arith.constant 0 : index
    %get3A_359 = arith.constant 2048 : index
    %get3A_360 = vector.load %arg3[%get3A_358, %get3A_359] : memref<1x5120xf32, #tpu.memory_space<vmem>>, vector<1x512xf32>
    %gt3A_361 = arith.constant 0.000000e+00 : f32
    %gt3A_362 = vector.broadcast %gt3A_361 : f32 to vector<1x512xf32>
    %gt3A_363 = arith.cmpf ogt, %dot_general3A_357, %gt3A_362 : vector<1x512xf32>
    %jit3A_364 = arith.constant 0.000000e+00 : f32
    %jit3A_365 = arith.constant 1.000000e+00 : f32
    %broadcast_in_dim3A_366 = vector.broadcast %jit3A_364 : f32 to vector<1x512xf32>
    %broadcast_in_dim3A_367 = vector.broadcast %jit3A_365 : f32 to vector<1x512xf32>
    %select_n3A_368 = arith.select %gt3A_363, %broadcast_in_dim3A_366, %broadcast_in_dim3A_367 : vector<1x512xi1>, vector<1x512xf32>
    %mul3A_369 = arith.mulf %get3A_360, %select_n3A_368 : vector<1x512xf32>
    %swap3A_370 = arith.constant 0 : index
    %swap3A_371 = arith.constant 2048 : index
    %swap3A_372 = vector.load %arg3[%swap3A_370, %swap3A_371] : memref<1x5120xf32, #tpu.memory_space<vmem>>, vector<1x512xf32>
    tpu.vector_store %arg3[%swap3A_370, %swap3A_371], %mul3A_369 {strides = array<i32>} : memref<1x5120xf32, #tpu.memory_space<vmem>>, vector<1x512xf32>,
    %get3A_373 = arith.constant 0 : index
    %get3A_374 = arith.constant 0 : index
    %get3A_375 = vector.load %arg0[%get3A_373, %get3A_374] : memref<5120x8xf32, #tpu.memory_space<vmem>>, vector<512x1xf32>
    %get3A_376 = arith.constant 0 : index
    %get3A_377 = arith.constant 1 : index
    %get3A_378 = vector.load %arg0[%get3A_376, %get3A_377] : memref<5120x8xf32, #tpu.memory_space<vmem>>, vector<512x1xf32>
    %get3A_379 = arith.constant 0 : index
    %get3A_380 = arith.constant 2 : index
    %get3A_381 = vector.load %arg0[%get3A_379, %get3A_380] : memref<5120x8xf32, #tpu.memory_space<vmem>>, vector<512x1xf32>
    %get3A_382 = arith.constant 0 : index
    %get3A_383 = arith.constant 3 : index
    %get3A_384 = vector.load %arg0[%get3A_382, %get3A_383] : memref<5120x8xf32, #tpu.memory_space<vmem>>, vector<512x1xf32>
    %sub3A_385 = arith.subf %get3A_381, %get3A_375 : vector<512x1xf32>
    %sub3A_386 = arith.subf %get3A_384, %get3A_378 : vector<512x1xf32>
    %mul3A_387 = arith.mulf %sub3A_385, %sub3A_386 : vector<512x1xf32>
    %slice3A_388 = vector.extract_strided_slice %transpose3A {offsets = [0, 2560], sizes = [1, 512], strides = [1, 1]} : vector<8x5120xf32> to vector<1x512xf32>
    %slice3A_389 = vector.extract_strided_slice %transpose3A {offsets = [1, 2560], sizes = [1, 512], strides = [1, 1]} : vector<8x5120xf32> to vector<1x512xf32>
    %slice3A_390 = vector.extract_strided_slice %transpose3A {offsets = [2, 2560], sizes = [1, 512], strides = [1, 1]} : vector<8x5120xf32> to vector<1x512xf32>
    %slice3A_391 = vector.extract_strided_slice %transpose3A {offsets = [3, 2560], sizes = [1, 512], strides = [1, 1]} : vector<8x5120xf32> to vector<1x512xf32>
    %sub3A_392 = arith.subf %slice3A_390, %slice3A_388 : vector<1x512xf32>
    %sub3A_393 = arith.subf %slice3A_391, %slice3A_389 : vector<1x512xf32>
    %mul3A_394 = arith.mulf %sub3A_392, %sub3A_393 : vector<1x512xf32>
    %max3A_395 = vector.broadcast %get3A_375 : vector<512x1xf32> to vector<512x512xf32>
    %max3A_396 = vector.broadcast %slice3A_388 : vector<1x512xf32> to vector<512x512xf32>
    %max3A_397 = arith.maximumf %max3A_395, %max3A_396 : vector<512x512xf32>
    %max3A_398 = vector.broadcast %get3A_378 : vector<512x1xf32> to vector<512x512xf32>
    %max3A_399 = vector.broadcast %slice3A_389 : vector<1x512xf32> to vector<512x512xf32>
    %max3A_400 = arith.maximumf %max3A_398, %max3A_399 : vector<512x512xf32>
    %min3A_401 = vector.broadcast %get3A_381 : vector<512x1xf32> to vector<512x512xf32>
    %min3A_402 = vector.broadcast %slice3A_390 : vector<1x512xf32> to vector<512x512xf32>
    %min3A_403 = arith.minimumf %min3A_401, %min3A_402 : vector<512x512xf32>
    %min3A_404 = vector.broadcast %get3A_384 : vector<512x1xf32> to vector<512x512xf32>
    %min3A_405 = vector.broadcast %slice3A_391 : vector<1x512xf32> to vector<512x512xf32>
    %min3A_406 = arith.minimumf %min3A_404, %min3A_405 : vector<512x512xf32>
    %sub3A_407 = arith.subf %min3A_403, %max3A_397 : vector<512x512xf32>
    %max3A_408 = arith.constant 0.000000e+00 : f32
    %max3A_409 = vector.broadcast %max3A_408 : f32 to vector<512x512xf32>
    %max3A_410 = arith.maximumf %sub3A_407, %max3A_409 : vector<512x512xf32>
    %sub3A_411 = arith.subf %min3A_406, %max3A_400 : vector<512x512xf32>
    %max3A_412 = arith.constant 0.000000e+00 : f32
    %max3A_413 = vector.broadcast %max3A_412 : f32 to vector<512x512xf32>
    %max3A_414 = arith.maximumf %sub3A_411, %max3A_413 : vector<512x512xf32>
    %mul3A_415 = arith.mulf %max3A_410, %max3A_414 : vector<512x512xf32>
    %add3A_416 = vector.broadcast %mul3A_387 : vector<512x1xf32> to vector<512x512xf32>
    %add3A_417 = vector.broadcast %mul3A_394 : vector<1x512xf32> to vector<512x512xf32>
    %add3A_418 = arith.addf %add3A_416, %add3A_417 : vector<512x512xf32>
    %sub3A_419 = arith.subf %add3A_418, %mul3A_415 : vector<512x512xf32>
    %add3A_420 = arith.constant 9.99999993E-9 : f32
    %add3A_421 = vector.broadcast %add3A_420 : f32 to vector<512x512xf32>
    %add3A_422 = arith.addf %sub3A_419, %add3A_421 : vector<512x512xf32>
    %div3A_423 = arith.divf %mul3A_415, %add3A_422 : vector<512x512xf32>
    %gt3A_424 = arith.constant 1.000000e-01 : f32
    %gt3A_425 = vector.broadcast %gt3A_424 : f32 to vector<512x512xf32>
    %gt3A_426 = arith.cmpf ogt, %div3A_423, %gt3A_425 : vector<512x512xf32>
    %jit3A_427 = arith.constant 1.000000e+00 : f32
    %jit3A_428 = arith.constant 0.000000e+00 : f32
    %broadcast_in_dim3A_429 = vector.broadcast %jit3A_427 : f32 to vector<512x512xf32>
    %broadcast_in_dim3A_430 = vector.broadcast %jit3A_428 : f32 to vector<512x512xf32>
    %select_n3A_431 = arith.select %gt3A_426, %broadcast_in_dim3A_429, %broadcast_in_dim3A_430 : vector<512x512xi1>, vector<512x512xf32>
    %convert_element_type3A_432 = arith.truncf %select_n3A_431 : vector<512x512xf32> to vector<512x512xbf16>
    %dot_general3A_433 = arith.constant dense<0.000000e+00> : vector<1x512xf32>
    %dot_general3A_434 = tpu.matmul %convert_element_type3A_65, %convert_element_type3A_432, %dot_general3A_433 {dimension_numbers = #tpu.dot_dimension_numbers<[1], [0], [0], [1], [0, 0, 1, 1], [], []>, transpose_lhs_hint = false} : vector<1x512xbf16>, vector<512x512xbf16>, vector<1x512xf32> -> vector<1x512xf32>
    %get3A_435 = arith.constant 0 : index
    %get3A_436 = arith.constant 2560 : index
    %get3A_437 = vector.load %arg3[%get3A_435, %get3A_436] : memref<1x5120xf32, #tpu.memory_space<vmem>>, vector<1x512xf32>
    %gt3A_438 = arith.constant 0.000000e+00 : f32
    %gt3A_439 = vector.broadcast %gt3A_438 : f32 to vector<1x512xf32>
    %gt3A_440 = arith.cmpf ogt, %dot_general3A_434, %gt3A_439 : vector<1x512xf32>
    %jit3A_441 = arith.constant 0.000000e+00 : f32
    %jit3A_442 = arith.constant 1.000000e+00 : f32
    %broadcast_in_dim3A_443 = vector.broadcast %jit3A_441 : f32 to vector<1x512xf32>
    %broadcast_in_dim3A_444 = vector.broadcast %jit3A_442 : f32 to vector<1x512xf32>
    %select_n3A_445 = arith.select %gt3A_440, %broadcast_in_dim3A_443, %broadcast_in_dim3A_444 : vector<1x512xi1>, vector<1x512xf32>
    %mul3A_446 = arith.mulf %get3A_437, %select_n3A_445 : vector<1x512xf32>
    %swap3A_447 = arith.constant 0 : index
    %swap3A_448 = arith.constant 2560 : index
    %swap3A_449 = vector.load %arg3[%swap3A_447, %swap3A_448] : memref<1x5120xf32, #tpu.memory_space<vmem>>, vector<1x512xf32>
    tpu.vector_store %arg3[%swap3A_447, %swap3A_448], %mul3A_446 {strides = array<i32>} : memref<1x5120xf32, #tpu.memory_space<vmem>>, vector<1x512xf32>,
    %get3A_450 = arith.constant 0 : index
    %get3A_451 = arith.constant 0 : index
    %get3A_452 = vector.load %arg0[%get3A_450, %get3A_451] : memref<5120x8xf32, #tpu.memory_space<vmem>>, vector<512x1xf32>
    %get3A_453 = arith.constant 0 : index
    %get3A_454 = arith.constant 1 : index
    %get3A_455 = vector.load %arg0[%get3A_453, %get3A_454] : memref<5120x8xf32, #tpu.memory_space<vmem>>, vector<512x1xf32>
    %get3A_456 = arith.constant 0 : index
    %get3A_457 = arith.constant 2 : index
    %get3A_458 = vector.load %arg0[%get3A_456, %get3A_457] : memref<5120x8xf32, #tpu.memory_space<vmem>>, vector<512x1xf32>
    %get3A_459 = arith.constant 0 : index
    %get3A_460 = arith.constant 3 : index
    %get3A_461 = vector.load %arg0[%get3A_459, %get3A_460] : memref<5120x8xf32, #tpu.memory_space<vmem>>, vector<512x1xf32>
    %sub3A_462 = arith.subf %get3A_458, %get3A_452 : vector<512x1xf32>
    %sub3A_463 = arith.subf %get3A_461, %get3A_455 : vector<512x1xf32>
    %mul3A_464 = arith.mulf %sub3A_462, %sub3A_463 : vector<512x1xf32>
    %slice3A_465 = vector.extract_strided_slice %transpose3A {offsets = [0, 3072], sizes = [1, 512], strides = [1, 1]} : vector<8x5120xf32> to vector<1x512xf32>
    %slice3A_466 = vector.extract_strided_slice %transpose3A {offsets = [1, 3072], sizes = [1, 512], strides = [1, 1]} : vector<8x5120xf32> to vector<1x512xf32>
    %slice3A_467 = vector.extract_strided_slice %transpose3A {offsets = [2, 3072], sizes = [1, 512], strides = [1, 1]} : vector<8x5120xf32> to vector<1x512xf32>
    %slice3A_468 = vector.extract_strided_slice %transpose3A {offsets = [3, 3072], sizes = [1, 512], strides = [1, 1]} : vector<8x5120xf32> to vector<1x512xf32>
    %sub3A_469 = arith.subf %slice3A_467, %slice3A_465 : vector<1x512xf32>
    %sub3A_470 = arith.subf %slice3A_468, %slice3A_466 : vector<1x512xf32>
    %mul3A_471 = arith.mulf %sub3A_469, %sub3A_470 : vector<1x512xf32>
    %max3A_472 = vector.broadcast %get3A_452 : vector<512x1xf32> to vector<512x512xf32>
    %max3A_473 = vector.broadcast %slice3A_465 : vector<1x512xf32> to vector<512x512xf32>
    %max3A_474 = arith.maximumf %max3A_472, %max3A_473 : vector<512x512xf32>
    %max3A_475 = vector.broadcast %get3A_455 : vector<512x1xf32> to vector<512x512xf32>
    %max3A_476 = vector.broadcast %slice3A_466 : vector<1x512xf32> to vector<512x512xf32>
    %max3A_477 = arith.maximumf %max3A_475, %max3A_476 : vector<512x512xf32>
    %min3A_478 = vector.broadcast %get3A_458 : vector<512x1xf32> to vector<512x512xf32>
    %min3A_479 = vector.broadcast %slice3A_467 : vector<1x512xf32> to vector<512x512xf32>
    %min3A_480 = arith.minimumf %min3A_478, %min3A_479 : vector<512x512xf32>
    %min3A_481 = vector.broadcast %get3A_461 : vector<512x1xf32> to vector<512x512xf32>
    %min3A_482 = vector.broadcast %slice3A_468 : vector<1x512xf32> to vector<512x512xf32>
    %min3A_483 = arith.minimumf %min3A_481, %min3A_482 : vector<512x512xf32>
    %sub3A_484 = arith.subf %min3A_480, %max3A_474 : vector<512x512xf32>
    %max3A_485 = arith.constant 0.000000e+00 : f32
    %max3A_486 = vector.broadcast %max3A_485 : f32 to vector<512x512xf32>
    %max3A_487 = arith.maximumf %sub3A_484, %max3A_486 : vector<512x512xf32>
    %sub3A_488 = arith.subf %min3A_483, %max3A_477 : vector<512x512xf32>
    %max3A_489 = arith.constant 0.000000e+00 : f32
    %max3A_490 = vector.broadcast %max3A_489 : f32 to vector<512x512xf32>
    %max3A_491 = arith.maximumf %sub3A_488, %max3A_490 : vector<512x512xf32>
    %mul3A_492 = arith.mulf %max3A_487, %max3A_491 : vector<512x512xf32>
    %add3A_493 = vector.broadcast %mul3A_464 : vector<512x1xf32> to vector<512x512xf32>
    %add3A_494 = vector.broadcast %mul3A_471 : vector<1x512xf32> to vector<512x512xf32>
    %add3A_495 = arith.addf %add3A_493, %add3A_494 : vector<512x512xf32>
    %sub3A_496 = arith.subf %add3A_495, %mul3A_492 : vector<512x512xf32>
    %add3A_497 = arith.constant 9.99999993E-9 : f32
    %add3A_498 = vector.broadcast %add3A_497 : f32 to vector<512x512xf32>
    %add3A_499 = arith.addf %sub3A_496, %add3A_498 : vector<512x512xf32>
    %div3A_500 = arith.divf %mul3A_492, %add3A_499 : vector<512x512xf32>
    %gt3A_501 = arith.constant 1.000000e-01 : f32
    %gt3A_502 = vector.broadcast %gt3A_501 : f32 to vector<512x512xf32>
    %gt3A_503 = arith.cmpf ogt, %div3A_500, %gt3A_502 : vector<512x512xf32>
    %jit3A_504 = arith.constant 1.000000e+00 : f32
    %jit3A_505 = arith.constant 0.000000e+00 : f32
    %broadcast_in_dim3A_506 = vector.broadcast %jit3A_504 : f32 to vector<512x512xf32>
    %broadcast_in_dim3A_507 = vector.broadcast %jit3A_505 : f32 to vector<512x512xf32>
    %select_n3A_508 = arith.select %gt3A_503, %broadcast_in_dim3A_506, %broadcast_in_dim3A_507 : vector<512x512xi1>, vector<512x512xf32>
    %convert_element_type3A_509 = arith.truncf %select_n3A_508 : vector<512x512xf32> to vector<512x512xbf16>
    %dot_general3A_510 = arith.constant dense<0.000000e+00> : vector<1x512xf32>
    %dot_general3A_511 = tpu.matmul %convert_element_type3A_65, %convert_element_type3A_509, %dot_general3A_510 {dimension_numbers = #tpu.dot_dimension_numbers<[1], [0], [0], [1], [0, 0, 1, 1], [], []>, transpose_lhs_hint = false} : vector<1x512xbf16>, vector<512x512xbf16>, vector<1x512xf32> -> vector<1x512xf32>
    %get3A_512 = arith.constant 0 : index
    %get3A_513 = arith.constant 3072 : index
    %get3A_514 = vector.load %arg3[%get3A_512, %get3A_513] : memref<1x5120xf32, #tpu.memory_space<vmem>>, vector<1x512xf32>
    %gt3A_515 = arith.constant 0.000000e+00 : f32
    %gt3A_516 = vector.broadcast %gt3A_515 : f32 to vector<1x512xf32>
    %gt3A_517 = arith.cmpf ogt, %dot_general3A_511, %gt3A_516 : vector<1x512xf32>
    %jit3A_518 = arith.constant 0.000000e+00 : f32
    %jit3A_519 = arith.constant 1.000000e+00 : f32
    %broadcast_in_dim3A_520 = vector.broadcast %jit3A_518 : f32 to vector<1x512xf32>
    %broadcast_in_dim3A_521 = vector.broadcast %jit3A_519 : f32 to vector<1x512xf32>
    %select_n3A_522 = arith.select %gt3A_517, %broadcast_in_dim3A_520, %broadcast_in_dim3A_521 : vector<1x512xi1>, vector<1x512xf32>
    %mul3A_523 = arith.mulf %get3A_514, %select_n3A_522 : vector<1x512xf32>
    %swap3A_524 = arith.constant 0 : index
    %swap3A_525 = arith.constant 3072 : index
    %swap3A_526 = vector.load %arg3[%swap3A_524, %swap3A_525] : memref<1x5120xf32, #tpu.memory_space<vmem>>, vector<1x512xf32>
    tpu.vector_store %arg3[%swap3A_524, %swap3A_525], %mul3A_523 {strides = array<i32>} : memref<1x5120xf32, #tpu.memory_space<vmem>>, vector<1x512xf32>,
    %get3A_527 = arith.constant 0 : index
    %get3A_528 = arith.constant 0 : index
    %get3A_529 = vector.load %arg0[%get3A_527, %get3A_528] : memref<5120x8xf32, #tpu.memory_space<vmem>>, vector<512x1xf32>
    %get3A_530 = arith.constant 0 : index
    %get3A_531 = arith.constant 1 : index
    %get3A_532 = vector.load %arg0[%get3A_530, %get3A_531] : memref<5120x8xf32, #tpu.memory_space<vmem>>, vector<512x1xf32>
    %get3A_533 = arith.constant 0 : index
    %get3A_534 = arith.constant 2 : index
    %get3A_535 = vector.load %arg0[%get3A_533, %get3A_534] : memref<5120x8xf32, #tpu.memory_space<vmem>>, vector<512x1xf32>
    %get3A_536 = arith.constant 0 : index
    %get3A_537 = arith.constant 3 : index
    %get3A_538 = vector.load %arg0[%get3A_536, %get3A_537] : memref<5120x8xf32, #tpu.memory_space<vmem>>, vector<512x1xf32>
    %sub3A_539 = arith.subf %get3A_535, %get3A_529 : vector<512x1xf32>
    %sub3A_540 = arith.subf %get3A_538, %get3A_532 : vector<512x1xf32>
    %mul3A_541 = arith.mulf %sub3A_539, %sub3A_540 : vector<512x1xf32>
    %slice3A_542 = vector.extract_strided_slice %transpose3A {offsets = [0, 3584], sizes = [1, 512], strides = [1, 1]} : vector<8x5120xf32> to vector<1x512xf32>
    %slice3A_543 = vector.extract_strided_slice %transpose3A {offsets = [1, 3584], sizes = [1, 512], strides = [1, 1]} : vector<8x5120xf32> to vector<1x512xf32>
    %slice3A_544 = vector.extract_strided_slice %transpose3A {offsets = [2, 3584], sizes = [1, 512], strides = [1, 1]} : vector<8x5120xf32> to vector<1x512xf32>
    %slice3A_545 = vector.extract_strided_slice %transpose3A {offsets = [3, 3584], sizes = [1, 512], strides = [1, 1]} : vector<8x5120xf32> to vector<1x512xf32>
    %sub3A_546 = arith.subf %slice3A_544, %slice3A_542 : vector<1x512xf32>
    %sub3A_547 = arith.subf %slice3A_545, %slice3A_543 : vector<1x512xf32>
    %mul3A_548 = arith.mulf %sub3A_546, %sub3A_547 : vector<1x512xf32>
    %max3A_549 = vector.broadcast %get3A_529 : vector<512x1xf32> to vector<512x512xf32>
    %max3A_550 = vector.broadcast %slice3A_542 : vector<1x512xf32> to vector<512x512xf32>
    %max3A_551 = arith.maximumf %max3A_549, %max3A_550 : vector<512x512xf32>
    %max3A_552 = vector.broadcast %get3A_532 : vector<512x1xf32> to vector<512x512xf32>
    %max3A_553 = vector.broadcast %slice3A_543 : vector<1x512xf32> to vector<512x512xf32>
    %max3A_554 = arith.maximumf %max3A_552, %max3A_553 : vector<512x512xf32>
    %min3A_555 = vector.broadcast %get3A_535 : vector<512x1xf32> to vector<512x512xf32>
    %min3A_556 = vector.broadcast %slice3A_544 : vector<1x512xf32> to vector<512x512xf32>
    %min3A_557 = arith.minimumf %min3A_555, %min3A_556 : vector<512x512xf32>
    %min3A_558 = vector.broadcast %get3A_538 : vector<512x1xf32> to vector<512x512xf32>
    %min3A_559 = vector.broadcast %slice3A_545 : vector<1x512xf32> to vector<512x512xf32>
    %min3A_560 = arith.minimumf %min3A_558, %min3A_559 : vector<512x512xf32>
    %sub3A_561 = arith.subf %min3A_557, %max3A_551 : vector<512x512xf32>
    %max3A_562 = arith.constant 0.000000e+00 : f32
    %max3A_563 = vector.broadcast %max3A_562 : f32 to vector<512x512xf32>
    %max3A_564 = arith.maximumf %sub3A_561, %max3A_563 : vector<512x512xf32>
    %sub3A_565 = arith.subf %min3A_560, %max3A_554 : vector<512x512xf32>
    %max3A_566 = arith.constant 0.000000e+00 : f32
    %max3A_567 = vector.broadcast %max3A_566 : f32 to vector<512x512xf32>
    %max3A_568 = arith.maximumf %sub3A_565, %max3A_567 : vector<512x512xf32>
    %mul3A_569 = arith.mulf %max3A_564, %max3A_568 : vector<512x512xf32>
    %add3A_570 = vector.broadcast %mul3A_541 : vector<512x1xf32> to vector<512x512xf32>
    %add3A_571 = vector.broadcast %mul3A_548 : vector<1x512xf32> to vector<512x512xf32>
    %add3A_572 = arith.addf %add3A_570, %add3A_571 : vector<512x512xf32>
    %sub3A_573 = arith.subf %add3A_572, %mul3A_569 : vector<512x512xf32>
    %add3A_574 = arith.constant 9.99999993E-9 : f32
    %add3A_575 = vector.broadcast %add3A_574 : f32 to vector<512x512xf32>
    %add3A_576 = arith.addf %sub3A_573, %add3A_575 : vector<512x512xf32>
    %div3A_577 = arith.divf %mul3A_569, %add3A_576 : vector<512x512xf32>
    %gt3A_578 = arith.constant 1.000000e-01 : f32
    %gt3A_579 = vector.broadcast %gt3A_578 : f32 to vector<512x512xf32>
    %gt3A_580 = arith.cmpf ogt, %div3A_577, %gt3A_579 : vector<512x512xf32>
    %jit3A_581 = arith.constant 1.000000e+00 : f32
    %jit3A_582 = arith.constant 0.000000e+00 : f32
    %broadcast_in_dim3A_583 = vector.broadcast %jit3A_581 : f32 to vector<512x512xf32>
    %broadcast_in_dim3A_584 = vector.broadcast %jit3A_582 : f32 to vector<512x512xf32>
    %select_n3A_585 = arith.select %gt3A_580, %broadcast_in_dim3A_583, %broadcast_in_dim3A_584 : vector<512x512xi1>, vector<512x512xf32>
    %convert_element_type3A_586 = arith.truncf %select_n3A_585 : vector<512x512xf32> to vector<512x512xbf16>
    %dot_general3A_587 = arith.constant dense<0.000000e+00> : vector<1x512xf32>
    %dot_general3A_588 = tpu.matmul %convert_element_type3A_65, %convert_element_type3A_586, %dot_general3A_587 {dimension_numbers = #tpu.dot_dimension_numbers<[1], [0], [0], [1], [0, 0, 1, 1], [], []>, transpose_lhs_hint = false} : vector<1x512xbf16>, vector<512x512xbf16>, vector<1x512xf32> -> vector<1x512xf32>
    %get3A_589 = arith.constant 0 : index
    %get3A_590 = arith.constant 3584 : index
    %get3A_591 = vector.load %arg3[%get3A_589, %get3A_590] : memref<1x5120xf32, #tpu.memory_space<vmem>>, vector<1x512xf32>
    %gt3A_592 = arith.constant 0.000000e+00 : f32
    %gt3A_593 = vector.broadcast %gt3A_592 : f32 to vector<1x512xf32>
    %gt3A_594 = arith.cmpf ogt, %dot_general3A_588, %gt3A_593 : vector<1x512xf32>
    %jit3A_595 = arith.constant 0.000000e+00 : f32
    %jit3A_596 = arith.constant 1.000000e+00 : f32
    %broadcast_in_dim3A_597 = vector.broadcast %jit3A_595 : f32 to vector<1x512xf32>
    %broadcast_in_dim3A_598 = vector.broadcast %jit3A_596 : f32 to vector<1x512xf32>
    %select_n3A_599 = arith.select %gt3A_594, %broadcast_in_dim3A_597, %broadcast_in_dim3A_598 : vector<1x512xi1>, vector<1x512xf32>
    %mul3A_600 = arith.mulf %get3A_591, %select_n3A_599 : vector<1x512xf32>
    %swap3A_601 = arith.constant 0 : index
    %swap3A_602 = arith.constant 3584 : index
    %swap3A_603 = vector.load %arg3[%swap3A_601, %swap3A_602] : memref<1x5120xf32, #tpu.memory_space<vmem>>, vector<1x512xf32>
    tpu.vector_store %arg3[%swap3A_601, %swap3A_602], %mul3A_600 {strides = array<i32>} : memref<1x5120xf32, #tpu.memory_space<vmem>>, vector<1x512xf32>,
    %get3A_604 = arith.constant 0 : index
    %get3A_605 = arith.constant 0 : index
    %get3A_606 = vector.load %arg0[%get3A_604, %get3A_605] : memref<5120x8xf32, #tpu.memory_space<vmem>>, vector<512x1xf32>
    %get3A_607 = arith.constant 0 : index
    %get3A_608 = arith.constant 1 : index
    %get3A_609 = vector.load %arg0[%get3A_607, %get3A_608] : memref<5120x8xf32, #tpu.memory_space<vmem>>, vector<512x1xf32>
    %get3A_610 = arith.constant 0 : index
    %get3A_611 = arith.constant 2 : index
    %get3A_612 = vector.load %arg0[%get3A_610, %get3A_611] : memref<5120x8xf32, #tpu.memory_space<vmem>>, vector<512x1xf32>
    %get3A_613 = arith.constant 0 : index
    %get3A_614 = arith.constant 3 : index
    %get3A_615 = vector.load %arg0[%get3A_613, %get3A_614] : memref<5120x8xf32, #tpu.memory_space<vmem>>, vector<512x1xf32>
    %sub3A_616 = arith.subf %get3A_612, %get3A_606 : vector<512x1xf32>
    %sub3A_617 = arith.subf %get3A_615, %get3A_609 : vector<512x1xf32>
    %mul3A_618 = arith.mulf %sub3A_616, %sub3A_617 : vector<512x1xf32>
    %slice3A_619 = vector.extract_strided_slice %transpose3A {offsets = [0, 4096], sizes = [1, 512], strides = [1, 1]} : vector<8x5120xf32> to vector<1x512xf32>
    %slice3A_620 = vector.extract_strided_slice %transpose3A {offsets = [1, 4096], sizes = [1, 512], strides = [1, 1]} : vector<8x5120xf32> to vector<1x512xf32>
    %slice3A_621 = vector.extract_strided_slice %transpose3A {offsets = [2, 4096], sizes = [1, 512], strides = [1, 1]} : vector<8x5120xf32> to vector<1x512xf32>
    %slice3A_622 = vector.extract_strided_slice %transpose3A {offsets = [3, 4096], sizes = [1, 512], strides = [1, 1]} : vector<8x5120xf32> to vector<1x512xf32>
    %sub3A_623 = arith.subf %slice3A_621, %slice3A_619 : vector<1x512xf32>
    %sub3A_624 = arith.subf %slice3A_622, %slice3A_620 : vector<1x512xf32>
    %mul3A_625 = arith.mulf %sub3A_623, %sub3A_624 : vector<1x512xf32>
    %max3A_626 = vector.broadcast %get3A_606 : vector<512x1xf32> to vector<512x512xf32>
    %max3A_627 = vector.broadcast %slice3A_619 : vector<1x512xf32> to vector<512x512xf32>
    %max3A_628 = arith.maximumf %max3A_626, %max3A_627 : vector<512x512xf32>
    %max3A_629 = vector.broadcast %get3A_609 : vector<512x1xf32> to vector<512x512xf32>
    %max3A_630 = vector.broadcast %slice3A_620 : vector<1x512xf32> to vector<512x512xf32>
    %max3A_631 = arith.maximumf %max3A_629, %max3A_630 : vector<512x512xf32>
    %min3A_632 = vector.broadcast %get3A_612 : vector<512x1xf32> to vector<512x512xf32>
    %min3A_633 = vector.broadcast %slice3A_621 : vector<1x512xf32> to vector<512x512xf32>
    %min3A_634 = arith.minimumf %min3A_632, %min3A_633 : vector<512x512xf32>
    %min3A_635 = vector.broadcast %get3A_615 : vector<512x1xf32> to vector<512x512xf32>
    %min3A_636 = vector.broadcast %slice3A_622 : vector<1x512xf32> to vector<512x512xf32>
    %min3A_637 = arith.minimumf %min3A_635, %min3A_636 : vector<512x512xf32>
    %sub3A_638 = arith.subf %min3A_634, %max3A_628 : vector<512x512xf32>
    %max3A_639 = arith.constant 0.000000e+00 : f32
    %max3A_640 = vector.broadcast %max3A_639 : f32 to vector<512x512xf32>
    %max3A_641 = arith.maximumf %sub3A_638, %max3A_640 : vector<512x512xf32>
    %sub3A_642 = arith.subf %min3A_637, %max3A_631 : vector<512x512xf32>
    %max3A_643 = arith.constant 0.000000e+00 : f32
    %max3A_644 = vector.broadcast %max3A_643 : f32 to vector<512x512xf32>
    %max3A_645 = arith.maximumf %sub3A_642, %max3A_644 : vector<512x512xf32>
    %mul3A_646 = arith.mulf %max3A_641, %max3A_645 : vector<512x512xf32>
    %add3A_647 = vector.broadcast %mul3A_618 : vector<512x1xf32> to vector<512x512xf32>
    %add3A_648 = vector.broadcast %mul3A_625 : vector<1x512xf32> to vector<512x512xf32>
    %add3A_649 = arith.addf %add3A_647, %add3A_648 : vector<512x512xf32>
    %sub3A_650 = arith.subf %add3A_649, %mul3A_646 : vector<512x512xf32>
    %add3A_651 = arith.constant 9.99999993E-9 : f32
    %add3A_652 = vector.broadcast %add3A_651 : f32 to vector<512x512xf32>
    %add3A_653 = arith.addf %sub3A_650, %add3A_652 : vector<512x512xf32>
    %div3A_654 = arith.divf %mul3A_646, %add3A_653 : vector<512x512xf32>
    %gt3A_655 = arith.constant 1.000000e-01 : f32
    %gt3A_656 = vector.broadcast %gt3A_655 : f32 to vector<512x512xf32>
    %gt3A_657 = arith.cmpf ogt, %div3A_654, %gt3A_656 : vector<512x512xf32>
    %jit3A_658 = arith.constant 1.000000e+00 : f32
    %jit3A_659 = arith.constant 0.000000e+00 : f32
    %broadcast_in_dim3A_660 = vector.broadcast %jit3A_658 : f32 to vector<512x512xf32>
    %broadcast_in_dim3A_661 = vector.broadcast %jit3A_659 : f32 to vector<512x512xf32>
    %select_n3A_662 = arith.select %gt3A_657, %broadcast_in_dim3A_660, %broadcast_in_dim3A_661 : vector<512x512xi1>, vector<512x512xf32>
    %convert_element_type3A_663 = arith.truncf %select_n3A_662 : vector<512x512xf32> to vector<512x512xbf16>
    %dot_general3A_664 = arith.constant dense<0.000000e+00> : vector<1x512xf32>
    %dot_general3A_665 = tpu.matmul %convert_element_type3A_65, %convert_element_type3A_663, %dot_general3A_664 {dimension_numbers = #tpu.dot_dimension_numbers<[1], [0], [0], [1], [0, 0, 1, 1], [], []>, transpose_lhs_hint = false} : vector<1x512xbf16>, vector<512x512xbf16>, vector<1x512xf32> -> vector<1x512xf32>
    %get3A_666 = arith.constant 0 : index
    %get3A_667 = arith.constant 4096 : index
    %get3A_668 = vector.load %arg3[%get3A_666, %get3A_667] : memref<1x5120xf32, #tpu.memory_space<vmem>>, vector<1x512xf32>
    %gt3A_669 = arith.constant 0.000000e+00 : f32
    %gt3A_670 = vector.broadcast %gt3A_669 : f32 to vector<1x512xf32>
    %gt3A_671 = arith.cmpf ogt, %dot_general3A_665, %gt3A_670 : vector<1x512xf32>
    %jit3A_672 = arith.constant 0.000000e+00 : f32
    %jit3A_673 = arith.constant 1.000000e+00 : f32
    %broadcast_in_dim3A_674 = vector.broadcast %jit3A_672 : f32 to vector<1x512xf32>
    %broadcast_in_dim3A_675 = vector.broadcast %jit3A_673 : f32 to vector<1x512xf32>
    %select_n3A_676 = arith.select %gt3A_671, %broadcast_in_dim3A_674, %broadcast_in_dim3A_675 : vector<1x512xi1>, vector<1x512xf32>
    %mul3A_677 = arith.mulf %get3A_668, %select_n3A_676 : vector<1x512xf32>
    %swap3A_678 = arith.constant 0 : index
    %swap3A_679 = arith.constant 4096 : index
    %swap3A_680 = vector.load %arg3[%swap3A_678, %swap3A_679] : memref<1x5120xf32, #tpu.memory_space<vmem>>, vector<1x512xf32>
    tpu.vector_store %arg3[%swap3A_678, %swap3A_679], %mul3A_677 {strides = array<i32>} : memref<1x5120xf32, #tpu.memory_space<vmem>>, vector<1x512xf32>,
    %get3A_681 = arith.constant 0 : index
    %get3A_682 = arith.constant 0 : index
    %get3A_683 = vector.load %arg0[%get3A_681, %get3A_682] : memref<5120x8xf32, #tpu.memory_space<vmem>>, vector<512x1xf32>
    %get3A_684 = arith.constant 0 : index
    %get3A_685 = arith.constant 1 : index
    %get3A_686 = vector.load %arg0[%get3A_684, %get3A_685] : memref<5120x8xf32, #tpu.memory_space<vmem>>, vector<512x1xf32>
    %get3A_687 = arith.constant 0 : index
    %get3A_688 = arith.constant 2 : index
    %get3A_689 = vector.load %arg0[%get3A_687, %get3A_688] : memref<5120x8xf32, #tpu.memory_space<vmem>>, vector<512x1xf32>
    %get3A_690 = arith.constant 0 : index
    %get3A_691 = arith.constant 3 : index
    %get3A_692 = vector.load %arg0[%get3A_690, %get3A_691] : memref<5120x8xf32, #tpu.memory_space<vmem>>, vector<512x1xf32>
    %sub3A_693 = arith.subf %get3A_689, %get3A_683 : vector<512x1xf32>
    %sub3A_694 = arith.subf %get3A_692, %get3A_686 : vector<512x1xf32>
    %mul3A_695 = arith.mulf %sub3A_693, %sub3A_694 : vector<512x1xf32>
    %slice3A_696 = vector.extract_strided_slice %transpose3A {offsets = [0, 4608], sizes = [1, 512], strides = [1, 1]} : vector<8x5120xf32> to vector<1x512xf32>
    %slice3A_697 = vector.extract_strided_slice %transpose3A {offsets = [1, 4608], sizes = [1, 512], strides = [1, 1]} : vector<8x5120xf32> to vector<1x512xf32>
    %slice3A_698 = vector.extract_strided_slice %transpose3A {offsets = [2, 4608], sizes = [1, 512], strides = [1, 1]} : vector<8x5120xf32> to vector<1x512xf32>
    %slice3A_699 = vector.extract_strided_slice %transpose3A {offsets = [3, 4608], sizes = [1, 512], strides = [1, 1]} : vector<8x5120xf32> to vector<1x512xf32>
    %sub3A_700 = arith.subf %slice3A_698, %slice3A_696 : vector<1x512xf32>
    %sub3A_701 = arith.subf %slice3A_699, %slice3A_697 : vector<1x512xf32>
    %mul3A_702 = arith.mulf %sub3A_700, %sub3A_701 : vector<1x512xf32>
    %max3A_703 = vector.broadcast %get3A_683 : vector<512x1xf32> to vector<512x512xf32>
    %max3A_704 = vector.broadcast %slice3A_696 : vector<1x512xf32> to vector<512x512xf32>
    %max3A_705 = arith.maximumf %max3A_703, %max3A_704 : vector<512x512xf32>
    %max3A_706 = vector.broadcast %get3A_686 : vector<512x1xf32> to vector<512x512xf32>
    %max3A_707 = vector.broadcast %slice3A_697 : vector<1x512xf32> to vector<512x512xf32>
    %max3A_708 = arith.maximumf %max3A_706, %max3A_707 : vector<512x512xf32>
    %min3A_709 = vector.broadcast %get3A_689 : vector<512x1xf32> to vector<512x512xf32>
    %min3A_710 = vector.broadcast %slice3A_698 : vector<1x512xf32> to vector<512x512xf32>
    %min3A_711 = arith.minimumf %min3A_709, %min3A_710 : vector<512x512xf32>
    %min3A_712 = vector.broadcast %get3A_692 : vector<512x1xf32> to vector<512x512xf32>
    %min3A_713 = vector.broadcast %slice3A_699 : vector<1x512xf32> to vector<512x512xf32>
    %min3A_714 = arith.minimumf %min3A_712, %min3A_713 : vector<512x512xf32>
    %sub3A_715 = arith.subf %min3A_711, %max3A_705 : vector<512x512xf32>
    %max3A_716 = arith.constant 0.000000e+00 : f32
    %max3A_717 = vector.broadcast %max3A_716 : f32 to vector<512x512xf32>
    %max3A_718 = arith.maximumf %sub3A_715, %max3A_717 : vector<512x512xf32>
    %sub3A_719 = arith.subf %min3A_714, %max3A_708 : vector<512x512xf32>
    %max3A_720 = arith.constant 0.000000e+00 : f32
    %max3A_721 = vector.broadcast %max3A_720 : f32 to vector<512x512xf32>
    %max3A_722 = arith.maximumf %sub3A_719, %max3A_721 : vector<512x512xf32>
    %mul3A_723 = arith.mulf %max3A_718, %max3A_722 : vector<512x512xf32>
    %add3A_724 = vector.broadcast %mul3A_695 : vector<512x1xf32> to vector<512x512xf32>
    %add3A_725 = vector.broadcast %mul3A_702 : vector<1x512xf32> to vector<512x512xf32>
    %add3A_726 = arith.addf %add3A_724, %add3A_725 : vector<512x512xf32>
    %sub3A_727 = arith.subf %add3A_726, %mul3A_723 : vector<512x512xf32>
    %add3A_728 = arith.constant 9.99999993E-9 : f32
    %add3A_729 = vector.broadcast %add3A_728 : f32 to vector<512x512xf32>
    %add3A_730 = arith.addf %sub3A_727, %add3A_729 : vector<512x512xf32>
    %div3A_731 = arith.divf %mul3A_723, %add3A_730 : vector<512x512xf32>
    %gt3A_732 = arith.constant 1.000000e-01 : f32
    %gt3A_733 = vector.broadcast %gt3A_732 : f32 to vector<512x512xf32>
    %gt3A_734 = arith.cmpf ogt, %div3A_731, %gt3A_733 : vector<512x512xf32>
    %jit3A_735 = arith.constant 1.000000e+00 : f32
    %jit3A_736 = arith.constant 0.000000e+00 : f32
    %broadcast_in_dim3A_737 = vector.broadcast %jit3A_735 : f32 to vector<512x512xf32>
    %broadcast_in_dim3A_738 = vector.broadcast %jit3A_736 : f32 to vector<512x512xf32>
    %select_n3A_739 = arith.select %gt3A_734, %broadcast_in_dim3A_737, %broadcast_in_dim3A_738 : vector<512x512xi1>, vector<512x512xf32>
    %convert_element_type3A_740 = arith.truncf %select_n3A_739 : vector<512x512xf32> to vector<512x512xbf16>
    %dot_general3A_741 = arith.constant dense<0.000000e+00> : vector<1x512xf32>
    %dot_general3A_742 = tpu.matmul %convert_element_type3A_65, %convert_element_type3A_740, %dot_general3A_741 {dimension_numbers = #tpu.dot_dimension_numbers<[1], [0], [0], [1], [0, 0, 1, 1], [], []>, transpose_lhs_hint = false} : vector<1x512xbf16>, vector<512x512xbf16>, vector<1x512xf32> -> vector<1x512xf32>
    %get3A_743 = arith.constant 0 : index
    %get3A_744 = arith.constant 4608 : index
    %get3A_745 = vector.load %arg3[%get3A_743, %get3A_744] : memref<1x5120xf32, #tpu.memory_space<vmem>>, vector<1x512xf32>
    %gt3A_746 = arith.constant 0.000000e+00 : f32
    %gt3A_747 = vector.broadcast %gt3A_746 : f32 to vector<1x512xf32>
    %gt3A_748 = arith.cmpf ogt, %dot_general3A_742, %gt3A_747 : vector<1x512xf32>
    %jit3A_749 = arith.constant 0.000000e+00 : f32
    %jit3A_750 = arith.constant 1.000000e+00 : f32
    %broadcast_in_dim3A_751 = vector.broadcast %jit3A_749 : f32 to vector<1x512xf32>
    %broadcast_in_dim3A_752 = vector.broadcast %jit3A_750 : f32 to vector<1x512xf32>
    %select_n3A_753 = arith.select %gt3A_748, %broadcast_in_dim3A_751, %broadcast_in_dim3A_752 : vector<1x512xi1>, vector<1x512xf32>
    %mul3A_754 = arith.mulf %get3A_745, %select_n3A_753 : vector<1x512xf32>
    %swap3A_755 = arith.constant 0 : index
    %swap3A_756 = arith.constant 4608 : index
    %swap3A_757 = vector.load %arg3[%swap3A_755, %swap3A_756] : memref<1x5120xf32, #tpu.memory_space<vmem>>, vector<1x512xf32>
    tpu.vector_store %arg3[%swap3A_755, %swap3A_756], %mul3A_754 {strides = array<i32>} : memref<1x5120xf32, #tpu.memory_space<vmem>>, vector<1x512xf32>,
    %iota3A_758 = tpu.iota {dimensions = array<i32: 0>} : vector<512x512xi32>
    %iota3A_759 = tpu.iota {dimensions = array<i32: 1>} : vector<512x512xi32>
    %lt3A_760 = arith.cmpi slt, %iota3A_758, %iota3A_759 : vector<512x512xi32>
    %get3A_761 = arith.constant 512 : index
    %get3A_762 = arith.constant 0 : index
    %get3A_763 = vector.load %arg0[%get3A_761, %get3A_762] : memref<5120x8xf32, #tpu.memory_space<vmem>>, vector<512x1xf32>
    %get3A_764 = arith.constant 512 : index
    %get3A_765 = arith.constant 1 : index
    %get3A_766 = vector.load %arg0[%get3A_764, %get3A_765] : memref<5120x8xf32, #tpu.memory_space<vmem>>, vector<512x1xf32>
    %get3A_767 = arith.constant 512 : index
    %get3A_768 = arith.constant 2 : index
    %get3A_769 = vector.load %arg0[%get3A_767, %get3A_768] : memref<5120x8xf32, #tpu.memory_space<vmem>>, vector<512x1xf32>
    %get3A_770 = arith.constant 512 : index
    %get3A_771 = arith.constant 3 : index
    %get3A_772 = vector.load %arg0[%get3A_770, %get3A_771] : memref<5120x8xf32, #tpu.memory_space<vmem>>, vector<512x1xf32>
    %sub3A_773 = arith.subf %get3A_769, %get3A_763 : vector<512x1xf32>
    %sub3A_774 = arith.subf %get3A_772, %get3A_766 : vector<512x1xf32>
    %mul3A_775 = arith.mulf %sub3A_773, %sub3A_774 : vector<512x1xf32>
    %slice3A_776 = vector.extract_strided_slice %transpose3A {offsets = [0, 512], sizes = [1, 512], strides = [1, 1]} : vector<8x5120xf32> to vector<1x512xf32>
    %slice3A_777 = vector.extract_strided_slice %transpose3A {offsets = [1, 512], sizes = [1, 512], strides = [1, 1]} : vector<8x5120xf32> to vector<1x512xf32>
    %slice3A_778 = vector.extract_strided_slice %transpose3A {offsets = [2, 512], sizes = [1, 512], strides = [1, 1]} : vector<8x5120xf32> to vector<1x512xf32>
    %slice3A_779 = vector.extract_strided_slice %transpose3A {offsets = [3, 512], sizes = [1, 512], strides = [1, 1]} : vector<8x5120xf32> to vector<1x512xf32>
    %sub3A_780 = arith.subf %slice3A_778, %slice3A_776 : vector<1x512xf32>
    %sub3A_781 = arith.subf %slice3A_779, %slice3A_777 : vector<1x512xf32>
    %mul3A_782 = arith.mulf %sub3A_780, %sub3A_781 : vector<1x512xf32>
    %max3A_783 = vector.broadcast %get3A_763 : vector<512x1xf32> to vector<512x512xf32>
    %max3A_784 = vector.broadcast %slice3A_776 : vector<1x512xf32> to vector<512x512xf32>
    %max3A_785 = arith.maximumf %max3A_783, %max3A_784 : vector<512x512xf32>
    %max3A_786 = vector.broadcast %get3A_766 : vector<512x1xf32> to vector<512x512xf32>
    %max3A_787 = vector.broadcast %slice3A_777 : vector<1x512xf32> to vector<512x512xf32>
    %max3A_788 = arith.maximumf %max3A_786, %max3A_787 : vector<512x512xf32>
    %min3A_789 = vector.broadcast %get3A_769 : vector<512x1xf32> to vector<512x512xf32>
    %min3A_790 = vector.broadcast %slice3A_778 : vector<1x512xf32> to vector<512x512xf32>
    %min3A_791 = arith.minimumf %min3A_789, %min3A_790 : vector<512x512xf32>
    %min3A_792 = vector.broadcast %get3A_772 : vector<512x1xf32> to vector<512x512xf32>
    %min3A_793 = vector.broadcast %slice3A_779 : vector<1x512xf32> to vector<512x512xf32>
    %min3A_794 = arith.minimumf %min3A_792, %min3A_793 : vector<512x512xf32>
    %sub3A_795 = arith.subf %min3A_791, %max3A_785 : vector<512x512xf32>
    %max3A_796 = arith.constant 0.000000e+00 : f32
    %max3A_797 = vector.broadcast %max3A_796 : f32 to vector<512x512xf32>
    %max3A_798 = arith.maximumf %sub3A_795, %max3A_797 : vector<512x512xf32>
    %sub3A_799 = arith.subf %min3A_794, %max3A_788 : vector<512x512xf32>
    %max3A_800 = arith.constant 0.000000e+00 : f32
    %max3A_801 = vector.broadcast %max3A_800 : f32 to vector<512x512xf32>
    %max3A_802 = arith.maximumf %sub3A_799, %max3A_801 : vector<512x512xf32>
    %mul3A_803 = arith.mulf %max3A_798, %max3A_802 : vector<512x512xf32>
    %add3A_804 = vector.broadcast %mul3A_775 : vector<512x1xf32> to vector<512x512xf32>
    %add3A_805 = vector.broadcast %mul3A_782 : vector<1x512xf32> to vector<512x512xf32>
    %add3A_806 = arith.addf %add3A_804, %add3A_805 : vector<512x512xf32>
    %sub3A_807 = arith.subf %add3A_806, %mul3A_803 : vector<512x512xf32>
    %add3A_808 = arith.constant 9.99999993E-9 : f32
    %add3A_809 = vector.broadcast %add3A_808 : f32 to vector<512x512xf32>
    %add3A_810 = arith.addf %sub3A_807, %add3A_809 : vector<512x512xf32>
    %div3A_811 = arith.divf %mul3A_803, %add3A_810 : vector<512x512xf32>
    %gt3A_812 = arith.constant 1.000000e-01 : f32
    %gt3A_813 = vector.broadcast %gt3A_812 : f32 to vector<512x512xf32>
    %gt3A_814 = arith.cmpf ogt, %div3A_811, %gt3A_813 : vector<512x512xf32>
    %and3A_815 = arith.andi %gt3A_814, %lt3A_760 : vector<512x512xi1>
    %jit3A_816 = arith.constant 1.000000e+00 : f32
    %jit3A_817 = arith.constant 0.000000e+00 : f32
    %broadcast_in_dim3A_818 = vector.broadcast %jit3A_816 : f32 to vector<512x512xf32>
    %broadcast_in_dim3A_819 = vector.broadcast %jit3A_817 : f32 to vector<512x512xf32>
    %select_n3A_820 = arith.select %and3A_815, %broadcast_in_dim3A_818, %broadcast_in_dim3A_819 : vector<512x512xi1>, vector<512x512xf32>
    %convert_element_type3A_821 = arith.truncf %select_n3A_820 : vector<512x512xf32> to vector<512x512xbf16>
    %swap3A_822 = arith.constant 0 : index
    %swap3A_823 = arith.constant 0 : index
    %swap3A_824 = vector.load %arg2[%swap3A_822, %swap3A_823] : memref<512x512xbf16, #tpu.memory_space<vmem>>, vector<512x512xbf16>
    tpu.vector_store %arg2[%swap3A_822, %swap3A_823], %convert_element_type3A_821 {strides = array<i32>} : memref<512x512xbf16, #tpu.memory_space<vmem>>, vector<512x512xbf16>,
    %get3A_825 = arith.constant 0 : index
    %get3A_826 = arith.constant 512 : index
    %get3A_827 = vector.load %arg3[%get3A_825, %get3A_826] : memref<1x5120xf32, #tpu.memory_space<vmem>>, vector<1x512xf32>
    %while3A_828 = arith.constant true
    %while3A_829:2 = scf.while (%while3A_4411 = %get3A_827, %while3A_4412 = %while3A_828) : (vector<1x512xf32>, i1) -> (vector<1x512xf32>, i1) {
      scf.condition(%while3A_4412) %while3A_4411, %while3A_4412 : vector<1x512xf32>, i1
    } do {
    ^bb0(%while3A_4411: vector<1x512xf32>, %while3A_4412: i1):
      %convert_element_type3A_4413 = arith.truncf %while3A_4411 : vector<1x512xf32> to vector<1x512xbf16>
      %get3A_4414 = arith.constant 0 : index
      %get3A_4415 = arith.constant 0 : index
      %get3A_4416 = vector.load %arg2[%get3A_4414, %get3A_4415] : memref<512x512xbf16, #tpu.memory_space<vmem>>, vector<512x512xbf16>
      %dot_general3A_4417 = arith.constant dense<0.000000e+00> : vector<1x512xf32>
      %dot_general3A_4418 = tpu.matmul %convert_element_type3A_4413, %get3A_4416, %dot_general3A_4417 {dimension_numbers = #tpu.dot_dimension_numbers<[1], [0], [0], [1], [0, 0, 1, 1], [], []>, transpose_lhs_hint = false} : vector<1x512xbf16>, vector<512x512xbf16>, vector<1x512xf32> -> vector<1x512xf32>
      %gt3A_4419 = arith.constant 0.000000e+00 : f32
      %gt3A_4420 = vector.broadcast %gt3A_4419 : f32 to vector<1x512xf32>
      %gt3A_4421 = arith.cmpf ogt, %dot_general3A_4418, %gt3A_4420 : vector<1x512xf32>
      %jit3A_4422 = arith.constant 0.000000e+00 : f32
      %broadcast_in_dim3A_4423 = vector.broadcast %jit3A_4422 : f32 to vector<1x512xf32>
      %select_n3A_4424 = arith.select %gt3A_4421, %broadcast_in_dim3A_4423, %get3A_827 : vector<1x512xi1>, vector<1x512xf32>
      %ne3A = arith.cmpf one, %select_n3A_4424, %while3A_4411 : vector<1x512xf32>
      %reduce_or3A = arith.constant 1.000000e+00 : f32
      %reduce_or3A_4425 = arith.constant 0.000000e+00 : f32
      %reduce_or3A_4426 = vector.broadcast %reduce_or3A : f32 to vector<1x512xf32>
      %reduce_or3A_4427 = vector.broadcast %reduce_or3A_4425 : f32 to vector<1x512xf32>
      %reduce_or3A_4428 = arith.select %ne3A, %reduce_or3A_4426, %reduce_or3A_4427 : vector<1x512xi1>, vector<1x512xf32>
      %reduce_or3A_4429 = vector.shape_cast %reduce_or3A_4428 : vector<1x512xf32> to vector<1x1x512xf32>
      %reduce_or3A_4430 = arith.constant dense<0xFF800000> : vector<1xf32>
      %reduce_or3A_4431 = vector.multi_reduction <maximumf>, %reduce_or3A_4429, %reduce_or3A_4430 [1, 2] : vector<1x1x512xf32> to vector<1xf32>
      %reduce_or3A_4432 = vector.shape_cast %reduce_or3A_4431 : vector<1xf32> to vector<1x1x1xf32>
      %reduce_or3A_4433 = vector.extract %reduce_or3A_4432[0, 0, 0] : f32 from vector<1x1x1xf32>
      %reduce_or3A_4434 = arith.constant 0.000000e+00 : f32
      %reduce_or3A_4435 = arith.cmpf ogt, %reduce_or3A_4433, %reduce_or3A_4434 : f32
      scf.yield %select_n3A_4424, %reduce_or3A_4435 : vector<1x512xf32>, i1
    }
    %swap3A_830 = arith.constant 0 : index
    %swap3A_831 = arith.constant 512 : index
    %swap3A_832 = vector.load %arg3[%swap3A_830, %swap3A_831] : memref<1x5120xf32, #tpu.memory_space<vmem>>, vector<1x512xf32>
    tpu.vector_store %arg3[%swap3A_830, %swap3A_831], %while3A_829#0 {strides = array<i32>} : memref<1x5120xf32, #tpu.memory_space<vmem>>, vector<1x512xf32>,
    %convert_element_type3A_833 = arith.truncf %while3A_829#0 : vector<1x512xf32> to vector<1x512xbf16>
    %get3A_834 = arith.constant 512 : index
    %get3A_835 = arith.constant 0 : index
    %get3A_836 = vector.load %arg0[%get3A_834, %get3A_835] : memref<5120x8xf32, #tpu.memory_space<vmem>>, vector<512x1xf32>
    %get3A_837 = arith.constant 512 : index
    %get3A_838 = arith.constant 1 : index
    %get3A_839 = vector.load %arg0[%get3A_837, %get3A_838] : memref<5120x8xf32, #tpu.memory_space<vmem>>, vector<512x1xf32>
    %get3A_840 = arith.constant 512 : index
    %get3A_841 = arith.constant 2 : index
    %get3A_842 = vector.load %arg0[%get3A_840, %get3A_841] : memref<5120x8xf32, #tpu.memory_space<vmem>>, vector<512x1xf32>
    %get3A_843 = arith.constant 512 : index
    %get3A_844 = arith.constant 3 : index
    %get3A_845 = vector.load %arg0[%get3A_843, %get3A_844] : memref<5120x8xf32, #tpu.memory_space<vmem>>, vector<512x1xf32>
    %sub3A_846 = arith.subf %get3A_842, %get3A_836 : vector<512x1xf32>
    %sub3A_847 = arith.subf %get3A_845, %get3A_839 : vector<512x1xf32>
    %mul3A_848 = arith.mulf %sub3A_846, %sub3A_847 : vector<512x1xf32>
    %slice3A_849 = vector.extract_strided_slice %transpose3A {offsets = [0, 1024], sizes = [1, 512], strides = [1, 1]} : vector<8x5120xf32> to vector<1x512xf32>
    %slice3A_850 = vector.extract_strided_slice %transpose3A {offsets = [1, 1024], sizes = [1, 512], strides = [1, 1]} : vector<8x5120xf32> to vector<1x512xf32>
    %slice3A_851 = vector.extract_strided_slice %transpose3A {offsets = [2, 1024], sizes = [1, 512], strides = [1, 1]} : vector<8x5120xf32> to vector<1x512xf32>
    %slice3A_852 = vector.extract_strided_slice %transpose3A {offsets = [3, 1024], sizes = [1, 512], strides = [1, 1]} : vector<8x5120xf32> to vector<1x512xf32>
    %sub3A_853 = arith.subf %slice3A_851, %slice3A_849 : vector<1x512xf32>
    %sub3A_854 = arith.subf %slice3A_852, %slice3A_850 : vector<1x512xf32>
    %mul3A_855 = arith.mulf %sub3A_853, %sub3A_854 : vector<1x512xf32>
    %max3A_856 = vector.broadcast %get3A_836 : vector<512x1xf32> to vector<512x512xf32>
    %max3A_857 = vector.broadcast %slice3A_849 : vector<1x512xf32> to vector<512x512xf32>
    %max3A_858 = arith.maximumf %max3A_856, %max3A_857 : vector<512x512xf32>
    %max3A_859 = vector.broadcast %get3A_839 : vector<512x1xf32> to vector<512x512xf32>
    %max3A_860 = vector.broadcast %slice3A_850 : vector<1x512xf32> to vector<512x512xf32>
    %max3A_861 = arith.maximumf %max3A_859, %max3A_860 : vector<512x512xf32>
    %min3A_862 = vector.broadcast %get3A_842 : vector<512x1xf32> to vector<512x512xf32>
    %min3A_863 = vector.broadcast %slice3A_851 : vector<1x512xf32> to vector<512x512xf32>
    %min3A_864 = arith.minimumf %min3A_862, %min3A_863 : vector<512x512xf32>
    %min3A_865 = vector.broadcast %get3A_845 : vector<512x1xf32> to vector<512x512xf32>
    %min3A_866 = vector.broadcast %slice3A_852 : vector<1x512xf32> to vector<512x512xf32>
    %min3A_867 = arith.minimumf %min3A_865, %min3A_866 : vector<512x512xf32>
    %sub3A_868 = arith.subf %min3A_864, %max3A_858 : vector<512x512xf32>
    %max3A_869 = arith.constant 0.000000e+00 : f32
    %max3A_870 = vector.broadcast %max3A_869 : f32 to vector<512x512xf32>
    %max3A_871 = arith.maximumf %sub3A_868, %max3A_870 : vector<512x512xf32>
    %sub3A_872 = arith.subf %min3A_867, %max3A_861 : vector<512x512xf32>
    %max3A_873 = arith.constant 0.000000e+00 : f32
    %max3A_874 = vector.broadcast %max3A_873 : f32 to vector<512x512xf32>
    %max3A_875 = arith.maximumf %sub3A_872, %max3A_874 : vector<512x512xf32>
    %mul3A_876 = arith.mulf %max3A_871, %max3A_875 : vector<512x512xf32>
    %add3A_877 = vector.broadcast %mul3A_848 : vector<512x1xf32> to vector<512x512xf32>
    %add3A_878 = vector.broadcast %mul3A_855 : vector<1x512xf32> to vector<512x512xf32>
    %add3A_879 = arith.addf %add3A_877, %add3A_878 : vector<512x512xf32>
    %sub3A_880 = arith.subf %add3A_879, %mul3A_876 : vector<512x512xf32>
    %add3A_881 = arith.constant 9.99999993E-9 : f32
    %add3A_882 = vector.broadcast %add3A_881 : f32 to vector<512x512xf32>
    %add3A_883 = arith.addf %sub3A_880, %add3A_882 : vector<512x512xf32>
    %div3A_884 = arith.divf %mul3A_876, %add3A_883 : vector<512x512xf32>
    %gt3A_885 = arith.constant 1.000000e-01 : f32
    %gt3A_886 = vector.broadcast %gt3A_885 : f32 to vector<512x512xf32>
    %gt3A_887 = arith.cmpf ogt, %div3A_884, %gt3A_886 : vector<512x512xf32>
    %jit3A_888 = arith.constant 1.000000e+00 : f32
    %jit3A_889 = arith.constant 0.000000e+00 : f32
    %broadcast_in_dim3A_890 = vector.broadcast %jit3A_888 : f32 to vector<512x512xf32>
    %broadcast_in_dim3A_891 = vector.broadcast %jit3A_889 : f32 to vector<512x512xf32>
    %select_n3A_892 = arith.select %gt3A_887, %broadcast_in_dim3A_890, %broadcast_in_dim3A_891 : vector<512x512xi1>, vector<512x512xf32>
    %convert_element_type3A_893 = arith.truncf %select_n3A_892 : vector<512x512xf32> to vector<512x512xbf16>
    %dot_general3A_894 = arith.constant dense<0.000000e+00> : vector<1x512xf32>
    %dot_general3A_895 = tpu.matmul %convert_element_type3A_833, %convert_element_type3A_893, %dot_general3A_894 {dimension_numbers = #tpu.dot_dimension_numbers<[1], [0], [0], [1], [0, 0, 1, 1], [], []>, transpose_lhs_hint = false} : vector<1x512xbf16>, vector<512x512xbf16>, vector<1x512xf32> -> vector<1x512xf32>
    %get3A_896 = arith.constant 0 : index
    %get3A_897 = arith.constant 1024 : index
    %get3A_898 = vector.load %arg3[%get3A_896, %get3A_897] : memref<1x5120xf32, #tpu.memory_space<vmem>>, vector<1x512xf32>
    %gt3A_899 = arith.constant 0.000000e+00 : f32
    %gt3A_900 = vector.broadcast %gt3A_899 : f32 to vector<1x512xf32>
    %gt3A_901 = arith.cmpf ogt, %dot_general3A_895, %gt3A_900 : vector<1x512xf32>
    %jit3A_902 = arith.constant 0.000000e+00 : f32
    %jit3A_903 = arith.constant 1.000000e+00 : f32
    %broadcast_in_dim3A_904 = vector.broadcast %jit3A_902 : f32 to vector<1x512xf32>
    %broadcast_in_dim3A_905 = vector.broadcast %jit3A_903 : f32 to vector<1x512xf32>
    %select_n3A_906 = arith.select %gt3A_901, %broadcast_in_dim3A_904, %broadcast_in_dim3A_905 : vector<1x512xi1>, vector<1x512xf32>
    %mul3A_907 = arith.mulf %get3A_898, %select_n3A_906 : vector<1x512xf32>
    %swap3A_908 = arith.constant 0 : index
    %swap3A_909 = arith.constant 1024 : index
    %swap3A_910 = vector.load %arg3[%swap3A_908, %swap3A_909] : memref<1x5120xf32, #tpu.memory_space<vmem>>, vector<1x512xf32>
    tpu.vector_store %arg3[%swap3A_908, %swap3A_909], %mul3A_907 {strides = array<i32>} : memref<1x5120xf32, #tpu.memory_space<vmem>>, vector<1x512xf32>,
    %get3A_911 = arith.constant 512 : index
    %get3A_912 = arith.constant 0 : index
    %get3A_913 = vector.load %arg0[%get3A_911, %get3A_912] : memref<5120x8xf32, #tpu.memory_space<vmem>>, vector<512x1xf32>
    %get3A_914 = arith.constant 512 : index
    %get3A_915 = arith.constant 1 : index
    %get3A_916 = vector.load %arg0[%get3A_914, %get3A_915] : memref<5120x8xf32, #tpu.memory_space<vmem>>, vector<512x1xf32>
    %get3A_917 = arith.constant 512 : index
    %get3A_918 = arith.constant 2 : index
    %get3A_919 = vector.load %arg0[%get3A_917, %get3A_918] : memref<5120x8xf32, #tpu.memory_space<vmem>>, vector<512x1xf32>
    %get3A_920 = arith.constant 512 : index
    %get3A_921 = arith.constant 3 : index
    %get3A_922 = vector.load %arg0[%get3A_920, %get3A_921] : memref<5120x8xf32, #tpu.memory_space<vmem>>, vector<512x1xf32>
    %sub3A_923 = arith.subf %get3A_919, %get3A_913 : vector<512x1xf32>
    %sub3A_924 = arith.subf %get3A_922, %get3A_916 : vector<512x1xf32>
    %mul3A_925 = arith.mulf %sub3A_923, %sub3A_924 : vector<512x1xf32>
    %slice3A_926 = vector.extract_strided_slice %transpose3A {offsets = [0, 1536], sizes = [1, 512], strides = [1, 1]} : vector<8x5120xf32> to vector<1x512xf32>
    %slice3A_927 = vector.extract_strided_slice %transpose3A {offsets = [1, 1536], sizes = [1, 512], strides = [1, 1]} : vector<8x5120xf32> to vector<1x512xf32>
    %slice3A_928 = vector.extract_strided_slice %transpose3A {offsets = [2, 1536], sizes = [1, 512], strides = [1, 1]} : vector<8x5120xf32> to vector<1x512xf32>
    %slice3A_929 = vector.extract_strided_slice %transpose3A {offsets = [3, 1536], sizes = [1, 512], strides = [1, 1]} : vector<8x5120xf32> to vector<1x512xf32>
    %sub3A_930 = arith.subf %slice3A_928, %slice3A_926 : vector<1x512xf32>
    %sub3A_931 = arith.subf %slice3A_929, %slice3A_927 : vector<1x512xf32>
    %mul3A_932 = arith.mulf %sub3A_930, %sub3A_931 : vector<1x512xf32>
    %max3A_933 = vector.broadcast %get3A_913 : vector<512x1xf32> to vector<512x512xf32>
    %max3A_934 = vector.broadcast %slice3A_926 : vector<1x512xf32> to vector<512x512xf32>
    %max3A_935 = arith.maximumf %max3A_933, %max3A_934 : vector<512x512xf32>
    %max3A_936 = vector.broadcast %get3A_916 : vector<512x1xf32> to vector<512x512xf32>
    %max3A_937 = vector.broadcast %slice3A_927 : vector<1x512xf32> to vector<512x512xf32>
    %max3A_938 = arith.maximumf %max3A_936, %max3A_937 : vector<512x512xf32>
    %min3A_939 = vector.broadcast %get3A_919 : vector<512x1xf32> to vector<512x512xf32>
    %min3A_940 = vector.broadcast %slice3A_928 : vector<1x512xf32> to vector<512x512xf32>
    %min3A_941 = arith.minimumf %min3A_939, %min3A_940 : vector<512x512xf32>
    %min3A_942 = vector.broadcast %get3A_922 : vector<512x1xf32> to vector<512x512xf32>
    %min3A_943 = vector.broadcast %slice3A_929 : vector<1x512xf32> to vector<512x512xf32>
    %min3A_944 = arith.minimumf %min3A_942, %min3A_943 : vector<512x512xf32>
    %sub3A_945 = arith.subf %min3A_941, %max3A_935 : vector<512x512xf32>
    %max3A_946 = arith.constant 0.000000e+00 : f32
    %max3A_947 = vector.broadcast %max3A_946 : f32 to vector<512x512xf32>
    %max3A_948 = arith.maximumf %sub3A_945, %max3A_947 : vector<512x512xf32>
    %sub3A_949 = arith.subf %min3A_944, %max3A_938 : vector<512x512xf32>
    %max3A_950 = arith.constant 0.000000e+00 : f32
    %max3A_951 = vector.broadcast %max3A_950 : f32 to vector<512x512xf32>
    %max3A_952 = arith.maximumf %sub3A_949, %max3A_951 : vector<512x512xf32>
    %mul3A_953 = arith.mulf %max3A_948, %max3A_952 : vector<512x512xf32>
    %add3A_954 = vector.broadcast %mul3A_925 : vector<512x1xf32> to vector<512x512xf32>
    %add3A_955 = vector.broadcast %mul3A_932 : vector<1x512xf32> to vector<512x512xf32>
    %add3A_956 = arith.addf %add3A_954, %add3A_955 : vector<512x512xf32>
    %sub3A_957 = arith.subf %add3A_956, %mul3A_953 : vector<512x512xf32>
    %add3A_958 = arith.constant 9.99999993E-9 : f32
    %add3A_959 = vector.broadcast %add3A_958 : f32 to vector<512x512xf32>
    %add3A_960 = arith.addf %sub3A_957, %add3A_959 : vector<512x512xf32>
    %div3A_961 = arith.divf %mul3A_953, %add3A_960 : vector<512x512xf32>
    %gt3A_962 = arith.constant 1.000000e-01 : f32
    %gt3A_963 = vector.broadcast %gt3A_962 : f32 to vector<512x512xf32>
    %gt3A_964 = arith.cmpf ogt, %div3A_961, %gt3A_963 : vector<512x512xf32>
    %jit3A_965 = arith.constant 1.000000e+00 : f32
    %jit3A_966 = arith.constant 0.000000e+00 : f32
    %broadcast_in_dim3A_967 = vector.broadcast %jit3A_965 : f32 to vector<512x512xf32>
    %broadcast_in_dim3A_968 = vector.broadcast %jit3A_966 : f32 to vector<512x512xf32>
    %select_n3A_969 = arith.select %gt3A_964, %broadcast_in_dim3A_967, %broadcast_in_dim3A_968 : vector<512x512xi1>, vector<512x512xf32>
    %convert_element_type3A_970 = arith.truncf %select_n3A_969 : vector<512x512xf32> to vector<512x512xbf16>
    %dot_general3A_971 = arith.constant dense<0.000000e+00> : vector<1x512xf32>
    %dot_general3A_972 = tpu.matmul %convert_element_type3A_833, %convert_element_type3A_970, %dot_general3A_971 {dimension_numbers = #tpu.dot_dimension_numbers<[1], [0], [0], [1], [0, 0, 1, 1], [], []>, transpose_lhs_hint = false} : vector<1x512xbf16>, vector<512x512xbf16>, vector<1x512xf32> -> vector<1x512xf32>
    %get3A_973 = arith.constant 0 : index
    %get3A_974 = arith.constant 1536 : index
    %get3A_975 = vector.load %arg3[%get3A_973, %get3A_974] : memref<1x5120xf32, #tpu.memory_space<vmem>>, vector<1x512xf32>
    %gt3A_976 = arith.constant 0.000000e+00 : f32
    %gt3A_977 = vector.broadcast %gt3A_976 : f32 to vector<1x512xf32>
    %gt3A_978 = arith.cmpf ogt, %dot_general3A_972, %gt3A_977 : vector<1x512xf32>
    %jit3A_979 = arith.constant 0.000000e+00 : f32
    %jit3A_980 = arith.constant 1.000000e+00 : f32
    %broadcast_in_dim3A_981 = vector.broadcast %jit3A_979 : f32 to vector<1x512xf32>
    %broadcast_in_dim3A_982 = vector.broadcast %jit3A_980 : f32 to vector<1x512xf32>
    %select_n3A_983 = arith.select %gt3A_978, %broadcast_in_dim3A_981, %broadcast_in_dim3A_982 : vector<1x512xi1>, vector<1x512xf32>
    %mul3A_984 = arith.mulf %get3A_975, %select_n3A_983 : vector<1x512xf32>
    %swap3A_985 = arith.constant 0 : index
    %swap3A_986 = arith.constant 1536 : index
    %swap3A_987 = vector.load %arg3[%swap3A_985, %swap3A_986] : memref<1x5120xf32, #tpu.memory_space<vmem>>, vector<1x512xf32>
    tpu.vector_store %arg3[%swap3A_985, %swap3A_986], %mul3A_984 {strides = array<i32>} : memref<1x5120xf32, #tpu.memory_space<vmem>>, vector<1x512xf32>,
    %get3A_988 = arith.constant 512 : index
    %get3A_989 = arith.constant 0 : index
    %get3A_990 = vector.load %arg0[%get3A_988, %get3A_989] : memref<5120x8xf32, #tpu.memory_space<vmem>>, vector<512x1xf32>
    %get3A_991 = arith.constant 512 : index
    %get3A_992 = arith.constant 1 : index
    %get3A_993 = vector.load %arg0[%get3A_991, %get3A_992] : memref<5120x8xf32, #tpu.memory_space<vmem>>, vector<512x1xf32>
    %get3A_994 = arith.constant 512 : index
    %get3A_995 = arith.constant 2 : index
    %get3A_996 = vector.load %arg0[%get3A_994, %get3A_995] : memref<5120x8xf32, #tpu.memory_space<vmem>>, vector<512x1xf32>
    %get3A_997 = arith.constant 512 : index
    %get3A_998 = arith.constant 3 : index
    %get3A_999 = vector.load %arg0[%get3A_997, %get3A_998] : memref<5120x8xf32, #tpu.memory_space<vmem>>, vector<512x1xf32>
    %sub3A_1000 = arith.subf %get3A_996, %get3A_990 : vector<512x1xf32>
    %sub3A_1001 = arith.subf %get3A_999, %get3A_993 : vector<512x1xf32>
    %mul3A_1002 = arith.mulf %sub3A_1000, %sub3A_1001 : vector<512x1xf32>
    %slice3A_1003 = vector.extract_strided_slice %transpose3A {offsets = [0, 2048], sizes = [1, 512], strides = [1, 1]} : vector<8x5120xf32> to vector<1x512xf32>
    %slice3A_1004 = vector.extract_strided_slice %transpose3A {offsets = [1, 2048], sizes = [1, 512], strides = [1, 1]} : vector<8x5120xf32> to vector<1x512xf32>
    %slice3A_1005 = vector.extract_strided_slice %transpose3A {offsets = [2, 2048], sizes = [1, 512], strides = [1, 1]} : vector<8x5120xf32> to vector<1x512xf32>
    %slice3A_1006 = vector.extract_strided_slice %transpose3A {offsets = [3, 2048], sizes = [1, 512], strides = [1, 1]} : vector<8x5120xf32> to vector<1x512xf32>
    %sub3A_1007 = arith.subf %slice3A_1005, %slice3A_1003 : vector<1x512xf32>
    %sub3A_1008 = arith.subf %slice3A_1006, %slice3A_1004 : vector<1x512xf32>
    %mul3A_1009 = arith.mulf %sub3A_1007, %sub3A_1008 : vector<1x512xf32>
    %max3A_1010 = vector.broadcast %get3A_990 : vector<512x1xf32> to vector<512x512xf32>
    %max3A_1011 = vector.broadcast %slice3A_1003 : vector<1x512xf32> to vector<512x512xf32>
    %max3A_1012 = arith.maximumf %max3A_1010, %max3A_1011 : vector<512x512xf32>
    %max3A_1013 = vector.broadcast %get3A_993 : vector<512x1xf32> to vector<512x512xf32>
    %max3A_1014 = vector.broadcast %slice3A_1004 : vector<1x512xf32> to vector<512x512xf32>
    %max3A_1015 = arith.maximumf %max3A_1013, %max3A_1014 : vector<512x512xf32>
    %min3A_1016 = vector.broadcast %get3A_996 : vector<512x1xf32> to vector<512x512xf32>
    %min3A_1017 = vector.broadcast %slice3A_1005 : vector<1x512xf32> to vector<512x512xf32>
    %min3A_1018 = arith.minimumf %min3A_1016, %min3A_1017 : vector<512x512xf32>
    %min3A_1019 = vector.broadcast %get3A_999 : vector<512x1xf32> to vector<512x512xf32>
    %min3A_1020 = vector.broadcast %slice3A_1006 : vector<1x512xf32> to vector<512x512xf32>
    %min3A_1021 = arith.minimumf %min3A_1019, %min3A_1020 : vector<512x512xf32>
    %sub3A_1022 = arith.subf %min3A_1018, %max3A_1012 : vector<512x512xf32>
    %max3A_1023 = arith.constant 0.000000e+00 : f32
    %max3A_1024 = vector.broadcast %max3A_1023 : f32 to vector<512x512xf32>
    %max3A_1025 = arith.maximumf %sub3A_1022, %max3A_1024 : vector<512x512xf32>
    %sub3A_1026 = arith.subf %min3A_1021, %max3A_1015 : vector<512x512xf32>
    %max3A_1027 = arith.constant 0.000000e+00 : f32
    %max3A_1028 = vector.broadcast %max3A_1027 : f32 to vector<512x512xf32>
    %max3A_1029 = arith.maximumf %sub3A_1026, %max3A_1028 : vector<512x512xf32>
    %mul3A_1030 = arith.mulf %max3A_1025, %max3A_1029 : vector<512x512xf32>
    %add3A_1031 = vector.broadcast %mul3A_1002 : vector<512x1xf32> to vector<512x512xf32>
    %add3A_1032 = vector.broadcast %mul3A_1009 : vector<1x512xf32> to vector<512x512xf32>
    %add3A_1033 = arith.addf %add3A_1031, %add3A_1032 : vector<512x512xf32>
    %sub3A_1034 = arith.subf %add3A_1033, %mul3A_1030 : vector<512x512xf32>
    %add3A_1035 = arith.constant 9.99999993E-9 : f32
    %add3A_1036 = vector.broadcast %add3A_1035 : f32 to vector<512x512xf32>
    %add3A_1037 = arith.addf %sub3A_1034, %add3A_1036 : vector<512x512xf32>
    %div3A_1038 = arith.divf %mul3A_1030, %add3A_1037 : vector<512x512xf32>
    %gt3A_1039 = arith.constant 1.000000e-01 : f32
    %gt3A_1040 = vector.broadcast %gt3A_1039 : f32 to vector<512x512xf32>
    %gt3A_1041 = arith.cmpf ogt, %div3A_1038, %gt3A_1040 : vector<512x512xf32>
    %jit3A_1042 = arith.constant 1.000000e+00 : f32
    %jit3A_1043 = arith.constant 0.000000e+00 : f32
    %broadcast_in_dim3A_1044 = vector.broadcast %jit3A_1042 : f32 to vector<512x512xf32>
    %broadcast_in_dim3A_1045 = vector.broadcast %jit3A_1043 : f32 to vector<512x512xf32>
    %select_n3A_1046 = arith.select %gt3A_1041, %broadcast_in_dim3A_1044, %broadcast_in_dim3A_1045 : vector<512x512xi1>, vector<512x512xf32>
    %convert_element_type3A_1047 = arith.truncf %select_n3A_1046 : vector<512x512xf32> to vector<512x512xbf16>
    %dot_general3A_1048 = arith.constant dense<0.000000e+00> : vector<1x512xf32>
    %dot_general3A_1049 = tpu.matmul %convert_element_type3A_833, %convert_element_type3A_1047, %dot_general3A_1048 {dimension_numbers = #tpu.dot_dimension_numbers<[1], [0], [0], [1], [0, 0, 1, 1], [], []>, transpose_lhs_hint = false} : vector<1x512xbf16>, vector<512x512xbf16>, vector<1x512xf32> -> vector<1x512xf32>
    %get3A_1050 = arith.constant 0 : index
    %get3A_1051 = arith.constant 2048 : index
    %get3A_1052 = vector.load %arg3[%get3A_1050, %get3A_1051] : memref<1x5120xf32, #tpu.memory_space<vmem>>, vector<1x512xf32>
    %gt3A_1053 = arith.constant 0.000000e+00 : f32
    %gt3A_1054 = vector.broadcast %gt3A_1053 : f32 to vector<1x512xf32>
    %gt3A_1055 = arith.cmpf ogt, %dot_general3A_1049, %gt3A_1054 : vector<1x512xf32>
    %jit3A_1056 = arith.constant 0.000000e+00 : f32
    %jit3A_1057 = arith.constant 1.000000e+00 : f32
    %broadcast_in_dim3A_1058 = vector.broadcast %jit3A_1056 : f32 to vector<1x512xf32>
    %broadcast_in_dim3A_1059 = vector.broadcast %jit3A_1057 : f32 to vector<1x512xf32>
    %select_n3A_1060 = arith.select %gt3A_1055, %broadcast_in_dim3A_1058, %broadcast_in_dim3A_1059 : vector<1x512xi1>, vector<1x512xf32>
    %mul3A_1061 = arith.mulf %get3A_1052, %select_n3A_1060 : vector<1x512xf32>
    %swap3A_1062 = arith.constant 0 : index
    %swap3A_1063 = arith.constant 2048 : index
    %swap3A_1064 = vector.load %arg3[%swap3A_1062, %swap3A_1063] : memref<1x5120xf32, #tpu.memory_space<vmem>>, vector<1x512xf32>
    tpu.vector_store %arg3[%swap3A_1062, %swap3A_1063], %mul3A_1061 {strides = array<i32>} : memref<1x5120xf32, #tpu.memory_space<vmem>>, vector<1x512xf32>,
    %get3A_1065 = arith.constant 512 : index
    %get3A_1066 = arith.constant 0 : index
    %get3A_1067 = vector.load %arg0[%get3A_1065, %get3A_1066] : memref<5120x8xf32, #tpu.memory_space<vmem>>, vector<512x1xf32>
    %get3A_1068 = arith.constant 512 : index
    %get3A_1069 = arith.constant 1 : index
    %get3A_1070 = vector.load %arg0[%get3A_1068, %get3A_1069] : memref<5120x8xf32, #tpu.memory_space<vmem>>, vector<512x1xf32>
    %get3A_1071 = arith.constant 512 : index
    %get3A_1072 = arith.constant 2 : index
    %get3A_1073 = vector.load %arg0[%get3A_1071, %get3A_1072] : memref<5120x8xf32, #tpu.memory_space<vmem>>, vector<512x1xf32>
    %get3A_1074 = arith.constant 512 : index
    %get3A_1075 = arith.constant 3 : index
    %get3A_1076 = vector.load %arg0[%get3A_1074, %get3A_1075] : memref<5120x8xf32, #tpu.memory_space<vmem>>, vector<512x1xf32>
    %sub3A_1077 = arith.subf %get3A_1073, %get3A_1067 : vector<512x1xf32>
    %sub3A_1078 = arith.subf %get3A_1076, %get3A_1070 : vector<512x1xf32>
    %mul3A_1079 = arith.mulf %sub3A_1077, %sub3A_1078 : vector<512x1xf32>
    %slice3A_1080 = vector.extract_strided_slice %transpose3A {offsets = [0, 2560], sizes = [1, 512], strides = [1, 1]} : vector<8x5120xf32> to vector<1x512xf32>
    %slice3A_1081 = vector.extract_strided_slice %transpose3A {offsets = [1, 2560], sizes = [1, 512], strides = [1, 1]} : vector<8x5120xf32> to vector<1x512xf32>
    %slice3A_1082 = vector.extract_strided_slice %transpose3A {offsets = [2, 2560], sizes = [1, 512], strides = [1, 1]} : vector<8x5120xf32> to vector<1x512xf32>
    %slice3A_1083 = vector.extract_strided_slice %transpose3A {offsets = [3, 2560], sizes = [1, 512], strides = [1, 1]} : vector<8x5120xf32> to vector<1x512xf32>
    %sub3A_1084 = arith.subf %slice3A_1082, %slice3A_1080 : vector<1x512xf32>
    %sub3A_1085 = arith.subf %slice3A_1083, %slice3A_1081 : vector<1x512xf32>
    %mul3A_1086 = arith.mulf %sub3A_1084, %sub3A_1085 : vector<1x512xf32>
    %max3A_1087 = vector.broadcast %get3A_1067 : vector<512x1xf32> to vector<512x512xf32>
    %max3A_1088 = vector.broadcast %slice3A_1080 : vector<1x512xf32> to vector<512x512xf32>
    %max3A_1089 = arith.maximumf %max3A_1087, %max3A_1088 : vector<512x512xf32>
    %max3A_1090 = vector.broadcast %get3A_1070 : vector<512x1xf32> to vector<512x512xf32>
    %max3A_1091 = vector.broadcast %slice3A_1081 : vector<1x512xf32> to vector<512x512xf32>
    %max3A_1092 = arith.maximumf %max3A_1090, %max3A_1091 : vector<512x512xf32>
    %min3A_1093 = vector.broadcast %get3A_1073 : vector<512x1xf32> to vector<512x512xf32>
    %min3A_1094 = vector.broadcast %slice3A_1082 : vector<1x512xf32> to vector<512x512xf32>
    %min3A_1095 = arith.minimumf %min3A_1093, %min3A_1094 : vector<512x512xf32>
    %min3A_1096 = vector.broadcast %get3A_1076 : vector<512x1xf32> to vector<512x512xf32>
    %min3A_1097 = vector.broadcast %slice3A_1083 : vector<1x512xf32> to vector<512x512xf32>
    %min3A_1098 = arith.minimumf %min3A_1096, %min3A_1097 : vector<512x512xf32>
    %sub3A_1099 = arith.subf %min3A_1095, %max3A_1089 : vector<512x512xf32>
    %max3A_1100 = arith.constant 0.000000e+00 : f32
    %max3A_1101 = vector.broadcast %max3A_1100 : f32 to vector<512x512xf32>
    %max3A_1102 = arith.maximumf %sub3A_1099, %max3A_1101 : vector<512x512xf32>
    %sub3A_1103 = arith.subf %min3A_1098, %max3A_1092 : vector<512x512xf32>
    %max3A_1104 = arith.constant 0.000000e+00 : f32
    %max3A_1105 = vector.broadcast %max3A_1104 : f32 to vector<512x512xf32>
    %max3A_1106 = arith.maximumf %sub3A_1103, %max3A_1105 : vector<512x512xf32>
    %mul3A_1107 = arith.mulf %max3A_1102, %max3A_1106 : vector<512x512xf32>
    %add3A_1108 = vector.broadcast %mul3A_1079 : vector<512x1xf32> to vector<512x512xf32>
    %add3A_1109 = vector.broadcast %mul3A_1086 : vector<1x512xf32> to vector<512x512xf32>
    %add3A_1110 = arith.addf %add3A_1108, %add3A_1109 : vector<512x512xf32>
    %sub3A_1111 = arith.subf %add3A_1110, %mul3A_1107 : vector<512x512xf32>
    %add3A_1112 = arith.constant 9.99999993E-9 : f32
    %add3A_1113 = vector.broadcast %add3A_1112 : f32 to vector<512x512xf32>
    %add3A_1114 = arith.addf %sub3A_1111, %add3A_1113 : vector<512x512xf32>
    %div3A_1115 = arith.divf %mul3A_1107, %add3A_1114 : vector<512x512xf32>
    %gt3A_1116 = arith.constant 1.000000e-01 : f32
    %gt3A_1117 = vector.broadcast %gt3A_1116 : f32 to vector<512x512xf32>
    %gt3A_1118 = arith.cmpf ogt, %div3A_1115, %gt3A_1117 : vector<512x512xf32>
    %jit3A_1119 = arith.constant 1.000000e+00 : f32
    %jit3A_1120 = arith.constant 0.000000e+00 : f32
    %broadcast_in_dim3A_1121 = vector.broadcast %jit3A_1119 : f32 to vector<512x512xf32>
    %broadcast_in_dim3A_1122 = vector.broadcast %jit3A_1120 : f32 to vector<512x512xf32>
    %select_n3A_1123 = arith.select %gt3A_1118, %broadcast_in_dim3A_1121, %broadcast_in_dim3A_1122 : vector<512x512xi1>, vector<512x512xf32>
    %convert_element_type3A_1124 = arith.truncf %select_n3A_1123 : vector<512x512xf32> to vector<512x512xbf16>
    %dot_general3A_1125 = arith.constant dense<0.000000e+00> : vector<1x512xf32>
    %dot_general3A_1126 = tpu.matmul %convert_element_type3A_833, %convert_element_type3A_1124, %dot_general3A_1125 {dimension_numbers = #tpu.dot_dimension_numbers<[1], [0], [0], [1], [0, 0, 1, 1], [], []>, transpose_lhs_hint = false} : vector<1x512xbf16>, vector<512x512xbf16>, vector<1x512xf32> -> vector<1x512xf32>
    %get3A_1127 = arith.constant 0 : index
    %get3A_1128 = arith.constant 2560 : index
    %get3A_1129 = vector.load %arg3[%get3A_1127, %get3A_1128] : memref<1x5120xf32, #tpu.memory_space<vmem>>, vector<1x512xf32>
    %gt3A_1130 = arith.constant 0.000000e+00 : f32
    %gt3A_1131 = vector.broadcast %gt3A_1130 : f32 to vector<1x512xf32>
    %gt3A_1132 = arith.cmpf ogt, %dot_general3A_1126, %gt3A_1131 : vector<1x512xf32>
    %jit3A_1133 = arith.constant 0.000000e+00 : f32
    %jit3A_1134 = arith.constant 1.000000e+00 : f32
    %broadcast_in_dim3A_1135 = vector.broadcast %jit3A_1133 : f32 to vector<1x512xf32>
    %broadcast_in_dim3A_1136 = vector.broadcast %jit3A_1134 : f32 to vector<1x512xf32>
    %select_n3A_1137 = arith.select %gt3A_1132, %broadcast_in_dim3A_1135, %broadcast_in_dim3A_1136 : vector<1x512xi1>, vector<1x512xf32>
    %mul3A_1138 = arith.mulf %get3A_1129, %select_n3A_1137 : vector<1x512xf32>
    %swap3A_1139 = arith.constant 0 : index
    %swap3A_1140 = arith.constant 2560 : index
    %swap3A_1141 = vector.load %arg3[%swap3A_1139, %swap3A_1140] : memref<1x5120xf32, #tpu.memory_space<vmem>>, vector<1x512xf32>
    tpu.vector_store %arg3[%swap3A_1139, %swap3A_1140], %mul3A_1138 {strides = array<i32>} : memref<1x5120xf32, #tpu.memory_space<vmem>>, vector<1x512xf32>,
    %get3A_1142 = arith.constant 512 : index
    %get3A_1143 = arith.constant 0 : index
    %get3A_1144 = vector.load %arg0[%get3A_1142, %get3A_1143] : memref<5120x8xf32, #tpu.memory_space<vmem>>, vector<512x1xf32>
    %get3A_1145 = arith.constant 512 : index
    %get3A_1146 = arith.constant 1 : index
    %get3A_1147 = vector.load %arg0[%get3A_1145, %get3A_1146] : memref<5120x8xf32, #tpu.memory_space<vmem>>, vector<512x1xf32>
    %get3A_1148 = arith.constant 512 : index
    %get3A_1149 = arith.constant 2 : index
    %get3A_1150 = vector.load %arg0[%get3A_1148, %get3A_1149] : memref<5120x8xf32, #tpu.memory_space<vmem>>, vector<512x1xf32>
    %get3A_1151 = arith.constant 512 : index
    %get3A_1152 = arith.constant 3 : index
    %get3A_1153 = vector.load %arg0[%get3A_1151, %get3A_1152] : memref<5120x8xf32, #tpu.memory_space<vmem>>, vector<512x1xf32>
    %sub3A_1154 = arith.subf %get3A_1150, %get3A_1144 : vector<512x1xf32>
    %sub3A_1155 = arith.subf %get3A_1153, %get3A_1147 : vector<512x1xf32>
    %mul3A_1156 = arith.mulf %sub3A_1154, %sub3A_1155 : vector<512x1xf32>
    %slice3A_1157 = vector.extract_strided_slice %transpose3A {offsets = [0, 3072], sizes = [1, 512], strides = [1, 1]} : vector<8x5120xf32> to vector<1x512xf32>
    %slice3A_1158 = vector.extract_strided_slice %transpose3A {offsets = [1, 3072], sizes = [1, 512], strides = [1, 1]} : vector<8x5120xf32> to vector<1x512xf32>
    %slice3A_1159 = vector.extract_strided_slice %transpose3A {offsets = [2, 3072], sizes = [1, 512], strides = [1, 1]} : vector<8x5120xf32> to vector<1x512xf32>
    %slice3A_1160 = vector.extract_strided_slice %transpose3A {offsets = [3, 3072], sizes = [1, 512], strides = [1, 1]} : vector<8x5120xf32> to vector<1x512xf32>
    %sub3A_1161 = arith.subf %slice3A_1159, %slice3A_1157 : vector<1x512xf32>
    %sub3A_1162 = arith.subf %slice3A_1160, %slice3A_1158 : vector<1x512xf32>
    %mul3A_1163 = arith.mulf %sub3A_1161, %sub3A_1162 : vector<1x512xf32>
    %max3A_1164 = vector.broadcast %get3A_1144 : vector<512x1xf32> to vector<512x512xf32>
    %max3A_1165 = vector.broadcast %slice3A_1157 : vector<1x512xf32> to vector<512x512xf32>
    %max3A_1166 = arith.maximumf %max3A_1164, %max3A_1165 : vector<512x512xf32>
    %max3A_1167 = vector.broadcast %get3A_1147 : vector<512x1xf32> to vector<512x512xf32>
    %max3A_1168 = vector.broadcast %slice3A_1158 : vector<1x512xf32> to vector<512x512xf32>
    %max3A_1169 = arith.maximumf %max3A_1167, %max3A_1168 : vector<512x512xf32>
    %min3A_1170 = vector.broadcast %get3A_1150 : vector<512x1xf32> to vector<512x512xf32>
    %min3A_1171 = vector.broadcast %slice3A_1159 : vector<1x512xf32> to vector<512x512xf32>
    %min3A_1172 = arith.minimumf %min3A_1170, %min3A_1171 : vector<512x512xf32>
    %min3A_1173 = vector.broadcast %get3A_1153 : vector<512x1xf32> to vector<512x512xf32>
    %min3A_1174 = vector.broadcast %slice3A_1160 : vector<1x512xf32> to vector<512x512xf32>
    %min3A_1175 = arith.minimumf %min3A_1173, %min3A_1174 : vector<512x512xf32>
    %sub3A_1176 = arith.subf %min3A_1172, %max3A_1166 : vector<512x512xf32>
    %max3A_1177 = arith.constant 0.000000e+00 : f32
    %max3A_1178 = vector.broadcast %max3A_1177 : f32 to vector<512x512xf32>
    %max3A_1179 = arith.maximumf %sub3A_1176, %max3A_1178 : vector<512x512xf32>
    %sub3A_1180 = arith.subf %min3A_1175, %max3A_1169 : vector<512x512xf32>
    %max3A_1181 = arith.constant 0.000000e+00 : f32
    %max3A_1182 = vector.broadcast %max3A_1181 : f32 to vector<512x512xf32>
    %max3A_1183 = arith.maximumf %sub3A_1180, %max3A_1182 : vector<512x512xf32>
    %mul3A_1184 = arith.mulf %max3A_1179, %max3A_1183 : vector<512x512xf32>
    %add3A_1185 = vector.broadcast %mul3A_1156 : vector<512x1xf32> to vector<512x512xf32>
    %add3A_1186 = vector.broadcast %mul3A_1163 : vector<1x512xf32> to vector<512x512xf32>
    %add3A_1187 = arith.addf %add3A_1185, %add3A_1186 : vector<512x512xf32>
    %sub3A_1188 = arith.subf %add3A_1187, %mul3A_1184 : vector<512x512xf32>
    %add3A_1189 = arith.constant 9.99999993E-9 : f32
    %add3A_1190 = vector.broadcast %add3A_1189 : f32 to vector<512x512xf32>
    %add3A_1191 = arith.addf %sub3A_1188, %add3A_1190 : vector<512x512xf32>
    %div3A_1192 = arith.divf %mul3A_1184, %add3A_1191 : vector<512x512xf32>
    %gt3A_1193 = arith.constant 1.000000e-01 : f32
    %gt3A_1194 = vector.broadcast %gt3A_1193 : f32 to vector<512x512xf32>
    %gt3A_1195 = arith.cmpf ogt, %div3A_1192, %gt3A_1194 : vector<512x512xf32>
    %jit3A_1196 = arith.constant 1.000000e+00 : f32
    %jit3A_1197 = arith.constant 0.000000e+00 : f32
    %broadcast_in_dim3A_1198 = vector.broadcast %jit3A_1196 : f32 to vector<512x512xf32>
    %broadcast_in_dim3A_1199 = vector.broadcast %jit3A_1197 : f32 to vector<512x512xf32>
    %select_n3A_1200 = arith.select %gt3A_1195, %broadcast_in_dim3A_1198, %broadcast_in_dim3A_1199 : vector<512x512xi1>, vector<512x512xf32>
    %convert_element_type3A_1201 = arith.truncf %select_n3A_1200 : vector<512x512xf32> to vector<512x512xbf16>
    %dot_general3A_1202 = arith.constant dense<0.000000e+00> : vector<1x512xf32>
    %dot_general3A_1203 = tpu.matmul %convert_element_type3A_833, %convert_element_type3A_1201, %dot_general3A_1202 {dimension_numbers = #tpu.dot_dimension_numbers<[1], [0], [0], [1], [0, 0, 1, 1], [], []>, transpose_lhs_hint = false} : vector<1x512xbf16>, vector<512x512xbf16>, vector<1x512xf32> -> vector<1x512xf32>
    %get3A_1204 = arith.constant 0 : index
    %get3A_1205 = arith.constant 3072 : index
    %get3A_1206 = vector.load %arg3[%get3A_1204, %get3A_1205] : memref<1x5120xf32, #tpu.memory_space<vmem>>, vector<1x512xf32>
    %gt3A_1207 = arith.constant 0.000000e+00 : f32
    %gt3A_1208 = vector.broadcast %gt3A_1207 : f32 to vector<1x512xf32>
    %gt3A_1209 = arith.cmpf ogt, %dot_general3A_1203, %gt3A_1208 : vector<1x512xf32>
    %jit3A_1210 = arith.constant 0.000000e+00 : f32
    %jit3A_1211 = arith.constant 1.000000e+00 : f32
    %broadcast_in_dim3A_1212 = vector.broadcast %jit3A_1210 : f32 to vector<1x512xf32>
    %broadcast_in_dim3A_1213 = vector.broadcast %jit3A_1211 : f32 to vector<1x512xf32>
    %select_n3A_1214 = arith.select %gt3A_1209, %broadcast_in_dim3A_1212, %broadcast_in_dim3A_1213 : vector<1x512xi1>, vector<1x512xf32>
    %mul3A_1215 = arith.mulf %get3A_1206, %select_n3A_1214 : vector<1x512xf32>
    %swap3A_1216 = arith.constant 0 : index
    %swap3A_1217 = arith.constant 3072 : index
    %swap3A_1218 = vector.load %arg3[%swap3A_1216, %swap3A_1217] : memref<1x5120xf32, #tpu.memory_space<vmem>>, vector<1x512xf32>
    tpu.vector_store %arg3[%swap3A_1216, %swap3A_1217], %mul3A_1215 {strides = array<i32>} : memref<1x5120xf32, #tpu.memory_space<vmem>>, vector<1x512xf32>,
    %get3A_1219 = arith.constant 512 : index
    %get3A_1220 = arith.constant 0 : index
    %get3A_1221 = vector.load %arg0[%get3A_1219, %get3A_1220] : memref<5120x8xf32, #tpu.memory_space<vmem>>, vector<512x1xf32>
    %get3A_1222 = arith.constant 512 : index
    %get3A_1223 = arith.constant 1 : index
    %get3A_1224 = vector.load %arg0[%get3A_1222, %get3A_1223] : memref<5120x8xf32, #tpu.memory_space<vmem>>, vector<512x1xf32>
    %get3A_1225 = arith.constant 512 : index
    %get3A_1226 = arith.constant 2 : index
    %get3A_1227 = vector.load %arg0[%get3A_1225, %get3A_1226] : memref<5120x8xf32, #tpu.memory_space<vmem>>, vector<512x1xf32>
    %get3A_1228 = arith.constant 512 : index
    %get3A_1229 = arith.constant 3 : index
    %get3A_1230 = vector.load %arg0[%get3A_1228, %get3A_1229] : memref<5120x8xf32, #tpu.memory_space<vmem>>, vector<512x1xf32>
    %sub3A_1231 = arith.subf %get3A_1227, %get3A_1221 : vector<512x1xf32>
    %sub3A_1232 = arith.subf %get3A_1230, %get3A_1224 : vector<512x1xf32>
    %mul3A_1233 = arith.mulf %sub3A_1231, %sub3A_1232 : vector<512x1xf32>
    %slice3A_1234 = vector.extract_strided_slice %transpose3A {offsets = [0, 3584], sizes = [1, 512], strides = [1, 1]} : vector<8x5120xf32> to vector<1x512xf32>
    %slice3A_1235 = vector.extract_strided_slice %transpose3A {offsets = [1, 3584], sizes = [1, 512], strides = [1, 1]} : vector<8x5120xf32> to vector<1x512xf32>
    %slice3A_1236 = vector.extract_strided_slice %transpose3A {offsets = [2, 3584], sizes = [1, 512], strides = [1, 1]} : vector<8x5120xf32> to vector<1x512xf32>
    %slice3A_1237 = vector.extract_strided_slice %transpose3A {offsets = [3, 3584], sizes = [1, 512], strides = [1, 1]} : vector<8x5120xf32> to vector<1x512xf32>
    %sub3A_1238 = arith.subf %slice3A_1236, %slice3A_1234 : vector<1x512xf32>
    %sub3A_1239 = arith.subf %slice3A_1237, %slice3A_1235 : vector<1x512xf32>
    %mul3A_1240 = arith.mulf %sub3A_1238, %sub3A_1239 : vector<1x512xf32>
    %max3A_1241 = vector.broadcast %get3A_1221 : vector<512x1xf32> to vector<512x512xf32>
    %max3A_1242 = vector.broadcast %slice3A_1234 : vector<1x512xf32> to vector<512x512xf32>
    %max3A_1243 = arith.maximumf %max3A_1241, %max3A_1242 : vector<512x512xf32>
    %max3A_1244 = vector.broadcast %get3A_1224 : vector<512x1xf32> to vector<512x512xf32>
    %max3A_1245 = vector.broadcast %slice3A_1235 : vector<1x512xf32> to vector<512x512xf32>
    %max3A_1246 = arith.maximumf %max3A_1244, %max3A_1245 : vector<512x512xf32>
    %min3A_1247 = vector.broadcast %get3A_1227 : vector<512x1xf32> to vector<512x512xf32>
    %min3A_1248 = vector.broadcast %slice3A_1236 : vector<1x512xf32> to vector<512x512xf32>
    %min3A_1249 = arith.minimumf %min3A_1247, %min3A_1248 : vector<512x512xf32>
    %min3A_1250 = vector.broadcast %get3A_1230 : vector<512x1xf32> to vector<512x512xf32>
    %min3A_1251 = vector.broadcast %slice3A_1237 : vector<1x512xf32> to vector<512x512xf32>
    %min3A_1252 = arith.minimumf %min3A_1250, %min3A_1251 : vector<512x512xf32>
    %sub3A_1253 = arith.subf %min3A_1249, %max3A_1243 : vector<512x512xf32>
    %max3A_1254 = arith.constant 0.000000e+00 : f32
    %max3A_1255 = vector.broadcast %max3A_1254 : f32 to vector<512x512xf32>
    %max3A_1256 = arith.maximumf %sub3A_1253, %max3A_1255 : vector<512x512xf32>
    %sub3A_1257 = arith.subf %min3A_1252, %max3A_1246 : vector<512x512xf32>
    %max3A_1258 = arith.constant 0.000000e+00 : f32
    %max3A_1259 = vector.broadcast %max3A_1258 : f32 to vector<512x512xf32>
    %max3A_1260 = arith.maximumf %sub3A_1257, %max3A_1259 : vector<512x512xf32>
    %mul3A_1261 = arith.mulf %max3A_1256, %max3A_1260 : vector<512x512xf32>
    %add3A_1262 = vector.broadcast %mul3A_1233 : vector<512x1xf32> to vector<512x512xf32>
    %add3A_1263 = vector.broadcast %mul3A_1240 : vector<1x512xf32> to vector<512x512xf32>
    %add3A_1264 = arith.addf %add3A_1262, %add3A_1263 : vector<512x512xf32>
    %sub3A_1265 = arith.subf %add3A_1264, %mul3A_1261 : vector<512x512xf32>
    %add3A_1266 = arith.constant 9.99999993E-9 : f32
    %add3A_1267 = vector.broadcast %add3A_1266 : f32 to vector<512x512xf32>
    %add3A_1268 = arith.addf %sub3A_1265, %add3A_1267 : vector<512x512xf32>
    %div3A_1269 = arith.divf %mul3A_1261, %add3A_1268 : vector<512x512xf32>
    %gt3A_1270 = arith.constant 1.000000e-01 : f32
    %gt3A_1271 = vector.broadcast %gt3A_1270 : f32 to vector<512x512xf32>
    %gt3A_1272 = arith.cmpf ogt, %div3A_1269, %gt3A_1271 : vector<512x512xf32>
    %jit3A_1273 = arith.constant 1.000000e+00 : f32
    %jit3A_1274 = arith.constant 0.000000e+00 : f32
    %broadcast_in_dim3A_1275 = vector.broadcast %jit3A_1273 : f32 to vector<512x512xf32>
    %broadcast_in_dim3A_1276 = vector.broadcast %jit3A_1274 : f32 to vector<512x512xf32>
    %select_n3A_1277 = arith.select %gt3A_1272, %broadcast_in_dim3A_1275, %broadcast_in_dim3A_1276 : vector<512x512xi1>, vector<512x512xf32>
    %convert_element_type3A_1278 = arith.truncf %select_n3A_1277 : vector<512x512xf32> to vector<512x512xbf16>
    %dot_general3A_1279 = arith.constant dense<0.000000e+00> : vector<1x512xf32>
    %dot_general3A_1280 = tpu.matmul %convert_element_type3A_833, %convert_element_type3A_1278, %dot_general3A_1279 {dimension_numbers = #tpu.dot_dimension_numbers<[1], [0], [0], [1], [0, 0, 1, 1], [], []>, transpose_lhs_hint = false} : vector<1x512xbf16>, vector<512x512xbf16>, vector<1x512xf32> -> vector<1x512xf32>
    %get3A_1281 = arith.constant 0 : index
    %get3A_1282 = arith.constant 3584 : index
    %get3A_1283 = vector.load %arg3[%get3A_1281, %get3A_1282] : memref<1x5120xf32, #tpu.memory_space<vmem>>, vector<1x512xf32>
    %gt3A_1284 = arith.constant 0.000000e+00 : f32
    %gt3A_1285 = vector.broadcast %gt3A_1284 : f32 to vector<1x512xf32>
    %gt3A_1286 = arith.cmpf ogt, %dot_general3A_1280, %gt3A_1285 : vector<1x512xf32>
    %jit3A_1287 = arith.constant 0.000000e+00 : f32
    %jit3A_1288 = arith.constant 1.000000e+00 : f32
    %broadcast_in_dim3A_1289 = vector.broadcast %jit3A_1287 : f32 to vector<1x512xf32>
    %broadcast_in_dim3A_1290 = vector.broadcast %jit3A_1288 : f32 to vector<1x512xf32>
    %select_n3A_1291 = arith.select %gt3A_1286, %broadcast_in_dim3A_1289, %broadcast_in_dim3A_1290 : vector<1x512xi1>, vector<1x512xf32>
    %mul3A_1292 = arith.mulf %get3A_1283, %select_n3A_1291 : vector<1x512xf32>
    %swap3A_1293 = arith.constant 0 : index
    %swap3A_1294 = arith.constant 3584 : index
    %swap3A_1295 = vector.load %arg3[%swap3A_1293, %swap3A_1294] : memref<1x5120xf32, #tpu.memory_space<vmem>>, vector<1x512xf32>
    tpu.vector_store %arg3[%swap3A_1293, %swap3A_1294], %mul3A_1292 {strides = array<i32>} : memref<1x5120xf32, #tpu.memory_space<vmem>>, vector<1x512xf32>,
    %get3A_1296 = arith.constant 512 : index
    %get3A_1297 = arith.constant 0 : index
    %get3A_1298 = vector.load %arg0[%get3A_1296, %get3A_1297] : memref<5120x8xf32, #tpu.memory_space<vmem>>, vector<512x1xf32>
    %get3A_1299 = arith.constant 512 : index
    %get3A_1300 = arith.constant 1 : index
    %get3A_1301 = vector.load %arg0[%get3A_1299, %get3A_1300] : memref<5120x8xf32, #tpu.memory_space<vmem>>, vector<512x1xf32>
    %get3A_1302 = arith.constant 512 : index
    %get3A_1303 = arith.constant 2 : index
    %get3A_1304 = vector.load %arg0[%get3A_1302, %get3A_1303] : memref<5120x8xf32, #tpu.memory_space<vmem>>, vector<512x1xf32>
    %get3A_1305 = arith.constant 512 : index
    %get3A_1306 = arith.constant 3 : index
    %get3A_1307 = vector.load %arg0[%get3A_1305, %get3A_1306] : memref<5120x8xf32, #tpu.memory_space<vmem>>, vector<512x1xf32>
    %sub3A_1308 = arith.subf %get3A_1304, %get3A_1298 : vector<512x1xf32>
    %sub3A_1309 = arith.subf %get3A_1307, %get3A_1301 : vector<512x1xf32>
    %mul3A_1310 = arith.mulf %sub3A_1308, %sub3A_1309 : vector<512x1xf32>
    %slice3A_1311 = vector.extract_strided_slice %transpose3A {offsets = [0, 4096], sizes = [1, 512], strides = [1, 1]} : vector<8x5120xf32> to vector<1x512xf32>
    %slice3A_1312 = vector.extract_strided_slice %transpose3A {offsets = [1, 4096], sizes = [1, 512], strides = [1, 1]} : vector<8x5120xf32> to vector<1x512xf32>
    %slice3A_1313 = vector.extract_strided_slice %transpose3A {offsets = [2, 4096], sizes = [1, 512], strides = [1, 1]} : vector<8x5120xf32> to vector<1x512xf32>
    %slice3A_1314 = vector.extract_strided_slice %transpose3A {offsets = [3, 4096], sizes = [1, 512], strides = [1, 1]} : vector<8x5120xf32> to vector<1x512xf32>
    %sub3A_1315 = arith.subf %slice3A_1313, %slice3A_1311 : vector<1x512xf32>
    %sub3A_1316 = arith.subf %slice3A_1314, %slice3A_1312 : vector<1x512xf32>
    %mul3A_1317 = arith.mulf %sub3A_1315, %sub3A_1316 : vector<1x512xf32>
    %max3A_1318 = vector.broadcast %get3A_1298 : vector<512x1xf32> to vector<512x512xf32>
    %max3A_1319 = vector.broadcast %slice3A_1311 : vector<1x512xf32> to vector<512x512xf32>
    %max3A_1320 = arith.maximumf %max3A_1318, %max3A_1319 : vector<512x512xf32>
    %max3A_1321 = vector.broadcast %get3A_1301 : vector<512x1xf32> to vector<512x512xf32>
    %max3A_1322 = vector.broadcast %slice3A_1312 : vector<1x512xf32> to vector<512x512xf32>
    %max3A_1323 = arith.maximumf %max3A_1321, %max3A_1322 : vector<512x512xf32>
    %min3A_1324 = vector.broadcast %get3A_1304 : vector<512x1xf32> to vector<512x512xf32>
    %min3A_1325 = vector.broadcast %slice3A_1313 : vector<1x512xf32> to vector<512x512xf32>
    %min3A_1326 = arith.minimumf %min3A_1324, %min3A_1325 : vector<512x512xf32>
    %min3A_1327 = vector.broadcast %get3A_1307 : vector<512x1xf32> to vector<512x512xf32>
    %min3A_1328 = vector.broadcast %slice3A_1314 : vector<1x512xf32> to vector<512x512xf32>
    %min3A_1329 = arith.minimumf %min3A_1327, %min3A_1328 : vector<512x512xf32>
    %sub3A_1330 = arith.subf %min3A_1326, %max3A_1320 : vector<512x512xf32>
    %max3A_1331 = arith.constant 0.000000e+00 : f32
    %max3A_1332 = vector.broadcast %max3A_1331 : f32 to vector<512x512xf32>
    %max3A_1333 = arith.maximumf %sub3A_1330, %max3A_1332 : vector<512x512xf32>
    %sub3A_1334 = arith.subf %min3A_1329, %max3A_1323 : vector<512x512xf32>
    %max3A_1335 = arith.constant 0.000000e+00 : f32
    %max3A_1336 = vector.broadcast %max3A_1335 : f32 to vector<512x512xf32>
    %max3A_1337 = arith.maximumf %sub3A_1334, %max3A_1336 : vector<512x512xf32>
    %mul3A_1338 = arith.mulf %max3A_1333, %max3A_1337 : vector<512x512xf32>
    %add3A_1339 = vector.broadcast %mul3A_1310 : vector<512x1xf32> to vector<512x512xf32>
    %add3A_1340 = vector.broadcast %mul3A_1317 : vector<1x512xf32> to vector<512x512xf32>
    %add3A_1341 = arith.addf %add3A_1339, %add3A_1340 : vector<512x512xf32>
    %sub3A_1342 = arith.subf %add3A_1341, %mul3A_1338 : vector<512x512xf32>
    %add3A_1343 = arith.constant 9.99999993E-9 : f32
    %add3A_1344 = vector.broadcast %add3A_1343 : f32 to vector<512x512xf32>
    %add3A_1345 = arith.addf %sub3A_1342, %add3A_1344 : vector<512x512xf32>
    %div3A_1346 = arith.divf %mul3A_1338, %add3A_1345 : vector<512x512xf32>
    %gt3A_1347 = arith.constant 1.000000e-01 : f32
    %gt3A_1348 = vector.broadcast %gt3A_1347 : f32 to vector<512x512xf32>
    %gt3A_1349 = arith.cmpf ogt, %div3A_1346, %gt3A_1348 : vector<512x512xf32>
    %jit3A_1350 = arith.constant 1.000000e+00 : f32
    %jit3A_1351 = arith.constant 0.000000e+00 : f32
    %broadcast_in_dim3A_1352 = vector.broadcast %jit3A_1350 : f32 to vector<512x512xf32>
    %broadcast_in_dim3A_1353 = vector.broadcast %jit3A_1351 : f32 to vector<512x512xf32>
    %select_n3A_1354 = arith.select %gt3A_1349, %broadcast_in_dim3A_1352, %broadcast_in_dim3A_1353 : vector<512x512xi1>, vector<512x512xf32>
    %convert_element_type3A_1355 = arith.truncf %select_n3A_1354 : vector<512x512xf32> to vector<512x512xbf16>
    %dot_general3A_1356 = arith.constant dense<0.000000e+00> : vector<1x512xf32>
    %dot_general3A_1357 = tpu.matmul %convert_element_type3A_833, %convert_element_type3A_1355, %dot_general3A_1356 {dimension_numbers = #tpu.dot_dimension_numbers<[1], [0], [0], [1], [0, 0, 1, 1], [], []>, transpose_lhs_hint = false} : vector<1x512xbf16>, vector<512x512xbf16>, vector<1x512xf32> -> vector<1x512xf32>
    %get3A_1358 = arith.constant 0 : index
    %get3A_1359 = arith.constant 4096 : index
    %get3A_1360 = vector.load %arg3[%get3A_1358, %get3A_1359] : memref<1x5120xf32, #tpu.memory_space<vmem>>, vector<1x512xf32>
    %gt3A_1361 = arith.constant 0.000000e+00 : f32
    %gt3A_1362 = vector.broadcast %gt3A_1361 : f32 to vector<1x512xf32>
    %gt3A_1363 = arith.cmpf ogt, %dot_general3A_1357, %gt3A_1362 : vector<1x512xf32>
    %jit3A_1364 = arith.constant 0.000000e+00 : f32
    %jit3A_1365 = arith.constant 1.000000e+00 : f32
    %broadcast_in_dim3A_1366 = vector.broadcast %jit3A_1364 : f32 to vector<1x512xf32>
    %broadcast_in_dim3A_1367 = vector.broadcast %jit3A_1365 : f32 to vector<1x512xf32>
    %select_n3A_1368 = arith.select %gt3A_1363, %broadcast_in_dim3A_1366, %broadcast_in_dim3A_1367 : vector<1x512xi1>, vector<1x512xf32>
    %mul3A_1369 = arith.mulf %get3A_1360, %select_n3A_1368 : vector<1x512xf32>
    %swap3A_1370 = arith.constant 0 : index
    %swap3A_1371 = arith.constant 4096 : index
    %swap3A_1372 = vector.load %arg3[%swap3A_1370, %swap3A_1371] : memref<1x5120xf32, #tpu.memory_space<vmem>>, vector<1x512xf32>
    tpu.vector_store %arg3[%swap3A_1370, %swap3A_1371], %mul3A_1369 {strides = array<i32>} : memref<1x5120xf32, #tpu.memory_space<vmem>>, vector<1x512xf32>,
    %get3A_1373 = arith.constant 512 : index
    %get3A_1374 = arith.constant 0 : index
    %get3A_1375 = vector.load %arg0[%get3A_1373, %get3A_1374] : memref<5120x8xf32, #tpu.memory_space<vmem>>, vector<512x1xf32>
    %get3A_1376 = arith.constant 512 : index
    %get3A_1377 = arith.constant 1 : index
    %get3A_1378 = vector.load %arg0[%get3A_1376, %get3A_1377] : memref<5120x8xf32, #tpu.memory_space<vmem>>, vector<512x1xf32>
    %get3A_1379 = arith.constant 512 : index
    %get3A_1380 = arith.constant 2 : index
    %get3A_1381 = vector.load %arg0[%get3A_1379, %get3A_1380] : memref<5120x8xf32, #tpu.memory_space<vmem>>, vector<512x1xf32>
    %get3A_1382 = arith.constant 512 : index
    %get3A_1383 = arith.constant 3 : index
    %get3A_1384 = vector.load %arg0[%get3A_1382, %get3A_1383] : memref<5120x8xf32, #tpu.memory_space<vmem>>, vector<512x1xf32>
    %sub3A_1385 = arith.subf %get3A_1381, %get3A_1375 : vector<512x1xf32>
    %sub3A_1386 = arith.subf %get3A_1384, %get3A_1378 : vector<512x1xf32>
    %mul3A_1387 = arith.mulf %sub3A_1385, %sub3A_1386 : vector<512x1xf32>
    %slice3A_1388 = vector.extract_strided_slice %transpose3A {offsets = [0, 4608], sizes = [1, 512], strides = [1, 1]} : vector<8x5120xf32> to vector<1x512xf32>
    %slice3A_1389 = vector.extract_strided_slice %transpose3A {offsets = [1, 4608], sizes = [1, 512], strides = [1, 1]} : vector<8x5120xf32> to vector<1x512xf32>
    %slice3A_1390 = vector.extract_strided_slice %transpose3A {offsets = [2, 4608], sizes = [1, 512], strides = [1, 1]} : vector<8x5120xf32> to vector<1x512xf32>
    %slice3A_1391 = vector.extract_strided_slice %transpose3A {offsets = [3, 4608], sizes = [1, 512], strides = [1, 1]} : vector<8x5120xf32> to vector<1x512xf32>
    %sub3A_1392 = arith.subf %slice3A_1390, %slice3A_1388 : vector<1x512xf32>
    %sub3A_1393 = arith.subf %slice3A_1391, %slice3A_1389 : vector<1x512xf32>
    %mul3A_1394 = arith.mulf %sub3A_1392, %sub3A_1393 : vector<1x512xf32>
    %max3A_1395 = vector.broadcast %get3A_1375 : vector<512x1xf32> to vector<512x512xf32>
    %max3A_1396 = vector.broadcast %slice3A_1388 : vector<1x512xf32> to vector<512x512xf32>
    %max3A_1397 = arith.maximumf %max3A_1395, %max3A_1396 : vector<512x512xf32>
    %max3A_1398 = vector.broadcast %get3A_1378 : vector<512x1xf32> to vector<512x512xf32>
    %max3A_1399 = vector.broadcast %slice3A_1389 : vector<1x512xf32> to vector<512x512xf32>
    %max3A_1400 = arith.maximumf %max3A_1398, %max3A_1399 : vector<512x512xf32>
    %min3A_1401 = vector.broadcast %get3A_1381 : vector<512x1xf32> to vector<512x512xf32>
    %min3A_1402 = vector.broadcast %slice3A_1390 : vector<1x512xf32> to vector<512x512xf32>
    %min3A_1403 = arith.minimumf %min3A_1401, %min3A_1402 : vector<512x512xf32>
    %min3A_1404 = vector.broadcast %get3A_1384 : vector<512x1xf32> to vector<512x512xf32>
    %min3A_1405 = vector.broadcast %slice3A_1391 : vector<1x512xf32> to vector<512x512xf32>
    %min3A_1406 = arith.minimumf %min3A_1404, %min3A_1405 : vector<512x512xf32>
    %sub3A_1407 = arith.subf %min3A_1403, %max3A_1397 : vector<512x512xf32>
    %max3A_1408 = arith.constant 0.000000e+00 : f32
    %max3A_1409 = vector.broadcast %max3A_1408 : f32 to vector<512x512xf32>
    %max3A_1410 = arith.maximumf %sub3A_1407, %max3A_1409 : vector<512x512xf32>
    %sub3A_1411 = arith.subf %min3A_1406, %max3A_1400 : vector<512x512xf32>
    %max3A_1412 = arith.constant 0.000000e+00 : f32
    %max3A_1413 = vector.broadcast %max3A_1412 : f32 to vector<512x512xf32>
    %max3A_1414 = arith.maximumf %sub3A_1411, %max3A_1413 : vector<512x512xf32>
    %mul3A_1415 = arith.mulf %max3A_1410, %max3A_1414 : vector<512x512xf32>
    %add3A_1416 = vector.broadcast %mul3A_1387 : vector<512x1xf32> to vector<512x512xf32>
    %add3A_1417 = vector.broadcast %mul3A_1394 : vector<1x512xf32> to vector<512x512xf32>
    %add3A_1418 = arith.addf %add3A_1416, %add3A_1417 : vector<512x512xf32>
    %sub3A_1419 = arith.subf %add3A_1418, %mul3A_1415 : vector<512x512xf32>
    %add3A_1420 = arith.constant 9.99999993E-9 : f32
    %add3A_1421 = vector.broadcast %add3A_1420 : f32 to vector<512x512xf32>
    %add3A_1422 = arith.addf %sub3A_1419, %add3A_1421 : vector<512x512xf32>
    %div3A_1423 = arith.divf %mul3A_1415, %add3A_1422 : vector<512x512xf32>
    %gt3A_1424 = arith.constant 1.000000e-01 : f32
    %gt3A_1425 = vector.broadcast %gt3A_1424 : f32 to vector<512x512xf32>
    %gt3A_1426 = arith.cmpf ogt, %div3A_1423, %gt3A_1425 : vector<512x512xf32>
    %jit3A_1427 = arith.constant 1.000000e+00 : f32
    %jit3A_1428 = arith.constant 0.000000e+00 : f32
    %broadcast_in_dim3A_1429 = vector.broadcast %jit3A_1427 : f32 to vector<512x512xf32>
    %broadcast_in_dim3A_1430 = vector.broadcast %jit3A_1428 : f32 to vector<512x512xf32>
    %select_n3A_1431 = arith.select %gt3A_1426, %broadcast_in_dim3A_1429, %broadcast_in_dim3A_1430 : vector<512x512xi1>, vector<512x512xf32>
    %convert_element_type3A_1432 = arith.truncf %select_n3A_1431 : vector<512x512xf32> to vector<512x512xbf16>
    %dot_general3A_1433 = arith.constant dense<0.000000e+00> : vector<1x512xf32>
    %dot_general3A_1434 = tpu.matmul %convert_element_type3A_833, %convert_element_type3A_1432, %dot_general3A_1433 {dimension_numbers = #tpu.dot_dimension_numbers<[1], [0], [0], [1], [0, 0, 1, 1], [], []>, transpose_lhs_hint = false} : vector<1x512xbf16>, vector<512x512xbf16>, vector<1x512xf32> -> vector<1x512xf32>
    %get3A_1435 = arith.constant 0 : index
    %get3A_1436 = arith.constant 4608 : index
    %get3A_1437 = vector.load %arg3[%get3A_1435, %get3A_1436] : memref<1x5120xf32, #tpu.memory_space<vmem>>, vector<1x512xf32>
    %gt3A_1438 = arith.constant 0.000000e+00 : f32
    %gt3A_1439 = vector.broadcast %gt3A_1438 : f32 to vector<1x512xf32>
    %gt3A_1440 = arith.cmpf ogt, %dot_general3A_1434, %gt3A_1439 : vector<1x512xf32>
    %jit3A_1441 = arith.constant 0.000000e+00 : f32
    %jit3A_1442 = arith.constant 1.000000e+00 : f32
    %broadcast_in_dim3A_1443 = vector.broadcast %jit3A_1441 : f32 to vector<1x512xf32>
    %broadcast_in_dim3A_1444 = vector.broadcast %jit3A_1442 : f32 to vector<1x512xf32>
    %select_n3A_1445 = arith.select %gt3A_1440, %broadcast_in_dim3A_1443, %broadcast_in_dim3A_1444 : vector<1x512xi1>, vector<1x512xf32>
    %mul3A_1446 = arith.mulf %get3A_1437, %select_n3A_1445 : vector<1x512xf32>
    %swap3A_1447 = arith.constant 0 : index
    %swap3A_1448 = arith.constant 4608 : index
    %swap3A_1449 = vector.load %arg3[%swap3A_1447, %swap3A_1448] : memref<1x5120xf32, #tpu.memory_space<vmem>>, vector<1x512xf32>
    tpu.vector_store %arg3[%swap3A_1447, %swap3A_1448], %mul3A_1446 {strides = array<i32>} : memref<1x5120xf32, #tpu.memory_space<vmem>>, vector<1x512xf32>,
    %iota3A_1450 = tpu.iota {dimensions = array<i32: 0>} : vector<512x512xi32>
    %iota3A_1451 = tpu.iota {dimensions = array<i32: 1>} : vector<512x512xi32>
    %lt3A_1452 = arith.cmpi slt, %iota3A_1450, %iota3A_1451 : vector<512x512xi32>
    %get3A_1453 = arith.constant 1024 : index
    %get3A_1454 = arith.constant 0 : index
    %get3A_1455 = vector.load %arg0[%get3A_1453, %get3A_1454] : memref<5120x8xf32, #tpu.memory_space<vmem>>, vector<512x1xf32>
    %get3A_1456 = arith.constant 1024 : index
    %get3A_1457 = arith.constant 1 : index
    %get3A_1458 = vector.load %arg0[%get3A_1456, %get3A_1457] : memref<5120x8xf32, #tpu.memory_space<vmem>>, vector<512x1xf32>
    %get3A_1459 = arith.constant 1024 : index
    %get3A_1460 = arith.constant 2 : index
    %get3A_1461 = vector.load %arg0[%get3A_1459, %get3A_1460] : memref<5120x8xf32, #tpu.memory_space<vmem>>, vector<512x1xf32>
    %get3A_1462 = arith.constant 1024 : index
    %get3A_1463 = arith.constant 3 : index
    %get3A_1464 = vector.load %arg0[%get3A_1462, %get3A_1463] : memref<5120x8xf32, #tpu.memory_space<vmem>>, vector<512x1xf32>
    %sub3A_1465 = arith.subf %get3A_1461, %get3A_1455 : vector<512x1xf32>
    %sub3A_1466 = arith.subf %get3A_1464, %get3A_1458 : vector<512x1xf32>
    %mul3A_1467 = arith.mulf %sub3A_1465, %sub3A_1466 : vector<512x1xf32>
    %slice3A_1468 = vector.extract_strided_slice %transpose3A {offsets = [0, 1024], sizes = [1, 512], strides = [1, 1]} : vector<8x5120xf32> to vector<1x512xf32>
    %slice3A_1469 = vector.extract_strided_slice %transpose3A {offsets = [1, 1024], sizes = [1, 512], strides = [1, 1]} : vector<8x5120xf32> to vector<1x512xf32>
    %slice3A_1470 = vector.extract_strided_slice %transpose3A {offsets = [2, 1024], sizes = [1, 512], strides = [1, 1]} : vector<8x5120xf32> to vector<1x512xf32>
    %slice3A_1471 = vector.extract_strided_slice %transpose3A {offsets = [3, 1024], sizes = [1, 512], strides = [1, 1]} : vector<8x5120xf32> to vector<1x512xf32>
    %sub3A_1472 = arith.subf %slice3A_1470, %slice3A_1468 : vector<1x512xf32>
    %sub3A_1473 = arith.subf %slice3A_1471, %slice3A_1469 : vector<1x512xf32>
    %mul3A_1474 = arith.mulf %sub3A_1472, %sub3A_1473 : vector<1x512xf32>
    %max3A_1475 = vector.broadcast %get3A_1455 : vector<512x1xf32> to vector<512x512xf32>
    %max3A_1476 = vector.broadcast %slice3A_1468 : vector<1x512xf32> to vector<512x512xf32>
    %max3A_1477 = arith.maximumf %max3A_1475, %max3A_1476 : vector<512x512xf32>
    %max3A_1478 = vector.broadcast %get3A_1458 : vector<512x1xf32> to vector<512x512xf32>
    %max3A_1479 = vector.broadcast %slice3A_1469 : vector<1x512xf32> to vector<512x512xf32>
    %max3A_1480 = arith.maximumf %max3A_1478, %max3A_1479 : vector<512x512xf32>
    %min3A_1481 = vector.broadcast %get3A_1461 : vector<512x1xf32> to vector<512x512xf32>
    %min3A_1482 = vector.broadcast %slice3A_1470 : vector<1x512xf32> to vector<512x512xf32>
    %min3A_1483 = arith.minimumf %min3A_1481, %min3A_1482 : vector<512x512xf32>
    %min3A_1484 = vector.broadcast %get3A_1464 : vector<512x1xf32> to vector<512x512xf32>
    %min3A_1485 = vector.broadcast %slice3A_1471 : vector<1x512xf32> to vector<512x512xf32>
    %min3A_1486 = arith.minimumf %min3A_1484, %min3A_1485 : vector<512x512xf32>
    %sub3A_1487 = arith.subf %min3A_1483, %max3A_1477 : vector<512x512xf32>
    %max3A_1488 = arith.constant 0.000000e+00 : f32
    %max3A_1489 = vector.broadcast %max3A_1488 : f32 to vector<512x512xf32>
    %max3A_1490 = arith.maximumf %sub3A_1487, %max3A_1489 : vector<512x512xf32>
    %sub3A_1491 = arith.subf %min3A_1486, %max3A_1480 : vector<512x512xf32>
    %max3A_1492 = arith.constant 0.000000e+00 : f32
    %max3A_1493 = vector.broadcast %max3A_1492 : f32 to vector<512x512xf32>
    %max3A_1494 = arith.maximumf %sub3A_1491, %max3A_1493 : vector<512x512xf32>
    %mul3A_1495 = arith.mulf %max3A_1490, %max3A_1494 : vector<512x512xf32>
    %add3A_1496 = vector.broadcast %mul3A_1467 : vector<512x1xf32> to vector<512x512xf32>
    %add3A_1497 = vector.broadcast %mul3A_1474 : vector<1x512xf32> to vector<512x512xf32>
    %add3A_1498 = arith.addf %add3A_1496, %add3A_1497 : vector<512x512xf32>
    %sub3A_1499 = arith.subf %add3A_1498, %mul3A_1495 : vector<512x512xf32>
    %add3A_1500 = arith.constant 9.99999993E-9 : f32
    %add3A_1501 = vector.broadcast %add3A_1500 : f32 to vector<512x512xf32>
    %add3A_1502 = arith.addf %sub3A_1499, %add3A_1501 : vector<512x512xf32>
    %div3A_1503 = arith.divf %mul3A_1495, %add3A_1502 : vector<512x512xf32>
    %gt3A_1504 = arith.constant 1.000000e-01 : f32
    %gt3A_1505 = vector.broadcast %gt3A_1504 : f32 to vector<512x512xf32>
    %gt3A_1506 = arith.cmpf ogt, %div3A_1503, %gt3A_1505 : vector<512x512xf32>
    %and3A_1507 = arith.andi %gt3A_1506, %lt3A_1452 : vector<512x512xi1>
    %jit3A_1508 = arith.constant 1.000000e+00 : f32
    %jit3A_1509 = arith.constant 0.000000e+00 : f32
    %broadcast_in_dim3A_1510 = vector.broadcast %jit3A_1508 : f32 to vector<512x512xf32>
    %broadcast_in_dim3A_1511 = vector.broadcast %jit3A_1509 : f32 to vector<512x512xf32>
    %select_n3A_1512 = arith.select %and3A_1507, %broadcast_in_dim3A_1510, %broadcast_in_dim3A_1511 : vector<512x512xi1>, vector<512x512xf32>
    %convert_element_type3A_1513 = arith.truncf %select_n3A_1512 : vector<512x512xf32> to vector<512x512xbf16>
    %swap3A_1514 = arith.constant 0 : index
    %swap3A_1515 = arith.constant 0 : index
    %swap3A_1516 = vector.load %arg2[%swap3A_1514, %swap3A_1515] : memref<512x512xbf16, #tpu.memory_space<vmem>>, vector<512x512xbf16>
    tpu.vector_store %arg2[%swap3A_1514, %swap3A_1515], %convert_element_type3A_1513 {strides = array<i32>} : memref<512x512xbf16, #tpu.memory_space<vmem>>, vector<512x512xbf16>,
    %get3A_1517 = arith.constant 0 : index
    %get3A_1518 = arith.constant 1024 : index
    %get3A_1519 = vector.load %arg3[%get3A_1517, %get3A_1518] : memref<1x5120xf32, #tpu.memory_space<vmem>>, vector<1x512xf32>
    %while3A_1520 = arith.constant true
    %while3A_1521:2 = scf.while (%while3A_4411 = %get3A_1519, %while3A_4412 = %while3A_1520) : (vector<1x512xf32>, i1) -> (vector<1x512xf32>, i1) {
      scf.condition(%while3A_4412) %while3A_4411, %while3A_4412 : vector<1x512xf32>, i1
    } do {
    ^bb0(%while3A_4411: vector<1x512xf32>, %while3A_4412: i1):
      %convert_element_type3A_4413 = arith.truncf %while3A_4411 : vector<1x512xf32> to vector<1x512xbf16>
      %get3A_4414 = arith.constant 0 : index
      %get3A_4415 = arith.constant 0 : index
      %get3A_4416 = vector.load %arg2[%get3A_4414, %get3A_4415] : memref<512x512xbf16, #tpu.memory_space<vmem>>, vector<512x512xbf16>
      %dot_general3A_4417 = arith.constant dense<0.000000e+00> : vector<1x512xf32>
      %dot_general3A_4418 = tpu.matmul %convert_element_type3A_4413, %get3A_4416, %dot_general3A_4417 {dimension_numbers = #tpu.dot_dimension_numbers<[1], [0], [0], [1], [0, 0, 1, 1], [], []>, transpose_lhs_hint = false} : vector<1x512xbf16>, vector<512x512xbf16>, vector<1x512xf32> -> vector<1x512xf32>
      %gt3A_4419 = arith.constant 0.000000e+00 : f32
      %gt3A_4420 = vector.broadcast %gt3A_4419 : f32 to vector<1x512xf32>
      %gt3A_4421 = arith.cmpf ogt, %dot_general3A_4418, %gt3A_4420 : vector<1x512xf32>
      %jit3A_4422 = arith.constant 0.000000e+00 : f32
      %broadcast_in_dim3A_4423 = vector.broadcast %jit3A_4422 : f32 to vector<1x512xf32>
      %select_n3A_4424 = arith.select %gt3A_4421, %broadcast_in_dim3A_4423, %get3A_1519 : vector<1x512xi1>, vector<1x512xf32>
      %ne3A = arith.cmpf one, %select_n3A_4424, %while3A_4411 : vector<1x512xf32>
      %reduce_or3A = arith.constant 1.000000e+00 : f32
      %reduce_or3A_4425 = arith.constant 0.000000e+00 : f32
      %reduce_or3A_4426 = vector.broadcast %reduce_or3A : f32 to vector<1x512xf32>
      %reduce_or3A_4427 = vector.broadcast %reduce_or3A_4425 : f32 to vector<1x512xf32>
      %reduce_or3A_4428 = arith.select %ne3A, %reduce_or3A_4426, %reduce_or3A_4427 : vector<1x512xi1>, vector<1x512xf32>
      %reduce_or3A_4429 = vector.shape_cast %reduce_or3A_4428 : vector<1x512xf32> to vector<1x1x512xf32>
      %reduce_or3A_4430 = arith.constant dense<0xFF800000> : vector<1xf32>
      %reduce_or3A_4431 = vector.multi_reduction <maximumf>, %reduce_or3A_4429, %reduce_or3A_4430 [1, 2] : vector<1x1x512xf32> to vector<1xf32>
      %reduce_or3A_4432 = vector.shape_cast %reduce_or3A_4431 : vector<1xf32> to vector<1x1x1xf32>
      %reduce_or3A_4433 = vector.extract %reduce_or3A_4432[0, 0, 0] : f32 from vector<1x1x1xf32>
      %reduce_or3A_4434 = arith.constant 0.000000e+00 : f32
      %reduce_or3A_4435 = arith.cmpf ogt, %reduce_or3A_4433, %reduce_or3A_4434 : f32
      scf.yield %select_n3A_4424, %reduce_or3A_4435 : vector<1x512xf32>, i1
    }
    %swap3A_1522 = arith.constant 0 : index
    %swap3A_1523 = arith.constant 1024 : index
    %swap3A_1524 = vector.load %arg3[%swap3A_1522, %swap3A_1523] : memref<1x5120xf32, #tpu.memory_space<vmem>>, vector<1x512xf32>
    tpu.vector_store %arg3[%swap3A_1522, %swap3A_1523], %while3A_1521#0 {strides = array<i32>} : memref<1x5120xf32, #tpu.memory_space<vmem>>, vector<1x512xf32>,
    %convert_element_type3A_1525 = arith.truncf %while3A_1521#0 : vector<1x512xf32> to vector<1x512xbf16>
    %get3A_1526 = arith.constant 1024 : index
    %get3A_1527 = arith.constant 0 : index
    %get3A_1528 = vector.load %arg0[%get3A_1526, %get3A_1527] : memref<5120x8xf32, #tpu.memory_space<vmem>>, vector<512x1xf32>
    %get3A_1529 = arith.constant 1024 : index
    %get3A_1530 = arith.constant 1 : index
    %get3A_1531 = vector.load %arg0[%get3A_1529, %get3A_1530] : memref<5120x8xf32, #tpu.memory_space<vmem>>, vector<512x1xf32>
    %get3A_1532 = arith.constant 1024 : index
    %get3A_1533 = arith.constant 2 : index
    %get3A_1534 = vector.load %arg0[%get3A_1532, %get3A_1533] : memref<5120x8xf32, #tpu.memory_space<vmem>>, vector<512x1xf32>
    %get3A_1535 = arith.constant 1024 : index
    %get3A_1536 = arith.constant 3 : index
    %get3A_1537 = vector.load %arg0[%get3A_1535, %get3A_1536] : memref<5120x8xf32, #tpu.memory_space<vmem>>, vector<512x1xf32>
    %sub3A_1538 = arith.subf %get3A_1534, %get3A_1528 : vector<512x1xf32>
    %sub3A_1539 = arith.subf %get3A_1537, %get3A_1531 : vector<512x1xf32>
    %mul3A_1540 = arith.mulf %sub3A_1538, %sub3A_1539 : vector<512x1xf32>
    %slice3A_1541 = vector.extract_strided_slice %transpose3A {offsets = [0, 1536], sizes = [1, 512], strides = [1, 1]} : vector<8x5120xf32> to vector<1x512xf32>
    %slice3A_1542 = vector.extract_strided_slice %transpose3A {offsets = [1, 1536], sizes = [1, 512], strides = [1, 1]} : vector<8x5120xf32> to vector<1x512xf32>
    %slice3A_1543 = vector.extract_strided_slice %transpose3A {offsets = [2, 1536], sizes = [1, 512], strides = [1, 1]} : vector<8x5120xf32> to vector<1x512xf32>
    %slice3A_1544 = vector.extract_strided_slice %transpose3A {offsets = [3, 1536], sizes = [1, 512], strides = [1, 1]} : vector<8x5120xf32> to vector<1x512xf32>
    %sub3A_1545 = arith.subf %slice3A_1543, %slice3A_1541 : vector<1x512xf32>
    %sub3A_1546 = arith.subf %slice3A_1544, %slice3A_1542 : vector<1x512xf32>
    %mul3A_1547 = arith.mulf %sub3A_1545, %sub3A_1546 : vector<1x512xf32>
    %max3A_1548 = vector.broadcast %get3A_1528 : vector<512x1xf32> to vector<512x512xf32>
    %max3A_1549 = vector.broadcast %slice3A_1541 : vector<1x512xf32> to vector<512x512xf32>
    %max3A_1550 = arith.maximumf %max3A_1548, %max3A_1549 : vector<512x512xf32>
    %max3A_1551 = vector.broadcast %get3A_1531 : vector<512x1xf32> to vector<512x512xf32>
    %max3A_1552 = vector.broadcast %slice3A_1542 : vector<1x512xf32> to vector<512x512xf32>
    %max3A_1553 = arith.maximumf %max3A_1551, %max3A_1552 : vector<512x512xf32>
    %min3A_1554 = vector.broadcast %get3A_1534 : vector<512x1xf32> to vector<512x512xf32>
    %min3A_1555 = vector.broadcast %slice3A_1543 : vector<1x512xf32> to vector<512x512xf32>
    %min3A_1556 = arith.minimumf %min3A_1554, %min3A_1555 : vector<512x512xf32>
    %min3A_1557 = vector.broadcast %get3A_1537 : vector<512x1xf32> to vector<512x512xf32>
    %min3A_1558 = vector.broadcast %slice3A_1544 : vector<1x512xf32> to vector<512x512xf32>
    %min3A_1559 = arith.minimumf %min3A_1557, %min3A_1558 : vector<512x512xf32>
    %sub3A_1560 = arith.subf %min3A_1556, %max3A_1550 : vector<512x512xf32>
    %max3A_1561 = arith.constant 0.000000e+00 : f32
    %max3A_1562 = vector.broadcast %max3A_1561 : f32 to vector<512x512xf32>
    %max3A_1563 = arith.maximumf %sub3A_1560, %max3A_1562 : vector<512x512xf32>
    %sub3A_1564 = arith.subf %min3A_1559, %max3A_1553 : vector<512x512xf32>
    %max3A_1565 = arith.constant 0.000000e+00 : f32
    %max3A_1566 = vector.broadcast %max3A_1565 : f32 to vector<512x512xf32>
    %max3A_1567 = arith.maximumf %sub3A_1564, %max3A_1566 : vector<512x512xf32>
    %mul3A_1568 = arith.mulf %max3A_1563, %max3A_1567 : vector<512x512xf32>
    %add3A_1569 = vector.broadcast %mul3A_1540 : vector<512x1xf32> to vector<512x512xf32>
    %add3A_1570 = vector.broadcast %mul3A_1547 : vector<1x512xf32> to vector<512x512xf32>
    %add3A_1571 = arith.addf %add3A_1569, %add3A_1570 : vector<512x512xf32>
    %sub3A_1572 = arith.subf %add3A_1571, %mul3A_1568 : vector<512x512xf32>
    %add3A_1573 = arith.constant 9.99999993E-9 : f32
    %add3A_1574 = vector.broadcast %add3A_1573 : f32 to vector<512x512xf32>
    %add3A_1575 = arith.addf %sub3A_1572, %add3A_1574 : vector<512x512xf32>
    %div3A_1576 = arith.divf %mul3A_1568, %add3A_1575 : vector<512x512xf32>
    %gt3A_1577 = arith.constant 1.000000e-01 : f32
    %gt3A_1578 = vector.broadcast %gt3A_1577 : f32 to vector<512x512xf32>
    %gt3A_1579 = arith.cmpf ogt, %div3A_1576, %gt3A_1578 : vector<512x512xf32>
    %jit3A_1580 = arith.constant 1.000000e+00 : f32
    %jit3A_1581 = arith.constant 0.000000e+00 : f32
    %broadcast_in_dim3A_1582 = vector.broadcast %jit3A_1580 : f32 to vector<512x512xf32>
    %broadcast_in_dim3A_1583 = vector.broadcast %jit3A_1581 : f32 to vector<512x512xf32>
    %select_n3A_1584 = arith.select %gt3A_1579, %broadcast_in_dim3A_1582, %broadcast_in_dim3A_1583 : vector<512x512xi1>, vector<512x512xf32>
    %convert_element_type3A_1585 = arith.truncf %select_n3A_1584 : vector<512x512xf32> to vector<512x512xbf16>
    %dot_general3A_1586 = arith.constant dense<0.000000e+00> : vector<1x512xf32>
    %dot_general3A_1587 = tpu.matmul %convert_element_type3A_1525, %convert_element_type3A_1585, %dot_general3A_1586 {dimension_numbers = #tpu.dot_dimension_numbers<[1], [0], [0], [1], [0, 0, 1, 1], [], []>, transpose_lhs_hint = false} : vector<1x512xbf16>, vector<512x512xbf16>, vector<1x512xf32> -> vector<1x512xf32>
    %get3A_1588 = arith.constant 0 : index
    %get3A_1589 = arith.constant 1536 : index
    %get3A_1590 = vector.load %arg3[%get3A_1588, %get3A_1589] : memref<1x5120xf32, #tpu.memory_space<vmem>>, vector<1x512xf32>
    %gt3A_1591 = arith.constant 0.000000e+00 : f32
    %gt3A_1592 = vector.broadcast %gt3A_1591 : f32 to vector<1x512xf32>
    %gt3A_1593 = arith.cmpf ogt, %dot_general3A_1587, %gt3A_1592 : vector<1x512xf32>
    %jit3A_1594 = arith.constant 0.000000e+00 : f32
    %jit3A_1595 = arith.constant 1.000000e+00 : f32
    %broadcast_in_dim3A_1596 = vector.broadcast %jit3A_1594 : f32 to vector<1x512xf32>
    %broadcast_in_dim3A_1597 = vector.broadcast %jit3A_1595 : f32 to vector<1x512xf32>
    %select_n3A_1598 = arith.select %gt3A_1593, %broadcast_in_dim3A_1596, %broadcast_in_dim3A_1597 : vector<1x512xi1>, vector<1x512xf32>
    %mul3A_1599 = arith.mulf %get3A_1590, %select_n3A_1598 : vector<1x512xf32>
    %swap3A_1600 = arith.constant 0 : index
    %swap3A_1601 = arith.constant 1536 : index
    %swap3A_1602 = vector.load %arg3[%swap3A_1600, %swap3A_1601] : memref<1x5120xf32, #tpu.memory_space<vmem>>, vector<1x512xf32>
    tpu.vector_store %arg3[%swap3A_1600, %swap3A_1601], %mul3A_1599 {strides = array<i32>} : memref<1x5120xf32, #tpu.memory_space<vmem>>, vector<1x512xf32>,
    %get3A_1603 = arith.constant 1024 : index
    %get3A_1604 = arith.constant 0 : index
    %get3A_1605 = vector.load %arg0[%get3A_1603, %get3A_1604] : memref<5120x8xf32, #tpu.memory_space<vmem>>, vector<512x1xf32>
    %get3A_1606 = arith.constant 1024 : index
    %get3A_1607 = arith.constant 1 : index
    %get3A_1608 = vector.load %arg0[%get3A_1606, %get3A_1607] : memref<5120x8xf32, #tpu.memory_space<vmem>>, vector<512x1xf32>
    %get3A_1609 = arith.constant 1024 : index
    %get3A_1610 = arith.constant 2 : index
    %get3A_1611 = vector.load %arg0[%get3A_1609, %get3A_1610] : memref<5120x8xf32, #tpu.memory_space<vmem>>, vector<512x1xf32>
    %get3A_1612 = arith.constant 1024 : index
    %get3A_1613 = arith.constant 3 : index
    %get3A_1614 = vector.load %arg0[%get3A_1612, %get3A_1613] : memref<5120x8xf32, #tpu.memory_space<vmem>>, vector<512x1xf32>
    %sub3A_1615 = arith.subf %get3A_1611, %get3A_1605 : vector<512x1xf32>
    %sub3A_1616 = arith.subf %get3A_1614, %get3A_1608 : vector<512x1xf32>
    %mul3A_1617 = arith.mulf %sub3A_1615, %sub3A_1616 : vector<512x1xf32>
    %slice3A_1618 = vector.extract_strided_slice %transpose3A {offsets = [0, 2048], sizes = [1, 512], strides = [1, 1]} : vector<8x5120xf32> to vector<1x512xf32>
    %slice3A_1619 = vector.extract_strided_slice %transpose3A {offsets = [1, 2048], sizes = [1, 512], strides = [1, 1]} : vector<8x5120xf32> to vector<1x512xf32>
    %slice3A_1620 = vector.extract_strided_slice %transpose3A {offsets = [2, 2048], sizes = [1, 512], strides = [1, 1]} : vector<8x5120xf32> to vector<1x512xf32>
    %slice3A_1621 = vector.extract_strided_slice %transpose3A {offsets = [3, 2048], sizes = [1, 512], strides = [1, 1]} : vector<8x5120xf32> to vector<1x512xf32>
    %sub3A_1622 = arith.subf %slice3A_1620, %slice3A_1618 : vector<1x512xf32>
    %sub3A_1623 = arith.subf %slice3A_1621, %slice3A_1619 : vector<1x512xf32>
    %mul3A_1624 = arith.mulf %sub3A_1622, %sub3A_1623 : vector<1x512xf32>
    %max3A_1625 = vector.broadcast %get3A_1605 : vector<512x1xf32> to vector<512x512xf32>
    %max3A_1626 = vector.broadcast %slice3A_1618 : vector<1x512xf32> to vector<512x512xf32>
    %max3A_1627 = arith.maximumf %max3A_1625, %max3A_1626 : vector<512x512xf32>
    %max3A_1628 = vector.broadcast %get3A_1608 : vector<512x1xf32> to vector<512x512xf32>
    %max3A_1629 = vector.broadcast %slice3A_1619 : vector<1x512xf32> to vector<512x512xf32>
    %max3A_1630 = arith.maximumf %max3A_1628, %max3A_1629 : vector<512x512xf32>
    %min3A_1631 = vector.broadcast %get3A_1611 : vector<512x1xf32> to vector<512x512xf32>
    %min3A_1632 = vector.broadcast %slice3A_1620 : vector<1x512xf32> to vector<512x512xf32>
    %min3A_1633 = arith.minimumf %min3A_1631, %min3A_1632 : vector<512x512xf32>
    %min3A_1634 = vector.broadcast %get3A_1614 : vector<512x1xf32> to vector<512x512xf32>
    %min3A_1635 = vector.broadcast %slice3A_1621 : vector<1x512xf32> to vector<512x512xf32>
    %min3A_1636 = arith.minimumf %min3A_1634, %min3A_1635 : vector<512x512xf32>
    %sub3A_1637 = arith.subf %min3A_1633, %max3A_1627 : vector<512x512xf32>
    %max3A_1638 = arith.constant 0.000000e+00 : f32
    %max3A_1639 = vector.broadcast %max3A_1638 : f32 to vector<512x512xf32>
    %max3A_1640 = arith.maximumf %sub3A_1637, %max3A_1639 : vector<512x512xf32>
    %sub3A_1641 = arith.subf %min3A_1636, %max3A_1630 : vector<512x512xf32>
    %max3A_1642 = arith.constant 0.000000e+00 : f32
    %max3A_1643 = vector.broadcast %max3A_1642 : f32 to vector<512x512xf32>
    %max3A_1644 = arith.maximumf %sub3A_1641, %max3A_1643 : vector<512x512xf32>
    %mul3A_1645 = arith.mulf %max3A_1640, %max3A_1644 : vector<512x512xf32>
    %add3A_1646 = vector.broadcast %mul3A_1617 : vector<512x1xf32> to vector<512x512xf32>
    %add3A_1647 = vector.broadcast %mul3A_1624 : vector<1x512xf32> to vector<512x512xf32>
    %add3A_1648 = arith.addf %add3A_1646, %add3A_1647 : vector<512x512xf32>
    %sub3A_1649 = arith.subf %add3A_1648, %mul3A_1645 : vector<512x512xf32>
    %add3A_1650 = arith.constant 9.99999993E-9 : f32
    %add3A_1651 = vector.broadcast %add3A_1650 : f32 to vector<512x512xf32>
    %add3A_1652 = arith.addf %sub3A_1649, %add3A_1651 : vector<512x512xf32>
    %div3A_1653 = arith.divf %mul3A_1645, %add3A_1652 : vector<512x512xf32>
    %gt3A_1654 = arith.constant 1.000000e-01 : f32
    %gt3A_1655 = vector.broadcast %gt3A_1654 : f32 to vector<512x512xf32>
    %gt3A_1656 = arith.cmpf ogt, %div3A_1653, %gt3A_1655 : vector<512x512xf32>
    %jit3A_1657 = arith.constant 1.000000e+00 : f32
    %jit3A_1658 = arith.constant 0.000000e+00 : f32
    %broadcast_in_dim3A_1659 = vector.broadcast %jit3A_1657 : f32 to vector<512x512xf32>
    %broadcast_in_dim3A_1660 = vector.broadcast %jit3A_1658 : f32 to vector<512x512xf32>
    %select_n3A_1661 = arith.select %gt3A_1656, %broadcast_in_dim3A_1659, %broadcast_in_dim3A_1660 : vector<512x512xi1>, vector<512x512xf32>
    %convert_element_type3A_1662 = arith.truncf %select_n3A_1661 : vector<512x512xf32> to vector<512x512xbf16>
    %dot_general3A_1663 = arith.constant dense<0.000000e+00> : vector<1x512xf32>
    %dot_general3A_1664 = tpu.matmul %convert_element_type3A_1525, %convert_element_type3A_1662, %dot_general3A_1663 {dimension_numbers = #tpu.dot_dimension_numbers<[1], [0], [0], [1], [0, 0, 1, 1], [], []>, transpose_lhs_hint = false} : vector<1x512xbf16>, vector<512x512xbf16>, vector<1x512xf32> -> vector<1x512xf32>
    %get3A_1665 = arith.constant 0 : index
    %get3A_1666 = arith.constant 2048 : index
    %get3A_1667 = vector.load %arg3[%get3A_1665, %get3A_1666] : memref<1x5120xf32, #tpu.memory_space<vmem>>, vector<1x512xf32>
    %gt3A_1668 = arith.constant 0.000000e+00 : f32
    %gt3A_1669 = vector.broadcast %gt3A_1668 : f32 to vector<1x512xf32>
    %gt3A_1670 = arith.cmpf ogt, %dot_general3A_1664, %gt3A_1669 : vector<1x512xf32>
    %jit3A_1671 = arith.constant 0.000000e+00 : f32
    %jit3A_1672 = arith.constant 1.000000e+00 : f32
    %broadcast_in_dim3A_1673 = vector.broadcast %jit3A_1671 : f32 to vector<1x512xf32>
    %broadcast_in_dim3A_1674 = vector.broadcast %jit3A_1672 : f32 to vector<1x512xf32>
    %select_n3A_1675 = arith.select %gt3A_1670, %broadcast_in_dim3A_1673, %broadcast_in_dim3A_1674 : vector<1x512xi1>, vector<1x512xf32>
    %mul3A_1676 = arith.mulf %get3A_1667, %select_n3A_1675 : vector<1x512xf32>
    %swap3A_1677 = arith.constant 0 : index
    %swap3A_1678 = arith.constant 2048 : index
    %swap3A_1679 = vector.load %arg3[%swap3A_1677, %swap3A_1678] : memref<1x5120xf32, #tpu.memory_space<vmem>>, vector<1x512xf32>
    tpu.vector_store %arg3[%swap3A_1677, %swap3A_1678], %mul3A_1676 {strides = array<i32>} : memref<1x5120xf32, #tpu.memory_space<vmem>>, vector<1x512xf32>,
    %get3A_1680 = arith.constant 1024 : index
    %get3A_1681 = arith.constant 0 : index
    %get3A_1682 = vector.load %arg0[%get3A_1680, %get3A_1681] : memref<5120x8xf32, #tpu.memory_space<vmem>>, vector<512x1xf32>
    %get3A_1683 = arith.constant 1024 : index
    %get3A_1684 = arith.constant 1 : index
    %get3A_1685 = vector.load %arg0[%get3A_1683, %get3A_1684] : memref<5120x8xf32, #tpu.memory_space<vmem>>, vector<512x1xf32>
    %get3A_1686 = arith.constant 1024 : index
    %get3A_1687 = arith.constant 2 : index
    %get3A_1688 = vector.load %arg0[%get3A_1686, %get3A_1687] : memref<5120x8xf32, #tpu.memory_space<vmem>>, vector<512x1xf32>
    %get3A_1689 = arith.constant 1024 : index
    %get3A_1690 = arith.constant 3 : index
    %get3A_1691 = vector.load %arg0[%get3A_1689, %get3A_1690] : memref<5120x8xf32, #tpu.memory_space<vmem>>, vector<512x1xf32>
    %sub3A_1692 = arith.subf %get3A_1688, %get3A_1682 : vector<512x1xf32>
    %sub3A_1693 = arith.subf %get3A_1691, %get3A_1685 : vector<512x1xf32>
    %mul3A_1694 = arith.mulf %sub3A_1692, %sub3A_1693 : vector<512x1xf32>
    %slice3A_1695 = vector.extract_strided_slice %transpose3A {offsets = [0, 2560], sizes = [1, 512], strides = [1, 1]} : vector<8x5120xf32> to vector<1x512xf32>
    %slice3A_1696 = vector.extract_strided_slice %transpose3A {offsets = [1, 2560], sizes = [1, 512], strides = [1, 1]} : vector<8x5120xf32> to vector<1x512xf32>
    %slice3A_1697 = vector.extract_strided_slice %transpose3A {offsets = [2, 2560], sizes = [1, 512], strides = [1, 1]} : vector<8x5120xf32> to vector<1x512xf32>
    %slice3A_1698 = vector.extract_strided_slice %transpose3A {offsets = [3, 2560], sizes = [1, 512], strides = [1, 1]} : vector<8x5120xf32> to vector<1x512xf32>
    %sub3A_1699 = arith.subf %slice3A_1697, %slice3A_1695 : vector<1x512xf32>
    %sub3A_1700 = arith.subf %slice3A_1698, %slice3A_1696 : vector<1x512xf32>
    %mul3A_1701 = arith.mulf %sub3A_1699, %sub3A_1700 : vector<1x512xf32>
    %max3A_1702 = vector.broadcast %get3A_1682 : vector<512x1xf32> to vector<512x512xf32>
    %max3A_1703 = vector.broadcast %slice3A_1695 : vector<1x512xf32> to vector<512x512xf32>
    %max3A_1704 = arith.maximumf %max3A_1702, %max3A_1703 : vector<512x512xf32>
    %max3A_1705 = vector.broadcast %get3A_1685 : vector<512x1xf32> to vector<512x512xf32>
    %max3A_1706 = vector.broadcast %slice3A_1696 : vector<1x512xf32> to vector<512x512xf32>
    %max3A_1707 = arith.maximumf %max3A_1705, %max3A_1706 : vector<512x512xf32>
    %min3A_1708 = vector.broadcast %get3A_1688 : vector<512x1xf32> to vector<512x512xf32>
    %min3A_1709 = vector.broadcast %slice3A_1697 : vector<1x512xf32> to vector<512x512xf32>
    %min3A_1710 = arith.minimumf %min3A_1708, %min3A_1709 : vector<512x512xf32>
    %min3A_1711 = vector.broadcast %get3A_1691 : vector<512x1xf32> to vector<512x512xf32>
    %min3A_1712 = vector.broadcast %slice3A_1698 : vector<1x512xf32> to vector<512x512xf32>
    %min3A_1713 = arith.minimumf %min3A_1711, %min3A_1712 : vector<512x512xf32>
    %sub3A_1714 = arith.subf %min3A_1710, %max3A_1704 : vector<512x512xf32>
    %max3A_1715 = arith.constant 0.000000e+00 : f32
    %max3A_1716 = vector.broadcast %max3A_1715 : f32 to vector<512x512xf32>
    %max3A_1717 = arith.maximumf %sub3A_1714, %max3A_1716 : vector<512x512xf32>
    %sub3A_1718 = arith.subf %min3A_1713, %max3A_1707 : vector<512x512xf32>
    %max3A_1719 = arith.constant 0.000000e+00 : f32
    %max3A_1720 = vector.broadcast %max3A_1719 : f32 to vector<512x512xf32>
    %max3A_1721 = arith.maximumf %sub3A_1718, %max3A_1720 : vector<512x512xf32>
    %mul3A_1722 = arith.mulf %max3A_1717, %max3A_1721 : vector<512x512xf32>
    %add3A_1723 = vector.broadcast %mul3A_1694 : vector<512x1xf32> to vector<512x512xf32>
    %add3A_1724 = vector.broadcast %mul3A_1701 : vector<1x512xf32> to vector<512x512xf32>
    %add3A_1725 = arith.addf %add3A_1723, %add3A_1724 : vector<512x512xf32>
    %sub3A_1726 = arith.subf %add3A_1725, %mul3A_1722 : vector<512x512xf32>
    %add3A_1727 = arith.constant 9.99999993E-9 : f32
    %add3A_1728 = vector.broadcast %add3A_1727 : f32 to vector<512x512xf32>
    %add3A_1729 = arith.addf %sub3A_1726, %add3A_1728 : vector<512x512xf32>
    %div3A_1730 = arith.divf %mul3A_1722, %add3A_1729 : vector<512x512xf32>
    %gt3A_1731 = arith.constant 1.000000e-01 : f32
    %gt3A_1732 = vector.broadcast %gt3A_1731 : f32 to vector<512x512xf32>
    %gt3A_1733 = arith.cmpf ogt, %div3A_1730, %gt3A_1732 : vector<512x512xf32>
    %jit3A_1734 = arith.constant 1.000000e+00 : f32
    %jit3A_1735 = arith.constant 0.000000e+00 : f32
    %broadcast_in_dim3A_1736 = vector.broadcast %jit3A_1734 : f32 to vector<512x512xf32>
    %broadcast_in_dim3A_1737 = vector.broadcast %jit3A_1735 : f32 to vector<512x512xf32>
    %select_n3A_1738 = arith.select %gt3A_1733, %broadcast_in_dim3A_1736, %broadcast_in_dim3A_1737 : vector<512x512xi1>, vector<512x512xf32>
    %convert_element_type3A_1739 = arith.truncf %select_n3A_1738 : vector<512x512xf32> to vector<512x512xbf16>
    %dot_general3A_1740 = arith.constant dense<0.000000e+00> : vector<1x512xf32>
    %dot_general3A_1741 = tpu.matmul %convert_element_type3A_1525, %convert_element_type3A_1739, %dot_general3A_1740 {dimension_numbers = #tpu.dot_dimension_numbers<[1], [0], [0], [1], [0, 0, 1, 1], [], []>, transpose_lhs_hint = false} : vector<1x512xbf16>, vector<512x512xbf16>, vector<1x512xf32> -> vector<1x512xf32>
    %get3A_1742 = arith.constant 0 : index
    %get3A_1743 = arith.constant 2560 : index
    %get3A_1744 = vector.load %arg3[%get3A_1742, %get3A_1743] : memref<1x5120xf32, #tpu.memory_space<vmem>>, vector<1x512xf32>
    %gt3A_1745 = arith.constant 0.000000e+00 : f32
    %gt3A_1746 = vector.broadcast %gt3A_1745 : f32 to vector<1x512xf32>
    %gt3A_1747 = arith.cmpf ogt, %dot_general3A_1741, %gt3A_1746 : vector<1x512xf32>
    %jit3A_1748 = arith.constant 0.000000e+00 : f32
    %jit3A_1749 = arith.constant 1.000000e+00 : f32
    %broadcast_in_dim3A_1750 = vector.broadcast %jit3A_1748 : f32 to vector<1x512xf32>
    %broadcast_in_dim3A_1751 = vector.broadcast %jit3A_1749 : f32 to vector<1x512xf32>
    %select_n3A_1752 = arith.select %gt3A_1747, %broadcast_in_dim3A_1750, %broadcast_in_dim3A_1751 : vector<1x512xi1>, vector<1x512xf32>
    %mul3A_1753 = arith.mulf %get3A_1744, %select_n3A_1752 : vector<1x512xf32>
    %swap3A_1754 = arith.constant 0 : index
    %swap3A_1755 = arith.constant 2560 : index
    %swap3A_1756 = vector.load %arg3[%swap3A_1754, %swap3A_1755] : memref<1x5120xf32, #tpu.memory_space<vmem>>, vector<1x512xf32>
    tpu.vector_store %arg3[%swap3A_1754, %swap3A_1755], %mul3A_1753 {strides = array<i32>} : memref<1x5120xf32, #tpu.memory_space<vmem>>, vector<1x512xf32>,
    %get3A_1757 = arith.constant 1024 : index
    %get3A_1758 = arith.constant 0 : index
    %get3A_1759 = vector.load %arg0[%get3A_1757, %get3A_1758] : memref<5120x8xf32, #tpu.memory_space<vmem>>, vector<512x1xf32>
    %get3A_1760 = arith.constant 1024 : index
    %get3A_1761 = arith.constant 1 : index
    %get3A_1762 = vector.load %arg0[%get3A_1760, %get3A_1761] : memref<5120x8xf32, #tpu.memory_space<vmem>>, vector<512x1xf32>
    %get3A_1763 = arith.constant 1024 : index
    %get3A_1764 = arith.constant 2 : index
    %get3A_1765 = vector.load %arg0[%get3A_1763, %get3A_1764] : memref<5120x8xf32, #tpu.memory_space<vmem>>, vector<512x1xf32>
    %get3A_1766 = arith.constant 1024 : index
    %get3A_1767 = arith.constant 3 : index
    %get3A_1768 = vector.load %arg0[%get3A_1766, %get3A_1767] : memref<5120x8xf32, #tpu.memory_space<vmem>>, vector<512x1xf32>
    %sub3A_1769 = arith.subf %get3A_1765, %get3A_1759 : vector<512x1xf32>
    %sub3A_1770 = arith.subf %get3A_1768, %get3A_1762 : vector<512x1xf32>
    %mul3A_1771 = arith.mulf %sub3A_1769, %sub3A_1770 : vector<512x1xf32>
    %slice3A_1772 = vector.extract_strided_slice %transpose3A {offsets = [0, 3072], sizes = [1, 512], strides = [1, 1]} : vector<8x5120xf32> to vector<1x512xf32>
    %slice3A_1773 = vector.extract_strided_slice %transpose3A {offsets = [1, 3072], sizes = [1, 512], strides = [1, 1]} : vector<8x5120xf32> to vector<1x512xf32>
    %slice3A_1774 = vector.extract_strided_slice %transpose3A {offsets = [2, 3072], sizes = [1, 512], strides = [1, 1]} : vector<8x5120xf32> to vector<1x512xf32>
    %slice3A_1775 = vector.extract_strided_slice %transpose3A {offsets = [3, 3072], sizes = [1, 512], strides = [1, 1]} : vector<8x5120xf32> to vector<1x512xf32>
    %sub3A_1776 = arith.subf %slice3A_1774, %slice3A_1772 : vector<1x512xf32>
    %sub3A_1777 = arith.subf %slice3A_1775, %slice3A_1773 : vector<1x512xf32>
    %mul3A_1778 = arith.mulf %sub3A_1776, %sub3A_1777 : vector<1x512xf32>
    %max3A_1779 = vector.broadcast %get3A_1759 : vector<512x1xf32> to vector<512x512xf32>
    %max3A_1780 = vector.broadcast %slice3A_1772 : vector<1x512xf32> to vector<512x512xf32>
    %max3A_1781 = arith.maximumf %max3A_1779, %max3A_1780 : vector<512x512xf32>
    %max3A_1782 = vector.broadcast %get3A_1762 : vector<512x1xf32> to vector<512x512xf32>
    %max3A_1783 = vector.broadcast %slice3A_1773 : vector<1x512xf32> to vector<512x512xf32>
    %max3A_1784 = arith.maximumf %max3A_1782, %max3A_1783 : vector<512x512xf32>
    %min3A_1785 = vector.broadcast %get3A_1765 : vector<512x1xf32> to vector<512x512xf32>
    %min3A_1786 = vector.broadcast %slice3A_1774 : vector<1x512xf32> to vector<512x512xf32>
    %min3A_1787 = arith.minimumf %min3A_1785, %min3A_1786 : vector<512x512xf32>
    %min3A_1788 = vector.broadcast %get3A_1768 : vector<512x1xf32> to vector<512x512xf32>
    %min3A_1789 = vector.broadcast %slice3A_1775 : vector<1x512xf32> to vector<512x512xf32>
    %min3A_1790 = arith.minimumf %min3A_1788, %min3A_1789 : vector<512x512xf32>
    %sub3A_1791 = arith.subf %min3A_1787, %max3A_1781 : vector<512x512xf32>
    %max3A_1792 = arith.constant 0.000000e+00 : f32
    %max3A_1793 = vector.broadcast %max3A_1792 : f32 to vector<512x512xf32>
    %max3A_1794 = arith.maximumf %sub3A_1791, %max3A_1793 : vector<512x512xf32>
    %sub3A_1795 = arith.subf %min3A_1790, %max3A_1784 : vector<512x512xf32>
    %max3A_1796 = arith.constant 0.000000e+00 : f32
    %max3A_1797 = vector.broadcast %max3A_1796 : f32 to vector<512x512xf32>
    %max3A_1798 = arith.maximumf %sub3A_1795, %max3A_1797 : vector<512x512xf32>
    %mul3A_1799 = arith.mulf %max3A_1794, %max3A_1798 : vector<512x512xf32>
    %add3A_1800 = vector.broadcast %mul3A_1771 : vector<512x1xf32> to vector<512x512xf32>
    %add3A_1801 = vector.broadcast %mul3A_1778 : vector<1x512xf32> to vector<512x512xf32>
    %add3A_1802 = arith.addf %add3A_1800, %add3A_1801 : vector<512x512xf32>
    %sub3A_1803 = arith.subf %add3A_1802, %mul3A_1799 : vector<512x512xf32>
    %add3A_1804 = arith.constant 9.99999993E-9 : f32
    %add3A_1805 = vector.broadcast %add3A_1804 : f32 to vector<512x512xf32>
    %add3A_1806 = arith.addf %sub3A_1803, %add3A_1805 : vector<512x512xf32>
    %div3A_1807 = arith.divf %mul3A_1799, %add3A_1806 : vector<512x512xf32>
    %gt3A_1808 = arith.constant 1.000000e-01 : f32
    %gt3A_1809 = vector.broadcast %gt3A_1808 : f32 to vector<512x512xf32>
    %gt3A_1810 = arith.cmpf ogt, %div3A_1807, %gt3A_1809 : vector<512x512xf32>
    %jit3A_1811 = arith.constant 1.000000e+00 : f32
    %jit3A_1812 = arith.constant 0.000000e+00 : f32
    %broadcast_in_dim3A_1813 = vector.broadcast %jit3A_1811 : f32 to vector<512x512xf32>
    %broadcast_in_dim3A_1814 = vector.broadcast %jit3A_1812 : f32 to vector<512x512xf32>
    %select_n3A_1815 = arith.select %gt3A_1810, %broadcast_in_dim3A_1813, %broadcast_in_dim3A_1814 : vector<512x512xi1>, vector<512x512xf32>
    %convert_element_type3A_1816 = arith.truncf %select_n3A_1815 : vector<512x512xf32> to vector<512x512xbf16>
    %dot_general3A_1817 = arith.constant dense<0.000000e+00> : vector<1x512xf32>
    %dot_general3A_1818 = tpu.matmul %convert_element_type3A_1525, %convert_element_type3A_1816, %dot_general3A_1817 {dimension_numbers = #tpu.dot_dimension_numbers<[1], [0], [0], [1], [0, 0, 1, 1], [], []>, transpose_lhs_hint = false} : vector<1x512xbf16>, vector<512x512xbf16>, vector<1x512xf32> -> vector<1x512xf32>
    %get3A_1819 = arith.constant 0 : index
    %get3A_1820 = arith.constant 3072 : index
    %get3A_1821 = vector.load %arg3[%get3A_1819, %get3A_1820] : memref<1x5120xf32, #tpu.memory_space<vmem>>, vector<1x512xf32>
    %gt3A_1822 = arith.constant 0.000000e+00 : f32
    %gt3A_1823 = vector.broadcast %gt3A_1822 : f32 to vector<1x512xf32>
    %gt3A_1824 = arith.cmpf ogt, %dot_general3A_1818, %gt3A_1823 : vector<1x512xf32>
    %jit3A_1825 = arith.constant 0.000000e+00 : f32
    %jit3A_1826 = arith.constant 1.000000e+00 : f32
    %broadcast_in_dim3A_1827 = vector.broadcast %jit3A_1825 : f32 to vector<1x512xf32>
    %broadcast_in_dim3A_1828 = vector.broadcast %jit3A_1826 : f32 to vector<1x512xf32>
    %select_n3A_1829 = arith.select %gt3A_1824, %broadcast_in_dim3A_1827, %broadcast_in_dim3A_1828 : vector<1x512xi1>, vector<1x512xf32>
    %mul3A_1830 = arith.mulf %get3A_1821, %select_n3A_1829 : vector<1x512xf32>
    %swap3A_1831 = arith.constant 0 : index
    %swap3A_1832 = arith.constant 3072 : index
    %swap3A_1833 = vector.load %arg3[%swap3A_1831, %swap3A_1832] : memref<1x5120xf32, #tpu.memory_space<vmem>>, vector<1x512xf32>
    tpu.vector_store %arg3[%swap3A_1831, %swap3A_1832], %mul3A_1830 {strides = array<i32>} : memref<1x5120xf32, #tpu.memory_space<vmem>>, vector<1x512xf32>,
    %get3A_1834 = arith.constant 1024 : index
    %get3A_1835 = arith.constant 0 : index
    %get3A_1836 = vector.load %arg0[%get3A_1834, %get3A_1835] : memref<5120x8xf32, #tpu.memory_space<vmem>>, vector<512x1xf32>
    %get3A_1837 = arith.constant 1024 : index
    %get3A_1838 = arith.constant 1 : index
    %get3A_1839 = vector.load %arg0[%get3A_1837, %get3A_1838] : memref<5120x8xf32, #tpu.memory_space<vmem>>, vector<512x1xf32>
    %get3A_1840 = arith.constant 1024 : index
    %get3A_1841 = arith.constant 2 : index
    %get3A_1842 = vector.load %arg0[%get3A_1840, %get3A_1841] : memref<5120x8xf32, #tpu.memory_space<vmem>>, vector<512x1xf32>
    %get3A_1843 = arith.constant 1024 : index
    %get3A_1844 = arith.constant 3 : index
    %get3A_1845 = vector.load %arg0[%get3A_1843, %get3A_1844] : memref<5120x8xf32, #tpu.memory_space<vmem>>, vector<512x1xf32>
    %sub3A_1846 = arith.subf %get3A_1842, %get3A_1836 : vector<512x1xf32>
    %sub3A_1847 = arith.subf %get3A_1845, %get3A_1839 : vector<512x1xf32>
    %mul3A_1848 = arith.mulf %sub3A_1846, %sub3A_1847 : vector<512x1xf32>
    %slice3A_1849 = vector.extract_strided_slice %transpose3A {offsets = [0, 3584], sizes = [1, 512], strides = [1, 1]} : vector<8x5120xf32> to vector<1x512xf32>
    %slice3A_1850 = vector.extract_strided_slice %transpose3A {offsets = [1, 3584], sizes = [1, 512], strides = [1, 1]} : vector<8x5120xf32> to vector<1x512xf32>
    %slice3A_1851 = vector.extract_strided_slice %transpose3A {offsets = [2, 3584], sizes = [1, 512], strides = [1, 1]} : vector<8x5120xf32> to vector<1x512xf32>
    %slice3A_1852 = vector.extract_strided_slice %transpose3A {offsets = [3, 3584], sizes = [1, 512], strides = [1, 1]} : vector<8x5120xf32> to vector<1x512xf32>
    %sub3A_1853 = arith.subf %slice3A_1851, %slice3A_1849 : vector<1x512xf32>
    %sub3A_1854 = arith.subf %slice3A_1852, %slice3A_1850 : vector<1x512xf32>
    %mul3A_1855 = arith.mulf %sub3A_1853, %sub3A_1854 : vector<1x512xf32>
    %max3A_1856 = vector.broadcast %get3A_1836 : vector<512x1xf32> to vector<512x512xf32>
    %max3A_1857 = vector.broadcast %slice3A_1849 : vector<1x512xf32> to vector<512x512xf32>
    %max3A_1858 = arith.maximumf %max3A_1856, %max3A_1857 : vector<512x512xf32>
    %max3A_1859 = vector.broadcast %get3A_1839 : vector<512x1xf32> to vector<512x512xf32>
    %max3A_1860 = vector.broadcast %slice3A_1850 : vector<1x512xf32> to vector<512x512xf32>
    %max3A_1861 = arith.maximumf %max3A_1859, %max3A_1860 : vector<512x512xf32>
    %min3A_1862 = vector.broadcast %get3A_1842 : vector<512x1xf32> to vector<512x512xf32>
    %min3A_1863 = vector.broadcast %slice3A_1851 : vector<1x512xf32> to vector<512x512xf32>
    %min3A_1864 = arith.minimumf %min3A_1862, %min3A_1863 : vector<512x512xf32>
    %min3A_1865 = vector.broadcast %get3A_1845 : vector<512x1xf32> to vector<512x512xf32>
    %min3A_1866 = vector.broadcast %slice3A_1852 : vector<1x512xf32> to vector<512x512xf32>
    %min3A_1867 = arith.minimumf %min3A_1865, %min3A_1866 : vector<512x512xf32>
    %sub3A_1868 = arith.subf %min3A_1864, %max3A_1858 : vector<512x512xf32>
    %max3A_1869 = arith.constant 0.000000e+00 : f32
    %max3A_1870 = vector.broadcast %max3A_1869 : f32 to vector<512x512xf32>
    %max3A_1871 = arith.maximumf %sub3A_1868, %max3A_1870 : vector<512x512xf32>
    %sub3A_1872 = arith.subf %min3A_1867, %max3A_1861 : vector<512x512xf32>
    %max3A_1873 = arith.constant 0.000000e+00 : f32
    %max3A_1874 = vector.broadcast %max3A_1873 : f32 to vector<512x512xf32>
    %max3A_1875 = arith.maximumf %sub3A_1872, %max3A_1874 : vector<512x512xf32>
    %mul3A_1876 = arith.mulf %max3A_1871, %max3A_1875 : vector<512x512xf32>
    %add3A_1877 = vector.broadcast %mul3A_1848 : vector<512x1xf32> to vector<512x512xf32>
    %add3A_1878 = vector.broadcast %mul3A_1855 : vector<1x512xf32> to vector<512x512xf32>
    %add3A_1879 = arith.addf %add3A_1877, %add3A_1878 : vector<512x512xf32>
    %sub3A_1880 = arith.subf %add3A_1879, %mul3A_1876 : vector<512x512xf32>
    %add3A_1881 = arith.constant 9.99999993E-9 : f32
    %add3A_1882 = vector.broadcast %add3A_1881 : f32 to vector<512x512xf32>
    %add3A_1883 = arith.addf %sub3A_1880, %add3A_1882 : vector<512x512xf32>
    %div3A_1884 = arith.divf %mul3A_1876, %add3A_1883 : vector<512x512xf32>
    %gt3A_1885 = arith.constant 1.000000e-01 : f32
    %gt3A_1886 = vector.broadcast %gt3A_1885 : f32 to vector<512x512xf32>
    %gt3A_1887 = arith.cmpf ogt, %div3A_1884, %gt3A_1886 : vector<512x512xf32>
    %jit3A_1888 = arith.constant 1.000000e+00 : f32
    %jit3A_1889 = arith.constant 0.000000e+00 : f32
    %broadcast_in_dim3A_1890 = vector.broadcast %jit3A_1888 : f32 to vector<512x512xf32>
    %broadcast_in_dim3A_1891 = vector.broadcast %jit3A_1889 : f32 to vector<512x512xf32>
    %select_n3A_1892 = arith.select %gt3A_1887, %broadcast_in_dim3A_1890, %broadcast_in_dim3A_1891 : vector<512x512xi1>, vector<512x512xf32>
    %convert_element_type3A_1893 = arith.truncf %select_n3A_1892 : vector<512x512xf32> to vector<512x512xbf16>
    %dot_general3A_1894 = arith.constant dense<0.000000e+00> : vector<1x512xf32>
    %dot_general3A_1895 = tpu.matmul %convert_element_type3A_1525, %convert_element_type3A_1893, %dot_general3A_1894 {dimension_numbers = #tpu.dot_dimension_numbers<[1], [0], [0], [1], [0, 0, 1, 1], [], []>, transpose_lhs_hint = false} : vector<1x512xbf16>, vector<512x512xbf16>, vector<1x512xf32> -> vector<1x512xf32>
    %get3A_1896 = arith.constant 0 : index
    %get3A_1897 = arith.constant 3584 : index
    %get3A_1898 = vector.load %arg3[%get3A_1896, %get3A_1897] : memref<1x5120xf32, #tpu.memory_space<vmem>>, vector<1x512xf32>
    %gt3A_1899 = arith.constant 0.000000e+00 : f32
    %gt3A_1900 = vector.broadcast %gt3A_1899 : f32 to vector<1x512xf32>
    %gt3A_1901 = arith.cmpf ogt, %dot_general3A_1895, %gt3A_1900 : vector<1x512xf32>
    %jit3A_1902 = arith.constant 0.000000e+00 : f32
    %jit3A_1903 = arith.constant 1.000000e+00 : f32
    %broadcast_in_dim3A_1904 = vector.broadcast %jit3A_1902 : f32 to vector<1x512xf32>
    %broadcast_in_dim3A_1905 = vector.broadcast %jit3A_1903 : f32 to vector<1x512xf32>
    %select_n3A_1906 = arith.select %gt3A_1901, %broadcast_in_dim3A_1904, %broadcast_in_dim3A_1905 : vector<1x512xi1>, vector<1x512xf32>
    %mul3A_1907 = arith.mulf %get3A_1898, %select_n3A_1906 : vector<1x512xf32>
    %swap3A_1908 = arith.constant 0 : index
    %swap3A_1909 = arith.constant 3584 : index
    %swap3A_1910 = vector.load %arg3[%swap3A_1908, %swap3A_1909] : memref<1x5120xf32, #tpu.memory_space<vmem>>, vector<1x512xf32>
    tpu.vector_store %arg3[%swap3A_1908, %swap3A_1909], %mul3A_1907 {strides = array<i32>} : memref<1x5120xf32, #tpu.memory_space<vmem>>, vector<1x512xf32>,
    %get3A_1911 = arith.constant 1024 : index
    %get3A_1912 = arith.constant 0 : index
    %get3A_1913 = vector.load %arg0[%get3A_1911, %get3A_1912] : memref<5120x8xf32, #tpu.memory_space<vmem>>, vector<512x1xf32>
    %get3A_1914 = arith.constant 1024 : index
    %get3A_1915 = arith.constant 1 : index
    %get3A_1916 = vector.load %arg0[%get3A_1914, %get3A_1915] : memref<5120x8xf32, #tpu.memory_space<vmem>>, vector<512x1xf32>
    %get3A_1917 = arith.constant 1024 : index
    %get3A_1918 = arith.constant 2 : index
    %get3A_1919 = vector.load %arg0[%get3A_1917, %get3A_1918] : memref<5120x8xf32, #tpu.memory_space<vmem>>, vector<512x1xf32>
    %get3A_1920 = arith.constant 1024 : index
    %get3A_1921 = arith.constant 3 : index
    %get3A_1922 = vector.load %arg0[%get3A_1920, %get3A_1921] : memref<5120x8xf32, #tpu.memory_space<vmem>>, vector<512x1xf32>
    %sub3A_1923 = arith.subf %get3A_1919, %get3A_1913 : vector<512x1xf32>
    %sub3A_1924 = arith.subf %get3A_1922, %get3A_1916 : vector<512x1xf32>
    %mul3A_1925 = arith.mulf %sub3A_1923, %sub3A_1924 : vector<512x1xf32>
    %slice3A_1926 = vector.extract_strided_slice %transpose3A {offsets = [0, 4096], sizes = [1, 512], strides = [1, 1]} : vector<8x5120xf32> to vector<1x512xf32>
    %slice3A_1927 = vector.extract_strided_slice %transpose3A {offsets = [1, 4096], sizes = [1, 512], strides = [1, 1]} : vector<8x5120xf32> to vector<1x512xf32>
    %slice3A_1928 = vector.extract_strided_slice %transpose3A {offsets = [2, 4096], sizes = [1, 512], strides = [1, 1]} : vector<8x5120xf32> to vector<1x512xf32>
    %slice3A_1929 = vector.extract_strided_slice %transpose3A {offsets = [3, 4096], sizes = [1, 512], strides = [1, 1]} : vector<8x5120xf32> to vector<1x512xf32>
    %sub3A_1930 = arith.subf %slice3A_1928, %slice3A_1926 : vector<1x512xf32>
    %sub3A_1931 = arith.subf %slice3A_1929, %slice3A_1927 : vector<1x512xf32>
    %mul3A_1932 = arith.mulf %sub3A_1930, %sub3A_1931 : vector<1x512xf32>
    %max3A_1933 = vector.broadcast %get3A_1913 : vector<512x1xf32> to vector<512x512xf32>
    %max3A_1934 = vector.broadcast %slice3A_1926 : vector<1x512xf32> to vector<512x512xf32>
    %max3A_1935 = arith.maximumf %max3A_1933, %max3A_1934 : vector<512x512xf32>
    %max3A_1936 = vector.broadcast %get3A_1916 : vector<512x1xf32> to vector<512x512xf32>
    %max3A_1937 = vector.broadcast %slice3A_1927 : vector<1x512xf32> to vector<512x512xf32>
    %max3A_1938 = arith.maximumf %max3A_1936, %max3A_1937 : vector<512x512xf32>
    %min3A_1939 = vector.broadcast %get3A_1919 : vector<512x1xf32> to vector<512x512xf32>
    %min3A_1940 = vector.broadcast %slice3A_1928 : vector<1x512xf32> to vector<512x512xf32>
    %min3A_1941 = arith.minimumf %min3A_1939, %min3A_1940 : vector<512x512xf32>
    %min3A_1942 = vector.broadcast %get3A_1922 : vector<512x1xf32> to vector<512x512xf32>
    %min3A_1943 = vector.broadcast %slice3A_1929 : vector<1x512xf32> to vector<512x512xf32>
    %min3A_1944 = arith.minimumf %min3A_1942, %min3A_1943 : vector<512x512xf32>
    %sub3A_1945 = arith.subf %min3A_1941, %max3A_1935 : vector<512x512xf32>
    %max3A_1946 = arith.constant 0.000000e+00 : f32
    %max3A_1947 = vector.broadcast %max3A_1946 : f32 to vector<512x512xf32>
    %max3A_1948 = arith.maximumf %sub3A_1945, %max3A_1947 : vector<512x512xf32>
    %sub3A_1949 = arith.subf %min3A_1944, %max3A_1938 : vector<512x512xf32>
    %max3A_1950 = arith.constant 0.000000e+00 : f32
    %max3A_1951 = vector.broadcast %max3A_1950 : f32 to vector<512x512xf32>
    %max3A_1952 = arith.maximumf %sub3A_1949, %max3A_1951 : vector<512x512xf32>
    %mul3A_1953 = arith.mulf %max3A_1948, %max3A_1952 : vector<512x512xf32>
    %add3A_1954 = vector.broadcast %mul3A_1925 : vector<512x1xf32> to vector<512x512xf32>
    %add3A_1955 = vector.broadcast %mul3A_1932 : vector<1x512xf32> to vector<512x512xf32>
    %add3A_1956 = arith.addf %add3A_1954, %add3A_1955 : vector<512x512xf32>
    %sub3A_1957 = arith.subf %add3A_1956, %mul3A_1953 : vector<512x512xf32>
    %add3A_1958 = arith.constant 9.99999993E-9 : f32
    %add3A_1959 = vector.broadcast %add3A_1958 : f32 to vector<512x512xf32>
    %add3A_1960 = arith.addf %sub3A_1957, %add3A_1959 : vector<512x512xf32>
    %div3A_1961 = arith.divf %mul3A_1953, %add3A_1960 : vector<512x512xf32>
    %gt3A_1962 = arith.constant 1.000000e-01 : f32
    %gt3A_1963 = vector.broadcast %gt3A_1962 : f32 to vector<512x512xf32>
    %gt3A_1964 = arith.cmpf ogt, %div3A_1961, %gt3A_1963 : vector<512x512xf32>
    %jit3A_1965 = arith.constant 1.000000e+00 : f32
    %jit3A_1966 = arith.constant 0.000000e+00 : f32
    %broadcast_in_dim3A_1967 = vector.broadcast %jit3A_1965 : f32 to vector<512x512xf32>
    %broadcast_in_dim3A_1968 = vector.broadcast %jit3A_1966 : f32 to vector<512x512xf32>
    %select_n3A_1969 = arith.select %gt3A_1964, %broadcast_in_dim3A_1967, %broadcast_in_dim3A_1968 : vector<512x512xi1>, vector<512x512xf32>
    %convert_element_type3A_1970 = arith.truncf %select_n3A_1969 : vector<512x512xf32> to vector<512x512xbf16>
    %dot_general3A_1971 = arith.constant dense<0.000000e+00> : vector<1x512xf32>
    %dot_general3A_1972 = tpu.matmul %convert_element_type3A_1525, %convert_element_type3A_1970, %dot_general3A_1971 {dimension_numbers = #tpu.dot_dimension_numbers<[1], [0], [0], [1], [0, 0, 1, 1], [], []>, transpose_lhs_hint = false} : vector<1x512xbf16>, vector<512x512xbf16>, vector<1x512xf32> -> vector<1x512xf32>
    %get3A_1973 = arith.constant 0 : index
    %get3A_1974 = arith.constant 4096 : index
    %get3A_1975 = vector.load %arg3[%get3A_1973, %get3A_1974] : memref<1x5120xf32, #tpu.memory_space<vmem>>, vector<1x512xf32>
    %gt3A_1976 = arith.constant 0.000000e+00 : f32
    %gt3A_1977 = vector.broadcast %gt3A_1976 : f32 to vector<1x512xf32>
    %gt3A_1978 = arith.cmpf ogt, %dot_general3A_1972, %gt3A_1977 : vector<1x512xf32>
    %jit3A_1979 = arith.constant 0.000000e+00 : f32
    %jit3A_1980 = arith.constant 1.000000e+00 : f32
    %broadcast_in_dim3A_1981 = vector.broadcast %jit3A_1979 : f32 to vector<1x512xf32>
    %broadcast_in_dim3A_1982 = vector.broadcast %jit3A_1980 : f32 to vector<1x512xf32>
    %select_n3A_1983 = arith.select %gt3A_1978, %broadcast_in_dim3A_1981, %broadcast_in_dim3A_1982 : vector<1x512xi1>, vector<1x512xf32>
    %mul3A_1984 = arith.mulf %get3A_1975, %select_n3A_1983 : vector<1x512xf32>
    %swap3A_1985 = arith.constant 0 : index
    %swap3A_1986 = arith.constant 4096 : index
    %swap3A_1987 = vector.load %arg3[%swap3A_1985, %swap3A_1986] : memref<1x5120xf32, #tpu.memory_space<vmem>>, vector<1x512xf32>
    tpu.vector_store %arg3[%swap3A_1985, %swap3A_1986], %mul3A_1984 {strides = array<i32>} : memref<1x5120xf32, #tpu.memory_space<vmem>>, vector<1x512xf32>,
    %get3A_1988 = arith.constant 1024 : index
    %get3A_1989 = arith.constant 0 : index
    %get3A_1990 = vector.load %arg0[%get3A_1988, %get3A_1989] : memref<5120x8xf32, #tpu.memory_space<vmem>>, vector<512x1xf32>
    %get3A_1991 = arith.constant 1024 : index
    %get3A_1992 = arith.constant 1 : index
    %get3A_1993 = vector.load %arg0[%get3A_1991, %get3A_1992] : memref<5120x8xf32, #tpu.memory_space<vmem>>, vector<512x1xf32>
    %get3A_1994 = arith.constant 1024 : index
    %get3A_1995 = arith.constant 2 : index
    %get3A_1996 = vector.load %arg0[%get3A_1994, %get3A_1995] : memref<5120x8xf32, #tpu.memory_space<vmem>>, vector<512x1xf32>
    %get3A_1997 = arith.constant 1024 : index
    %get3A_1998 = arith.constant 3 : index
    %get3A_1999 = vector.load %arg0[%get3A_1997, %get3A_1998] : memref<5120x8xf32, #tpu.memory_space<vmem>>, vector<512x1xf32>
    %sub3A_2000 = arith.subf %get3A_1996, %get3A_1990 : vector<512x1xf32>
    %sub3A_2001 = arith.subf %get3A_1999, %get3A_1993 : vector<512x1xf32>
    %mul3A_2002 = arith.mulf %sub3A_2000, %sub3A_2001 : vector<512x1xf32>
    %slice3A_2003 = vector.extract_strided_slice %transpose3A {offsets = [0, 4608], sizes = [1, 512], strides = [1, 1]} : vector<8x5120xf32> to vector<1x512xf32>
    %slice3A_2004 = vector.extract_strided_slice %transpose3A {offsets = [1, 4608], sizes = [1, 512], strides = [1, 1]} : vector<8x5120xf32> to vector<1x512xf32>
    %slice3A_2005 = vector.extract_strided_slice %transpose3A {offsets = [2, 4608], sizes = [1, 512], strides = [1, 1]} : vector<8x5120xf32> to vector<1x512xf32>
    %slice3A_2006 = vector.extract_strided_slice %transpose3A {offsets = [3, 4608], sizes = [1, 512], strides = [1, 1]} : vector<8x5120xf32> to vector<1x512xf32>
    %sub3A_2007 = arith.subf %slice3A_2005, %slice3A_2003 : vector<1x512xf32>
    %sub3A_2008 = arith.subf %slice3A_2006, %slice3A_2004 : vector<1x512xf32>
    %mul3A_2009 = arith.mulf %sub3A_2007, %sub3A_2008 : vector<1x512xf32>
    %max3A_2010 = vector.broadcast %get3A_1990 : vector<512x1xf32> to vector<512x512xf32>
    %max3A_2011 = vector.broadcast %slice3A_2003 : vector<1x512xf32> to vector<512x512xf32>
    %max3A_2012 = arith.maximumf %max3A_2010, %max3A_2011 : vector<512x512xf32>
    %max3A_2013 = vector.broadcast %get3A_1993 : vector<512x1xf32> to vector<512x512xf32>
    %max3A_2014 = vector.broadcast %slice3A_2004 : vector<1x512xf32> to vector<512x512xf32>
    %max3A_2015 = arith.maximumf %max3A_2013, %max3A_2014 : vector<512x512xf32>
    %min3A_2016 = vector.broadcast %get3A_1996 : vector<512x1xf32> to vector<512x512xf32>
    %min3A_2017 = vector.broadcast %slice3A_2005 : vector<1x512xf32> to vector<512x512xf32>
    %min3A_2018 = arith.minimumf %min3A_2016, %min3A_2017 : vector<512x512xf32>
    %min3A_2019 = vector.broadcast %get3A_1999 : vector<512x1xf32> to vector<512x512xf32>
    %min3A_2020 = vector.broadcast %slice3A_2006 : vector<1x512xf32> to vector<512x512xf32>
    %min3A_2021 = arith.minimumf %min3A_2019, %min3A_2020 : vector<512x512xf32>
    %sub3A_2022 = arith.subf %min3A_2018, %max3A_2012 : vector<512x512xf32>
    %max3A_2023 = arith.constant 0.000000e+00 : f32
    %max3A_2024 = vector.broadcast %max3A_2023 : f32 to vector<512x512xf32>
    %max3A_2025 = arith.maximumf %sub3A_2022, %max3A_2024 : vector<512x512xf32>
    %sub3A_2026 = arith.subf %min3A_2021, %max3A_2015 : vector<512x512xf32>
    %max3A_2027 = arith.constant 0.000000e+00 : f32
    %max3A_2028 = vector.broadcast %max3A_2027 : f32 to vector<512x512xf32>
    %max3A_2029 = arith.maximumf %sub3A_2026, %max3A_2028 : vector<512x512xf32>
    %mul3A_2030 = arith.mulf %max3A_2025, %max3A_2029 : vector<512x512xf32>
    %add3A_2031 = vector.broadcast %mul3A_2002 : vector<512x1xf32> to vector<512x512xf32>
    %add3A_2032 = vector.broadcast %mul3A_2009 : vector<1x512xf32> to vector<512x512xf32>
    %add3A_2033 = arith.addf %add3A_2031, %add3A_2032 : vector<512x512xf32>
    %sub3A_2034 = arith.subf %add3A_2033, %mul3A_2030 : vector<512x512xf32>
    %add3A_2035 = arith.constant 9.99999993E-9 : f32
    %add3A_2036 = vector.broadcast %add3A_2035 : f32 to vector<512x512xf32>
    %add3A_2037 = arith.addf %sub3A_2034, %add3A_2036 : vector<512x512xf32>
    %div3A_2038 = arith.divf %mul3A_2030, %add3A_2037 : vector<512x512xf32>
    %gt3A_2039 = arith.constant 1.000000e-01 : f32
    %gt3A_2040 = vector.broadcast %gt3A_2039 : f32 to vector<512x512xf32>
    %gt3A_2041 = arith.cmpf ogt, %div3A_2038, %gt3A_2040 : vector<512x512xf32>
    %jit3A_2042 = arith.constant 1.000000e+00 : f32
    %jit3A_2043 = arith.constant 0.000000e+00 : f32
    %broadcast_in_dim3A_2044 = vector.broadcast %jit3A_2042 : f32 to vector<512x512xf32>
    %broadcast_in_dim3A_2045 = vector.broadcast %jit3A_2043 : f32 to vector<512x512xf32>
    %select_n3A_2046 = arith.select %gt3A_2041, %broadcast_in_dim3A_2044, %broadcast_in_dim3A_2045 : vector<512x512xi1>, vector<512x512xf32>
    %convert_element_type3A_2047 = arith.truncf %select_n3A_2046 : vector<512x512xf32> to vector<512x512xbf16>
    %dot_general3A_2048 = arith.constant dense<0.000000e+00> : vector<1x512xf32>
    %dot_general3A_2049 = tpu.matmul %convert_element_type3A_1525, %convert_element_type3A_2047, %dot_general3A_2048 {dimension_numbers = #tpu.dot_dimension_numbers<[1], [0], [0], [1], [0, 0, 1, 1], [], []>, transpose_lhs_hint = false} : vector<1x512xbf16>, vector<512x512xbf16>, vector<1x512xf32> -> vector<1x512xf32>
    %get3A_2050 = arith.constant 0 : index
    %get3A_2051 = arith.constant 4608 : index
    %get3A_2052 = vector.load %arg3[%get3A_2050, %get3A_2051] : memref<1x5120xf32, #tpu.memory_space<vmem>>, vector<1x512xf32>
    %gt3A_2053 = arith.constant 0.000000e+00 : f32
    %gt3A_2054 = vector.broadcast %gt3A_2053 : f32 to vector<1x512xf32>
    %gt3A_2055 = arith.cmpf ogt, %dot_general3A_2049, %gt3A_2054 : vector<1x512xf32>
    %jit3A_2056 = arith.constant 0.000000e+00 : f32
    %jit3A_2057 = arith.constant 1.000000e+00 : f32
    %broadcast_in_dim3A_2058 = vector.broadcast %jit3A_2056 : f32 to vector<1x512xf32>
    %broadcast_in_dim3A_2059 = vector.broadcast %jit3A_2057 : f32 to vector<1x512xf32>
    %select_n3A_2060 = arith.select %gt3A_2055, %broadcast_in_dim3A_2058, %broadcast_in_dim3A_2059 : vector<1x512xi1>, vector<1x512xf32>
    %mul3A_2061 = arith.mulf %get3A_2052, %select_n3A_2060 : vector<1x512xf32>
    %swap3A_2062 = arith.constant 0 : index
    %swap3A_2063 = arith.constant 4608 : index
    %swap3A_2064 = vector.load %arg3[%swap3A_2062, %swap3A_2063] : memref<1x5120xf32, #tpu.memory_space<vmem>>, vector<1x512xf32>
    tpu.vector_store %arg3[%swap3A_2062, %swap3A_2063], %mul3A_2061 {strides = array<i32>} : memref<1x5120xf32, #tpu.memory_space<vmem>>, vector<1x512xf32>,
    %iota3A_2065 = tpu.iota {dimensions = array<i32: 0>} : vector<512x512xi32>
    %iota3A_2066 = tpu.iota {dimensions = array<i32: 1>} : vector<512x512xi32>
    %lt3A_2067 = arith.cmpi slt, %iota3A_2065, %iota3A_2066 : vector<512x512xi32>
    %get3A_2068 = arith.constant 1536 : index
    %get3A_2069 = arith.constant 0 : index
    %get3A_2070 = vector.load %arg0[%get3A_2068, %get3A_2069] : memref<5120x8xf32, #tpu.memory_space<vmem>>, vector<512x1xf32>
    %get3A_2071 = arith.constant 1536 : index
    %get3A_2072 = arith.constant 1 : index
    %get3A_2073 = vector.load %arg0[%get3A_2071, %get3A_2072] : memref<5120x8xf32, #tpu.memory_space<vmem>>, vector<512x1xf32>
    %get3A_2074 = arith.constant 1536 : index
    %get3A_2075 = arith.constant 2 : index
    %get3A_2076 = vector.load %arg0[%get3A_2074, %get3A_2075] : memref<5120x8xf32, #tpu.memory_space<vmem>>, vector<512x1xf32>
    %get3A_2077 = arith.constant 1536 : index
    %get3A_2078 = arith.constant 3 : index
    %get3A_2079 = vector.load %arg0[%get3A_2077, %get3A_2078] : memref<5120x8xf32, #tpu.memory_space<vmem>>, vector<512x1xf32>
    %sub3A_2080 = arith.subf %get3A_2076, %get3A_2070 : vector<512x1xf32>
    %sub3A_2081 = arith.subf %get3A_2079, %get3A_2073 : vector<512x1xf32>
    %mul3A_2082 = arith.mulf %sub3A_2080, %sub3A_2081 : vector<512x1xf32>
    %slice3A_2083 = vector.extract_strided_slice %transpose3A {offsets = [0, 1536], sizes = [1, 512], strides = [1, 1]} : vector<8x5120xf32> to vector<1x512xf32>
    %slice3A_2084 = vector.extract_strided_slice %transpose3A {offsets = [1, 1536], sizes = [1, 512], strides = [1, 1]} : vector<8x5120xf32> to vector<1x512xf32>
    %slice3A_2085 = vector.extract_strided_slice %transpose3A {offsets = [2, 1536], sizes = [1, 512], strides = [1, 1]} : vector<8x5120xf32> to vector<1x512xf32>
    %slice3A_2086 = vector.extract_strided_slice %transpose3A {offsets = [3, 1536], sizes = [1, 512], strides = [1, 1]} : vector<8x5120xf32> to vector<1x512xf32>
    %sub3A_2087 = arith.subf %slice3A_2085, %slice3A_2083 : vector<1x512xf32>
    %sub3A_2088 = arith.subf %slice3A_2086, %slice3A_2084 : vector<1x512xf32>
    %mul3A_2089 = arith.mulf %sub3A_2087, %sub3A_2088 : vector<1x512xf32>
    %max3A_2090 = vector.broadcast %get3A_2070 : vector<512x1xf32> to vector<512x512xf32>
    %max3A_2091 = vector.broadcast %slice3A_2083 : vector<1x512xf32> to vector<512x512xf32>
    %max3A_2092 = arith.maximumf %max3A_2090, %max3A_2091 : vector<512x512xf32>
    %max3A_2093 = vector.broadcast %get3A_2073 : vector<512x1xf32> to vector<512x512xf32>
    %max3A_2094 = vector.broadcast %slice3A_2084 : vector<1x512xf32> to vector<512x512xf32>
    %max3A_2095 = arith.maximumf %max3A_2093, %max3A_2094 : vector<512x512xf32>
    %min3A_2096 = vector.broadcast %get3A_2076 : vector<512x1xf32> to vector<512x512xf32>
    %min3A_2097 = vector.broadcast %slice3A_2085 : vector<1x512xf32> to vector<512x512xf32>
    %min3A_2098 = arith.minimumf %min3A_2096, %min3A_2097 : vector<512x512xf32>
    %min3A_2099 = vector.broadcast %get3A_2079 : vector<512x1xf32> to vector<512x512xf32>
    %min3A_2100 = vector.broadcast %slice3A_2086 : vector<1x512xf32> to vector<512x512xf32>
    %min3A_2101 = arith.minimumf %min3A_2099, %min3A_2100 : vector<512x512xf32>
    %sub3A_2102 = arith.subf %min3A_2098, %max3A_2092 : vector<512x512xf32>
    %max3A_2103 = arith.constant 0.000000e+00 : f32
    %max3A_2104 = vector.broadcast %max3A_2103 : f32 to vector<512x512xf32>
    %max3A_2105 = arith.maximumf %sub3A_2102, %max3A_2104 : vector<512x512xf32>
    %sub3A_2106 = arith.subf %min3A_2101, %max3A_2095 : vector<512x512xf32>
    %max3A_2107 = arith.constant 0.000000e+00 : f32
    %max3A_2108 = vector.broadcast %max3A_2107 : f32 to vector<512x512xf32>
    %max3A_2109 = arith.maximumf %sub3A_2106, %max3A_2108 : vector<512x512xf32>
    %mul3A_2110 = arith.mulf %max3A_2105, %max3A_2109 : vector<512x512xf32>
    %add3A_2111 = vector.broadcast %mul3A_2082 : vector<512x1xf32> to vector<512x512xf32>
    %add3A_2112 = vector.broadcast %mul3A_2089 : vector<1x512xf32> to vector<512x512xf32>
    %add3A_2113 = arith.addf %add3A_2111, %add3A_2112 : vector<512x512xf32>
    %sub3A_2114 = arith.subf %add3A_2113, %mul3A_2110 : vector<512x512xf32>
    %add3A_2115 = arith.constant 9.99999993E-9 : f32
    %add3A_2116 = vector.broadcast %add3A_2115 : f32 to vector<512x512xf32>
    %add3A_2117 = arith.addf %sub3A_2114, %add3A_2116 : vector<512x512xf32>
    %div3A_2118 = arith.divf %mul3A_2110, %add3A_2117 : vector<512x512xf32>
    %gt3A_2119 = arith.constant 1.000000e-01 : f32
    %gt3A_2120 = vector.broadcast %gt3A_2119 : f32 to vector<512x512xf32>
    %gt3A_2121 = arith.cmpf ogt, %div3A_2118, %gt3A_2120 : vector<512x512xf32>
    %and3A_2122 = arith.andi %gt3A_2121, %lt3A_2067 : vector<512x512xi1>
    %jit3A_2123 = arith.constant 1.000000e+00 : f32
    %jit3A_2124 = arith.constant 0.000000e+00 : f32
    %broadcast_in_dim3A_2125 = vector.broadcast %jit3A_2123 : f32 to vector<512x512xf32>
    %broadcast_in_dim3A_2126 = vector.broadcast %jit3A_2124 : f32 to vector<512x512xf32>
    %select_n3A_2127 = arith.select %and3A_2122, %broadcast_in_dim3A_2125, %broadcast_in_dim3A_2126 : vector<512x512xi1>, vector<512x512xf32>
    %convert_element_type3A_2128 = arith.truncf %select_n3A_2127 : vector<512x512xf32> to vector<512x512xbf16>
    %swap3A_2129 = arith.constant 0 : index
    %swap3A_2130 = arith.constant 0 : index
    %swap3A_2131 = vector.load %arg2[%swap3A_2129, %swap3A_2130] : memref<512x512xbf16, #tpu.memory_space<vmem>>, vector<512x512xbf16>
    tpu.vector_store %arg2[%swap3A_2129, %swap3A_2130], %convert_element_type3A_2128 {strides = array<i32>} : memref<512x512xbf16, #tpu.memory_space<vmem>>, vector<512x512xbf16>,
    %get3A_2132 = arith.constant 0 : index
    %get3A_2133 = arith.constant 1536 : index
    %get3A_2134 = vector.load %arg3[%get3A_2132, %get3A_2133] : memref<1x5120xf32, #tpu.memory_space<vmem>>, vector<1x512xf32>
    %while3A_2135 = arith.constant true
    %while3A_2136:2 = scf.while (%while3A_4411 = %get3A_2134, %while3A_4412 = %while3A_2135) : (vector<1x512xf32>, i1) -> (vector<1x512xf32>, i1) {
      scf.condition(%while3A_4412) %while3A_4411, %while3A_4412 : vector<1x512xf32>, i1
    } do {
    ^bb0(%while3A_4411: vector<1x512xf32>, %while3A_4412: i1):
      %convert_element_type3A_4413 = arith.truncf %while3A_4411 : vector<1x512xf32> to vector<1x512xbf16>
      %get3A_4414 = arith.constant 0 : index
      %get3A_4415 = arith.constant 0 : index
      %get3A_4416 = vector.load %arg2[%get3A_4414, %get3A_4415] : memref<512x512xbf16, #tpu.memory_space<vmem>>, vector<512x512xbf16>
      %dot_general3A_4417 = arith.constant dense<0.000000e+00> : vector<1x512xf32>
      %dot_general3A_4418 = tpu.matmul %convert_element_type3A_4413, %get3A_4416, %dot_general3A_4417 {dimension_numbers = #tpu.dot_dimension_numbers<[1], [0], [0], [1], [0, 0, 1, 1], [], []>, transpose_lhs_hint = false} : vector<1x512xbf16>, vector<512x512xbf16>, vector<1x512xf32> -> vector<1x512xf32>
      %gt3A_4419 = arith.constant 0.000000e+00 : f32
      %gt3A_4420 = vector.broadcast %gt3A_4419 : f32 to vector<1x512xf32>
      %gt3A_4421 = arith.cmpf ogt, %dot_general3A_4418, %gt3A_4420 : vector<1x512xf32>
      %jit3A_4422 = arith.constant 0.000000e+00 : f32
      %broadcast_in_dim3A_4423 = vector.broadcast %jit3A_4422 : f32 to vector<1x512xf32>
      %select_n3A_4424 = arith.select %gt3A_4421, %broadcast_in_dim3A_4423, %get3A_2134 : vector<1x512xi1>, vector<1x512xf32>
      %ne3A = arith.cmpf one, %select_n3A_4424, %while3A_4411 : vector<1x512xf32>
      %reduce_or3A = arith.constant 1.000000e+00 : f32
      %reduce_or3A_4425 = arith.constant 0.000000e+00 : f32
      %reduce_or3A_4426 = vector.broadcast %reduce_or3A : f32 to vector<1x512xf32>
      %reduce_or3A_4427 = vector.broadcast %reduce_or3A_4425 : f32 to vector<1x512xf32>
      %reduce_or3A_4428 = arith.select %ne3A, %reduce_or3A_4426, %reduce_or3A_4427 : vector<1x512xi1>, vector<1x512xf32>
      %reduce_or3A_4429 = vector.shape_cast %reduce_or3A_4428 : vector<1x512xf32> to vector<1x1x512xf32>
      %reduce_or3A_4430 = arith.constant dense<0xFF800000> : vector<1xf32>
      %reduce_or3A_4431 = vector.multi_reduction <maximumf>, %reduce_or3A_4429, %reduce_or3A_4430 [1, 2] : vector<1x1x512xf32> to vector<1xf32>
      %reduce_or3A_4432 = vector.shape_cast %reduce_or3A_4431 : vector<1xf32> to vector<1x1x1xf32>
      %reduce_or3A_4433 = vector.extract %reduce_or3A_4432[0, 0, 0] : f32 from vector<1x1x1xf32>
      %reduce_or3A_4434 = arith.constant 0.000000e+00 : f32
      %reduce_or3A_4435 = arith.cmpf ogt, %reduce_or3A_4433, %reduce_or3A_4434 : f32
      scf.yield %select_n3A_4424, %reduce_or3A_4435 : vector<1x512xf32>, i1
    }
    %swap3A_2137 = arith.constant 0 : index
    %swap3A_2138 = arith.constant 1536 : index
    %swap3A_2139 = vector.load %arg3[%swap3A_2137, %swap3A_2138] : memref<1x5120xf32, #tpu.memory_space<vmem>>, vector<1x512xf32>
    tpu.vector_store %arg3[%swap3A_2137, %swap3A_2138], %while3A_2136#0 {strides = array<i32>} : memref<1x5120xf32, #tpu.memory_space<vmem>>, vector<1x512xf32>,
    %convert_element_type3A_2140 = arith.truncf %while3A_2136#0 : vector<1x512xf32> to vector<1x512xbf16>
    %get3A_2141 = arith.constant 1536 : index
    %get3A_2142 = arith.constant 0 : index
    %get3A_2143 = vector.load %arg0[%get3A_2141, %get3A_2142] : memref<5120x8xf32, #tpu.memory_space<vmem>>, vector<512x1xf32>
    %get3A_2144 = arith.constant 1536 : index
    %get3A_2145 = arith.constant 1 : index
    %get3A_2146 = vector.load %arg0[%get3A_2144, %get3A_2145] : memref<5120x8xf32, #tpu.memory_space<vmem>>, vector<512x1xf32>
    %get3A_2147 = arith.constant 1536 : index
    %get3A_2148 = arith.constant 2 : index
    %get3A_2149 = vector.load %arg0[%get3A_2147, %get3A_2148] : memref<5120x8xf32, #tpu.memory_space<vmem>>, vector<512x1xf32>
    %get3A_2150 = arith.constant 1536 : index
    %get3A_2151 = arith.constant 3 : index
    %get3A_2152 = vector.load %arg0[%get3A_2150, %get3A_2151] : memref<5120x8xf32, #tpu.memory_space<vmem>>, vector<512x1xf32>
    %sub3A_2153 = arith.subf %get3A_2149, %get3A_2143 : vector<512x1xf32>
    %sub3A_2154 = arith.subf %get3A_2152, %get3A_2146 : vector<512x1xf32>
    %mul3A_2155 = arith.mulf %sub3A_2153, %sub3A_2154 : vector<512x1xf32>
    %slice3A_2156 = vector.extract_strided_slice %transpose3A {offsets = [0, 2048], sizes = [1, 512], strides = [1, 1]} : vector<8x5120xf32> to vector<1x512xf32>
    %slice3A_2157 = vector.extract_strided_slice %transpose3A {offsets = [1, 2048], sizes = [1, 512], strides = [1, 1]} : vector<8x5120xf32> to vector<1x512xf32>
    %slice3A_2158 = vector.extract_strided_slice %transpose3A {offsets = [2, 2048], sizes = [1, 512], strides = [1, 1]} : vector<8x5120xf32> to vector<1x512xf32>
    %slice3A_2159 = vector.extract_strided_slice %transpose3A {offsets = [3, 2048], sizes = [1, 512], strides = [1, 1]} : vector<8x5120xf32> to vector<1x512xf32>
    %sub3A_2160 = arith.subf %slice3A_2158, %slice3A_2156 : vector<1x512xf32>
    %sub3A_2161 = arith.subf %slice3A_2159, %slice3A_2157 : vector<1x512xf32>
    %mul3A_2162 = arith.mulf %sub3A_2160, %sub3A_2161 : vector<1x512xf32>
    %max3A_2163 = vector.broadcast %get3A_2143 : vector<512x1xf32> to vector<512x512xf32>
    %max3A_2164 = vector.broadcast %slice3A_2156 : vector<1x512xf32> to vector<512x512xf32>
    %max3A_2165 = arith.maximumf %max3A_2163, %max3A_2164 : vector<512x512xf32>
    %max3A_2166 = vector.broadcast %get3A_2146 : vector<512x1xf32> to vector<512x512xf32>
    %max3A_2167 = vector.broadcast %slice3A_2157 : vector<1x512xf32> to vector<512x512xf32>
    %max3A_2168 = arith.maximumf %max3A_2166, %max3A_2167 : vector<512x512xf32>
    %min3A_2169 = vector.broadcast %get3A_2149 : vector<512x1xf32> to vector<512x512xf32>
    %min3A_2170 = vector.broadcast %slice3A_2158 : vector<1x512xf32> to vector<512x512xf32>
    %min3A_2171 = arith.minimumf %min3A_2169, %min3A_2170 : vector<512x512xf32>
    %min3A_2172 = vector.broadcast %get3A_2152 : vector<512x1xf32> to vector<512x512xf32>
    %min3A_2173 = vector.broadcast %slice3A_2159 : vector<1x512xf32> to vector<512x512xf32>
    %min3A_2174 = arith.minimumf %min3A_2172, %min3A_2173 : vector<512x512xf32>
    %sub3A_2175 = arith.subf %min3A_2171, %max3A_2165 : vector<512x512xf32>
    %max3A_2176 = arith.constant 0.000000e+00 : f32
    %max3A_2177 = vector.broadcast %max3A_2176 : f32 to vector<512x512xf32>
    %max3A_2178 = arith.maximumf %sub3A_2175, %max3A_2177 : vector<512x512xf32>
    %sub3A_2179 = arith.subf %min3A_2174, %max3A_2168 : vector<512x512xf32>
    %max3A_2180 = arith.constant 0.000000e+00 : f32
    %max3A_2181 = vector.broadcast %max3A_2180 : f32 to vector<512x512xf32>
    %max3A_2182 = arith.maximumf %sub3A_2179, %max3A_2181 : vector<512x512xf32>
    %mul3A_2183 = arith.mulf %max3A_2178, %max3A_2182 : vector<512x512xf32>
    %add3A_2184 = vector.broadcast %mul3A_2155 : vector<512x1xf32> to vector<512x512xf32>
    %add3A_2185 = vector.broadcast %mul3A_2162 : vector<1x512xf32> to vector<512x512xf32>
    %add3A_2186 = arith.addf %add3A_2184, %add3A_2185 : vector<512x512xf32>
    %sub3A_2187 = arith.subf %add3A_2186, %mul3A_2183 : vector<512x512xf32>
    %add3A_2188 = arith.constant 9.99999993E-9 : f32
    %add3A_2189 = vector.broadcast %add3A_2188 : f32 to vector<512x512xf32>
    %add3A_2190 = arith.addf %sub3A_2187, %add3A_2189 : vector<512x512xf32>
    %div3A_2191 = arith.divf %mul3A_2183, %add3A_2190 : vector<512x512xf32>
    %gt3A_2192 = arith.constant 1.000000e-01 : f32
    %gt3A_2193 = vector.broadcast %gt3A_2192 : f32 to vector<512x512xf32>
    %gt3A_2194 = arith.cmpf ogt, %div3A_2191, %gt3A_2193 : vector<512x512xf32>
    %jit3A_2195 = arith.constant 1.000000e+00 : f32
    %jit3A_2196 = arith.constant 0.000000e+00 : f32
    %broadcast_in_dim3A_2197 = vector.broadcast %jit3A_2195 : f32 to vector<512x512xf32>
    %broadcast_in_dim3A_2198 = vector.broadcast %jit3A_2196 : f32 to vector<512x512xf32>
    %select_n3A_2199 = arith.select %gt3A_2194, %broadcast_in_dim3A_2197, %broadcast_in_dim3A_2198 : vector<512x512xi1>, vector<512x512xf32>
    %convert_element_type3A_2200 = arith.truncf %select_n3A_2199 : vector<512x512xf32> to vector<512x512xbf16>
    %dot_general3A_2201 = arith.constant dense<0.000000e+00> : vector<1x512xf32>
    %dot_general3A_2202 = tpu.matmul %convert_element_type3A_2140, %convert_element_type3A_2200, %dot_general3A_2201 {dimension_numbers = #tpu.dot_dimension_numbers<[1], [0], [0], [1], [0, 0, 1, 1], [], []>, transpose_lhs_hint = false} : vector<1x512xbf16>, vector<512x512xbf16>, vector<1x512xf32> -> vector<1x512xf32>
    %get3A_2203 = arith.constant 0 : index
    %get3A_2204 = arith.constant 2048 : index
    %get3A_2205 = vector.load %arg3[%get3A_2203, %get3A_2204] : memref<1x5120xf32, #tpu.memory_space<vmem>>, vector<1x512xf32>
    %gt3A_2206 = arith.constant 0.000000e+00 : f32
    %gt3A_2207 = vector.broadcast %gt3A_2206 : f32 to vector<1x512xf32>
    %gt3A_2208 = arith.cmpf ogt, %dot_general3A_2202, %gt3A_2207 : vector<1x512xf32>
    %jit3A_2209 = arith.constant 0.000000e+00 : f32
    %jit3A_2210 = arith.constant 1.000000e+00 : f32
    %broadcast_in_dim3A_2211 = vector.broadcast %jit3A_2209 : f32 to vector<1x512xf32>
    %broadcast_in_dim3A_2212 = vector.broadcast %jit3A_2210 : f32 to vector<1x512xf32>
    %select_n3A_2213 = arith.select %gt3A_2208, %broadcast_in_dim3A_2211, %broadcast_in_dim3A_2212 : vector<1x512xi1>, vector<1x512xf32>
    %mul3A_2214 = arith.mulf %get3A_2205, %select_n3A_2213 : vector<1x512xf32>
    %swap3A_2215 = arith.constant 0 : index
    %swap3A_2216 = arith.constant 2048 : index
    %swap3A_2217 = vector.load %arg3[%swap3A_2215, %swap3A_2216] : memref<1x5120xf32, #tpu.memory_space<vmem>>, vector<1x512xf32>
    tpu.vector_store %arg3[%swap3A_2215, %swap3A_2216], %mul3A_2214 {strides = array<i32>} : memref<1x5120xf32, #tpu.memory_space<vmem>>, vector<1x512xf32>,
    %get3A_2218 = arith.constant 1536 : index
    %get3A_2219 = arith.constant 0 : index
    %get3A_2220 = vector.load %arg0[%get3A_2218, %get3A_2219] : memref<5120x8xf32, #tpu.memory_space<vmem>>, vector<512x1xf32>
    %get3A_2221 = arith.constant 1536 : index
    %get3A_2222 = arith.constant 1 : index
    %get3A_2223 = vector.load %arg0[%get3A_2221, %get3A_2222] : memref<5120x8xf32, #tpu.memory_space<vmem>>, vector<512x1xf32>
    %get3A_2224 = arith.constant 1536 : index
    %get3A_2225 = arith.constant 2 : index
    %get3A_2226 = vector.load %arg0[%get3A_2224, %get3A_2225] : memref<5120x8xf32, #tpu.memory_space<vmem>>, vector<512x1xf32>
    %get3A_2227 = arith.constant 1536 : index
    %get3A_2228 = arith.constant 3 : index
    %get3A_2229 = vector.load %arg0[%get3A_2227, %get3A_2228] : memref<5120x8xf32, #tpu.memory_space<vmem>>, vector<512x1xf32>
    %sub3A_2230 = arith.subf %get3A_2226, %get3A_2220 : vector<512x1xf32>
    %sub3A_2231 = arith.subf %get3A_2229, %get3A_2223 : vector<512x1xf32>
    %mul3A_2232 = arith.mulf %sub3A_2230, %sub3A_2231 : vector<512x1xf32>
    %slice3A_2233 = vector.extract_strided_slice %transpose3A {offsets = [0, 2560], sizes = [1, 512], strides = [1, 1]} : vector<8x5120xf32> to vector<1x512xf32>
    %slice3A_2234 = vector.extract_strided_slice %transpose3A {offsets = [1, 2560], sizes = [1, 512], strides = [1, 1]} : vector<8x5120xf32> to vector<1x512xf32>
    %slice3A_2235 = vector.extract_strided_slice %transpose3A {offsets = [2, 2560], sizes = [1, 512], strides = [1, 1]} : vector<8x5120xf32> to vector<1x512xf32>
    %slice3A_2236 = vector.extract_strided_slice %transpose3A {offsets = [3, 2560], sizes = [1, 512], strides = [1, 1]} : vector<8x5120xf32> to vector<1x512xf32>
    %sub3A_2237 = arith.subf %slice3A_2235, %slice3A_2233 : vector<1x512xf32>
    %sub3A_2238 = arith.subf %slice3A_2236, %slice3A_2234 : vector<1x512xf32>
    %mul3A_2239 = arith.mulf %sub3A_2237, %sub3A_2238 : vector<1x512xf32>
    %max3A_2240 = vector.broadcast %get3A_2220 : vector<512x1xf32> to vector<512x512xf32>
    %max3A_2241 = vector.broadcast %slice3A_2233 : vector<1x512xf32> to vector<512x512xf32>
    %max3A_2242 = arith.maximumf %max3A_2240, %max3A_2241 : vector<512x512xf32>
    %max3A_2243 = vector.broadcast %get3A_2223 : vector<512x1xf32> to vector<512x512xf32>
    %max3A_2244 = vector.broadcast %slice3A_2234 : vector<1x512xf32> to vector<512x512xf32>
    %max3A_2245 = arith.maximumf %max3A_2243, %max3A_2244 : vector<512x512xf32>
    %min3A_2246 = vector.broadcast %get3A_2226 : vector<512x1xf32> to vector<512x512xf32>
    %min3A_2247 = vector.broadcast %slice3A_2235 : vector<1x512xf32> to vector<512x512xf32>
    %min3A_2248 = arith.minimumf %min3A_2246, %min3A_2247 : vector<512x512xf32>
    %min3A_2249 = vector.broadcast %get3A_2229 : vector<512x1xf32> to vector<512x512xf32>
    %min3A_2250 = vector.broadcast %slice3A_2236 : vector<1x512xf32> to vector<512x512xf32>
    %min3A_2251 = arith.minimumf %min3A_2249, %min3A_2250 : vector<512x512xf32>
    %sub3A_2252 = arith.subf %min3A_2248, %max3A_2242 : vector<512x512xf32>
    %max3A_2253 = arith.constant 0.000000e+00 : f32
    %max3A_2254 = vector.broadcast %max3A_2253 : f32 to vector<512x512xf32>
    %max3A_2255 = arith.maximumf %sub3A_2252, %max3A_2254 : vector<512x512xf32>
    %sub3A_2256 = arith.subf %min3A_2251, %max3A_2245 : vector<512x512xf32>
    %max3A_2257 = arith.constant 0.000000e+00 : f32
    %max3A_2258 = vector.broadcast %max3A_2257 : f32 to vector<512x512xf32>
    %max3A_2259 = arith.maximumf %sub3A_2256, %max3A_2258 : vector<512x512xf32>
    %mul3A_2260 = arith.mulf %max3A_2255, %max3A_2259 : vector<512x512xf32>
    %add3A_2261 = vector.broadcast %mul3A_2232 : vector<512x1xf32> to vector<512x512xf32>
    %add3A_2262 = vector.broadcast %mul3A_2239 : vector<1x512xf32> to vector<512x512xf32>
    %add3A_2263 = arith.addf %add3A_2261, %add3A_2262 : vector<512x512xf32>
    %sub3A_2264 = arith.subf %add3A_2263, %mul3A_2260 : vector<512x512xf32>
    %add3A_2265 = arith.constant 9.99999993E-9 : f32
    %add3A_2266 = vector.broadcast %add3A_2265 : f32 to vector<512x512xf32>
    %add3A_2267 = arith.addf %sub3A_2264, %add3A_2266 : vector<512x512xf32>
    %div3A_2268 = arith.divf %mul3A_2260, %add3A_2267 : vector<512x512xf32>
    %gt3A_2269 = arith.constant 1.000000e-01 : f32
    %gt3A_2270 = vector.broadcast %gt3A_2269 : f32 to vector<512x512xf32>
    %gt3A_2271 = arith.cmpf ogt, %div3A_2268, %gt3A_2270 : vector<512x512xf32>
    %jit3A_2272 = arith.constant 1.000000e+00 : f32
    %jit3A_2273 = arith.constant 0.000000e+00 : f32
    %broadcast_in_dim3A_2274 = vector.broadcast %jit3A_2272 : f32 to vector<512x512xf32>
    %broadcast_in_dim3A_2275 = vector.broadcast %jit3A_2273 : f32 to vector<512x512xf32>
    %select_n3A_2276 = arith.select %gt3A_2271, %broadcast_in_dim3A_2274, %broadcast_in_dim3A_2275 : vector<512x512xi1>, vector<512x512xf32>
    %convert_element_type3A_2277 = arith.truncf %select_n3A_2276 : vector<512x512xf32> to vector<512x512xbf16>
    %dot_general3A_2278 = arith.constant dense<0.000000e+00> : vector<1x512xf32>
    %dot_general3A_2279 = tpu.matmul %convert_element_type3A_2140, %convert_element_type3A_2277, %dot_general3A_2278 {dimension_numbers = #tpu.dot_dimension_numbers<[1], [0], [0], [1], [0, 0, 1, 1], [], []>, transpose_lhs_hint = false} : vector<1x512xbf16>, vector<512x512xbf16>, vector<1x512xf32> -> vector<1x512xf32>
    %get3A_2280 = arith.constant 0 : index
    %get3A_2281 = arith.constant 2560 : index
    %get3A_2282 = vector.load %arg3[%get3A_2280, %get3A_2281] : memref<1x5120xf32, #tpu.memory_space<vmem>>, vector<1x512xf32>
    %gt3A_2283 = arith.constant 0.000000e+00 : f32
    %gt3A_2284 = vector.broadcast %gt3A_2283 : f32 to vector<1x512xf32>
    %gt3A_2285 = arith.cmpf ogt, %dot_general3A_2279, %gt3A_2284 : vector<1x512xf32>
    %jit3A_2286 = arith.constant 0.000000e+00 : f32
    %jit3A_2287 = arith.constant 1.000000e+00 : f32
    %broadcast_in_dim3A_2288 = vector.broadcast %jit3A_2286 : f32 to vector<1x512xf32>
    %broadcast_in_dim3A_2289 = vector.broadcast %jit3A_2287 : f32 to vector<1x512xf32>
    %select_n3A_2290 = arith.select %gt3A_2285, %broadcast_in_dim3A_2288, %broadcast_in_dim3A_2289 : vector<1x512xi1>, vector<1x512xf32>
    %mul3A_2291 = arith.mulf %get3A_2282, %select_n3A_2290 : vector<1x512xf32>
    %swap3A_2292 = arith.constant 0 : index
    %swap3A_2293 = arith.constant 2560 : index
    %swap3A_2294 = vector.load %arg3[%swap3A_2292, %swap3A_2293] : memref<1x5120xf32, #tpu.memory_space<vmem>>, vector<1x512xf32>
    tpu.vector_store %arg3[%swap3A_2292, %swap3A_2293], %mul3A_2291 {strides = array<i32>} : memref<1x5120xf32, #tpu.memory_space<vmem>>, vector<1x512xf32>,
    %get3A_2295 = arith.constant 1536 : index
    %get3A_2296 = arith.constant 0 : index
    %get3A_2297 = vector.load %arg0[%get3A_2295, %get3A_2296] : memref<5120x8xf32, #tpu.memory_space<vmem>>, vector<512x1xf32>
    %get3A_2298 = arith.constant 1536 : index
    %get3A_2299 = arith.constant 1 : index
    %get3A_2300 = vector.load %arg0[%get3A_2298, %get3A_2299] : memref<5120x8xf32, #tpu.memory_space<vmem>>, vector<512x1xf32>
    %get3A_2301 = arith.constant 1536 : index
    %get3A_2302 = arith.constant 2 : index
    %get3A_2303 = vector.load %arg0[%get3A_2301, %get3A_2302] : memref<5120x8xf32, #tpu.memory_space<vmem>>, vector<512x1xf32>
    %get3A_2304 = arith.constant 1536 : index
    %get3A_2305 = arith.constant 3 : index
    %get3A_2306 = vector.load %arg0[%get3A_2304, %get3A_2305] : memref<5120x8xf32, #tpu.memory_space<vmem>>, vector<512x1xf32>
    %sub3A_2307 = arith.subf %get3A_2303, %get3A_2297 : vector<512x1xf32>
    %sub3A_2308 = arith.subf %get3A_2306, %get3A_2300 : vector<512x1xf32>
    %mul3A_2309 = arith.mulf %sub3A_2307, %sub3A_2308 : vector<512x1xf32>
    %slice3A_2310 = vector.extract_strided_slice %transpose3A {offsets = [0, 3072], sizes = [1, 512], strides = [1, 1]} : vector<8x5120xf32> to vector<1x512xf32>
    %slice3A_2311 = vector.extract_strided_slice %transpose3A {offsets = [1, 3072], sizes = [1, 512], strides = [1, 1]} : vector<8x5120xf32> to vector<1x512xf32>
    %slice3A_2312 = vector.extract_strided_slice %transpose3A {offsets = [2, 3072], sizes = [1, 512], strides = [1, 1]} : vector<8x5120xf32> to vector<1x512xf32>
    %slice3A_2313 = vector.extract_strided_slice %transpose3A {offsets = [3, 3072], sizes = [1, 512], strides = [1, 1]} : vector<8x5120xf32> to vector<1x512xf32>
    %sub3A_2314 = arith.subf %slice3A_2312, %slice3A_2310 : vector<1x512xf32>
    %sub3A_2315 = arith.subf %slice3A_2313, %slice3A_2311 : vector<1x512xf32>
    %mul3A_2316 = arith.mulf %sub3A_2314, %sub3A_2315 : vector<1x512xf32>
    %max3A_2317 = vector.broadcast %get3A_2297 : vector<512x1xf32> to vector<512x512xf32>
    %max3A_2318 = vector.broadcast %slice3A_2310 : vector<1x512xf32> to vector<512x512xf32>
    %max3A_2319 = arith.maximumf %max3A_2317, %max3A_2318 : vector<512x512xf32>
    %max3A_2320 = vector.broadcast %get3A_2300 : vector<512x1xf32> to vector<512x512xf32>
    %max3A_2321 = vector.broadcast %slice3A_2311 : vector<1x512xf32> to vector<512x512xf32>
    %max3A_2322 = arith.maximumf %max3A_2320, %max3A_2321 : vector<512x512xf32>
    %min3A_2323 = vector.broadcast %get3A_2303 : vector<512x1xf32> to vector<512x512xf32>
    %min3A_2324 = vector.broadcast %slice3A_2312 : vector<1x512xf32> to vector<512x512xf32>
    %min3A_2325 = arith.minimumf %min3A_2323, %min3A_2324 : vector<512x512xf32>
    %min3A_2326 = vector.broadcast %get3A_2306 : vector<512x1xf32> to vector<512x512xf32>
    %min3A_2327 = vector.broadcast %slice3A_2313 : vector<1x512xf32> to vector<512x512xf32>
    %min3A_2328 = arith.minimumf %min3A_2326, %min3A_2327 : vector<512x512xf32>
    %sub3A_2329 = arith.subf %min3A_2325, %max3A_2319 : vector<512x512xf32>
    %max3A_2330 = arith.constant 0.000000e+00 : f32
    %max3A_2331 = vector.broadcast %max3A_2330 : f32 to vector<512x512xf32>
    %max3A_2332 = arith.maximumf %sub3A_2329, %max3A_2331 : vector<512x512xf32>
    %sub3A_2333 = arith.subf %min3A_2328, %max3A_2322 : vector<512x512xf32>
    %max3A_2334 = arith.constant 0.000000e+00 : f32
    %max3A_2335 = vector.broadcast %max3A_2334 : f32 to vector<512x512xf32>
    %max3A_2336 = arith.maximumf %sub3A_2333, %max3A_2335 : vector<512x512xf32>
    %mul3A_2337 = arith.mulf %max3A_2332, %max3A_2336 : vector<512x512xf32>
    %add3A_2338 = vector.broadcast %mul3A_2309 : vector<512x1xf32> to vector<512x512xf32>
    %add3A_2339 = vector.broadcast %mul3A_2316 : vector<1x512xf32> to vector<512x512xf32>
    %add3A_2340 = arith.addf %add3A_2338, %add3A_2339 : vector<512x512xf32>
    %sub3A_2341 = arith.subf %add3A_2340, %mul3A_2337 : vector<512x512xf32>
    %add3A_2342 = arith.constant 9.99999993E-9 : f32
    %add3A_2343 = vector.broadcast %add3A_2342 : f32 to vector<512x512xf32>
    %add3A_2344 = arith.addf %sub3A_2341, %add3A_2343 : vector<512x512xf32>
    %div3A_2345 = arith.divf %mul3A_2337, %add3A_2344 : vector<512x512xf32>
    %gt3A_2346 = arith.constant 1.000000e-01 : f32
    %gt3A_2347 = vector.broadcast %gt3A_2346 : f32 to vector<512x512xf32>
    %gt3A_2348 = arith.cmpf ogt, %div3A_2345, %gt3A_2347 : vector<512x512xf32>
    %jit3A_2349 = arith.constant 1.000000e+00 : f32
    %jit3A_2350 = arith.constant 0.000000e+00 : f32
    %broadcast_in_dim3A_2351 = vector.broadcast %jit3A_2349 : f32 to vector<512x512xf32>
    %broadcast_in_dim3A_2352 = vector.broadcast %jit3A_2350 : f32 to vector<512x512xf32>
    %select_n3A_2353 = arith.select %gt3A_2348, %broadcast_in_dim3A_2351, %broadcast_in_dim3A_2352 : vector<512x512xi1>, vector<512x512xf32>
    %convert_element_type3A_2354 = arith.truncf %select_n3A_2353 : vector<512x512xf32> to vector<512x512xbf16>
    %dot_general3A_2355 = arith.constant dense<0.000000e+00> : vector<1x512xf32>
    %dot_general3A_2356 = tpu.matmul %convert_element_type3A_2140, %convert_element_type3A_2354, %dot_general3A_2355 {dimension_numbers = #tpu.dot_dimension_numbers<[1], [0], [0], [1], [0, 0, 1, 1], [], []>, transpose_lhs_hint = false} : vector<1x512xbf16>, vector<512x512xbf16>, vector<1x512xf32> -> vector<1x512xf32>
    %get3A_2357 = arith.constant 0 : index
    %get3A_2358 = arith.constant 3072 : index
    %get3A_2359 = vector.load %arg3[%get3A_2357, %get3A_2358] : memref<1x5120xf32, #tpu.memory_space<vmem>>, vector<1x512xf32>
    %gt3A_2360 = arith.constant 0.000000e+00 : f32
    %gt3A_2361 = vector.broadcast %gt3A_2360 : f32 to vector<1x512xf32>
    %gt3A_2362 = arith.cmpf ogt, %dot_general3A_2356, %gt3A_2361 : vector<1x512xf32>
    %jit3A_2363 = arith.constant 0.000000e+00 : f32
    %jit3A_2364 = arith.constant 1.000000e+00 : f32
    %broadcast_in_dim3A_2365 = vector.broadcast %jit3A_2363 : f32 to vector<1x512xf32>
    %broadcast_in_dim3A_2366 = vector.broadcast %jit3A_2364 : f32 to vector<1x512xf32>
    %select_n3A_2367 = arith.select %gt3A_2362, %broadcast_in_dim3A_2365, %broadcast_in_dim3A_2366 : vector<1x512xi1>, vector<1x512xf32>
    %mul3A_2368 = arith.mulf %get3A_2359, %select_n3A_2367 : vector<1x512xf32>
    %swap3A_2369 = arith.constant 0 : index
    %swap3A_2370 = arith.constant 3072 : index
    %swap3A_2371 = vector.load %arg3[%swap3A_2369, %swap3A_2370] : memref<1x5120xf32, #tpu.memory_space<vmem>>, vector<1x512xf32>
    tpu.vector_store %arg3[%swap3A_2369, %swap3A_2370], %mul3A_2368 {strides = array<i32>} : memref<1x5120xf32, #tpu.memory_space<vmem>>, vector<1x512xf32>,
    %get3A_2372 = arith.constant 1536 : index
    %get3A_2373 = arith.constant 0 : index
    %get3A_2374 = vector.load %arg0[%get3A_2372, %get3A_2373] : memref<5120x8xf32, #tpu.memory_space<vmem>>, vector<512x1xf32>
    %get3A_2375 = arith.constant 1536 : index
    %get3A_2376 = arith.constant 1 : index
    %get3A_2377 = vector.load %arg0[%get3A_2375, %get3A_2376] : memref<5120x8xf32, #tpu.memory_space<vmem>>, vector<512x1xf32>
    %get3A_2378 = arith.constant 1536 : index
    %get3A_2379 = arith.constant 2 : index
    %get3A_2380 = vector.load %arg0[%get3A_2378, %get3A_2379] : memref<5120x8xf32, #tpu.memory_space<vmem>>, vector<512x1xf32>
    %get3A_2381 = arith.constant 1536 : index
    %get3A_2382 = arith.constant 3 : index
    %get3A_2383 = vector.load %arg0[%get3A_2381, %get3A_2382] : memref<5120x8xf32, #tpu.memory_space<vmem>>, vector<512x1xf32>
    %sub3A_2384 = arith.subf %get3A_2380, %get3A_2374 : vector<512x1xf32>
    %sub3A_2385 = arith.subf %get3A_2383, %get3A_2377 : vector<512x1xf32>
    %mul3A_2386 = arith.mulf %sub3A_2384, %sub3A_2385 : vector<512x1xf32>
    %slice3A_2387 = vector.extract_strided_slice %transpose3A {offsets = [0, 3584], sizes = [1, 512], strides = [1, 1]} : vector<8x5120xf32> to vector<1x512xf32>
    %slice3A_2388 = vector.extract_strided_slice %transpose3A {offsets = [1, 3584], sizes = [1, 512], strides = [1, 1]} : vector<8x5120xf32> to vector<1x512xf32>
    %slice3A_2389 = vector.extract_strided_slice %transpose3A {offsets = [2, 3584], sizes = [1, 512], strides = [1, 1]} : vector<8x5120xf32> to vector<1x512xf32>
    %slice3A_2390 = vector.extract_strided_slice %transpose3A {offsets = [3, 3584], sizes = [1, 512], strides = [1, 1]} : vector<8x5120xf32> to vector<1x512xf32>
    %sub3A_2391 = arith.subf %slice3A_2389, %slice3A_2387 : vector<1x512xf32>
    %sub3A_2392 = arith.subf %slice3A_2390, %slice3A_2388 : vector<1x512xf32>
    %mul3A_2393 = arith.mulf %sub3A_2391, %sub3A_2392 : vector<1x512xf32>
    %max3A_2394 = vector.broadcast %get3A_2374 : vector<512x1xf32> to vector<512x512xf32>
    %max3A_2395 = vector.broadcast %slice3A_2387 : vector<1x512xf32> to vector<512x512xf32>
    %max3A_2396 = arith.maximumf %max3A_2394, %max3A_2395 : vector<512x512xf32>
    %max3A_2397 = vector.broadcast %get3A_2377 : vector<512x1xf32> to vector<512x512xf32>
    %max3A_2398 = vector.broadcast %slice3A_2388 : vector<1x512xf32> to vector<512x512xf32>
    %max3A_2399 = arith.maximumf %max3A_2397, %max3A_2398 : vector<512x512xf32>
    %min3A_2400 = vector.broadcast %get3A_2380 : vector<512x1xf32> to vector<512x512xf32>
    %min3A_2401 = vector.broadcast %slice3A_2389 : vector<1x512xf32> to vector<512x512xf32>
    %min3A_2402 = arith.minimumf %min3A_2400, %min3A_2401 : vector<512x512xf32>
    %min3A_2403 = vector.broadcast %get3A_2383 : vector<512x1xf32> to vector<512x512xf32>
    %min3A_2404 = vector.broadcast %slice3A_2390 : vector<1x512xf32> to vector<512x512xf32>
    %min3A_2405 = arith.minimumf %min3A_2403, %min3A_2404 : vector<512x512xf32>
    %sub3A_2406 = arith.subf %min3A_2402, %max3A_2396 : vector<512x512xf32>
    %max3A_2407 = arith.constant 0.000000e+00 : f32
    %max3A_2408 = vector.broadcast %max3A_2407 : f32 to vector<512x512xf32>
    %max3A_2409 = arith.maximumf %sub3A_2406, %max3A_2408 : vector<512x512xf32>
    %sub3A_2410 = arith.subf %min3A_2405, %max3A_2399 : vector<512x512xf32>
    %max3A_2411 = arith.constant 0.000000e+00 : f32
    %max3A_2412 = vector.broadcast %max3A_2411 : f32 to vector<512x512xf32>
    %max3A_2413 = arith.maximumf %sub3A_2410, %max3A_2412 : vector<512x512xf32>
    %mul3A_2414 = arith.mulf %max3A_2409, %max3A_2413 : vector<512x512xf32>
    %add3A_2415 = vector.broadcast %mul3A_2386 : vector<512x1xf32> to vector<512x512xf32>
    %add3A_2416 = vector.broadcast %mul3A_2393 : vector<1x512xf32> to vector<512x512xf32>
    %add3A_2417 = arith.addf %add3A_2415, %add3A_2416 : vector<512x512xf32>
    %sub3A_2418 = arith.subf %add3A_2417, %mul3A_2414 : vector<512x512xf32>
    %add3A_2419 = arith.constant 9.99999993E-9 : f32
    %add3A_2420 = vector.broadcast %add3A_2419 : f32 to vector<512x512xf32>
    %add3A_2421 = arith.addf %sub3A_2418, %add3A_2420 : vector<512x512xf32>
    %div3A_2422 = arith.divf %mul3A_2414, %add3A_2421 : vector<512x512xf32>
    %gt3A_2423 = arith.constant 1.000000e-01 : f32
    %gt3A_2424 = vector.broadcast %gt3A_2423 : f32 to vector<512x512xf32>
    %gt3A_2425 = arith.cmpf ogt, %div3A_2422, %gt3A_2424 : vector<512x512xf32>
    %jit3A_2426 = arith.constant 1.000000e+00 : f32
    %jit3A_2427 = arith.constant 0.000000e+00 : f32
    %broadcast_in_dim3A_2428 = vector.broadcast %jit3A_2426 : f32 to vector<512x512xf32>
    %broadcast_in_dim3A_2429 = vector.broadcast %jit3A_2427 : f32 to vector<512x512xf32>
    %select_n3A_2430 = arith.select %gt3A_2425, %broadcast_in_dim3A_2428, %broadcast_in_dim3A_2429 : vector<512x512xi1>, vector<512x512xf32>
    %convert_element_type3A_2431 = arith.truncf %select_n3A_2430 : vector<512x512xf32> to vector<512x512xbf16>
    %dot_general3A_2432 = arith.constant dense<0.000000e+00> : vector<1x512xf32>
    %dot_general3A_2433 = tpu.matmul %convert_element_type3A_2140, %convert_element_type3A_2431, %dot_general3A_2432 {dimension_numbers = #tpu.dot_dimension_numbers<[1], [0], [0], [1], [0, 0, 1, 1], [], []>, transpose_lhs_hint = false} : vector<1x512xbf16>, vector<512x512xbf16>, vector<1x512xf32> -> vector<1x512xf32>
    %get3A_2434 = arith.constant 0 : index
    %get3A_2435 = arith.constant 3584 : index
    %get3A_2436 = vector.load %arg3[%get3A_2434, %get3A_2435] : memref<1x5120xf32, #tpu.memory_space<vmem>>, vector<1x512xf32>
    %gt3A_2437 = arith.constant 0.000000e+00 : f32
    %gt3A_2438 = vector.broadcast %gt3A_2437 : f32 to vector<1x512xf32>
    %gt3A_2439 = arith.cmpf ogt, %dot_general3A_2433, %gt3A_2438 : vector<1x512xf32>
    %jit3A_2440 = arith.constant 0.000000e+00 : f32
    %jit3A_2441 = arith.constant 1.000000e+00 : f32
    %broadcast_in_dim3A_2442 = vector.broadcast %jit3A_2440 : f32 to vector<1x512xf32>
    %broadcast_in_dim3A_2443 = vector.broadcast %jit3A_2441 : f32 to vector<1x512xf32>
    %select_n3A_2444 = arith.select %gt3A_2439, %broadcast_in_dim3A_2442, %broadcast_in_dim3A_2443 : vector<1x512xi1>, vector<1x512xf32>
    %mul3A_2445 = arith.mulf %get3A_2436, %select_n3A_2444 : vector<1x512xf32>
    %swap3A_2446 = arith.constant 0 : index
    %swap3A_2447 = arith.constant 3584 : index
    %swap3A_2448 = vector.load %arg3[%swap3A_2446, %swap3A_2447] : memref<1x5120xf32, #tpu.memory_space<vmem>>, vector<1x512xf32>
    tpu.vector_store %arg3[%swap3A_2446, %swap3A_2447], %mul3A_2445 {strides = array<i32>} : memref<1x5120xf32, #tpu.memory_space<vmem>>, vector<1x512xf32>,
    %get3A_2449 = arith.constant 1536 : index
    %get3A_2450 = arith.constant 0 : index
    %get3A_2451 = vector.load %arg0[%get3A_2449, %get3A_2450] : memref<5120x8xf32, #tpu.memory_space<vmem>>, vector<512x1xf32>
    %get3A_2452 = arith.constant 1536 : index
    %get3A_2453 = arith.constant 1 : index
    %get3A_2454 = vector.load %arg0[%get3A_2452, %get3A_2453] : memref<5120x8xf32, #tpu.memory_space<vmem>>, vector<512x1xf32>
    %get3A_2455 = arith.constant 1536 : index
    %get3A_2456 = arith.constant 2 : index
    %get3A_2457 = vector.load %arg0[%get3A_2455, %get3A_2456] : memref<5120x8xf32, #tpu.memory_space<vmem>>, vector<512x1xf32>
    %get3A_2458 = arith.constant 1536 : index
    %get3A_2459 = arith.constant 3 : index
    %get3A_2460 = vector.load %arg0[%get3A_2458, %get3A_2459] : memref<5120x8xf32, #tpu.memory_space<vmem>>, vector<512x1xf32>
    %sub3A_2461 = arith.subf %get3A_2457, %get3A_2451 : vector<512x1xf32>
    %sub3A_2462 = arith.subf %get3A_2460, %get3A_2454 : vector<512x1xf32>
    %mul3A_2463 = arith.mulf %sub3A_2461, %sub3A_2462 : vector<512x1xf32>
    %slice3A_2464 = vector.extract_strided_slice %transpose3A {offsets = [0, 4096], sizes = [1, 512], strides = [1, 1]} : vector<8x5120xf32> to vector<1x512xf32>
    %slice3A_2465 = vector.extract_strided_slice %transpose3A {offsets = [1, 4096], sizes = [1, 512], strides = [1, 1]} : vector<8x5120xf32> to vector<1x512xf32>
    %slice3A_2466 = vector.extract_strided_slice %transpose3A {offsets = [2, 4096], sizes = [1, 512], strides = [1, 1]} : vector<8x5120xf32> to vector<1x512xf32>
    %slice3A_2467 = vector.extract_strided_slice %transpose3A {offsets = [3, 4096], sizes = [1, 512], strides = [1, 1]} : vector<8x5120xf32> to vector<1x512xf32>
    %sub3A_2468 = arith.subf %slice3A_2466, %slice3A_2464 : vector<1x512xf32>
    %sub3A_2469 = arith.subf %slice3A_2467, %slice3A_2465 : vector<1x512xf32>
    %mul3A_2470 = arith.mulf %sub3A_2468, %sub3A_2469 : vector<1x512xf32>
    %max3A_2471 = vector.broadcast %get3A_2451 : vector<512x1xf32> to vector<512x512xf32>
    %max3A_2472 = vector.broadcast %slice3A_2464 : vector<1x512xf32> to vector<512x512xf32>
    %max3A_2473 = arith.maximumf %max3A_2471, %max3A_2472 : vector<512x512xf32>
    %max3A_2474 = vector.broadcast %get3A_2454 : vector<512x1xf32> to vector<512x512xf32>
    %max3A_2475 = vector.broadcast %slice3A_2465 : vector<1x512xf32> to vector<512x512xf32>
    %max3A_2476 = arith.maximumf %max3A_2474, %max3A_2475 : vector<512x512xf32>
    %min3A_2477 = vector.broadcast %get3A_2457 : vector<512x1xf32> to vector<512x512xf32>
    %min3A_2478 = vector.broadcast %slice3A_2466 : vector<1x512xf32> to vector<512x512xf32>
    %min3A_2479 = arith.minimumf %min3A_2477, %min3A_2478 : vector<512x512xf32>
    %min3A_2480 = vector.broadcast %get3A_2460 : vector<512x1xf32> to vector<512x512xf32>
    %min3A_2481 = vector.broadcast %slice3A_2467 : vector<1x512xf32> to vector<512x512xf32>
    %min3A_2482 = arith.minimumf %min3A_2480, %min3A_2481 : vector<512x512xf32>
    %sub3A_2483 = arith.subf %min3A_2479, %max3A_2473 : vector<512x512xf32>
    %max3A_2484 = arith.constant 0.000000e+00 : f32
    %max3A_2485 = vector.broadcast %max3A_2484 : f32 to vector<512x512xf32>
    %max3A_2486 = arith.maximumf %sub3A_2483, %max3A_2485 : vector<512x512xf32>
    %sub3A_2487 = arith.subf %min3A_2482, %max3A_2476 : vector<512x512xf32>
    %max3A_2488 = arith.constant 0.000000e+00 : f32
    %max3A_2489 = vector.broadcast %max3A_2488 : f32 to vector<512x512xf32>
    %max3A_2490 = arith.maximumf %sub3A_2487, %max3A_2489 : vector<512x512xf32>
    %mul3A_2491 = arith.mulf %max3A_2486, %max3A_2490 : vector<512x512xf32>
    %add3A_2492 = vector.broadcast %mul3A_2463 : vector<512x1xf32> to vector<512x512xf32>
    %add3A_2493 = vector.broadcast %mul3A_2470 : vector<1x512xf32> to vector<512x512xf32>
    %add3A_2494 = arith.addf %add3A_2492, %add3A_2493 : vector<512x512xf32>
    %sub3A_2495 = arith.subf %add3A_2494, %mul3A_2491 : vector<512x512xf32>
    %add3A_2496 = arith.constant 9.99999993E-9 : f32
    %add3A_2497 = vector.broadcast %add3A_2496 : f32 to vector<512x512xf32>
    %add3A_2498 = arith.addf %sub3A_2495, %add3A_2497 : vector<512x512xf32>
    %div3A_2499 = arith.divf %mul3A_2491, %add3A_2498 : vector<512x512xf32>
    %gt3A_2500 = arith.constant 1.000000e-01 : f32
    %gt3A_2501 = vector.broadcast %gt3A_2500 : f32 to vector<512x512xf32>
    %gt3A_2502 = arith.cmpf ogt, %div3A_2499, %gt3A_2501 : vector<512x512xf32>
    %jit3A_2503 = arith.constant 1.000000e+00 : f32
    %jit3A_2504 = arith.constant 0.000000e+00 : f32
    %broadcast_in_dim3A_2505 = vector.broadcast %jit3A_2503 : f32 to vector<512x512xf32>
    %broadcast_in_dim3A_2506 = vector.broadcast %jit3A_2504 : f32 to vector<512x512xf32>
    %select_n3A_2507 = arith.select %gt3A_2502, %broadcast_in_dim3A_2505, %broadcast_in_dim3A_2506 : vector<512x512xi1>, vector<512x512xf32>
    %convert_element_type3A_2508 = arith.truncf %select_n3A_2507 : vector<512x512xf32> to vector<512x512xbf16>
    %dot_general3A_2509 = arith.constant dense<0.000000e+00> : vector<1x512xf32>
    %dot_general3A_2510 = tpu.matmul %convert_element_type3A_2140, %convert_element_type3A_2508, %dot_general3A_2509 {dimension_numbers = #tpu.dot_dimension_numbers<[1], [0], [0], [1], [0, 0, 1, 1], [], []>, transpose_lhs_hint = false} : vector<1x512xbf16>, vector<512x512xbf16>, vector<1x512xf32> -> vector<1x512xf32>
    %get3A_2511 = arith.constant 0 : index
    %get3A_2512 = arith.constant 4096 : index
    %get3A_2513 = vector.load %arg3[%get3A_2511, %get3A_2512] : memref<1x5120xf32, #tpu.memory_space<vmem>>, vector<1x512xf32>
    %gt3A_2514 = arith.constant 0.000000e+00 : f32
    %gt3A_2515 = vector.broadcast %gt3A_2514 : f32 to vector<1x512xf32>
    %gt3A_2516 = arith.cmpf ogt, %dot_general3A_2510, %gt3A_2515 : vector<1x512xf32>
    %jit3A_2517 = arith.constant 0.000000e+00 : f32
    %jit3A_2518 = arith.constant 1.000000e+00 : f32
    %broadcast_in_dim3A_2519 = vector.broadcast %jit3A_2517 : f32 to vector<1x512xf32>
    %broadcast_in_dim3A_2520 = vector.broadcast %jit3A_2518 : f32 to vector<1x512xf32>
    %select_n3A_2521 = arith.select %gt3A_2516, %broadcast_in_dim3A_2519, %broadcast_in_dim3A_2520 : vector<1x512xi1>, vector<1x512xf32>
    %mul3A_2522 = arith.mulf %get3A_2513, %select_n3A_2521 : vector<1x512xf32>
    %swap3A_2523 = arith.constant 0 : index
    %swap3A_2524 = arith.constant 4096 : index
    %swap3A_2525 = vector.load %arg3[%swap3A_2523, %swap3A_2524] : memref<1x5120xf32, #tpu.memory_space<vmem>>, vector<1x512xf32>
    tpu.vector_store %arg3[%swap3A_2523, %swap3A_2524], %mul3A_2522 {strides = array<i32>} : memref<1x5120xf32, #tpu.memory_space<vmem>>, vector<1x512xf32>,
    %get3A_2526 = arith.constant 1536 : index
    %get3A_2527 = arith.constant 0 : index
    %get3A_2528 = vector.load %arg0[%get3A_2526, %get3A_2527] : memref<5120x8xf32, #tpu.memory_space<vmem>>, vector<512x1xf32>
    %get3A_2529 = arith.constant 1536 : index
    %get3A_2530 = arith.constant 1 : index
    %get3A_2531 = vector.load %arg0[%get3A_2529, %get3A_2530] : memref<5120x8xf32, #tpu.memory_space<vmem>>, vector<512x1xf32>
    %get3A_2532 = arith.constant 1536 : index
    %get3A_2533 = arith.constant 2 : index
    %get3A_2534 = vector.load %arg0[%get3A_2532, %get3A_2533] : memref<5120x8xf32, #tpu.memory_space<vmem>>, vector<512x1xf32>
    %get3A_2535 = arith.constant 1536 : index
    %get3A_2536 = arith.constant 3 : index
    %get3A_2537 = vector.load %arg0[%get3A_2535, %get3A_2536] : memref<5120x8xf32, #tpu.memory_space<vmem>>, vector<512x1xf32>
    %sub3A_2538 = arith.subf %get3A_2534, %get3A_2528 : vector<512x1xf32>
    %sub3A_2539 = arith.subf %get3A_2537, %get3A_2531 : vector<512x1xf32>
    %mul3A_2540 = arith.mulf %sub3A_2538, %sub3A_2539 : vector<512x1xf32>
    %slice3A_2541 = vector.extract_strided_slice %transpose3A {offsets = [0, 4608], sizes = [1, 512], strides = [1, 1]} : vector<8x5120xf32> to vector<1x512xf32>
    %slice3A_2542 = vector.extract_strided_slice %transpose3A {offsets = [1, 4608], sizes = [1, 512], strides = [1, 1]} : vector<8x5120xf32> to vector<1x512xf32>
    %slice3A_2543 = vector.extract_strided_slice %transpose3A {offsets = [2, 4608], sizes = [1, 512], strides = [1, 1]} : vector<8x5120xf32> to vector<1x512xf32>
    %slice3A_2544 = vector.extract_strided_slice %transpose3A {offsets = [3, 4608], sizes = [1, 512], strides = [1, 1]} : vector<8x5120xf32> to vector<1x512xf32>
    %sub3A_2545 = arith.subf %slice3A_2543, %slice3A_2541 : vector<1x512xf32>
    %sub3A_2546 = arith.subf %slice3A_2544, %slice3A_2542 : vector<1x512xf32>
    %mul3A_2547 = arith.mulf %sub3A_2545, %sub3A_2546 : vector<1x512xf32>
    %max3A_2548 = vector.broadcast %get3A_2528 : vector<512x1xf32> to vector<512x512xf32>
    %max3A_2549 = vector.broadcast %slice3A_2541 : vector<1x512xf32> to vector<512x512xf32>
    %max3A_2550 = arith.maximumf %max3A_2548, %max3A_2549 : vector<512x512xf32>
    %max3A_2551 = vector.broadcast %get3A_2531 : vector<512x1xf32> to vector<512x512xf32>
    %max3A_2552 = vector.broadcast %slice3A_2542 : vector<1x512xf32> to vector<512x512xf32>
    %max3A_2553 = arith.maximumf %max3A_2551, %max3A_2552 : vector<512x512xf32>
    %min3A_2554 = vector.broadcast %get3A_2534 : vector<512x1xf32> to vector<512x512xf32>
    %min3A_2555 = vector.broadcast %slice3A_2543 : vector<1x512xf32> to vector<512x512xf32>
    %min3A_2556 = arith.minimumf %min3A_2554, %min3A_2555 : vector<512x512xf32>
    %min3A_2557 = vector.broadcast %get3A_2537 : vector<512x1xf32> to vector<512x512xf32>
    %min3A_2558 = vector.broadcast %slice3A_2544 : vector<1x512xf32> to vector<512x512xf32>
    %min3A_2559 = arith.minimumf %min3A_2557, %min3A_2558 : vector<512x512xf32>
    %sub3A_2560 = arith.subf %min3A_2556, %max3A_2550 : vector<512x512xf32>
    %max3A_2561 = arith.constant 0.000000e+00 : f32
    %max3A_2562 = vector.broadcast %max3A_2561 : f32 to vector<512x512xf32>
    %max3A_2563 = arith.maximumf %sub3A_2560, %max3A_2562 : vector<512x512xf32>
    %sub3A_2564 = arith.subf %min3A_2559, %max3A_2553 : vector<512x512xf32>
    %max3A_2565 = arith.constant 0.000000e+00 : f32
    %max3A_2566 = vector.broadcast %max3A_2565 : f32 to vector<512x512xf32>
    %max3A_2567 = arith.maximumf %sub3A_2564, %max3A_2566 : vector<512x512xf32>
    %mul3A_2568 = arith.mulf %max3A_2563, %max3A_2567 : vector<512x512xf32>
    %add3A_2569 = vector.broadcast %mul3A_2540 : vector<512x1xf32> to vector<512x512xf32>
    %add3A_2570 = vector.broadcast %mul3A_2547 : vector<1x512xf32> to vector<512x512xf32>
    %add3A_2571 = arith.addf %add3A_2569, %add3A_2570 : vector<512x512xf32>
    %sub3A_2572 = arith.subf %add3A_2571, %mul3A_2568 : vector<512x512xf32>
    %add3A_2573 = arith.constant 9.99999993E-9 : f32
    %add3A_2574 = vector.broadcast %add3A_2573 : f32 to vector<512x512xf32>
    %add3A_2575 = arith.addf %sub3A_2572, %add3A_2574 : vector<512x512xf32>
    %div3A_2576 = arith.divf %mul3A_2568, %add3A_2575 : vector<512x512xf32>
    %gt3A_2577 = arith.constant 1.000000e-01 : f32
    %gt3A_2578 = vector.broadcast %gt3A_2577 : f32 to vector<512x512xf32>
    %gt3A_2579 = arith.cmpf ogt, %div3A_2576, %gt3A_2578 : vector<512x512xf32>
    %jit3A_2580 = arith.constant 1.000000e+00 : f32
    %jit3A_2581 = arith.constant 0.000000e+00 : f32
    %broadcast_in_dim3A_2582 = vector.broadcast %jit3A_2580 : f32 to vector<512x512xf32>
    %broadcast_in_dim3A_2583 = vector.broadcast %jit3A_2581 : f32 to vector<512x512xf32>
    %select_n3A_2584 = arith.select %gt3A_2579, %broadcast_in_dim3A_2582, %broadcast_in_dim3A_2583 : vector<512x512xi1>, vector<512x512xf32>
    %convert_element_type3A_2585 = arith.truncf %select_n3A_2584 : vector<512x512xf32> to vector<512x512xbf16>
    %dot_general3A_2586 = arith.constant dense<0.000000e+00> : vector<1x512xf32>
    %dot_general3A_2587 = tpu.matmul %convert_element_type3A_2140, %convert_element_type3A_2585, %dot_general3A_2586 {dimension_numbers = #tpu.dot_dimension_numbers<[1], [0], [0], [1], [0, 0, 1, 1], [], []>, transpose_lhs_hint = false} : vector<1x512xbf16>, vector<512x512xbf16>, vector<1x512xf32> -> vector<1x512xf32>
    %get3A_2588 = arith.constant 0 : index
    %get3A_2589 = arith.constant 4608 : index
    %get3A_2590 = vector.load %arg3[%get3A_2588, %get3A_2589] : memref<1x5120xf32, #tpu.memory_space<vmem>>, vector<1x512xf32>
    %gt3A_2591 = arith.constant 0.000000e+00 : f32
    %gt3A_2592 = vector.broadcast %gt3A_2591 : f32 to vector<1x512xf32>
    %gt3A_2593 = arith.cmpf ogt, %dot_general3A_2587, %gt3A_2592 : vector<1x512xf32>
    %jit3A_2594 = arith.constant 0.000000e+00 : f32
    %jit3A_2595 = arith.constant 1.000000e+00 : f32
    %broadcast_in_dim3A_2596 = vector.broadcast %jit3A_2594 : f32 to vector<1x512xf32>
    %broadcast_in_dim3A_2597 = vector.broadcast %jit3A_2595 : f32 to vector<1x512xf32>
    %select_n3A_2598 = arith.select %gt3A_2593, %broadcast_in_dim3A_2596, %broadcast_in_dim3A_2597 : vector<1x512xi1>, vector<1x512xf32>
    %mul3A_2599 = arith.mulf %get3A_2590, %select_n3A_2598 : vector<1x512xf32>
    %swap3A_2600 = arith.constant 0 : index
    %swap3A_2601 = arith.constant 4608 : index
    %swap3A_2602 = vector.load %arg3[%swap3A_2600, %swap3A_2601] : memref<1x5120xf32, #tpu.memory_space<vmem>>, vector<1x512xf32>
    tpu.vector_store %arg3[%swap3A_2600, %swap3A_2601], %mul3A_2599 {strides = array<i32>} : memref<1x5120xf32, #tpu.memory_space<vmem>>, vector<1x512xf32>,
    %iota3A_2603 = tpu.iota {dimensions = array<i32: 0>} : vector<512x512xi32>
    %iota3A_2604 = tpu.iota {dimensions = array<i32: 1>} : vector<512x512xi32>
    %lt3A_2605 = arith.cmpi slt, %iota3A_2603, %iota3A_2604 : vector<512x512xi32>
    %get3A_2606 = arith.constant 2048 : index
    %get3A_2607 = arith.constant 0 : index
    %get3A_2608 = vector.load %arg0[%get3A_2606, %get3A_2607] : memref<5120x8xf32, #tpu.memory_space<vmem>>, vector<512x1xf32>
    %get3A_2609 = arith.constant 2048 : index
    %get3A_2610 = arith.constant 1 : index
    %get3A_2611 = vector.load %arg0[%get3A_2609, %get3A_2610] : memref<5120x8xf32, #tpu.memory_space<vmem>>, vector<512x1xf32>
    %get3A_2612 = arith.constant 2048 : index
    %get3A_2613 = arith.constant 2 : index
    %get3A_2614 = vector.load %arg0[%get3A_2612, %get3A_2613] : memref<5120x8xf32, #tpu.memory_space<vmem>>, vector<512x1xf32>
    %get3A_2615 = arith.constant 2048 : index
    %get3A_2616 = arith.constant 3 : index
    %get3A_2617 = vector.load %arg0[%get3A_2615, %get3A_2616] : memref<5120x8xf32, #tpu.memory_space<vmem>>, vector<512x1xf32>
    %sub3A_2618 = arith.subf %get3A_2614, %get3A_2608 : vector<512x1xf32>
    %sub3A_2619 = arith.subf %get3A_2617, %get3A_2611 : vector<512x1xf32>
    %mul3A_2620 = arith.mulf %sub3A_2618, %sub3A_2619 : vector<512x1xf32>
    %slice3A_2621 = vector.extract_strided_slice %transpose3A {offsets = [0, 2048], sizes = [1, 512], strides = [1, 1]} : vector<8x5120xf32> to vector<1x512xf32>
    %slice3A_2622 = vector.extract_strided_slice %transpose3A {offsets = [1, 2048], sizes = [1, 512], strides = [1, 1]} : vector<8x5120xf32> to vector<1x512xf32>
    %slice3A_2623 = vector.extract_strided_slice %transpose3A {offsets = [2, 2048], sizes = [1, 512], strides = [1, 1]} : vector<8x5120xf32> to vector<1x512xf32>
    %slice3A_2624 = vector.extract_strided_slice %transpose3A {offsets = [3, 2048], sizes = [1, 512], strides = [1, 1]} : vector<8x5120xf32> to vector<1x512xf32>
    %sub3A_2625 = arith.subf %slice3A_2623, %slice3A_2621 : vector<1x512xf32>
    %sub3A_2626 = arith.subf %slice3A_2624, %slice3A_2622 : vector<1x512xf32>
    %mul3A_2627 = arith.mulf %sub3A_2625, %sub3A_2626 : vector<1x512xf32>
    %max3A_2628 = vector.broadcast %get3A_2608 : vector<512x1xf32> to vector<512x512xf32>
    %max3A_2629 = vector.broadcast %slice3A_2621 : vector<1x512xf32> to vector<512x512xf32>
    %max3A_2630 = arith.maximumf %max3A_2628, %max3A_2629 : vector<512x512xf32>
    %max3A_2631 = vector.broadcast %get3A_2611 : vector<512x1xf32> to vector<512x512xf32>
    %max3A_2632 = vector.broadcast %slice3A_2622 : vector<1x512xf32> to vector<512x512xf32>
    %max3A_2633 = arith.maximumf %max3A_2631, %max3A_2632 : vector<512x512xf32>
    %min3A_2634 = vector.broadcast %get3A_2614 : vector<512x1xf32> to vector<512x512xf32>
    %min3A_2635 = vector.broadcast %slice3A_2623 : vector<1x512xf32> to vector<512x512xf32>
    %min3A_2636 = arith.minimumf %min3A_2634, %min3A_2635 : vector<512x512xf32>
    %min3A_2637 = vector.broadcast %get3A_2617 : vector<512x1xf32> to vector<512x512xf32>
    %min3A_2638 = vector.broadcast %slice3A_2624 : vector<1x512xf32> to vector<512x512xf32>
    %min3A_2639 = arith.minimumf %min3A_2637, %min3A_2638 : vector<512x512xf32>
    %sub3A_2640 = arith.subf %min3A_2636, %max3A_2630 : vector<512x512xf32>
    %max3A_2641 = arith.constant 0.000000e+00 : f32
    %max3A_2642 = vector.broadcast %max3A_2641 : f32 to vector<512x512xf32>
    %max3A_2643 = arith.maximumf %sub3A_2640, %max3A_2642 : vector<512x512xf32>
    %sub3A_2644 = arith.subf %min3A_2639, %max3A_2633 : vector<512x512xf32>
    %max3A_2645 = arith.constant 0.000000e+00 : f32
    %max3A_2646 = vector.broadcast %max3A_2645 : f32 to vector<512x512xf32>
    %max3A_2647 = arith.maximumf %sub3A_2644, %max3A_2646 : vector<512x512xf32>
    %mul3A_2648 = arith.mulf %max3A_2643, %max3A_2647 : vector<512x512xf32>
    %add3A_2649 = vector.broadcast %mul3A_2620 : vector<512x1xf32> to vector<512x512xf32>
    %add3A_2650 = vector.broadcast %mul3A_2627 : vector<1x512xf32> to vector<512x512xf32>
    %add3A_2651 = arith.addf %add3A_2649, %add3A_2650 : vector<512x512xf32>
    %sub3A_2652 = arith.subf %add3A_2651, %mul3A_2648 : vector<512x512xf32>
    %add3A_2653 = arith.constant 9.99999993E-9 : f32
    %add3A_2654 = vector.broadcast %add3A_2653 : f32 to vector<512x512xf32>
    %add3A_2655 = arith.addf %sub3A_2652, %add3A_2654 : vector<512x512xf32>
    %div3A_2656 = arith.divf %mul3A_2648, %add3A_2655 : vector<512x512xf32>
    %gt3A_2657 = arith.constant 1.000000e-01 : f32
    %gt3A_2658 = vector.broadcast %gt3A_2657 : f32 to vector<512x512xf32>
    %gt3A_2659 = arith.cmpf ogt, %div3A_2656, %gt3A_2658 : vector<512x512xf32>
    %and3A_2660 = arith.andi %gt3A_2659, %lt3A_2605 : vector<512x512xi1>
    %jit3A_2661 = arith.constant 1.000000e+00 : f32
    %jit3A_2662 = arith.constant 0.000000e+00 : f32
    %broadcast_in_dim3A_2663 = vector.broadcast %jit3A_2661 : f32 to vector<512x512xf32>
    %broadcast_in_dim3A_2664 = vector.broadcast %jit3A_2662 : f32 to vector<512x512xf32>
    %select_n3A_2665 = arith.select %and3A_2660, %broadcast_in_dim3A_2663, %broadcast_in_dim3A_2664 : vector<512x512xi1>, vector<512x512xf32>
    %convert_element_type3A_2666 = arith.truncf %select_n3A_2665 : vector<512x512xf32> to vector<512x512xbf16>
    %swap3A_2667 = arith.constant 0 : index
    %swap3A_2668 = arith.constant 0 : index
    %swap3A_2669 = vector.load %arg2[%swap3A_2667, %swap3A_2668] : memref<512x512xbf16, #tpu.memory_space<vmem>>, vector<512x512xbf16>
    tpu.vector_store %arg2[%swap3A_2667, %swap3A_2668], %convert_element_type3A_2666 {strides = array<i32>} : memref<512x512xbf16, #tpu.memory_space<vmem>>, vector<512x512xbf16>,
    %get3A_2670 = arith.constant 0 : index
    %get3A_2671 = arith.constant 2048 : index
    %get3A_2672 = vector.load %arg3[%get3A_2670, %get3A_2671] : memref<1x5120xf32, #tpu.memory_space<vmem>>, vector<1x512xf32>
    %while3A_2673 = arith.constant true
    %while3A_2674:2 = scf.while (%while3A_4411 = %get3A_2672, %while3A_4412 = %while3A_2673) : (vector<1x512xf32>, i1) -> (vector<1x512xf32>, i1) {
      scf.condition(%while3A_4412) %while3A_4411, %while3A_4412 : vector<1x512xf32>, i1
    } do {
    ^bb0(%while3A_4411: vector<1x512xf32>, %while3A_4412: i1):
      %convert_element_type3A_4413 = arith.truncf %while3A_4411 : vector<1x512xf32> to vector<1x512xbf16>
      %get3A_4414 = arith.constant 0 : index
      %get3A_4415 = arith.constant 0 : index
      %get3A_4416 = vector.load %arg2[%get3A_4414, %get3A_4415] : memref<512x512xbf16, #tpu.memory_space<vmem>>, vector<512x512xbf16>
      %dot_general3A_4417 = arith.constant dense<0.000000e+00> : vector<1x512xf32>
      %dot_general3A_4418 = tpu.matmul %convert_element_type3A_4413, %get3A_4416, %dot_general3A_4417 {dimension_numbers = #tpu.dot_dimension_numbers<[1], [0], [0], [1], [0, 0, 1, 1], [], []>, transpose_lhs_hint = false} : vector<1x512xbf16>, vector<512x512xbf16>, vector<1x512xf32> -> vector<1x512xf32>
      %gt3A_4419 = arith.constant 0.000000e+00 : f32
      %gt3A_4420 = vector.broadcast %gt3A_4419 : f32 to vector<1x512xf32>
      %gt3A_4421 = arith.cmpf ogt, %dot_general3A_4418, %gt3A_4420 : vector<1x512xf32>
      %jit3A_4422 = arith.constant 0.000000e+00 : f32
      %broadcast_in_dim3A_4423 = vector.broadcast %jit3A_4422 : f32 to vector<1x512xf32>
      %select_n3A_4424 = arith.select %gt3A_4421, %broadcast_in_dim3A_4423, %get3A_2672 : vector<1x512xi1>, vector<1x512xf32>
      %ne3A = arith.cmpf one, %select_n3A_4424, %while3A_4411 : vector<1x512xf32>
      %reduce_or3A = arith.constant 1.000000e+00 : f32
      %reduce_or3A_4425 = arith.constant 0.000000e+00 : f32
      %reduce_or3A_4426 = vector.broadcast %reduce_or3A : f32 to vector<1x512xf32>
      %reduce_or3A_4427 = vector.broadcast %reduce_or3A_4425 : f32 to vector<1x512xf32>
      %reduce_or3A_4428 = arith.select %ne3A, %reduce_or3A_4426, %reduce_or3A_4427 : vector<1x512xi1>, vector<1x512xf32>
      %reduce_or3A_4429 = vector.shape_cast %reduce_or3A_4428 : vector<1x512xf32> to vector<1x1x512xf32>
      %reduce_or3A_4430 = arith.constant dense<0xFF800000> : vector<1xf32>
      %reduce_or3A_4431 = vector.multi_reduction <maximumf>, %reduce_or3A_4429, %reduce_or3A_4430 [1, 2] : vector<1x1x512xf32> to vector<1xf32>
      %reduce_or3A_4432 = vector.shape_cast %reduce_or3A_4431 : vector<1xf32> to vector<1x1x1xf32>
      %reduce_or3A_4433 = vector.extract %reduce_or3A_4432[0, 0, 0] : f32 from vector<1x1x1xf32>
      %reduce_or3A_4434 = arith.constant 0.000000e+00 : f32
      %reduce_or3A_4435 = arith.cmpf ogt, %reduce_or3A_4433, %reduce_or3A_4434 : f32
      scf.yield %select_n3A_4424, %reduce_or3A_4435 : vector<1x512xf32>, i1
    }
    %swap3A_2675 = arith.constant 0 : index
    %swap3A_2676 = arith.constant 2048 : index
    %swap3A_2677 = vector.load %arg3[%swap3A_2675, %swap3A_2676] : memref<1x5120xf32, #tpu.memory_space<vmem>>, vector<1x512xf32>
    tpu.vector_store %arg3[%swap3A_2675, %swap3A_2676], %while3A_2674#0 {strides = array<i32>} : memref<1x5120xf32, #tpu.memory_space<vmem>>, vector<1x512xf32>,
    %convert_element_type3A_2678 = arith.truncf %while3A_2674#0 : vector<1x512xf32> to vector<1x512xbf16>
    %get3A_2679 = arith.constant 2048 : index
    %get3A_2680 = arith.constant 0 : index
    %get3A_2681 = vector.load %arg0[%get3A_2679, %get3A_2680] : memref<5120x8xf32, #tpu.memory_space<vmem>>, vector<512x1xf32>
    %get3A_2682 = arith.constant 2048 : index
    %get3A_2683 = arith.constant 1 : index
    %get3A_2684 = vector.load %arg0[%get3A_2682, %get3A_2683] : memref<5120x8xf32, #tpu.memory_space<vmem>>, vector<512x1xf32>
    %get3A_2685 = arith.constant 2048 : index
    %get3A_2686 = arith.constant 2 : index
    %get3A_2687 = vector.load %arg0[%get3A_2685, %get3A_2686] : memref<5120x8xf32, #tpu.memory_space<vmem>>, vector<512x1xf32>
    %get3A_2688 = arith.constant 2048 : index
    %get3A_2689 = arith.constant 3 : index
    %get3A_2690 = vector.load %arg0[%get3A_2688, %get3A_2689] : memref<5120x8xf32, #tpu.memory_space<vmem>>, vector<512x1xf32>
    %sub3A_2691 = arith.subf %get3A_2687, %get3A_2681 : vector<512x1xf32>
    %sub3A_2692 = arith.subf %get3A_2690, %get3A_2684 : vector<512x1xf32>
    %mul3A_2693 = arith.mulf %sub3A_2691, %sub3A_2692 : vector<512x1xf32>
    %slice3A_2694 = vector.extract_strided_slice %transpose3A {offsets = [0, 2560], sizes = [1, 512], strides = [1, 1]} : vector<8x5120xf32> to vector<1x512xf32>
    %slice3A_2695 = vector.extract_strided_slice %transpose3A {offsets = [1, 2560], sizes = [1, 512], strides = [1, 1]} : vector<8x5120xf32> to vector<1x512xf32>
    %slice3A_2696 = vector.extract_strided_slice %transpose3A {offsets = [2, 2560], sizes = [1, 512], strides = [1, 1]} : vector<8x5120xf32> to vector<1x512xf32>
    %slice3A_2697 = vector.extract_strided_slice %transpose3A {offsets = [3, 2560], sizes = [1, 512], strides = [1, 1]} : vector<8x5120xf32> to vector<1x512xf32>
    %sub3A_2698 = arith.subf %slice3A_2696, %slice3A_2694 : vector<1x512xf32>
    %sub3A_2699 = arith.subf %slice3A_2697, %slice3A_2695 : vector<1x512xf32>
    %mul3A_2700 = arith.mulf %sub3A_2698, %sub3A_2699 : vector<1x512xf32>
    %max3A_2701 = vector.broadcast %get3A_2681 : vector<512x1xf32> to vector<512x512xf32>
    %max3A_2702 = vector.broadcast %slice3A_2694 : vector<1x512xf32> to vector<512x512xf32>
    %max3A_2703 = arith.maximumf %max3A_2701, %max3A_2702 : vector<512x512xf32>
    %max3A_2704 = vector.broadcast %get3A_2684 : vector<512x1xf32> to vector<512x512xf32>
    %max3A_2705 = vector.broadcast %slice3A_2695 : vector<1x512xf32> to vector<512x512xf32>
    %max3A_2706 = arith.maximumf %max3A_2704, %max3A_2705 : vector<512x512xf32>
    %min3A_2707 = vector.broadcast %get3A_2687 : vector<512x1xf32> to vector<512x512xf32>
    %min3A_2708 = vector.broadcast %slice3A_2696 : vector<1x512xf32> to vector<512x512xf32>
    %min3A_2709 = arith.minimumf %min3A_2707, %min3A_2708 : vector<512x512xf32>
    %min3A_2710 = vector.broadcast %get3A_2690 : vector<512x1xf32> to vector<512x512xf32>
    %min3A_2711 = vector.broadcast %slice3A_2697 : vector<1x512xf32> to vector<512x512xf32>
    %min3A_2712 = arith.minimumf %min3A_2710, %min3A_2711 : vector<512x512xf32>
    %sub3A_2713 = arith.subf %min3A_2709, %max3A_2703 : vector<512x512xf32>
    %max3A_2714 = arith.constant 0.000000e+00 : f32
    %max3A_2715 = vector.broadcast %max3A_2714 : f32 to vector<512x512xf32>
    %max3A_2716 = arith.maximumf %sub3A_2713, %max3A_2715 : vector<512x512xf32>
    %sub3A_2717 = arith.subf %min3A_2712, %max3A_2706 : vector<512x512xf32>
    %max3A_2718 = arith.constant 0.000000e+00 : f32
    %max3A_2719 = vector.broadcast %max3A_2718 : f32 to vector<512x512xf32>
    %max3A_2720 = arith.maximumf %sub3A_2717, %max3A_2719 : vector<512x512xf32>
    %mul3A_2721 = arith.mulf %max3A_2716, %max3A_2720 : vector<512x512xf32>
    %add3A_2722 = vector.broadcast %mul3A_2693 : vector<512x1xf32> to vector<512x512xf32>
    %add3A_2723 = vector.broadcast %mul3A_2700 : vector<1x512xf32> to vector<512x512xf32>
    %add3A_2724 = arith.addf %add3A_2722, %add3A_2723 : vector<512x512xf32>
    %sub3A_2725 = arith.subf %add3A_2724, %mul3A_2721 : vector<512x512xf32>
    %add3A_2726 = arith.constant 9.99999993E-9 : f32
    %add3A_2727 = vector.broadcast %add3A_2726 : f32 to vector<512x512xf32>
    %add3A_2728 = arith.addf %sub3A_2725, %add3A_2727 : vector<512x512xf32>
    %div3A_2729 = arith.divf %mul3A_2721, %add3A_2728 : vector<512x512xf32>
    %gt3A_2730 = arith.constant 1.000000e-01 : f32
    %gt3A_2731 = vector.broadcast %gt3A_2730 : f32 to vector<512x512xf32>
    %gt3A_2732 = arith.cmpf ogt, %div3A_2729, %gt3A_2731 : vector<512x512xf32>
    %jit3A_2733 = arith.constant 1.000000e+00 : f32
    %jit3A_2734 = arith.constant 0.000000e+00 : f32
    %broadcast_in_dim3A_2735 = vector.broadcast %jit3A_2733 : f32 to vector<512x512xf32>
    %broadcast_in_dim3A_2736 = vector.broadcast %jit3A_2734 : f32 to vector<512x512xf32>
    %select_n3A_2737 = arith.select %gt3A_2732, %broadcast_in_dim3A_2735, %broadcast_in_dim3A_2736 : vector<512x512xi1>, vector<512x512xf32>
    %convert_element_type3A_2738 = arith.truncf %select_n3A_2737 : vector<512x512xf32> to vector<512x512xbf16>
    %dot_general3A_2739 = arith.constant dense<0.000000e+00> : vector<1x512xf32>
    %dot_general3A_2740 = tpu.matmul %convert_element_type3A_2678, %convert_element_type3A_2738, %dot_general3A_2739 {dimension_numbers = #tpu.dot_dimension_numbers<[1], [0], [0], [1], [0, 0, 1, 1], [], []>, transpose_lhs_hint = false} : vector<1x512xbf16>, vector<512x512xbf16>, vector<1x512xf32> -> vector<1x512xf32>
    %get3A_2741 = arith.constant 0 : index
    %get3A_2742 = arith.constant 2560 : index
    %get3A_2743 = vector.load %arg3[%get3A_2741, %get3A_2742] : memref<1x5120xf32, #tpu.memory_space<vmem>>, vector<1x512xf32>
    %gt3A_2744 = arith.constant 0.000000e+00 : f32
    %gt3A_2745 = vector.broadcast %gt3A_2744 : f32 to vector<1x512xf32>
    %gt3A_2746 = arith.cmpf ogt, %dot_general3A_2740, %gt3A_2745 : vector<1x512xf32>
    %jit3A_2747 = arith.constant 0.000000e+00 : f32
    %jit3A_2748 = arith.constant 1.000000e+00 : f32
    %broadcast_in_dim3A_2749 = vector.broadcast %jit3A_2747 : f32 to vector<1x512xf32>
    %broadcast_in_dim3A_2750 = vector.broadcast %jit3A_2748 : f32 to vector<1x512xf32>
    %select_n3A_2751 = arith.select %gt3A_2746, %broadcast_in_dim3A_2749, %broadcast_in_dim3A_2750 : vector<1x512xi1>, vector<1x512xf32>
    %mul3A_2752 = arith.mulf %get3A_2743, %select_n3A_2751 : vector<1x512xf32>
    %swap3A_2753 = arith.constant 0 : index
    %swap3A_2754 = arith.constant 2560 : index
    %swap3A_2755 = vector.load %arg3[%swap3A_2753, %swap3A_2754] : memref<1x5120xf32, #tpu.memory_space<vmem>>, vector<1x512xf32>
    tpu.vector_store %arg3[%swap3A_2753, %swap3A_2754], %mul3A_2752 {strides = array<i32>} : memref<1x5120xf32, #tpu.memory_space<vmem>>, vector<1x512xf32>,
    %get3A_2756 = arith.constant 2048 : index
    %get3A_2757 = arith.constant 0 : index
    %get3A_2758 = vector.load %arg0[%get3A_2756, %get3A_2757] : memref<5120x8xf32, #tpu.memory_space<vmem>>, vector<512x1xf32>
    %get3A_2759 = arith.constant 2048 : index
    %get3A_2760 = arith.constant 1 : index
    %get3A_2761 = vector.load %arg0[%get3A_2759, %get3A_2760] : memref<5120x8xf32, #tpu.memory_space<vmem>>, vector<512x1xf32>
    %get3A_2762 = arith.constant 2048 : index
    %get3A_2763 = arith.constant 2 : index
    %get3A_2764 = vector.load %arg0[%get3A_2762, %get3A_2763] : memref<5120x8xf32, #tpu.memory_space<vmem>>, vector<512x1xf32>
    %get3A_2765 = arith.constant 2048 : index
    %get3A_2766 = arith.constant 3 : index
    %get3A_2767 = vector.load %arg0[%get3A_2765, %get3A_2766] : memref<5120x8xf32, #tpu.memory_space<vmem>>, vector<512x1xf32>
    %sub3A_2768 = arith.subf %get3A_2764, %get3A_2758 : vector<512x1xf32>
    %sub3A_2769 = arith.subf %get3A_2767, %get3A_2761 : vector<512x1xf32>
    %mul3A_2770 = arith.mulf %sub3A_2768, %sub3A_2769 : vector<512x1xf32>
    %slice3A_2771 = vector.extract_strided_slice %transpose3A {offsets = [0, 3072], sizes = [1, 512], strides = [1, 1]} : vector<8x5120xf32> to vector<1x512xf32>
    %slice3A_2772 = vector.extract_strided_slice %transpose3A {offsets = [1, 3072], sizes = [1, 512], strides = [1, 1]} : vector<8x5120xf32> to vector<1x512xf32>
    %slice3A_2773 = vector.extract_strided_slice %transpose3A {offsets = [2, 3072], sizes = [1, 512], strides = [1, 1]} : vector<8x5120xf32> to vector<1x512xf32>
    %slice3A_2774 = vector.extract_strided_slice %transpose3A {offsets = [3, 3072], sizes = [1, 512], strides = [1, 1]} : vector<8x5120xf32> to vector<1x512xf32>
    %sub3A_2775 = arith.subf %slice3A_2773, %slice3A_2771 : vector<1x512xf32>
    %sub3A_2776 = arith.subf %slice3A_2774, %slice3A_2772 : vector<1x512xf32>
    %mul3A_2777 = arith.mulf %sub3A_2775, %sub3A_2776 : vector<1x512xf32>
    %max3A_2778 = vector.broadcast %get3A_2758 : vector<512x1xf32> to vector<512x512xf32>
    %max3A_2779 = vector.broadcast %slice3A_2771 : vector<1x512xf32> to vector<512x512xf32>
    %max3A_2780 = arith.maximumf %max3A_2778, %max3A_2779 : vector<512x512xf32>
    %max3A_2781 = vector.broadcast %get3A_2761 : vector<512x1xf32> to vector<512x512xf32>
    %max3A_2782 = vector.broadcast %slice3A_2772 : vector<1x512xf32> to vector<512x512xf32>
    %max3A_2783 = arith.maximumf %max3A_2781, %max3A_2782 : vector<512x512xf32>
    %min3A_2784 = vector.broadcast %get3A_2764 : vector<512x1xf32> to vector<512x512xf32>
    %min3A_2785 = vector.broadcast %slice3A_2773 : vector<1x512xf32> to vector<512x512xf32>
    %min3A_2786 = arith.minimumf %min3A_2784, %min3A_2785 : vector<512x512xf32>
    %min3A_2787 = vector.broadcast %get3A_2767 : vector<512x1xf32> to vector<512x512xf32>
    %min3A_2788 = vector.broadcast %slice3A_2774 : vector<1x512xf32> to vector<512x512xf32>
    %min3A_2789 = arith.minimumf %min3A_2787, %min3A_2788 : vector<512x512xf32>
    %sub3A_2790 = arith.subf %min3A_2786, %max3A_2780 : vector<512x512xf32>
    %max3A_2791 = arith.constant 0.000000e+00 : f32
    %max3A_2792 = vector.broadcast %max3A_2791 : f32 to vector<512x512xf32>
    %max3A_2793 = arith.maximumf %sub3A_2790, %max3A_2792 : vector<512x512xf32>
    %sub3A_2794 = arith.subf %min3A_2789, %max3A_2783 : vector<512x512xf32>
    %max3A_2795 = arith.constant 0.000000e+00 : f32
    %max3A_2796 = vector.broadcast %max3A_2795 : f32 to vector<512x512xf32>
    %max3A_2797 = arith.maximumf %sub3A_2794, %max3A_2796 : vector<512x512xf32>
    %mul3A_2798 = arith.mulf %max3A_2793, %max3A_2797 : vector<512x512xf32>
    %add3A_2799 = vector.broadcast %mul3A_2770 : vector<512x1xf32> to vector<512x512xf32>
    %add3A_2800 = vector.broadcast %mul3A_2777 : vector<1x512xf32> to vector<512x512xf32>
    %add3A_2801 = arith.addf %add3A_2799, %add3A_2800 : vector<512x512xf32>
    %sub3A_2802 = arith.subf %add3A_2801, %mul3A_2798 : vector<512x512xf32>
    %add3A_2803 = arith.constant 9.99999993E-9 : f32
    %add3A_2804 = vector.broadcast %add3A_2803 : f32 to vector<512x512xf32>
    %add3A_2805 = arith.addf %sub3A_2802, %add3A_2804 : vector<512x512xf32>
    %div3A_2806 = arith.divf %mul3A_2798, %add3A_2805 : vector<512x512xf32>
    %gt3A_2807 = arith.constant 1.000000e-01 : f32
    %gt3A_2808 = vector.broadcast %gt3A_2807 : f32 to vector<512x512xf32>
    %gt3A_2809 = arith.cmpf ogt, %div3A_2806, %gt3A_2808 : vector<512x512xf32>
    %jit3A_2810 = arith.constant 1.000000e+00 : f32
    %jit3A_2811 = arith.constant 0.000000e+00 : f32
    %broadcast_in_dim3A_2812 = vector.broadcast %jit3A_2810 : f32 to vector<512x512xf32>
    %broadcast_in_dim3A_2813 = vector.broadcast %jit3A_2811 : f32 to vector<512x512xf32>
    %select_n3A_2814 = arith.select %gt3A_2809, %broadcast_in_dim3A_2812, %broadcast_in_dim3A_2813 : vector<512x512xi1>, vector<512x512xf32>
    %convert_element_type3A_2815 = arith.truncf %select_n3A_2814 : vector<512x512xf32> to vector<512x512xbf16>
    %dot_general3A_2816 = arith.constant dense<0.000000e+00> : vector<1x512xf32>
    %dot_general3A_2817 = tpu.matmul %convert_element_type3A_2678, %convert_element_type3A_2815, %dot_general3A_2816 {dimension_numbers = #tpu.dot_dimension_numbers<[1], [0], [0], [1], [0, 0, 1, 1], [], []>, transpose_lhs_hint = false} : vector<1x512xbf16>, vector<512x512xbf16>, vector<1x512xf32> -> vector<1x512xf32>
    %get3A_2818 = arith.constant 0 : index
    %get3A_2819 = arith.constant 3072 : index
    %get3A_2820 = vector.load %arg3[%get3A_2818, %get3A_2819] : memref<1x5120xf32, #tpu.memory_space<vmem>>, vector<1x512xf32>
    %gt3A_2821 = arith.constant 0.000000e+00 : f32
    %gt3A_2822 = vector.broadcast %gt3A_2821 : f32 to vector<1x512xf32>
    %gt3A_2823 = arith.cmpf ogt, %dot_general3A_2817, %gt3A_2822 : vector<1x512xf32>
    %jit3A_2824 = arith.constant 0.000000e+00 : f32
    %jit3A_2825 = arith.constant 1.000000e+00 : f32
    %broadcast_in_dim3A_2826 = vector.broadcast %jit3A_2824 : f32 to vector<1x512xf32>
    %broadcast_in_dim3A_2827 = vector.broadcast %jit3A_2825 : f32 to vector<1x512xf32>
    %select_n3A_2828 = arith.select %gt3A_2823, %broadcast_in_dim3A_2826, %broadcast_in_dim3A_2827 : vector<1x512xi1>, vector<1x512xf32>
    %mul3A_2829 = arith.mulf %get3A_2820, %select_n3A_2828 : vector<1x512xf32>
    %swap3A_2830 = arith.constant 0 : index
    %swap3A_2831 = arith.constant 3072 : index
    %swap3A_2832 = vector.load %arg3[%swap3A_2830, %swap3A_2831] : memref<1x5120xf32, #tpu.memory_space<vmem>>, vector<1x512xf32>
    tpu.vector_store %arg3[%swap3A_2830, %swap3A_2831], %mul3A_2829 {strides = array<i32>} : memref<1x5120xf32, #tpu.memory_space<vmem>>, vector<1x512xf32>,
    %get3A_2833 = arith.constant 2048 : index
    %get3A_2834 = arith.constant 0 : index
    %get3A_2835 = vector.load %arg0[%get3A_2833, %get3A_2834] : memref<5120x8xf32, #tpu.memory_space<vmem>>, vector<512x1xf32>
    %get3A_2836 = arith.constant 2048 : index
    %get3A_2837 = arith.constant 1 : index
    %get3A_2838 = vector.load %arg0[%get3A_2836, %get3A_2837] : memref<5120x8xf32, #tpu.memory_space<vmem>>, vector<512x1xf32>
    %get3A_2839 = arith.constant 2048 : index
    %get3A_2840 = arith.constant 2 : index
    %get3A_2841 = vector.load %arg0[%get3A_2839, %get3A_2840] : memref<5120x8xf32, #tpu.memory_space<vmem>>, vector<512x1xf32>
    %get3A_2842 = arith.constant 2048 : index
    %get3A_2843 = arith.constant 3 : index
    %get3A_2844 = vector.load %arg0[%get3A_2842, %get3A_2843] : memref<5120x8xf32, #tpu.memory_space<vmem>>, vector<512x1xf32>
    %sub3A_2845 = arith.subf %get3A_2841, %get3A_2835 : vector<512x1xf32>
    %sub3A_2846 = arith.subf %get3A_2844, %get3A_2838 : vector<512x1xf32>
    %mul3A_2847 = arith.mulf %sub3A_2845, %sub3A_2846 : vector<512x1xf32>
    %slice3A_2848 = vector.extract_strided_slice %transpose3A {offsets = [0, 3584], sizes = [1, 512], strides = [1, 1]} : vector<8x5120xf32> to vector<1x512xf32>
    %slice3A_2849 = vector.extract_strided_slice %transpose3A {offsets = [1, 3584], sizes = [1, 512], strides = [1, 1]} : vector<8x5120xf32> to vector<1x512xf32>
    %slice3A_2850 = vector.extract_strided_slice %transpose3A {offsets = [2, 3584], sizes = [1, 512], strides = [1, 1]} : vector<8x5120xf32> to vector<1x512xf32>
    %slice3A_2851 = vector.extract_strided_slice %transpose3A {offsets = [3, 3584], sizes = [1, 512], strides = [1, 1]} : vector<8x5120xf32> to vector<1x512xf32>
    %sub3A_2852 = arith.subf %slice3A_2850, %slice3A_2848 : vector<1x512xf32>
    %sub3A_2853 = arith.subf %slice3A_2851, %slice3A_2849 : vector<1x512xf32>
    %mul3A_2854 = arith.mulf %sub3A_2852, %sub3A_2853 : vector<1x512xf32>
    %max3A_2855 = vector.broadcast %get3A_2835 : vector<512x1xf32> to vector<512x512xf32>
    %max3A_2856 = vector.broadcast %slice3A_2848 : vector<1x512xf32> to vector<512x512xf32>
    %max3A_2857 = arith.maximumf %max3A_2855, %max3A_2856 : vector<512x512xf32>
    %max3A_2858 = vector.broadcast %get3A_2838 : vector<512x1xf32> to vector<512x512xf32>
    %max3A_2859 = vector.broadcast %slice3A_2849 : vector<1x512xf32> to vector<512x512xf32>
    %max3A_2860 = arith.maximumf %max3A_2858, %max3A_2859 : vector<512x512xf32>
    %min3A_2861 = vector.broadcast %get3A_2841 : vector<512x1xf32> to vector<512x512xf32>
    %min3A_2862 = vector.broadcast %slice3A_2850 : vector<1x512xf32> to vector<512x512xf32>
    %min3A_2863 = arith.minimumf %min3A_2861, %min3A_2862 : vector<512x512xf32>
    %min3A_2864 = vector.broadcast %get3A_2844 : vector<512x1xf32> to vector<512x512xf32>
    %min3A_2865 = vector.broadcast %slice3A_2851 : vector<1x512xf32> to vector<512x512xf32>
    %min3A_2866 = arith.minimumf %min3A_2864, %min3A_2865 : vector<512x512xf32>
    %sub3A_2867 = arith.subf %min3A_2863, %max3A_2857 : vector<512x512xf32>
    %max3A_2868 = arith.constant 0.000000e+00 : f32
    %max3A_2869 = vector.broadcast %max3A_2868 : f32 to vector<512x512xf32>
    %max3A_2870 = arith.maximumf %sub3A_2867, %max3A_2869 : vector<512x512xf32>
    %sub3A_2871 = arith.subf %min3A_2866, %max3A_2860 : vector<512x512xf32>
    %max3A_2872 = arith.constant 0.000000e+00 : f32
    %max3A_2873 = vector.broadcast %max3A_2872 : f32 to vector<512x512xf32>
    %max3A_2874 = arith.maximumf %sub3A_2871, %max3A_2873 : vector<512x512xf32>
    %mul3A_2875 = arith.mulf %max3A_2870, %max3A_2874 : vector<512x512xf32>
    %add3A_2876 = vector.broadcast %mul3A_2847 : vector<512x1xf32> to vector<512x512xf32>
    %add3A_2877 = vector.broadcast %mul3A_2854 : vector<1x512xf32> to vector<512x512xf32>
    %add3A_2878 = arith.addf %add3A_2876, %add3A_2877 : vector<512x512xf32>
    %sub3A_2879 = arith.subf %add3A_2878, %mul3A_2875 : vector<512x512xf32>
    %add3A_2880 = arith.constant 9.99999993E-9 : f32
    %add3A_2881 = vector.broadcast %add3A_2880 : f32 to vector<512x512xf32>
    %add3A_2882 = arith.addf %sub3A_2879, %add3A_2881 : vector<512x512xf32>
    %div3A_2883 = arith.divf %mul3A_2875, %add3A_2882 : vector<512x512xf32>
    %gt3A_2884 = arith.constant 1.000000e-01 : f32
    %gt3A_2885 = vector.broadcast %gt3A_2884 : f32 to vector<512x512xf32>
    %gt3A_2886 = arith.cmpf ogt, %div3A_2883, %gt3A_2885 : vector<512x512xf32>
    %jit3A_2887 = arith.constant 1.000000e+00 : f32
    %jit3A_2888 = arith.constant 0.000000e+00 : f32
    %broadcast_in_dim3A_2889 = vector.broadcast %jit3A_2887 : f32 to vector<512x512xf32>
    %broadcast_in_dim3A_2890 = vector.broadcast %jit3A_2888 : f32 to vector<512x512xf32>
    %select_n3A_2891 = arith.select %gt3A_2886, %broadcast_in_dim3A_2889, %broadcast_in_dim3A_2890 : vector<512x512xi1>, vector<512x512xf32>
    %convert_element_type3A_2892 = arith.truncf %select_n3A_2891 : vector<512x512xf32> to vector<512x512xbf16>
    %dot_general3A_2893 = arith.constant dense<0.000000e+00> : vector<1x512xf32>
    %dot_general3A_2894 = tpu.matmul %convert_element_type3A_2678, %convert_element_type3A_2892, %dot_general3A_2893 {dimension_numbers = #tpu.dot_dimension_numbers<[1], [0], [0], [1], [0, 0, 1, 1], [], []>, transpose_lhs_hint = false} : vector<1x512xbf16>, vector<512x512xbf16>, vector<1x512xf32> -> vector<1x512xf32>
    %get3A_2895 = arith.constant 0 : index
    %get3A_2896 = arith.constant 3584 : index
    %get3A_2897 = vector.load %arg3[%get3A_2895, %get3A_2896] : memref<1x5120xf32, #tpu.memory_space<vmem>>, vector<1x512xf32>
    %gt3A_2898 = arith.constant 0.000000e+00 : f32
    %gt3A_2899 = vector.broadcast %gt3A_2898 : f32 to vector<1x512xf32>
    %gt3A_2900 = arith.cmpf ogt, %dot_general3A_2894, %gt3A_2899 : vector<1x512xf32>
    %jit3A_2901 = arith.constant 0.000000e+00 : f32
    %jit3A_2902 = arith.constant 1.000000e+00 : f32
    %broadcast_in_dim3A_2903 = vector.broadcast %jit3A_2901 : f32 to vector<1x512xf32>
    %broadcast_in_dim3A_2904 = vector.broadcast %jit3A_2902 : f32 to vector<1x512xf32>
    %select_n3A_2905 = arith.select %gt3A_2900, %broadcast_in_dim3A_2903, %broadcast_in_dim3A_2904 : vector<1x512xi1>, vector<1x512xf32>
    %mul3A_2906 = arith.mulf %get3A_2897, %select_n3A_2905 : vector<1x512xf32>
    %swap3A_2907 = arith.constant 0 : index
    %swap3A_2908 = arith.constant 3584 : index
    %swap3A_2909 = vector.load %arg3[%swap3A_2907, %swap3A_2908] : memref<1x5120xf32, #tpu.memory_space<vmem>>, vector<1x512xf32>
    tpu.vector_store %arg3[%swap3A_2907, %swap3A_2908], %mul3A_2906 {strides = array<i32>} : memref<1x5120xf32, #tpu.memory_space<vmem>>, vector<1x512xf32>,
    %get3A_2910 = arith.constant 2048 : index
    %get3A_2911 = arith.constant 0 : index
    %get3A_2912 = vector.load %arg0[%get3A_2910, %get3A_2911] : memref<5120x8xf32, #tpu.memory_space<vmem>>, vector<512x1xf32>
    %get3A_2913 = arith.constant 2048 : index
    %get3A_2914 = arith.constant 1 : index
    %get3A_2915 = vector.load %arg0[%get3A_2913, %get3A_2914] : memref<5120x8xf32, #tpu.memory_space<vmem>>, vector<512x1xf32>
    %get3A_2916 = arith.constant 2048 : index
    %get3A_2917 = arith.constant 2 : index
    %get3A_2918 = vector.load %arg0[%get3A_2916, %get3A_2917] : memref<5120x8xf32, #tpu.memory_space<vmem>>, vector<512x1xf32>
    %get3A_2919 = arith.constant 2048 : index
    %get3A_2920 = arith.constant 3 : index
    %get3A_2921 = vector.load %arg0[%get3A_2919, %get3A_2920] : memref<5120x8xf32, #tpu.memory_space<vmem>>, vector<512x1xf32>
    %sub3A_2922 = arith.subf %get3A_2918, %get3A_2912 : vector<512x1xf32>
    %sub3A_2923 = arith.subf %get3A_2921, %get3A_2915 : vector<512x1xf32>
    %mul3A_2924 = arith.mulf %sub3A_2922, %sub3A_2923 : vector<512x1xf32>
    %slice3A_2925 = vector.extract_strided_slice %transpose3A {offsets = [0, 4096], sizes = [1, 512], strides = [1, 1]} : vector<8x5120xf32> to vector<1x512xf32>
    %slice3A_2926 = vector.extract_strided_slice %transpose3A {offsets = [1, 4096], sizes = [1, 512], strides = [1, 1]} : vector<8x5120xf32> to vector<1x512xf32>
    %slice3A_2927 = vector.extract_strided_slice %transpose3A {offsets = [2, 4096], sizes = [1, 512], strides = [1, 1]} : vector<8x5120xf32> to vector<1x512xf32>
    %slice3A_2928 = vector.extract_strided_slice %transpose3A {offsets = [3, 4096], sizes = [1, 512], strides = [1, 1]} : vector<8x5120xf32> to vector<1x512xf32>
    %sub3A_2929 = arith.subf %slice3A_2927, %slice3A_2925 : vector<1x512xf32>
    %sub3A_2930 = arith.subf %slice3A_2928, %slice3A_2926 : vector<1x512xf32>
    %mul3A_2931 = arith.mulf %sub3A_2929, %sub3A_2930 : vector<1x512xf32>
    %max3A_2932 = vector.broadcast %get3A_2912 : vector<512x1xf32> to vector<512x512xf32>
    %max3A_2933 = vector.broadcast %slice3A_2925 : vector<1x512xf32> to vector<512x512xf32>
    %max3A_2934 = arith.maximumf %max3A_2932, %max3A_2933 : vector<512x512xf32>
    %max3A_2935 = vector.broadcast %get3A_2915 : vector<512x1xf32> to vector<512x512xf32>
    %max3A_2936 = vector.broadcast %slice3A_2926 : vector<1x512xf32> to vector<512x512xf32>
    %max3A_2937 = arith.maximumf %max3A_2935, %max3A_2936 : vector<512x512xf32>
    %min3A_2938 = vector.broadcast %get3A_2918 : vector<512x1xf32> to vector<512x512xf32>
    %min3A_2939 = vector.broadcast %slice3A_2927 : vector<1x512xf32> to vector<512x512xf32>
    %min3A_2940 = arith.minimumf %min3A_2938, %min3A_2939 : vector<512x512xf32>
    %min3A_2941 = vector.broadcast %get3A_2921 : vector<512x1xf32> to vector<512x512xf32>
    %min3A_2942 = vector.broadcast %slice3A_2928 : vector<1x512xf32> to vector<512x512xf32>
    %min3A_2943 = arith.minimumf %min3A_2941, %min3A_2942 : vector<512x512xf32>
    %sub3A_2944 = arith.subf %min3A_2940, %max3A_2934 : vector<512x512xf32>
    %max3A_2945 = arith.constant 0.000000e+00 : f32
    %max3A_2946 = vector.broadcast %max3A_2945 : f32 to vector<512x512xf32>
    %max3A_2947 = arith.maximumf %sub3A_2944, %max3A_2946 : vector<512x512xf32>
    %sub3A_2948 = arith.subf %min3A_2943, %max3A_2937 : vector<512x512xf32>
    %max3A_2949 = arith.constant 0.000000e+00 : f32
    %max3A_2950 = vector.broadcast %max3A_2949 : f32 to vector<512x512xf32>
    %max3A_2951 = arith.maximumf %sub3A_2948, %max3A_2950 : vector<512x512xf32>
    %mul3A_2952 = arith.mulf %max3A_2947, %max3A_2951 : vector<512x512xf32>
    %add3A_2953 = vector.broadcast %mul3A_2924 : vector<512x1xf32> to vector<512x512xf32>
    %add3A_2954 = vector.broadcast %mul3A_2931 : vector<1x512xf32> to vector<512x512xf32>
    %add3A_2955 = arith.addf %add3A_2953, %add3A_2954 : vector<512x512xf32>
    %sub3A_2956 = arith.subf %add3A_2955, %mul3A_2952 : vector<512x512xf32>
    %add3A_2957 = arith.constant 9.99999993E-9 : f32
    %add3A_2958 = vector.broadcast %add3A_2957 : f32 to vector<512x512xf32>
    %add3A_2959 = arith.addf %sub3A_2956, %add3A_2958 : vector<512x512xf32>
    %div3A_2960 = arith.divf %mul3A_2952, %add3A_2959 : vector<512x512xf32>
    %gt3A_2961 = arith.constant 1.000000e-01 : f32
    %gt3A_2962 = vector.broadcast %gt3A_2961 : f32 to vector<512x512xf32>
    %gt3A_2963 = arith.cmpf ogt, %div3A_2960, %gt3A_2962 : vector<512x512xf32>
    %jit3A_2964 = arith.constant 1.000000e+00 : f32
    %jit3A_2965 = arith.constant 0.000000e+00 : f32
    %broadcast_in_dim3A_2966 = vector.broadcast %jit3A_2964 : f32 to vector<512x512xf32>
    %broadcast_in_dim3A_2967 = vector.broadcast %jit3A_2965 : f32 to vector<512x512xf32>
    %select_n3A_2968 = arith.select %gt3A_2963, %broadcast_in_dim3A_2966, %broadcast_in_dim3A_2967 : vector<512x512xi1>, vector<512x512xf32>
    %convert_element_type3A_2969 = arith.truncf %select_n3A_2968 : vector<512x512xf32> to vector<512x512xbf16>
    %dot_general3A_2970 = arith.constant dense<0.000000e+00> : vector<1x512xf32>
    %dot_general3A_2971 = tpu.matmul %convert_element_type3A_2678, %convert_element_type3A_2969, %dot_general3A_2970 {dimension_numbers = #tpu.dot_dimension_numbers<[1], [0], [0], [1], [0, 0, 1, 1], [], []>, transpose_lhs_hint = false} : vector<1x512xbf16>, vector<512x512xbf16>, vector<1x512xf32> -> vector<1x512xf32>
    %get3A_2972 = arith.constant 0 : index
    %get3A_2973 = arith.constant 4096 : index
    %get3A_2974 = vector.load %arg3[%get3A_2972, %get3A_2973] : memref<1x5120xf32, #tpu.memory_space<vmem>>, vector<1x512xf32>
    %gt3A_2975 = arith.constant 0.000000e+00 : f32
    %gt3A_2976 = vector.broadcast %gt3A_2975 : f32 to vector<1x512xf32>
    %gt3A_2977 = arith.cmpf ogt, %dot_general3A_2971, %gt3A_2976 : vector<1x512xf32>
    %jit3A_2978 = arith.constant 0.000000e+00 : f32
    %jit3A_2979 = arith.constant 1.000000e+00 : f32
    %broadcast_in_dim3A_2980 = vector.broadcast %jit3A_2978 : f32 to vector<1x512xf32>
    %broadcast_in_dim3A_2981 = vector.broadcast %jit3A_2979 : f32 to vector<1x512xf32>
    %select_n3A_2982 = arith.select %gt3A_2977, %broadcast_in_dim3A_2980, %broadcast_in_dim3A_2981 : vector<1x512xi1>, vector<1x512xf32>
    %mul3A_2983 = arith.mulf %get3A_2974, %select_n3A_2982 : vector<1x512xf32>
    %swap3A_2984 = arith.constant 0 : index
    %swap3A_2985 = arith.constant 4096 : index
    %swap3A_2986 = vector.load %arg3[%swap3A_2984, %swap3A_2985] : memref<1x5120xf32, #tpu.memory_space<vmem>>, vector<1x512xf32>
    tpu.vector_store %arg3[%swap3A_2984, %swap3A_2985], %mul3A_2983 {strides = array<i32>} : memref<1x5120xf32, #tpu.memory_space<vmem>>, vector<1x512xf32>,
    %get3A_2987 = arith.constant 2048 : index
    %get3A_2988 = arith.constant 0 : index
    %get3A_2989 = vector.load %arg0[%get3A_2987, %get3A_2988] : memref<5120x8xf32, #tpu.memory_space<vmem>>, vector<512x1xf32>
    %get3A_2990 = arith.constant 2048 : index
    %get3A_2991 = arith.constant 1 : index
    %get3A_2992 = vector.load %arg0[%get3A_2990, %get3A_2991] : memref<5120x8xf32, #tpu.memory_space<vmem>>, vector<512x1xf32>
    %get3A_2993 = arith.constant 2048 : index
    %get3A_2994 = arith.constant 2 : index
    %get3A_2995 = vector.load %arg0[%get3A_2993, %get3A_2994] : memref<5120x8xf32, #tpu.memory_space<vmem>>, vector<512x1xf32>
    %get3A_2996 = arith.constant 2048 : index
    %get3A_2997 = arith.constant 3 : index
    %get3A_2998 = vector.load %arg0[%get3A_2996, %get3A_2997] : memref<5120x8xf32, #tpu.memory_space<vmem>>, vector<512x1xf32>
    %sub3A_2999 = arith.subf %get3A_2995, %get3A_2989 : vector<512x1xf32>
    %sub3A_3000 = arith.subf %get3A_2998, %get3A_2992 : vector<512x1xf32>
    %mul3A_3001 = arith.mulf %sub3A_2999, %sub3A_3000 : vector<512x1xf32>
    %slice3A_3002 = vector.extract_strided_slice %transpose3A {offsets = [0, 4608], sizes = [1, 512], strides = [1, 1]} : vector<8x5120xf32> to vector<1x512xf32>
    %slice3A_3003 = vector.extract_strided_slice %transpose3A {offsets = [1, 4608], sizes = [1, 512], strides = [1, 1]} : vector<8x5120xf32> to vector<1x512xf32>
    %slice3A_3004 = vector.extract_strided_slice %transpose3A {offsets = [2, 4608], sizes = [1, 512], strides = [1, 1]} : vector<8x5120xf32> to vector<1x512xf32>
    %slice3A_3005 = vector.extract_strided_slice %transpose3A {offsets = [3, 4608], sizes = [1, 512], strides = [1, 1]} : vector<8x5120xf32> to vector<1x512xf32>
    %sub3A_3006 = arith.subf %slice3A_3004, %slice3A_3002 : vector<1x512xf32>
    %sub3A_3007 = arith.subf %slice3A_3005, %slice3A_3003 : vector<1x512xf32>
    %mul3A_3008 = arith.mulf %sub3A_3006, %sub3A_3007 : vector<1x512xf32>
    %max3A_3009 = vector.broadcast %get3A_2989 : vector<512x1xf32> to vector<512x512xf32>
    %max3A_3010 = vector.broadcast %slice3A_3002 : vector<1x512xf32> to vector<512x512xf32>
    %max3A_3011 = arith.maximumf %max3A_3009, %max3A_3010 : vector<512x512xf32>
    %max3A_3012 = vector.broadcast %get3A_2992 : vector<512x1xf32> to vector<512x512xf32>
    %max3A_3013 = vector.broadcast %slice3A_3003 : vector<1x512xf32> to vector<512x512xf32>
    %max3A_3014 = arith.maximumf %max3A_3012, %max3A_3013 : vector<512x512xf32>
    %min3A_3015 = vector.broadcast %get3A_2995 : vector<512x1xf32> to vector<512x512xf32>
    %min3A_3016 = vector.broadcast %slice3A_3004 : vector<1x512xf32> to vector<512x512xf32>
    %min3A_3017 = arith.minimumf %min3A_3015, %min3A_3016 : vector<512x512xf32>
    %min3A_3018 = vector.broadcast %get3A_2998 : vector<512x1xf32> to vector<512x512xf32>
    %min3A_3019 = vector.broadcast %slice3A_3005 : vector<1x512xf32> to vector<512x512xf32>
    %min3A_3020 = arith.minimumf %min3A_3018, %min3A_3019 : vector<512x512xf32>
    %sub3A_3021 = arith.subf %min3A_3017, %max3A_3011 : vector<512x512xf32>
    %max3A_3022 = arith.constant 0.000000e+00 : f32
    %max3A_3023 = vector.broadcast %max3A_3022 : f32 to vector<512x512xf32>
    %max3A_3024 = arith.maximumf %sub3A_3021, %max3A_3023 : vector<512x512xf32>
    %sub3A_3025 = arith.subf %min3A_3020, %max3A_3014 : vector<512x512xf32>
    %max3A_3026 = arith.constant 0.000000e+00 : f32
    %max3A_3027 = vector.broadcast %max3A_3026 : f32 to vector<512x512xf32>
    %max3A_3028 = arith.maximumf %sub3A_3025, %max3A_3027 : vector<512x512xf32>
    %mul3A_3029 = arith.mulf %max3A_3024, %max3A_3028 : vector<512x512xf32>
    %add3A_3030 = vector.broadcast %mul3A_3001 : vector<512x1xf32> to vector<512x512xf32>
    %add3A_3031 = vector.broadcast %mul3A_3008 : vector<1x512xf32> to vector<512x512xf32>
    %add3A_3032 = arith.addf %add3A_3030, %add3A_3031 : vector<512x512xf32>
    %sub3A_3033 = arith.subf %add3A_3032, %mul3A_3029 : vector<512x512xf32>
    %add3A_3034 = arith.constant 9.99999993E-9 : f32
    %add3A_3035 = vector.broadcast %add3A_3034 : f32 to vector<512x512xf32>
    %add3A_3036 = arith.addf %sub3A_3033, %add3A_3035 : vector<512x512xf32>
    %div3A_3037 = arith.divf %mul3A_3029, %add3A_3036 : vector<512x512xf32>
    %gt3A_3038 = arith.constant 1.000000e-01 : f32
    %gt3A_3039 = vector.broadcast %gt3A_3038 : f32 to vector<512x512xf32>
    %gt3A_3040 = arith.cmpf ogt, %div3A_3037, %gt3A_3039 : vector<512x512xf32>
    %jit3A_3041 = arith.constant 1.000000e+00 : f32
    %jit3A_3042 = arith.constant 0.000000e+00 : f32
    %broadcast_in_dim3A_3043 = vector.broadcast %jit3A_3041 : f32 to vector<512x512xf32>
    %broadcast_in_dim3A_3044 = vector.broadcast %jit3A_3042 : f32 to vector<512x512xf32>
    %select_n3A_3045 = arith.select %gt3A_3040, %broadcast_in_dim3A_3043, %broadcast_in_dim3A_3044 : vector<512x512xi1>, vector<512x512xf32>
    %convert_element_type3A_3046 = arith.truncf %select_n3A_3045 : vector<512x512xf32> to vector<512x512xbf16>
    %dot_general3A_3047 = arith.constant dense<0.000000e+00> : vector<1x512xf32>
    %dot_general3A_3048 = tpu.matmul %convert_element_type3A_2678, %convert_element_type3A_3046, %dot_general3A_3047 {dimension_numbers = #tpu.dot_dimension_numbers<[1], [0], [0], [1], [0, 0, 1, 1], [], []>, transpose_lhs_hint = false} : vector<1x512xbf16>, vector<512x512xbf16>, vector<1x512xf32> -> vector<1x512xf32>
    %get3A_3049 = arith.constant 0 : index
    %get3A_3050 = arith.constant 4608 : index
    %get3A_3051 = vector.load %arg3[%get3A_3049, %get3A_3050] : memref<1x5120xf32, #tpu.memory_space<vmem>>, vector<1x512xf32>
    %gt3A_3052 = arith.constant 0.000000e+00 : f32
    %gt3A_3053 = vector.broadcast %gt3A_3052 : f32 to vector<1x512xf32>
    %gt3A_3054 = arith.cmpf ogt, %dot_general3A_3048, %gt3A_3053 : vector<1x512xf32>
    %jit3A_3055 = arith.constant 0.000000e+00 : f32
    %jit3A_3056 = arith.constant 1.000000e+00 : f32
    %broadcast_in_dim3A_3057 = vector.broadcast %jit3A_3055 : f32 to vector<1x512xf32>
    %broadcast_in_dim3A_3058 = vector.broadcast %jit3A_3056 : f32 to vector<1x512xf32>
    %select_n3A_3059 = arith.select %gt3A_3054, %broadcast_in_dim3A_3057, %broadcast_in_dim3A_3058 : vector<1x512xi1>, vector<1x512xf32>
    %mul3A_3060 = arith.mulf %get3A_3051, %select_n3A_3059 : vector<1x512xf32>
    %swap3A_3061 = arith.constant 0 : index
    %swap3A_3062 = arith.constant 4608 : index
    %swap3A_3063 = vector.load %arg3[%swap3A_3061, %swap3A_3062] : memref<1x5120xf32, #tpu.memory_space<vmem>>, vector<1x512xf32>
    tpu.vector_store %arg3[%swap3A_3061, %swap3A_3062], %mul3A_3060 {strides = array<i32>} : memref<1x5120xf32, #tpu.memory_space<vmem>>, vector<1x512xf32>,
    %iota3A_3064 = tpu.iota {dimensions = array<i32: 0>} : vector<512x512xi32>
    %iota3A_3065 = tpu.iota {dimensions = array<i32: 1>} : vector<512x512xi32>
    %lt3A_3066 = arith.cmpi slt, %iota3A_3064, %iota3A_3065 : vector<512x512xi32>
    %get3A_3067 = arith.constant 2560 : index
    %get3A_3068 = arith.constant 0 : index
    %get3A_3069 = vector.load %arg0[%get3A_3067, %get3A_3068] : memref<5120x8xf32, #tpu.memory_space<vmem>>, vector<512x1xf32>
    %get3A_3070 = arith.constant 2560 : index
    %get3A_3071 = arith.constant 1 : index
    %get3A_3072 = vector.load %arg0[%get3A_3070, %get3A_3071] : memref<5120x8xf32, #tpu.memory_space<vmem>>, vector<512x1xf32>
    %get3A_3073 = arith.constant 2560 : index
    %get3A_3074 = arith.constant 2 : index
    %get3A_3075 = vector.load %arg0[%get3A_3073, %get3A_3074] : memref<5120x8xf32, #tpu.memory_space<vmem>>, vector<512x1xf32>
    %get3A_3076 = arith.constant 2560 : index
    %get3A_3077 = arith.constant 3 : index
    %get3A_3078 = vector.load %arg0[%get3A_3076, %get3A_3077] : memref<5120x8xf32, #tpu.memory_space<vmem>>, vector<512x1xf32>
    %sub3A_3079 = arith.subf %get3A_3075, %get3A_3069 : vector<512x1xf32>
    %sub3A_3080 = arith.subf %get3A_3078, %get3A_3072 : vector<512x1xf32>
    %mul3A_3081 = arith.mulf %sub3A_3079, %sub3A_3080 : vector<512x1xf32>
    %slice3A_3082 = vector.extract_strided_slice %transpose3A {offsets = [0, 2560], sizes = [1, 512], strides = [1, 1]} : vector<8x5120xf32> to vector<1x512xf32>
    %slice3A_3083 = vector.extract_strided_slice %transpose3A {offsets = [1, 2560], sizes = [1, 512], strides = [1, 1]} : vector<8x5120xf32> to vector<1x512xf32>
    %slice3A_3084 = vector.extract_strided_slice %transpose3A {offsets = [2, 2560], sizes = [1, 512], strides = [1, 1]} : vector<8x5120xf32> to vector<1x512xf32>
    %slice3A_3085 = vector.extract_strided_slice %transpose3A {offsets = [3, 2560], sizes = [1, 512], strides = [1, 1]} : vector<8x5120xf32> to vector<1x512xf32>
    %sub3A_3086 = arith.subf %slice3A_3084, %slice3A_3082 : vector<1x512xf32>
    %sub3A_3087 = arith.subf %slice3A_3085, %slice3A_3083 : vector<1x512xf32>
    %mul3A_3088 = arith.mulf %sub3A_3086, %sub3A_3087 : vector<1x512xf32>
    %max3A_3089 = vector.broadcast %get3A_3069 : vector<512x1xf32> to vector<512x512xf32>
    %max3A_3090 = vector.broadcast %slice3A_3082 : vector<1x512xf32> to vector<512x512xf32>
    %max3A_3091 = arith.maximumf %max3A_3089, %max3A_3090 : vector<512x512xf32>
    %max3A_3092 = vector.broadcast %get3A_3072 : vector<512x1xf32> to vector<512x512xf32>
    %max3A_3093 = vector.broadcast %slice3A_3083 : vector<1x512xf32> to vector<512x512xf32>
    %max3A_3094 = arith.maximumf %max3A_3092, %max3A_3093 : vector<512x512xf32>
    %min3A_3095 = vector.broadcast %get3A_3075 : vector<512x1xf32> to vector<512x512xf32>
    %min3A_3096 = vector.broadcast %slice3A_3084 : vector<1x512xf32> to vector<512x512xf32>
    %min3A_3097 = arith.minimumf %min3A_3095, %min3A_3096 : vector<512x512xf32>
    %min3A_3098 = vector.broadcast %get3A_3078 : vector<512x1xf32> to vector<512x512xf32>
    %min3A_3099 = vector.broadcast %slice3A_3085 : vector<1x512xf32> to vector<512x512xf32>
    %min3A_3100 = arith.minimumf %min3A_3098, %min3A_3099 : vector<512x512xf32>
    %sub3A_3101 = arith.subf %min3A_3097, %max3A_3091 : vector<512x512xf32>
    %max3A_3102 = arith.constant 0.000000e+00 : f32
    %max3A_3103 = vector.broadcast %max3A_3102 : f32 to vector<512x512xf32>
    %max3A_3104 = arith.maximumf %sub3A_3101, %max3A_3103 : vector<512x512xf32>
    %sub3A_3105 = arith.subf %min3A_3100, %max3A_3094 : vector<512x512xf32>
    %max3A_3106 = arith.constant 0.000000e+00 : f32
    %max3A_3107 = vector.broadcast %max3A_3106 : f32 to vector<512x512xf32>
    %max3A_3108 = arith.maximumf %sub3A_3105, %max3A_3107 : vector<512x512xf32>
    %mul3A_3109 = arith.mulf %max3A_3104, %max3A_3108 : vector<512x512xf32>
    %add3A_3110 = vector.broadcast %mul3A_3081 : vector<512x1xf32> to vector<512x512xf32>
    %add3A_3111 = vector.broadcast %mul3A_3088 : vector<1x512xf32> to vector<512x512xf32>
    %add3A_3112 = arith.addf %add3A_3110, %add3A_3111 : vector<512x512xf32>
    %sub3A_3113 = arith.subf %add3A_3112, %mul3A_3109 : vector<512x512xf32>
    %add3A_3114 = arith.constant 9.99999993E-9 : f32
    %add3A_3115 = vector.broadcast %add3A_3114 : f32 to vector<512x512xf32>
    %add3A_3116 = arith.addf %sub3A_3113, %add3A_3115 : vector<512x512xf32>
    %div3A_3117 = arith.divf %mul3A_3109, %add3A_3116 : vector<512x512xf32>
    %gt3A_3118 = arith.constant 1.000000e-01 : f32
    %gt3A_3119 = vector.broadcast %gt3A_3118 : f32 to vector<512x512xf32>
    %gt3A_3120 = arith.cmpf ogt, %div3A_3117, %gt3A_3119 : vector<512x512xf32>
    %and3A_3121 = arith.andi %gt3A_3120, %lt3A_3066 : vector<512x512xi1>
    %jit3A_3122 = arith.constant 1.000000e+00 : f32
    %jit3A_3123 = arith.constant 0.000000e+00 : f32
    %broadcast_in_dim3A_3124 = vector.broadcast %jit3A_3122 : f32 to vector<512x512xf32>
    %broadcast_in_dim3A_3125 = vector.broadcast %jit3A_3123 : f32 to vector<512x512xf32>
    %select_n3A_3126 = arith.select %and3A_3121, %broadcast_in_dim3A_3124, %broadcast_in_dim3A_3125 : vector<512x512xi1>, vector<512x512xf32>
    %convert_element_type3A_3127 = arith.truncf %select_n3A_3126 : vector<512x512xf32> to vector<512x512xbf16>
    %swap3A_3128 = arith.constant 0 : index
    %swap3A_3129 = arith.constant 0 : index
    %swap3A_3130 = vector.load %arg2[%swap3A_3128, %swap3A_3129] : memref<512x512xbf16, #tpu.memory_space<vmem>>, vector<512x512xbf16>
    tpu.vector_store %arg2[%swap3A_3128, %swap3A_3129], %convert_element_type3A_3127 {strides = array<i32>} : memref<512x512xbf16, #tpu.memory_space<vmem>>, vector<512x512xbf16>,
    %get3A_3131 = arith.constant 0 : index
    %get3A_3132 = arith.constant 2560 : index
    %get3A_3133 = vector.load %arg3[%get3A_3131, %get3A_3132] : memref<1x5120xf32, #tpu.memory_space<vmem>>, vector<1x512xf32>
    %while3A_3134 = arith.constant true
    %while3A_3135:2 = scf.while (%while3A_4411 = %get3A_3133, %while3A_4412 = %while3A_3134) : (vector<1x512xf32>, i1) -> (vector<1x512xf32>, i1) {
      scf.condition(%while3A_4412) %while3A_4411, %while3A_4412 : vector<1x512xf32>, i1
    } do {
    ^bb0(%while3A_4411: vector<1x512xf32>, %while3A_4412: i1):
      %convert_element_type3A_4413 = arith.truncf %while3A_4411 : vector<1x512xf32> to vector<1x512xbf16>
      %get3A_4414 = arith.constant 0 : index
      %get3A_4415 = arith.constant 0 : index
      %get3A_4416 = vector.load %arg2[%get3A_4414, %get3A_4415] : memref<512x512xbf16, #tpu.memory_space<vmem>>, vector<512x512xbf16>
      %dot_general3A_4417 = arith.constant dense<0.000000e+00> : vector<1x512xf32>
      %dot_general3A_4418 = tpu.matmul %convert_element_type3A_4413, %get3A_4416, %dot_general3A_4417 {dimension_numbers = #tpu.dot_dimension_numbers<[1], [0], [0], [1], [0, 0, 1, 1], [], []>, transpose_lhs_hint = false} : vector<1x512xbf16>, vector<512x512xbf16>, vector<1x512xf32> -> vector<1x512xf32>
      %gt3A_4419 = arith.constant 0.000000e+00 : f32
      %gt3A_4420 = vector.broadcast %gt3A_4419 : f32 to vector<1x512xf32>
      %gt3A_4421 = arith.cmpf ogt, %dot_general3A_4418, %gt3A_4420 : vector<1x512xf32>
      %jit3A_4422 = arith.constant 0.000000e+00 : f32
      %broadcast_in_dim3A_4423 = vector.broadcast %jit3A_4422 : f32 to vector<1x512xf32>
      %select_n3A_4424 = arith.select %gt3A_4421, %broadcast_in_dim3A_4423, %get3A_3133 : vector<1x512xi1>, vector<1x512xf32>
      %ne3A = arith.cmpf one, %select_n3A_4424, %while3A_4411 : vector<1x512xf32>
      %reduce_or3A = arith.constant 1.000000e+00 : f32
      %reduce_or3A_4425 = arith.constant 0.000000e+00 : f32
      %reduce_or3A_4426 = vector.broadcast %reduce_or3A : f32 to vector<1x512xf32>
      %reduce_or3A_4427 = vector.broadcast %reduce_or3A_4425 : f32 to vector<1x512xf32>
      %reduce_or3A_4428 = arith.select %ne3A, %reduce_or3A_4426, %reduce_or3A_4427 : vector<1x512xi1>, vector<1x512xf32>
      %reduce_or3A_4429 = vector.shape_cast %reduce_or3A_4428 : vector<1x512xf32> to vector<1x1x512xf32>
      %reduce_or3A_4430 = arith.constant dense<0xFF800000> : vector<1xf32>
      %reduce_or3A_4431 = vector.multi_reduction <maximumf>, %reduce_or3A_4429, %reduce_or3A_4430 [1, 2] : vector<1x1x512xf32> to vector<1xf32>
      %reduce_or3A_4432 = vector.shape_cast %reduce_or3A_4431 : vector<1xf32> to vector<1x1x1xf32>
      %reduce_or3A_4433 = vector.extract %reduce_or3A_4432[0, 0, 0] : f32 from vector<1x1x1xf32>
      %reduce_or3A_4434 = arith.constant 0.000000e+00 : f32
      %reduce_or3A_4435 = arith.cmpf ogt, %reduce_or3A_4433, %reduce_or3A_4434 : f32
      scf.yield %select_n3A_4424, %reduce_or3A_4435 : vector<1x512xf32>, i1
    }
    %swap3A_3136 = arith.constant 0 : index
    %swap3A_3137 = arith.constant 2560 : index
    %swap3A_3138 = vector.load %arg3[%swap3A_3136, %swap3A_3137] : memref<1x5120xf32, #tpu.memory_space<vmem>>, vector<1x512xf32>
    tpu.vector_store %arg3[%swap3A_3136, %swap3A_3137], %while3A_3135#0 {strides = array<i32>} : memref<1x5120xf32, #tpu.memory_space<vmem>>, vector<1x512xf32>,
    %convert_element_type3A_3139 = arith.truncf %while3A_3135#0 : vector<1x512xf32> to vector<1x512xbf16>
    %get3A_3140 = arith.constant 2560 : index
    %get3A_3141 = arith.constant 0 : index
    %get3A_3142 = vector.load %arg0[%get3A_3140, %get3A_3141] : memref<5120x8xf32, #tpu.memory_space<vmem>>, vector<512x1xf32>
    %get3A_3143 = arith.constant 2560 : index
    %get3A_3144 = arith.constant 1 : index
    %get3A_3145 = vector.load %arg0[%get3A_3143, %get3A_3144] : memref<5120x8xf32, #tpu.memory_space<vmem>>, vector<512x1xf32>
    %get3A_3146 = arith.constant 2560 : index
    %get3A_3147 = arith.constant 2 : index
    %get3A_3148 = vector.load %arg0[%get3A_3146, %get3A_3147] : memref<5120x8xf32, #tpu.memory_space<vmem>>, vector<512x1xf32>
    %get3A_3149 = arith.constant 2560 : index
    %get3A_3150 = arith.constant 3 : index
    %get3A_3151 = vector.load %arg0[%get3A_3149, %get3A_3150] : memref<5120x8xf32, #tpu.memory_space<vmem>>, vector<512x1xf32>
    %sub3A_3152 = arith.subf %get3A_3148, %get3A_3142 : vector<512x1xf32>
    %sub3A_3153 = arith.subf %get3A_3151, %get3A_3145 : vector<512x1xf32>
    %mul3A_3154 = arith.mulf %sub3A_3152, %sub3A_3153 : vector<512x1xf32>
    %slice3A_3155 = vector.extract_strided_slice %transpose3A {offsets = [0, 3072], sizes = [1, 512], strides = [1, 1]} : vector<8x5120xf32> to vector<1x512xf32>
    %slice3A_3156 = vector.extract_strided_slice %transpose3A {offsets = [1, 3072], sizes = [1, 512], strides = [1, 1]} : vector<8x5120xf32> to vector<1x512xf32>
    %slice3A_3157 = vector.extract_strided_slice %transpose3A {offsets = [2, 3072], sizes = [1, 512], strides = [1, 1]} : vector<8x5120xf32> to vector<1x512xf32>
    %slice3A_3158 = vector.extract_strided_slice %transpose3A {offsets = [3, 3072], sizes = [1, 512], strides = [1, 1]} : vector<8x5120xf32> to vector<1x512xf32>
    %sub3A_3159 = arith.subf %slice3A_3157, %slice3A_3155 : vector<1x512xf32>
    %sub3A_3160 = arith.subf %slice3A_3158, %slice3A_3156 : vector<1x512xf32>
    %mul3A_3161 = arith.mulf %sub3A_3159, %sub3A_3160 : vector<1x512xf32>
    %max3A_3162 = vector.broadcast %get3A_3142 : vector<512x1xf32> to vector<512x512xf32>
    %max3A_3163 = vector.broadcast %slice3A_3155 : vector<1x512xf32> to vector<512x512xf32>
    %max3A_3164 = arith.maximumf %max3A_3162, %max3A_3163 : vector<512x512xf32>
    %max3A_3165 = vector.broadcast %get3A_3145 : vector<512x1xf32> to vector<512x512xf32>
    %max3A_3166 = vector.broadcast %slice3A_3156 : vector<1x512xf32> to vector<512x512xf32>
    %max3A_3167 = arith.maximumf %max3A_3165, %max3A_3166 : vector<512x512xf32>
    %min3A_3168 = vector.broadcast %get3A_3148 : vector<512x1xf32> to vector<512x512xf32>
    %min3A_3169 = vector.broadcast %slice3A_3157 : vector<1x512xf32> to vector<512x512xf32>
    %min3A_3170 = arith.minimumf %min3A_3168, %min3A_3169 : vector<512x512xf32>
    %min3A_3171 = vector.broadcast %get3A_3151 : vector<512x1xf32> to vector<512x512xf32>
    %min3A_3172 = vector.broadcast %slice3A_3158 : vector<1x512xf32> to vector<512x512xf32>
    %min3A_3173 = arith.minimumf %min3A_3171, %min3A_3172 : vector<512x512xf32>
    %sub3A_3174 = arith.subf %min3A_3170, %max3A_3164 : vector<512x512xf32>
    %max3A_3175 = arith.constant 0.000000e+00 : f32
    %max3A_3176 = vector.broadcast %max3A_3175 : f32 to vector<512x512xf32>
    %max3A_3177 = arith.maximumf %sub3A_3174, %max3A_3176 : vector<512x512xf32>
    %sub3A_3178 = arith.subf %min3A_3173, %max3A_3167 : vector<512x512xf32>
    %max3A_3179 = arith.constant 0.000000e+00 : f32
    %max3A_3180 = vector.broadcast %max3A_3179 : f32 to vector<512x512xf32>
    %max3A_3181 = arith.maximumf %sub3A_3178, %max3A_3180 : vector<512x512xf32>
    %mul3A_3182 = arith.mulf %max3A_3177, %max3A_3181 : vector<512x512xf32>
    %add3A_3183 = vector.broadcast %mul3A_3154 : vector<512x1xf32> to vector<512x512xf32>
    %add3A_3184 = vector.broadcast %mul3A_3161 : vector<1x512xf32> to vector<512x512xf32>
    %add3A_3185 = arith.addf %add3A_3183, %add3A_3184 : vector<512x512xf32>
    %sub3A_3186 = arith.subf %add3A_3185, %mul3A_3182 : vector<512x512xf32>
    %add3A_3187 = arith.constant 9.99999993E-9 : f32
    %add3A_3188 = vector.broadcast %add3A_3187 : f32 to vector<512x512xf32>
    %add3A_3189 = arith.addf %sub3A_3186, %add3A_3188 : vector<512x512xf32>
    %div3A_3190 = arith.divf %mul3A_3182, %add3A_3189 : vector<512x512xf32>
    %gt3A_3191 = arith.constant 1.000000e-01 : f32
    %gt3A_3192 = vector.broadcast %gt3A_3191 : f32 to vector<512x512xf32>
    %gt3A_3193 = arith.cmpf ogt, %div3A_3190, %gt3A_3192 : vector<512x512xf32>
    %jit3A_3194 = arith.constant 1.000000e+00 : f32
    %jit3A_3195 = arith.constant 0.000000e+00 : f32
    %broadcast_in_dim3A_3196 = vector.broadcast %jit3A_3194 : f32 to vector<512x512xf32>
    %broadcast_in_dim3A_3197 = vector.broadcast %jit3A_3195 : f32 to vector<512x512xf32>
    %select_n3A_3198 = arith.select %gt3A_3193, %broadcast_in_dim3A_3196, %broadcast_in_dim3A_3197 : vector<512x512xi1>, vector<512x512xf32>
    %convert_element_type3A_3199 = arith.truncf %select_n3A_3198 : vector<512x512xf32> to vector<512x512xbf16>
    %dot_general3A_3200 = arith.constant dense<0.000000e+00> : vector<1x512xf32>
    %dot_general3A_3201 = tpu.matmul %convert_element_type3A_3139, %convert_element_type3A_3199, %dot_general3A_3200 {dimension_numbers = #tpu.dot_dimension_numbers<[1], [0], [0], [1], [0, 0, 1, 1], [], []>, transpose_lhs_hint = false} : vector<1x512xbf16>, vector<512x512xbf16>, vector<1x512xf32> -> vector<1x512xf32>
    %get3A_3202 = arith.constant 0 : index
    %get3A_3203 = arith.constant 3072 : index
    %get3A_3204 = vector.load %arg3[%get3A_3202, %get3A_3203] : memref<1x5120xf32, #tpu.memory_space<vmem>>, vector<1x512xf32>
    %gt3A_3205 = arith.constant 0.000000e+00 : f32
    %gt3A_3206 = vector.broadcast %gt3A_3205 : f32 to vector<1x512xf32>
    %gt3A_3207 = arith.cmpf ogt, %dot_general3A_3201, %gt3A_3206 : vector<1x512xf32>
    %jit3A_3208 = arith.constant 0.000000e+00 : f32
    %jit3A_3209 = arith.constant 1.000000e+00 : f32
    %broadcast_in_dim3A_3210 = vector.broadcast %jit3A_3208 : f32 to vector<1x512xf32>
    %broadcast_in_dim3A_3211 = vector.broadcast %jit3A_3209 : f32 to vector<1x512xf32>
    %select_n3A_3212 = arith.select %gt3A_3207, %broadcast_in_dim3A_3210, %broadcast_in_dim3A_3211 : vector<1x512xi1>, vector<1x512xf32>
    %mul3A_3213 = arith.mulf %get3A_3204, %select_n3A_3212 : vector<1x512xf32>
    %swap3A_3214 = arith.constant 0 : index
    %swap3A_3215 = arith.constant 3072 : index
    %swap3A_3216 = vector.load %arg3[%swap3A_3214, %swap3A_3215] : memref<1x5120xf32, #tpu.memory_space<vmem>>, vector<1x512xf32>
    tpu.vector_store %arg3[%swap3A_3214, %swap3A_3215], %mul3A_3213 {strides = array<i32>} : memref<1x5120xf32, #tpu.memory_space<vmem>>, vector<1x512xf32>,
    %get3A_3217 = arith.constant 2560 : index
    %get3A_3218 = arith.constant 0 : index
    %get3A_3219 = vector.load %arg0[%get3A_3217, %get3A_3218] : memref<5120x8xf32, #tpu.memory_space<vmem>>, vector<512x1xf32>
    %get3A_3220 = arith.constant 2560 : index
    %get3A_3221 = arith.constant 1 : index
    %get3A_3222 = vector.load %arg0[%get3A_3220, %get3A_3221] : memref<5120x8xf32, #tpu.memory_space<vmem>>, vector<512x1xf32>
    %get3A_3223 = arith.constant 2560 : index
    %get3A_3224 = arith.constant 2 : index
    %get3A_3225 = vector.load %arg0[%get3A_3223, %get3A_3224] : memref<5120x8xf32, #tpu.memory_space<vmem>>, vector<512x1xf32>
    %get3A_3226 = arith.constant 2560 : index
    %get3A_3227 = arith.constant 3 : index
    %get3A_3228 = vector.load %arg0[%get3A_3226, %get3A_3227] : memref<5120x8xf32, #tpu.memory_space<vmem>>, vector<512x1xf32>
    %sub3A_3229 = arith.subf %get3A_3225, %get3A_3219 : vector<512x1xf32>
    %sub3A_3230 = arith.subf %get3A_3228, %get3A_3222 : vector<512x1xf32>
    %mul3A_3231 = arith.mulf %sub3A_3229, %sub3A_3230 : vector<512x1xf32>
    %slice3A_3232 = vector.extract_strided_slice %transpose3A {offsets = [0, 3584], sizes = [1, 512], strides = [1, 1]} : vector<8x5120xf32> to vector<1x512xf32>
    %slice3A_3233 = vector.extract_strided_slice %transpose3A {offsets = [1, 3584], sizes = [1, 512], strides = [1, 1]} : vector<8x5120xf32> to vector<1x512xf32>
    %slice3A_3234 = vector.extract_strided_slice %transpose3A {offsets = [2, 3584], sizes = [1, 512], strides = [1, 1]} : vector<8x5120xf32> to vector<1x512xf32>
    %slice3A_3235 = vector.extract_strided_slice %transpose3A {offsets = [3, 3584], sizes = [1, 512], strides = [1, 1]} : vector<8x5120xf32> to vector<1x512xf32>
    %sub3A_3236 = arith.subf %slice3A_3234, %slice3A_3232 : vector<1x512xf32>
    %sub3A_3237 = arith.subf %slice3A_3235, %slice3A_3233 : vector<1x512xf32>
    %mul3A_3238 = arith.mulf %sub3A_3236, %sub3A_3237 : vector<1x512xf32>
    %max3A_3239 = vector.broadcast %get3A_3219 : vector<512x1xf32> to vector<512x512xf32>
    %max3A_3240 = vector.broadcast %slice3A_3232 : vector<1x512xf32> to vector<512x512xf32>
    %max3A_3241 = arith.maximumf %max3A_3239, %max3A_3240 : vector<512x512xf32>
    %max3A_3242 = vector.broadcast %get3A_3222 : vector<512x1xf32> to vector<512x512xf32>
    %max3A_3243 = vector.broadcast %slice3A_3233 : vector<1x512xf32> to vector<512x512xf32>
    %max3A_3244 = arith.maximumf %max3A_3242, %max3A_3243 : vector<512x512xf32>
    %min3A_3245 = vector.broadcast %get3A_3225 : vector<512x1xf32> to vector<512x512xf32>
    %min3A_3246 = vector.broadcast %slice3A_3234 : vector<1x512xf32> to vector<512x512xf32>
    %min3A_3247 = arith.minimumf %min3A_3245, %min3A_3246 : vector<512x512xf32>
    %min3A_3248 = vector.broadcast %get3A_3228 : vector<512x1xf32> to vector<512x512xf32>
    %min3A_3249 = vector.broadcast %slice3A_3235 : vector<1x512xf32> to vector<512x512xf32>
    %min3A_3250 = arith.minimumf %min3A_3248, %min3A_3249 : vector<512x512xf32>
    %sub3A_3251 = arith.subf %min3A_3247, %max3A_3241 : vector<512x512xf32>
    %max3A_3252 = arith.constant 0.000000e+00 : f32
    %max3A_3253 = vector.broadcast %max3A_3252 : f32 to vector<512x512xf32>
    %max3A_3254 = arith.maximumf %sub3A_3251, %max3A_3253 : vector<512x512xf32>
    %sub3A_3255 = arith.subf %min3A_3250, %max3A_3244 : vector<512x512xf32>
    %max3A_3256 = arith.constant 0.000000e+00 : f32
    %max3A_3257 = vector.broadcast %max3A_3256 : f32 to vector<512x512xf32>
    %max3A_3258 = arith.maximumf %sub3A_3255, %max3A_3257 : vector<512x512xf32>
    %mul3A_3259 = arith.mulf %max3A_3254, %max3A_3258 : vector<512x512xf32>
    %add3A_3260 = vector.broadcast %mul3A_3231 : vector<512x1xf32> to vector<512x512xf32>
    %add3A_3261 = vector.broadcast %mul3A_3238 : vector<1x512xf32> to vector<512x512xf32>
    %add3A_3262 = arith.addf %add3A_3260, %add3A_3261 : vector<512x512xf32>
    %sub3A_3263 = arith.subf %add3A_3262, %mul3A_3259 : vector<512x512xf32>
    %add3A_3264 = arith.constant 9.99999993E-9 : f32
    %add3A_3265 = vector.broadcast %add3A_3264 : f32 to vector<512x512xf32>
    %add3A_3266 = arith.addf %sub3A_3263, %add3A_3265 : vector<512x512xf32>
    %div3A_3267 = arith.divf %mul3A_3259, %add3A_3266 : vector<512x512xf32>
    %gt3A_3268 = arith.constant 1.000000e-01 : f32
    %gt3A_3269 = vector.broadcast %gt3A_3268 : f32 to vector<512x512xf32>
    %gt3A_3270 = arith.cmpf ogt, %div3A_3267, %gt3A_3269 : vector<512x512xf32>
    %jit3A_3271 = arith.constant 1.000000e+00 : f32
    %jit3A_3272 = arith.constant 0.000000e+00 : f32
    %broadcast_in_dim3A_3273 = vector.broadcast %jit3A_3271 : f32 to vector<512x512xf32>
    %broadcast_in_dim3A_3274 = vector.broadcast %jit3A_3272 : f32 to vector<512x512xf32>
    %select_n3A_3275 = arith.select %gt3A_3270, %broadcast_in_dim3A_3273, %broadcast_in_dim3A_3274 : vector<512x512xi1>, vector<512x512xf32>
    %convert_element_type3A_3276 = arith.truncf %select_n3A_3275 : vector<512x512xf32> to vector<512x512xbf16>
    %dot_general3A_3277 = arith.constant dense<0.000000e+00> : vector<1x512xf32>
    %dot_general3A_3278 = tpu.matmul %convert_element_type3A_3139, %convert_element_type3A_3276, %dot_general3A_3277 {dimension_numbers = #tpu.dot_dimension_numbers<[1], [0], [0], [1], [0, 0, 1, 1], [], []>, transpose_lhs_hint = false} : vector<1x512xbf16>, vector<512x512xbf16>, vector<1x512xf32> -> vector<1x512xf32>
    %get3A_3279 = arith.constant 0 : index
    %get3A_3280 = arith.constant 3584 : index
    %get3A_3281 = vector.load %arg3[%get3A_3279, %get3A_3280] : memref<1x5120xf32, #tpu.memory_space<vmem>>, vector<1x512xf32>
    %gt3A_3282 = arith.constant 0.000000e+00 : f32
    %gt3A_3283 = vector.broadcast %gt3A_3282 : f32 to vector<1x512xf32>
    %gt3A_3284 = arith.cmpf ogt, %dot_general3A_3278, %gt3A_3283 : vector<1x512xf32>
    %jit3A_3285 = arith.constant 0.000000e+00 : f32
    %jit3A_3286 = arith.constant 1.000000e+00 : f32
    %broadcast_in_dim3A_3287 = vector.broadcast %jit3A_3285 : f32 to vector<1x512xf32>
    %broadcast_in_dim3A_3288 = vector.broadcast %jit3A_3286 : f32 to vector<1x512xf32>
    %select_n3A_3289 = arith.select %gt3A_3284, %broadcast_in_dim3A_3287, %broadcast_in_dim3A_3288 : vector<1x512xi1>, vector<1x512xf32>
    %mul3A_3290 = arith.mulf %get3A_3281, %select_n3A_3289 : vector<1x512xf32>
    %swap3A_3291 = arith.constant 0 : index
    %swap3A_3292 = arith.constant 3584 : index
    %swap3A_3293 = vector.load %arg3[%swap3A_3291, %swap3A_3292] : memref<1x5120xf32, #tpu.memory_space<vmem>>, vector<1x512xf32>
    tpu.vector_store %arg3[%swap3A_3291, %swap3A_3292], %mul3A_3290 {strides = array<i32>} : memref<1x5120xf32, #tpu.memory_space<vmem>>, vector<1x512xf32>,
    %get3A_3294 = arith.constant 2560 : index
    %get3A_3295 = arith.constant 0 : index
    %get3A_3296 = vector.load %arg0[%get3A_3294, %get3A_3295] : memref<5120x8xf32, #tpu.memory_space<vmem>>, vector<512x1xf32>
    %get3A_3297 = arith.constant 2560 : index
    %get3A_3298 = arith.constant 1 : index
    %get3A_3299 = vector.load %arg0[%get3A_3297, %get3A_3298] : memref<5120x8xf32, #tpu.memory_space<vmem>>, vector<512x1xf32>
    %get3A_3300 = arith.constant 2560 : index
    %get3A_3301 = arith.constant 2 : index
    %get3A_3302 = vector.load %arg0[%get3A_3300, %get3A_3301] : memref<5120x8xf32, #tpu.memory_space<vmem>>, vector<512x1xf32>
    %get3A_3303 = arith.constant 2560 : index
    %get3A_3304 = arith.constant 3 : index
    %get3A_3305 = vector.load %arg0[%get3A_3303, %get3A_3304] : memref<5120x8xf32, #tpu.memory_space<vmem>>, vector<512x1xf32>
    %sub3A_3306 = arith.subf %get3A_3302, %get3A_3296 : vector<512x1xf32>
    %sub3A_3307 = arith.subf %get3A_3305, %get3A_3299 : vector<512x1xf32>
    %mul3A_3308 = arith.mulf %sub3A_3306, %sub3A_3307 : vector<512x1xf32>
    %slice3A_3309 = vector.extract_strided_slice %transpose3A {offsets = [0, 4096], sizes = [1, 512], strides = [1, 1]} : vector<8x5120xf32> to vector<1x512xf32>
    %slice3A_3310 = vector.extract_strided_slice %transpose3A {offsets = [1, 4096], sizes = [1, 512], strides = [1, 1]} : vector<8x5120xf32> to vector<1x512xf32>
    %slice3A_3311 = vector.extract_strided_slice %transpose3A {offsets = [2, 4096], sizes = [1, 512], strides = [1, 1]} : vector<8x5120xf32> to vector<1x512xf32>
    %slice3A_3312 = vector.extract_strided_slice %transpose3A {offsets = [3, 4096], sizes = [1, 512], strides = [1, 1]} : vector<8x5120xf32> to vector<1x512xf32>
    %sub3A_3313 = arith.subf %slice3A_3311, %slice3A_3309 : vector<1x512xf32>
    %sub3A_3314 = arith.subf %slice3A_3312, %slice3A_3310 : vector<1x512xf32>
    %mul3A_3315 = arith.mulf %sub3A_3313, %sub3A_3314 : vector<1x512xf32>
    %max3A_3316 = vector.broadcast %get3A_3296 : vector<512x1xf32> to vector<512x512xf32>
    %max3A_3317 = vector.broadcast %slice3A_3309 : vector<1x512xf32> to vector<512x512xf32>
    %max3A_3318 = arith.maximumf %max3A_3316, %max3A_3317 : vector<512x512xf32>
    %max3A_3319 = vector.broadcast %get3A_3299 : vector<512x1xf32> to vector<512x512xf32>
    %max3A_3320 = vector.broadcast %slice3A_3310 : vector<1x512xf32> to vector<512x512xf32>
    %max3A_3321 = arith.maximumf %max3A_3319, %max3A_3320 : vector<512x512xf32>
    %min3A_3322 = vector.broadcast %get3A_3302 : vector<512x1xf32> to vector<512x512xf32>
    %min3A_3323 = vector.broadcast %slice3A_3311 : vector<1x512xf32> to vector<512x512xf32>
    %min3A_3324 = arith.minimumf %min3A_3322, %min3A_3323 : vector<512x512xf32>
    %min3A_3325 = vector.broadcast %get3A_3305 : vector<512x1xf32> to vector<512x512xf32>
    %min3A_3326 = vector.broadcast %slice3A_3312 : vector<1x512xf32> to vector<512x512xf32>
    %min3A_3327 = arith.minimumf %min3A_3325, %min3A_3326 : vector<512x512xf32>
    %sub3A_3328 = arith.subf %min3A_3324, %max3A_3318 : vector<512x512xf32>
    %max3A_3329 = arith.constant 0.000000e+00 : f32
    %max3A_3330 = vector.broadcast %max3A_3329 : f32 to vector<512x512xf32>
    %max3A_3331 = arith.maximumf %sub3A_3328, %max3A_3330 : vector<512x512xf32>
    %sub3A_3332 = arith.subf %min3A_3327, %max3A_3321 : vector<512x512xf32>
    %max3A_3333 = arith.constant 0.000000e+00 : f32
    %max3A_3334 = vector.broadcast %max3A_3333 : f32 to vector<512x512xf32>
    %max3A_3335 = arith.maximumf %sub3A_3332, %max3A_3334 : vector<512x512xf32>
    %mul3A_3336 = arith.mulf %max3A_3331, %max3A_3335 : vector<512x512xf32>
    %add3A_3337 = vector.broadcast %mul3A_3308 : vector<512x1xf32> to vector<512x512xf32>
    %add3A_3338 = vector.broadcast %mul3A_3315 : vector<1x512xf32> to vector<512x512xf32>
    %add3A_3339 = arith.addf %add3A_3337, %add3A_3338 : vector<512x512xf32>
    %sub3A_3340 = arith.subf %add3A_3339, %mul3A_3336 : vector<512x512xf32>
    %add3A_3341 = arith.constant 9.99999993E-9 : f32
    %add3A_3342 = vector.broadcast %add3A_3341 : f32 to vector<512x512xf32>
    %add3A_3343 = arith.addf %sub3A_3340, %add3A_3342 : vector<512x512xf32>
    %div3A_3344 = arith.divf %mul3A_3336, %add3A_3343 : vector<512x512xf32>
    %gt3A_3345 = arith.constant 1.000000e-01 : f32
    %gt3A_3346 = vector.broadcast %gt3A_3345 : f32 to vector<512x512xf32>
    %gt3A_3347 = arith.cmpf ogt, %div3A_3344, %gt3A_3346 : vector<512x512xf32>
    %jit3A_3348 = arith.constant 1.000000e+00 : f32
    %jit3A_3349 = arith.constant 0.000000e+00 : f32
    %broadcast_in_dim3A_3350 = vector.broadcast %jit3A_3348 : f32 to vector<512x512xf32>
    %broadcast_in_dim3A_3351 = vector.broadcast %jit3A_3349 : f32 to vector<512x512xf32>
    %select_n3A_3352 = arith.select %gt3A_3347, %broadcast_in_dim3A_3350, %broadcast_in_dim3A_3351 : vector<512x512xi1>, vector<512x512xf32>
    %convert_element_type3A_3353 = arith.truncf %select_n3A_3352 : vector<512x512xf32> to vector<512x512xbf16>
    %dot_general3A_3354 = arith.constant dense<0.000000e+00> : vector<1x512xf32>
    %dot_general3A_3355 = tpu.matmul %convert_element_type3A_3139, %convert_element_type3A_3353, %dot_general3A_3354 {dimension_numbers = #tpu.dot_dimension_numbers<[1], [0], [0], [1], [0, 0, 1, 1], [], []>, transpose_lhs_hint = false} : vector<1x512xbf16>, vector<512x512xbf16>, vector<1x512xf32> -> vector<1x512xf32>
    %get3A_3356 = arith.constant 0 : index
    %get3A_3357 = arith.constant 4096 : index
    %get3A_3358 = vector.load %arg3[%get3A_3356, %get3A_3357] : memref<1x5120xf32, #tpu.memory_space<vmem>>, vector<1x512xf32>
    %gt3A_3359 = arith.constant 0.000000e+00 : f32
    %gt3A_3360 = vector.broadcast %gt3A_3359 : f32 to vector<1x512xf32>
    %gt3A_3361 = arith.cmpf ogt, %dot_general3A_3355, %gt3A_3360 : vector<1x512xf32>
    %jit3A_3362 = arith.constant 0.000000e+00 : f32
    %jit3A_3363 = arith.constant 1.000000e+00 : f32
    %broadcast_in_dim3A_3364 = vector.broadcast %jit3A_3362 : f32 to vector<1x512xf32>
    %broadcast_in_dim3A_3365 = vector.broadcast %jit3A_3363 : f32 to vector<1x512xf32>
    %select_n3A_3366 = arith.select %gt3A_3361, %broadcast_in_dim3A_3364, %broadcast_in_dim3A_3365 : vector<1x512xi1>, vector<1x512xf32>
    %mul3A_3367 = arith.mulf %get3A_3358, %select_n3A_3366 : vector<1x512xf32>
    %swap3A_3368 = arith.constant 0 : index
    %swap3A_3369 = arith.constant 4096 : index
    %swap3A_3370 = vector.load %arg3[%swap3A_3368, %swap3A_3369] : memref<1x5120xf32, #tpu.memory_space<vmem>>, vector<1x512xf32>
    tpu.vector_store %arg3[%swap3A_3368, %swap3A_3369], %mul3A_3367 {strides = array<i32>} : memref<1x5120xf32, #tpu.memory_space<vmem>>, vector<1x512xf32>,
    %get3A_3371 = arith.constant 2560 : index
    %get3A_3372 = arith.constant 0 : index
    %get3A_3373 = vector.load %arg0[%get3A_3371, %get3A_3372] : memref<5120x8xf32, #tpu.memory_space<vmem>>, vector<512x1xf32>
    %get3A_3374 = arith.constant 2560 : index
    %get3A_3375 = arith.constant 1 : index
    %get3A_3376 = vector.load %arg0[%get3A_3374, %get3A_3375] : memref<5120x8xf32, #tpu.memory_space<vmem>>, vector<512x1xf32>
    %get3A_3377 = arith.constant 2560 : index
    %get3A_3378 = arith.constant 2 : index
    %get3A_3379 = vector.load %arg0[%get3A_3377, %get3A_3378] : memref<5120x8xf32, #tpu.memory_space<vmem>>, vector<512x1xf32>
    %get3A_3380 = arith.constant 2560 : index
    %get3A_3381 = arith.constant 3 : index
    %get3A_3382 = vector.load %arg0[%get3A_3380, %get3A_3381] : memref<5120x8xf32, #tpu.memory_space<vmem>>, vector<512x1xf32>
    %sub3A_3383 = arith.subf %get3A_3379, %get3A_3373 : vector<512x1xf32>
    %sub3A_3384 = arith.subf %get3A_3382, %get3A_3376 : vector<512x1xf32>
    %mul3A_3385 = arith.mulf %sub3A_3383, %sub3A_3384 : vector<512x1xf32>
    %slice3A_3386 = vector.extract_strided_slice %transpose3A {offsets = [0, 4608], sizes = [1, 512], strides = [1, 1]} : vector<8x5120xf32> to vector<1x512xf32>
    %slice3A_3387 = vector.extract_strided_slice %transpose3A {offsets = [1, 4608], sizes = [1, 512], strides = [1, 1]} : vector<8x5120xf32> to vector<1x512xf32>
    %slice3A_3388 = vector.extract_strided_slice %transpose3A {offsets = [2, 4608], sizes = [1, 512], strides = [1, 1]} : vector<8x5120xf32> to vector<1x512xf32>
    %slice3A_3389 = vector.extract_strided_slice %transpose3A {offsets = [3, 4608], sizes = [1, 512], strides = [1, 1]} : vector<8x5120xf32> to vector<1x512xf32>
    %sub3A_3390 = arith.subf %slice3A_3388, %slice3A_3386 : vector<1x512xf32>
    %sub3A_3391 = arith.subf %slice3A_3389, %slice3A_3387 : vector<1x512xf32>
    %mul3A_3392 = arith.mulf %sub3A_3390, %sub3A_3391 : vector<1x512xf32>
    %max3A_3393 = vector.broadcast %get3A_3373 : vector<512x1xf32> to vector<512x512xf32>
    %max3A_3394 = vector.broadcast %slice3A_3386 : vector<1x512xf32> to vector<512x512xf32>
    %max3A_3395 = arith.maximumf %max3A_3393, %max3A_3394 : vector<512x512xf32>
    %max3A_3396 = vector.broadcast %get3A_3376 : vector<512x1xf32> to vector<512x512xf32>
    %max3A_3397 = vector.broadcast %slice3A_3387 : vector<1x512xf32> to vector<512x512xf32>
    %max3A_3398 = arith.maximumf %max3A_3396, %max3A_3397 : vector<512x512xf32>
    %min3A_3399 = vector.broadcast %get3A_3379 : vector<512x1xf32> to vector<512x512xf32>
    %min3A_3400 = vector.broadcast %slice3A_3388 : vector<1x512xf32> to vector<512x512xf32>
    %min3A_3401 = arith.minimumf %min3A_3399, %min3A_3400 : vector<512x512xf32>
    %min3A_3402 = vector.broadcast %get3A_3382 : vector<512x1xf32> to vector<512x512xf32>
    %min3A_3403 = vector.broadcast %slice3A_3389 : vector<1x512xf32> to vector<512x512xf32>
    %min3A_3404 = arith.minimumf %min3A_3402, %min3A_3403 : vector<512x512xf32>
    %sub3A_3405 = arith.subf %min3A_3401, %max3A_3395 : vector<512x512xf32>
    %max3A_3406 = arith.constant 0.000000e+00 : f32
    %max3A_3407 = vector.broadcast %max3A_3406 : f32 to vector<512x512xf32>
    %max3A_3408 = arith.maximumf %sub3A_3405, %max3A_3407 : vector<512x512xf32>
    %sub3A_3409 = arith.subf %min3A_3404, %max3A_3398 : vector<512x512xf32>
    %max3A_3410 = arith.constant 0.000000e+00 : f32
    %max3A_3411 = vector.broadcast %max3A_3410 : f32 to vector<512x512xf32>
    %max3A_3412 = arith.maximumf %sub3A_3409, %max3A_3411 : vector<512x512xf32>
    %mul3A_3413 = arith.mulf %max3A_3408, %max3A_3412 : vector<512x512xf32>
    %add3A_3414 = vector.broadcast %mul3A_3385 : vector<512x1xf32> to vector<512x512xf32>
    %add3A_3415 = vector.broadcast %mul3A_3392 : vector<1x512xf32> to vector<512x512xf32>
    %add3A_3416 = arith.addf %add3A_3414, %add3A_3415 : vector<512x512xf32>
    %sub3A_3417 = arith.subf %add3A_3416, %mul3A_3413 : vector<512x512xf32>
    %add3A_3418 = arith.constant 9.99999993E-9 : f32
    %add3A_3419 = vector.broadcast %add3A_3418 : f32 to vector<512x512xf32>
    %add3A_3420 = arith.addf %sub3A_3417, %add3A_3419 : vector<512x512xf32>
    %div3A_3421 = arith.divf %mul3A_3413, %add3A_3420 : vector<512x512xf32>
    %gt3A_3422 = arith.constant 1.000000e-01 : f32
    %gt3A_3423 = vector.broadcast %gt3A_3422 : f32 to vector<512x512xf32>
    %gt3A_3424 = arith.cmpf ogt, %div3A_3421, %gt3A_3423 : vector<512x512xf32>
    %jit3A_3425 = arith.constant 1.000000e+00 : f32
    %jit3A_3426 = arith.constant 0.000000e+00 : f32
    %broadcast_in_dim3A_3427 = vector.broadcast %jit3A_3425 : f32 to vector<512x512xf32>
    %broadcast_in_dim3A_3428 = vector.broadcast %jit3A_3426 : f32 to vector<512x512xf32>
    %select_n3A_3429 = arith.select %gt3A_3424, %broadcast_in_dim3A_3427, %broadcast_in_dim3A_3428 : vector<512x512xi1>, vector<512x512xf32>
    %convert_element_type3A_3430 = arith.truncf %select_n3A_3429 : vector<512x512xf32> to vector<512x512xbf16>
    %dot_general3A_3431 = arith.constant dense<0.000000e+00> : vector<1x512xf32>
    %dot_general3A_3432 = tpu.matmul %convert_element_type3A_3139, %convert_element_type3A_3430, %dot_general3A_3431 {dimension_numbers = #tpu.dot_dimension_numbers<[1], [0], [0], [1], [0, 0, 1, 1], [], []>, transpose_lhs_hint = false} : vector<1x512xbf16>, vector<512x512xbf16>, vector<1x512xf32> -> vector<1x512xf32>
    %get3A_3433 = arith.constant 0 : index
    %get3A_3434 = arith.constant 4608 : index
    %get3A_3435 = vector.load %arg3[%get3A_3433, %get3A_3434] : memref<1x5120xf32, #tpu.memory_space<vmem>>, vector<1x512xf32>
    %gt3A_3436 = arith.constant 0.000000e+00 : f32
    %gt3A_3437 = vector.broadcast %gt3A_3436 : f32 to vector<1x512xf32>
    %gt3A_3438 = arith.cmpf ogt, %dot_general3A_3432, %gt3A_3437 : vector<1x512xf32>
    %jit3A_3439 = arith.constant 0.000000e+00 : f32
    %jit3A_3440 = arith.constant 1.000000e+00 : f32
    %broadcast_in_dim3A_3441 = vector.broadcast %jit3A_3439 : f32 to vector<1x512xf32>
    %broadcast_in_dim3A_3442 = vector.broadcast %jit3A_3440 : f32 to vector<1x512xf32>
    %select_n3A_3443 = arith.select %gt3A_3438, %broadcast_in_dim3A_3441, %broadcast_in_dim3A_3442 : vector<1x512xi1>, vector<1x512xf32>
    %mul3A_3444 = arith.mulf %get3A_3435, %select_n3A_3443 : vector<1x512xf32>
    %swap3A_3445 = arith.constant 0 : index
    %swap3A_3446 = arith.constant 4608 : index
    %swap3A_3447 = vector.load %arg3[%swap3A_3445, %swap3A_3446] : memref<1x5120xf32, #tpu.memory_space<vmem>>, vector<1x512xf32>
    tpu.vector_store %arg3[%swap3A_3445, %swap3A_3446], %mul3A_3444 {strides = array<i32>} : memref<1x5120xf32, #tpu.memory_space<vmem>>, vector<1x512xf32>,
    %iota3A_3448 = tpu.iota {dimensions = array<i32: 0>} : vector<512x512xi32>
    %iota3A_3449 = tpu.iota {dimensions = array<i32: 1>} : vector<512x512xi32>
    %lt3A_3450 = arith.cmpi slt, %iota3A_3448, %iota3A_3449 : vector<512x512xi32>
    %get3A_3451 = arith.constant 3072 : index
    %get3A_3452 = arith.constant 0 : index
    %get3A_3453 = vector.load %arg0[%get3A_3451, %get3A_3452] : memref<5120x8xf32, #tpu.memory_space<vmem>>, vector<512x1xf32>
    %get3A_3454 = arith.constant 3072 : index
    %get3A_3455 = arith.constant 1 : index
    %get3A_3456 = vector.load %arg0[%get3A_3454, %get3A_3455] : memref<5120x8xf32, #tpu.memory_space<vmem>>, vector<512x1xf32>
    %get3A_3457 = arith.constant 3072 : index
    %get3A_3458 = arith.constant 2 : index
    %get3A_3459 = vector.load %arg0[%get3A_3457, %get3A_3458] : memref<5120x8xf32, #tpu.memory_space<vmem>>, vector<512x1xf32>
    %get3A_3460 = arith.constant 3072 : index
    %get3A_3461 = arith.constant 3 : index
    %get3A_3462 = vector.load %arg0[%get3A_3460, %get3A_3461] : memref<5120x8xf32, #tpu.memory_space<vmem>>, vector<512x1xf32>
    %sub3A_3463 = arith.subf %get3A_3459, %get3A_3453 : vector<512x1xf32>
    %sub3A_3464 = arith.subf %get3A_3462, %get3A_3456 : vector<512x1xf32>
    %mul3A_3465 = arith.mulf %sub3A_3463, %sub3A_3464 : vector<512x1xf32>
    %slice3A_3466 = vector.extract_strided_slice %transpose3A {offsets = [0, 3072], sizes = [1, 512], strides = [1, 1]} : vector<8x5120xf32> to vector<1x512xf32>
    %slice3A_3467 = vector.extract_strided_slice %transpose3A {offsets = [1, 3072], sizes = [1, 512], strides = [1, 1]} : vector<8x5120xf32> to vector<1x512xf32>
    %slice3A_3468 = vector.extract_strided_slice %transpose3A {offsets = [2, 3072], sizes = [1, 512], strides = [1, 1]} : vector<8x5120xf32> to vector<1x512xf32>
    %slice3A_3469 = vector.extract_strided_slice %transpose3A {offsets = [3, 3072], sizes = [1, 512], strides = [1, 1]} : vector<8x5120xf32> to vector<1x512xf32>
    %sub3A_3470 = arith.subf %slice3A_3468, %slice3A_3466 : vector<1x512xf32>
    %sub3A_3471 = arith.subf %slice3A_3469, %slice3A_3467 : vector<1x512xf32>
    %mul3A_3472 = arith.mulf %sub3A_3470, %sub3A_3471 : vector<1x512xf32>
    %max3A_3473 = vector.broadcast %get3A_3453 : vector<512x1xf32> to vector<512x512xf32>
    %max3A_3474 = vector.broadcast %slice3A_3466 : vector<1x512xf32> to vector<512x512xf32>
    %max3A_3475 = arith.maximumf %max3A_3473, %max3A_3474 : vector<512x512xf32>
    %max3A_3476 = vector.broadcast %get3A_3456 : vector<512x1xf32> to vector<512x512xf32>
    %max3A_3477 = vector.broadcast %slice3A_3467 : vector<1x512xf32> to vector<512x512xf32>
    %max3A_3478 = arith.maximumf %max3A_3476, %max3A_3477 : vector<512x512xf32>
    %min3A_3479 = vector.broadcast %get3A_3459 : vector<512x1xf32> to vector<512x512xf32>
    %min3A_3480 = vector.broadcast %slice3A_3468 : vector<1x512xf32> to vector<512x512xf32>
    %min3A_3481 = arith.minimumf %min3A_3479, %min3A_3480 : vector<512x512xf32>
    %min3A_3482 = vector.broadcast %get3A_3462 : vector<512x1xf32> to vector<512x512xf32>
    %min3A_3483 = vector.broadcast %slice3A_3469 : vector<1x512xf32> to vector<512x512xf32>
    %min3A_3484 = arith.minimumf %min3A_3482, %min3A_3483 : vector<512x512xf32>
    %sub3A_3485 = arith.subf %min3A_3481, %max3A_3475 : vector<512x512xf32>
    %max3A_3486 = arith.constant 0.000000e+00 : f32
    %max3A_3487 = vector.broadcast %max3A_3486 : f32 to vector<512x512xf32>
    %max3A_3488 = arith.maximumf %sub3A_3485, %max3A_3487 : vector<512x512xf32>
    %sub3A_3489 = arith.subf %min3A_3484, %max3A_3478 : vector<512x512xf32>
    %max3A_3490 = arith.constant 0.000000e+00 : f32
    %max3A_3491 = vector.broadcast %max3A_3490 : f32 to vector<512x512xf32>
    %max3A_3492 = arith.maximumf %sub3A_3489, %max3A_3491 : vector<512x512xf32>
    %mul3A_3493 = arith.mulf %max3A_3488, %max3A_3492 : vector<512x512xf32>
    %add3A_3494 = vector.broadcast %mul3A_3465 : vector<512x1xf32> to vector<512x512xf32>
    %add3A_3495 = vector.broadcast %mul3A_3472 : vector<1x512xf32> to vector<512x512xf32>
    %add3A_3496 = arith.addf %add3A_3494, %add3A_3495 : vector<512x512xf32>
    %sub3A_3497 = arith.subf %add3A_3496, %mul3A_3493 : vector<512x512xf32>
    %add3A_3498 = arith.constant 9.99999993E-9 : f32
    %add3A_3499 = vector.broadcast %add3A_3498 : f32 to vector<512x512xf32>
    %add3A_3500 = arith.addf %sub3A_3497, %add3A_3499 : vector<512x512xf32>
    %div3A_3501 = arith.divf %mul3A_3493, %add3A_3500 : vector<512x512xf32>
    %gt3A_3502 = arith.constant 1.000000e-01 : f32
    %gt3A_3503 = vector.broadcast %gt3A_3502 : f32 to vector<512x512xf32>
    %gt3A_3504 = arith.cmpf ogt, %div3A_3501, %gt3A_3503 : vector<512x512xf32>
    %and3A_3505 = arith.andi %gt3A_3504, %lt3A_3450 : vector<512x512xi1>
    %jit3A_3506 = arith.constant 1.000000e+00 : f32
    %jit3A_3507 = arith.constant 0.000000e+00 : f32
    %broadcast_in_dim3A_3508 = vector.broadcast %jit3A_3506 : f32 to vector<512x512xf32>
    %broadcast_in_dim3A_3509 = vector.broadcast %jit3A_3507 : f32 to vector<512x512xf32>
    %select_n3A_3510 = arith.select %and3A_3505, %broadcast_in_dim3A_3508, %broadcast_in_dim3A_3509 : vector<512x512xi1>, vector<512x512xf32>
    %convert_element_type3A_3511 = arith.truncf %select_n3A_3510 : vector<512x512xf32> to vector<512x512xbf16>
    %swap3A_3512 = arith.constant 0 : index
    %swap3A_3513 = arith.constant 0 : index
    %swap3A_3514 = vector.load %arg2[%swap3A_3512, %swap3A_3513] : memref<512x512xbf16, #tpu.memory_space<vmem>>, vector<512x512xbf16>
    tpu.vector_store %arg2[%swap3A_3512, %swap3A_3513], %convert_element_type3A_3511 {strides = array<i32>} : memref<512x512xbf16, #tpu.memory_space<vmem>>, vector<512x512xbf16>,
    %get3A_3515 = arith.constant 0 : index
    %get3A_3516 = arith.constant 3072 : index
    %get3A_3517 = vector.load %arg3[%get3A_3515, %get3A_3516] : memref<1x5120xf32, #tpu.memory_space<vmem>>, vector<1x512xf32>
    %while3A_3518 = arith.constant true
    %while3A_3519:2 = scf.while (%while3A_4411 = %get3A_3517, %while3A_4412 = %while3A_3518) : (vector<1x512xf32>, i1) -> (vector<1x512xf32>, i1) {
      scf.condition(%while3A_4412) %while3A_4411, %while3A_4412 : vector<1x512xf32>, i1
    } do {
    ^bb0(%while3A_4411: vector<1x512xf32>, %while3A_4412: i1):
      %convert_element_type3A_4413 = arith.truncf %while3A_4411 : vector<1x512xf32> to vector<1x512xbf16>
      %get3A_4414 = arith.constant 0 : index
      %get3A_4415 = arith.constant 0 : index
      %get3A_4416 = vector.load %arg2[%get3A_4414, %get3A_4415] : memref<512x512xbf16, #tpu.memory_space<vmem>>, vector<512x512xbf16>
      %dot_general3A_4417 = arith.constant dense<0.000000e+00> : vector<1x512xf32>
      %dot_general3A_4418 = tpu.matmul %convert_element_type3A_4413, %get3A_4416, %dot_general3A_4417 {dimension_numbers = #tpu.dot_dimension_numbers<[1], [0], [0], [1], [0, 0, 1, 1], [], []>, transpose_lhs_hint = false} : vector<1x512xbf16>, vector<512x512xbf16>, vector<1x512xf32> -> vector<1x512xf32>
      %gt3A_4419 = arith.constant 0.000000e+00 : f32
      %gt3A_4420 = vector.broadcast %gt3A_4419 : f32 to vector<1x512xf32>
      %gt3A_4421 = arith.cmpf ogt, %dot_general3A_4418, %gt3A_4420 : vector<1x512xf32>
      %jit3A_4422 = arith.constant 0.000000e+00 : f32
      %broadcast_in_dim3A_4423 = vector.broadcast %jit3A_4422 : f32 to vector<1x512xf32>
      %select_n3A_4424 = arith.select %gt3A_4421, %broadcast_in_dim3A_4423, %get3A_3517 : vector<1x512xi1>, vector<1x512xf32>
      %ne3A = arith.cmpf one, %select_n3A_4424, %while3A_4411 : vector<1x512xf32>
      %reduce_or3A = arith.constant 1.000000e+00 : f32
      %reduce_or3A_4425 = arith.constant 0.000000e+00 : f32
      %reduce_or3A_4426 = vector.broadcast %reduce_or3A : f32 to vector<1x512xf32>
      %reduce_or3A_4427 = vector.broadcast %reduce_or3A_4425 : f32 to vector<1x512xf32>
      %reduce_or3A_4428 = arith.select %ne3A, %reduce_or3A_4426, %reduce_or3A_4427 : vector<1x512xi1>, vector<1x512xf32>
      %reduce_or3A_4429 = vector.shape_cast %reduce_or3A_4428 : vector<1x512xf32> to vector<1x1x512xf32>
      %reduce_or3A_4430 = arith.constant dense<0xFF800000> : vector<1xf32>
      %reduce_or3A_4431 = vector.multi_reduction <maximumf>, %reduce_or3A_4429, %reduce_or3A_4430 [1, 2] : vector<1x1x512xf32> to vector<1xf32>
      %reduce_or3A_4432 = vector.shape_cast %reduce_or3A_4431 : vector<1xf32> to vector<1x1x1xf32>
      %reduce_or3A_4433 = vector.extract %reduce_or3A_4432[0, 0, 0] : f32 from vector<1x1x1xf32>
      %reduce_or3A_4434 = arith.constant 0.000000e+00 : f32
      %reduce_or3A_4435 = arith.cmpf ogt, %reduce_or3A_4433, %reduce_or3A_4434 : f32
      scf.yield %select_n3A_4424, %reduce_or3A_4435 : vector<1x512xf32>, i1
    }
    %swap3A_3520 = arith.constant 0 : index
    %swap3A_3521 = arith.constant 3072 : index
    %swap3A_3522 = vector.load %arg3[%swap3A_3520, %swap3A_3521] : memref<1x5120xf32, #tpu.memory_space<vmem>>, vector<1x512xf32>
    tpu.vector_store %arg3[%swap3A_3520, %swap3A_3521], %while3A_3519#0 {strides = array<i32>} : memref<1x5120xf32, #tpu.memory_space<vmem>>, vector<1x512xf32>,
    %convert_element_type3A_3523 = arith.truncf %while3A_3519#0 : vector<1x512xf32> to vector<1x512xbf16>
    %get3A_3524 = arith.constant 3072 : index
    %get3A_3525 = arith.constant 0 : index
    %get3A_3526 = vector.load %arg0[%get3A_3524, %get3A_3525] : memref<5120x8xf32, #tpu.memory_space<vmem>>, vector<512x1xf32>
    %get3A_3527 = arith.constant 3072 : index
    %get3A_3528 = arith.constant 1 : index
    %get3A_3529 = vector.load %arg0[%get3A_3527, %get3A_3528] : memref<5120x8xf32, #tpu.memory_space<vmem>>, vector<512x1xf32>
    %get3A_3530 = arith.constant 3072 : index
    %get3A_3531 = arith.constant 2 : index
    %get3A_3532 = vector.load %arg0[%get3A_3530, %get3A_3531] : memref<5120x8xf32, #tpu.memory_space<vmem>>, vector<512x1xf32>
    %get3A_3533 = arith.constant 3072 : index
    %get3A_3534 = arith.constant 3 : index
    %get3A_3535 = vector.load %arg0[%get3A_3533, %get3A_3534] : memref<5120x8xf32, #tpu.memory_space<vmem>>, vector<512x1xf32>
    %sub3A_3536 = arith.subf %get3A_3532, %get3A_3526 : vector<512x1xf32>
    %sub3A_3537 = arith.subf %get3A_3535, %get3A_3529 : vector<512x1xf32>
    %mul3A_3538 = arith.mulf %sub3A_3536, %sub3A_3537 : vector<512x1xf32>
    %slice3A_3539 = vector.extract_strided_slice %transpose3A {offsets = [0, 3584], sizes = [1, 512], strides = [1, 1]} : vector<8x5120xf32> to vector<1x512xf32>
    %slice3A_3540 = vector.extract_strided_slice %transpose3A {offsets = [1, 3584], sizes = [1, 512], strides = [1, 1]} : vector<8x5120xf32> to vector<1x512xf32>
    %slice3A_3541 = vector.extract_strided_slice %transpose3A {offsets = [2, 3584], sizes = [1, 512], strides = [1, 1]} : vector<8x5120xf32> to vector<1x512xf32>
    %slice3A_3542 = vector.extract_strided_slice %transpose3A {offsets = [3, 3584], sizes = [1, 512], strides = [1, 1]} : vector<8x5120xf32> to vector<1x512xf32>
    %sub3A_3543 = arith.subf %slice3A_3541, %slice3A_3539 : vector<1x512xf32>
    %sub3A_3544 = arith.subf %slice3A_3542, %slice3A_3540 : vector<1x512xf32>
    %mul3A_3545 = arith.mulf %sub3A_3543, %sub3A_3544 : vector<1x512xf32>
    %max3A_3546 = vector.broadcast %get3A_3526 : vector<512x1xf32> to vector<512x512xf32>
    %max3A_3547 = vector.broadcast %slice3A_3539 : vector<1x512xf32> to vector<512x512xf32>
    %max3A_3548 = arith.maximumf %max3A_3546, %max3A_3547 : vector<512x512xf32>
    %max3A_3549 = vector.broadcast %get3A_3529 : vector<512x1xf32> to vector<512x512xf32>
    %max3A_3550 = vector.broadcast %slice3A_3540 : vector<1x512xf32> to vector<512x512xf32>
    %max3A_3551 = arith.maximumf %max3A_3549, %max3A_3550 : vector<512x512xf32>
    %min3A_3552 = vector.broadcast %get3A_3532 : vector<512x1xf32> to vector<512x512xf32>
    %min3A_3553 = vector.broadcast %slice3A_3541 : vector<1x512xf32> to vector<512x512xf32>
    %min3A_3554 = arith.minimumf %min3A_3552, %min3A_3553 : vector<512x512xf32>
    %min3A_3555 = vector.broadcast %get3A_3535 : vector<512x1xf32> to vector<512x512xf32>
    %min3A_3556 = vector.broadcast %slice3A_3542 : vector<1x512xf32> to vector<512x512xf32>
    %min3A_3557 = arith.minimumf %min3A_3555, %min3A_3556 : vector<512x512xf32>
    %sub3A_3558 = arith.subf %min3A_3554, %max3A_3548 : vector<512x512xf32>
    %max3A_3559 = arith.constant 0.000000e+00 : f32
    %max3A_3560 = vector.broadcast %max3A_3559 : f32 to vector<512x512xf32>
    %max3A_3561 = arith.maximumf %sub3A_3558, %max3A_3560 : vector<512x512xf32>
    %sub3A_3562 = arith.subf %min3A_3557, %max3A_3551 : vector<512x512xf32>
    %max3A_3563 = arith.constant 0.000000e+00 : f32
    %max3A_3564 = vector.broadcast %max3A_3563 : f32 to vector<512x512xf32>
    %max3A_3565 = arith.maximumf %sub3A_3562, %max3A_3564 : vector<512x512xf32>
    %mul3A_3566 = arith.mulf %max3A_3561, %max3A_3565 : vector<512x512xf32>
    %add3A_3567 = vector.broadcast %mul3A_3538 : vector<512x1xf32> to vector<512x512xf32>
    %add3A_3568 = vector.broadcast %mul3A_3545 : vector<1x512xf32> to vector<512x512xf32>
    %add3A_3569 = arith.addf %add3A_3567, %add3A_3568 : vector<512x512xf32>
    %sub3A_3570 = arith.subf %add3A_3569, %mul3A_3566 : vector<512x512xf32>
    %add3A_3571 = arith.constant 9.99999993E-9 : f32
    %add3A_3572 = vector.broadcast %add3A_3571 : f32 to vector<512x512xf32>
    %add3A_3573 = arith.addf %sub3A_3570, %add3A_3572 : vector<512x512xf32>
    %div3A_3574 = arith.divf %mul3A_3566, %add3A_3573 : vector<512x512xf32>
    %gt3A_3575 = arith.constant 1.000000e-01 : f32
    %gt3A_3576 = vector.broadcast %gt3A_3575 : f32 to vector<512x512xf32>
    %gt3A_3577 = arith.cmpf ogt, %div3A_3574, %gt3A_3576 : vector<512x512xf32>
    %jit3A_3578 = arith.constant 1.000000e+00 : f32
    %jit3A_3579 = arith.constant 0.000000e+00 : f32
    %broadcast_in_dim3A_3580 = vector.broadcast %jit3A_3578 : f32 to vector<512x512xf32>
    %broadcast_in_dim3A_3581 = vector.broadcast %jit3A_3579 : f32 to vector<512x512xf32>
    %select_n3A_3582 = arith.select %gt3A_3577, %broadcast_in_dim3A_3580, %broadcast_in_dim3A_3581 : vector<512x512xi1>, vector<512x512xf32>
    %convert_element_type3A_3583 = arith.truncf %select_n3A_3582 : vector<512x512xf32> to vector<512x512xbf16>
    %dot_general3A_3584 = arith.constant dense<0.000000e+00> : vector<1x512xf32>
    %dot_general3A_3585 = tpu.matmul %convert_element_type3A_3523, %convert_element_type3A_3583, %dot_general3A_3584 {dimension_numbers = #tpu.dot_dimension_numbers<[1], [0], [0], [1], [0, 0, 1, 1], [], []>, transpose_lhs_hint = false} : vector<1x512xbf16>, vector<512x512xbf16>, vector<1x512xf32> -> vector<1x512xf32>
    %get3A_3586 = arith.constant 0 : index
    %get3A_3587 = arith.constant 3584 : index
    %get3A_3588 = vector.load %arg3[%get3A_3586, %get3A_3587] : memref<1x5120xf32, #tpu.memory_space<vmem>>, vector<1x512xf32>
    %gt3A_3589 = arith.constant 0.000000e+00 : f32
    %gt3A_3590 = vector.broadcast %gt3A_3589 : f32 to vector<1x512xf32>
    %gt3A_3591 = arith.cmpf ogt, %dot_general3A_3585, %gt3A_3590 : vector<1x512xf32>
    %jit3A_3592 = arith.constant 0.000000e+00 : f32
    %jit3A_3593 = arith.constant 1.000000e+00 : f32
    %broadcast_in_dim3A_3594 = vector.broadcast %jit3A_3592 : f32 to vector<1x512xf32>
    %broadcast_in_dim3A_3595 = vector.broadcast %jit3A_3593 : f32 to vector<1x512xf32>
    %select_n3A_3596 = arith.select %gt3A_3591, %broadcast_in_dim3A_3594, %broadcast_in_dim3A_3595 : vector<1x512xi1>, vector<1x512xf32>
    %mul3A_3597 = arith.mulf %get3A_3588, %select_n3A_3596 : vector<1x512xf32>
    %swap3A_3598 = arith.constant 0 : index
    %swap3A_3599 = arith.constant 3584 : index
    %swap3A_3600 = vector.load %arg3[%swap3A_3598, %swap3A_3599] : memref<1x5120xf32, #tpu.memory_space<vmem>>, vector<1x512xf32>
    tpu.vector_store %arg3[%swap3A_3598, %swap3A_3599], %mul3A_3597 {strides = array<i32>} : memref<1x5120xf32, #tpu.memory_space<vmem>>, vector<1x512xf32>,
    %get3A_3601 = arith.constant 3072 : index
    %get3A_3602 = arith.constant 0 : index
    %get3A_3603 = vector.load %arg0[%get3A_3601, %get3A_3602] : memref<5120x8xf32, #tpu.memory_space<vmem>>, vector<512x1xf32>
    %get3A_3604 = arith.constant 3072 : index
    %get3A_3605 = arith.constant 1 : index
    %get3A_3606 = vector.load %arg0[%get3A_3604, %get3A_3605] : memref<5120x8xf32, #tpu.memory_space<vmem>>, vector<512x1xf32>
    %get3A_3607 = arith.constant 3072 : index
    %get3A_3608 = arith.constant 2 : index
    %get3A_3609 = vector.load %arg0[%get3A_3607, %get3A_3608] : memref<5120x8xf32, #tpu.memory_space<vmem>>, vector<512x1xf32>
    %get3A_3610 = arith.constant 3072 : index
    %get3A_3611 = arith.constant 3 : index
    %get3A_3612 = vector.load %arg0[%get3A_3610, %get3A_3611] : memref<5120x8xf32, #tpu.memory_space<vmem>>, vector<512x1xf32>
    %sub3A_3613 = arith.subf %get3A_3609, %get3A_3603 : vector<512x1xf32>
    %sub3A_3614 = arith.subf %get3A_3612, %get3A_3606 : vector<512x1xf32>
    %mul3A_3615 = arith.mulf %sub3A_3613, %sub3A_3614 : vector<512x1xf32>
    %slice3A_3616 = vector.extract_strided_slice %transpose3A {offsets = [0, 4096], sizes = [1, 512], strides = [1, 1]} : vector<8x5120xf32> to vector<1x512xf32>
    %slice3A_3617 = vector.extract_strided_slice %transpose3A {offsets = [1, 4096], sizes = [1, 512], strides = [1, 1]} : vector<8x5120xf32> to vector<1x512xf32>
    %slice3A_3618 = vector.extract_strided_slice %transpose3A {offsets = [2, 4096], sizes = [1, 512], strides = [1, 1]} : vector<8x5120xf32> to vector<1x512xf32>
    %slice3A_3619 = vector.extract_strided_slice %transpose3A {offsets = [3, 4096], sizes = [1, 512], strides = [1, 1]} : vector<8x5120xf32> to vector<1x512xf32>
    %sub3A_3620 = arith.subf %slice3A_3618, %slice3A_3616 : vector<1x512xf32>
    %sub3A_3621 = arith.subf %slice3A_3619, %slice3A_3617 : vector<1x512xf32>
    %mul3A_3622 = arith.mulf %sub3A_3620, %sub3A_3621 : vector<1x512xf32>
    %max3A_3623 = vector.broadcast %get3A_3603 : vector<512x1xf32> to vector<512x512xf32>
    %max3A_3624 = vector.broadcast %slice3A_3616 : vector<1x512xf32> to vector<512x512xf32>
    %max3A_3625 = arith.maximumf %max3A_3623, %max3A_3624 : vector<512x512xf32>
    %max3A_3626 = vector.broadcast %get3A_3606 : vector<512x1xf32> to vector<512x512xf32>
    %max3A_3627 = vector.broadcast %slice3A_3617 : vector<1x512xf32> to vector<512x512xf32>
    %max3A_3628 = arith.maximumf %max3A_3626, %max3A_3627 : vector<512x512xf32>
    %min3A_3629 = vector.broadcast %get3A_3609 : vector<512x1xf32> to vector<512x512xf32>
    %min3A_3630 = vector.broadcast %slice3A_3618 : vector<1x512xf32> to vector<512x512xf32>
    %min3A_3631 = arith.minimumf %min3A_3629, %min3A_3630 : vector<512x512xf32>
    %min3A_3632 = vector.broadcast %get3A_3612 : vector<512x1xf32> to vector<512x512xf32>
    %min3A_3633 = vector.broadcast %slice3A_3619 : vector<1x512xf32> to vector<512x512xf32>
    %min3A_3634 = arith.minimumf %min3A_3632, %min3A_3633 : vector<512x512xf32>
    %sub3A_3635 = arith.subf %min3A_3631, %max3A_3625 : vector<512x512xf32>
    %max3A_3636 = arith.constant 0.000000e+00 : f32
    %max3A_3637 = vector.broadcast %max3A_3636 : f32 to vector<512x512xf32>
    %max3A_3638 = arith.maximumf %sub3A_3635, %max3A_3637 : vector<512x512xf32>
    %sub3A_3639 = arith.subf %min3A_3634, %max3A_3628 : vector<512x512xf32>
    %max3A_3640 = arith.constant 0.000000e+00 : f32
    %max3A_3641 = vector.broadcast %max3A_3640 : f32 to vector<512x512xf32>
    %max3A_3642 = arith.maximumf %sub3A_3639, %max3A_3641 : vector<512x512xf32>
    %mul3A_3643 = arith.mulf %max3A_3638, %max3A_3642 : vector<512x512xf32>
    %add3A_3644 = vector.broadcast %mul3A_3615 : vector<512x1xf32> to vector<512x512xf32>
    %add3A_3645 = vector.broadcast %mul3A_3622 : vector<1x512xf32> to vector<512x512xf32>
    %add3A_3646 = arith.addf %add3A_3644, %add3A_3645 : vector<512x512xf32>
    %sub3A_3647 = arith.subf %add3A_3646, %mul3A_3643 : vector<512x512xf32>
    %add3A_3648 = arith.constant 9.99999993E-9 : f32
    %add3A_3649 = vector.broadcast %add3A_3648 : f32 to vector<512x512xf32>
    %add3A_3650 = arith.addf %sub3A_3647, %add3A_3649 : vector<512x512xf32>
    %div3A_3651 = arith.divf %mul3A_3643, %add3A_3650 : vector<512x512xf32>
    %gt3A_3652 = arith.constant 1.000000e-01 : f32
    %gt3A_3653 = vector.broadcast %gt3A_3652 : f32 to vector<512x512xf32>
    %gt3A_3654 = arith.cmpf ogt, %div3A_3651, %gt3A_3653 : vector<512x512xf32>
    %jit3A_3655 = arith.constant 1.000000e+00 : f32
    %jit3A_3656 = arith.constant 0.000000e+00 : f32
    %broadcast_in_dim3A_3657 = vector.broadcast %jit3A_3655 : f32 to vector<512x512xf32>
    %broadcast_in_dim3A_3658 = vector.broadcast %jit3A_3656 : f32 to vector<512x512xf32>
    %select_n3A_3659 = arith.select %gt3A_3654, %broadcast_in_dim3A_3657, %broadcast_in_dim3A_3658 : vector<512x512xi1>, vector<512x512xf32>
    %convert_element_type3A_3660 = arith.truncf %select_n3A_3659 : vector<512x512xf32> to vector<512x512xbf16>
    %dot_general3A_3661 = arith.constant dense<0.000000e+00> : vector<1x512xf32>
    %dot_general3A_3662 = tpu.matmul %convert_element_type3A_3523, %convert_element_type3A_3660, %dot_general3A_3661 {dimension_numbers = #tpu.dot_dimension_numbers<[1], [0], [0], [1], [0, 0, 1, 1], [], []>, transpose_lhs_hint = false} : vector<1x512xbf16>, vector<512x512xbf16>, vector<1x512xf32> -> vector<1x512xf32>
    %get3A_3663 = arith.constant 0 : index
    %get3A_3664 = arith.constant 4096 : index
    %get3A_3665 = vector.load %arg3[%get3A_3663, %get3A_3664] : memref<1x5120xf32, #tpu.memory_space<vmem>>, vector<1x512xf32>
    %gt3A_3666 = arith.constant 0.000000e+00 : f32
    %gt3A_3667 = vector.broadcast %gt3A_3666 : f32 to vector<1x512xf32>
    %gt3A_3668 = arith.cmpf ogt, %dot_general3A_3662, %gt3A_3667 : vector<1x512xf32>
    %jit3A_3669 = arith.constant 0.000000e+00 : f32
    %jit3A_3670 = arith.constant 1.000000e+00 : f32
    %broadcast_in_dim3A_3671 = vector.broadcast %jit3A_3669 : f32 to vector<1x512xf32>
    %broadcast_in_dim3A_3672 = vector.broadcast %jit3A_3670 : f32 to vector<1x512xf32>
    %select_n3A_3673 = arith.select %gt3A_3668, %broadcast_in_dim3A_3671, %broadcast_in_dim3A_3672 : vector<1x512xi1>, vector<1x512xf32>
    %mul3A_3674 = arith.mulf %get3A_3665, %select_n3A_3673 : vector<1x512xf32>
    %swap3A_3675 = arith.constant 0 : index
    %swap3A_3676 = arith.constant 4096 : index
    %swap3A_3677 = vector.load %arg3[%swap3A_3675, %swap3A_3676] : memref<1x5120xf32, #tpu.memory_space<vmem>>, vector<1x512xf32>
    tpu.vector_store %arg3[%swap3A_3675, %swap3A_3676], %mul3A_3674 {strides = array<i32>} : memref<1x5120xf32, #tpu.memory_space<vmem>>, vector<1x512xf32>,
    %get3A_3678 = arith.constant 3072 : index
    %get3A_3679 = arith.constant 0 : index
    %get3A_3680 = vector.load %arg0[%get3A_3678, %get3A_3679] : memref<5120x8xf32, #tpu.memory_space<vmem>>, vector<512x1xf32>
    %get3A_3681 = arith.constant 3072 : index
    %get3A_3682 = arith.constant 1 : index
    %get3A_3683 = vector.load %arg0[%get3A_3681, %get3A_3682] : memref<5120x8xf32, #tpu.memory_space<vmem>>, vector<512x1xf32>
    %get3A_3684 = arith.constant 3072 : index
    %get3A_3685 = arith.constant 2 : index
    %get3A_3686 = vector.load %arg0[%get3A_3684, %get3A_3685] : memref<5120x8xf32, #tpu.memory_space<vmem>>, vector<512x1xf32>
    %get3A_3687 = arith.constant 3072 : index
    %get3A_3688 = arith.constant 3 : index
    %get3A_3689 = vector.load %arg0[%get3A_3687, %get3A_3688] : memref<5120x8xf32, #tpu.memory_space<vmem>>, vector<512x1xf32>
    %sub3A_3690 = arith.subf %get3A_3686, %get3A_3680 : vector<512x1xf32>
    %sub3A_3691 = arith.subf %get3A_3689, %get3A_3683 : vector<512x1xf32>
    %mul3A_3692 = arith.mulf %sub3A_3690, %sub3A_3691 : vector<512x1xf32>
    %slice3A_3693 = vector.extract_strided_slice %transpose3A {offsets = [0, 4608], sizes = [1, 512], strides = [1, 1]} : vector<8x5120xf32> to vector<1x512xf32>
    %slice3A_3694 = vector.extract_strided_slice %transpose3A {offsets = [1, 4608], sizes = [1, 512], strides = [1, 1]} : vector<8x5120xf32> to vector<1x512xf32>
    %slice3A_3695 = vector.extract_strided_slice %transpose3A {offsets = [2, 4608], sizes = [1, 512], strides = [1, 1]} : vector<8x5120xf32> to vector<1x512xf32>
    %slice3A_3696 = vector.extract_strided_slice %transpose3A {offsets = [3, 4608], sizes = [1, 512], strides = [1, 1]} : vector<8x5120xf32> to vector<1x512xf32>
    %sub3A_3697 = arith.subf %slice3A_3695, %slice3A_3693 : vector<1x512xf32>
    %sub3A_3698 = arith.subf %slice3A_3696, %slice3A_3694 : vector<1x512xf32>
    %mul3A_3699 = arith.mulf %sub3A_3697, %sub3A_3698 : vector<1x512xf32>
    %max3A_3700 = vector.broadcast %get3A_3680 : vector<512x1xf32> to vector<512x512xf32>
    %max3A_3701 = vector.broadcast %slice3A_3693 : vector<1x512xf32> to vector<512x512xf32>
    %max3A_3702 = arith.maximumf %max3A_3700, %max3A_3701 : vector<512x512xf32>
    %max3A_3703 = vector.broadcast %get3A_3683 : vector<512x1xf32> to vector<512x512xf32>
    %max3A_3704 = vector.broadcast %slice3A_3694 : vector<1x512xf32> to vector<512x512xf32>
    %max3A_3705 = arith.maximumf %max3A_3703, %max3A_3704 : vector<512x512xf32>
    %min3A_3706 = vector.broadcast %get3A_3686 : vector<512x1xf32> to vector<512x512xf32>
    %min3A_3707 = vector.broadcast %slice3A_3695 : vector<1x512xf32> to vector<512x512xf32>
    %min3A_3708 = arith.minimumf %min3A_3706, %min3A_3707 : vector<512x512xf32>
    %min3A_3709 = vector.broadcast %get3A_3689 : vector<512x1xf32> to vector<512x512xf32>
    %min3A_3710 = vector.broadcast %slice3A_3696 : vector<1x512xf32> to vector<512x512xf32>
    %min3A_3711 = arith.minimumf %min3A_3709, %min3A_3710 : vector<512x512xf32>
    %sub3A_3712 = arith.subf %min3A_3708, %max3A_3702 : vector<512x512xf32>
    %max3A_3713 = arith.constant 0.000000e+00 : f32
    %max3A_3714 = vector.broadcast %max3A_3713 : f32 to vector<512x512xf32>
    %max3A_3715 = arith.maximumf %sub3A_3712, %max3A_3714 : vector<512x512xf32>
    %sub3A_3716 = arith.subf %min3A_3711, %max3A_3705 : vector<512x512xf32>
    %max3A_3717 = arith.constant 0.000000e+00 : f32
    %max3A_3718 = vector.broadcast %max3A_3717 : f32 to vector<512x512xf32>
    %max3A_3719 = arith.maximumf %sub3A_3716, %max3A_3718 : vector<512x512xf32>
    %mul3A_3720 = arith.mulf %max3A_3715, %max3A_3719 : vector<512x512xf32>
    %add3A_3721 = vector.broadcast %mul3A_3692 : vector<512x1xf32> to vector<512x512xf32>
    %add3A_3722 = vector.broadcast %mul3A_3699 : vector<1x512xf32> to vector<512x512xf32>
    %add3A_3723 = arith.addf %add3A_3721, %add3A_3722 : vector<512x512xf32>
    %sub3A_3724 = arith.subf %add3A_3723, %mul3A_3720 : vector<512x512xf32>
    %add3A_3725 = arith.constant 9.99999993E-9 : f32
    %add3A_3726 = vector.broadcast %add3A_3725 : f32 to vector<512x512xf32>
    %add3A_3727 = arith.addf %sub3A_3724, %add3A_3726 : vector<512x512xf32>
    %div3A_3728 = arith.divf %mul3A_3720, %add3A_3727 : vector<512x512xf32>
    %gt3A_3729 = arith.constant 1.000000e-01 : f32
    %gt3A_3730 = vector.broadcast %gt3A_3729 : f32 to vector<512x512xf32>
    %gt3A_3731 = arith.cmpf ogt, %div3A_3728, %gt3A_3730 : vector<512x512xf32>
    %jit3A_3732 = arith.constant 1.000000e+00 : f32
    %jit3A_3733 = arith.constant 0.000000e+00 : f32
    %broadcast_in_dim3A_3734 = vector.broadcast %jit3A_3732 : f32 to vector<512x512xf32>
    %broadcast_in_dim3A_3735 = vector.broadcast %jit3A_3733 : f32 to vector<512x512xf32>
    %select_n3A_3736 = arith.select %gt3A_3731, %broadcast_in_dim3A_3734, %broadcast_in_dim3A_3735 : vector<512x512xi1>, vector<512x512xf32>
    %convert_element_type3A_3737 = arith.truncf %select_n3A_3736 : vector<512x512xf32> to vector<512x512xbf16>
    %dot_general3A_3738 = arith.constant dense<0.000000e+00> : vector<1x512xf32>
    %dot_general3A_3739 = tpu.matmul %convert_element_type3A_3523, %convert_element_type3A_3737, %dot_general3A_3738 {dimension_numbers = #tpu.dot_dimension_numbers<[1], [0], [0], [1], [0, 0, 1, 1], [], []>, transpose_lhs_hint = false} : vector<1x512xbf16>, vector<512x512xbf16>, vector<1x512xf32> -> vector<1x512xf32>
    %get3A_3740 = arith.constant 0 : index
    %get3A_3741 = arith.constant 4608 : index
    %get3A_3742 = vector.load %arg3[%get3A_3740, %get3A_3741] : memref<1x5120xf32, #tpu.memory_space<vmem>>, vector<1x512xf32>
    %gt3A_3743 = arith.constant 0.000000e+00 : f32
    %gt3A_3744 = vector.broadcast %gt3A_3743 : f32 to vector<1x512xf32>
    %gt3A_3745 = arith.cmpf ogt, %dot_general3A_3739, %gt3A_3744 : vector<1x512xf32>
    %jit3A_3746 = arith.constant 0.000000e+00 : f32
    %jit3A_3747 = arith.constant 1.000000e+00 : f32
    %broadcast_in_dim3A_3748 = vector.broadcast %jit3A_3746 : f32 to vector<1x512xf32>
    %broadcast_in_dim3A_3749 = vector.broadcast %jit3A_3747 : f32 to vector<1x512xf32>
    %select_n3A_3750 = arith.select %gt3A_3745, %broadcast_in_dim3A_3748, %broadcast_in_dim3A_3749 : vector<1x512xi1>, vector<1x512xf32>
    %mul3A_3751 = arith.mulf %get3A_3742, %select_n3A_3750 : vector<1x512xf32>
    %swap3A_3752 = arith.constant 0 : index
    %swap3A_3753 = arith.constant 4608 : index
    %swap3A_3754 = vector.load %arg3[%swap3A_3752, %swap3A_3753] : memref<1x5120xf32, #tpu.memory_space<vmem>>, vector<1x512xf32>
    tpu.vector_store %arg3[%swap3A_3752, %swap3A_3753], %mul3A_3751 {strides = array<i32>} : memref<1x5120xf32, #tpu.memory_space<vmem>>, vector<1x512xf32>,
    %iota3A_3755 = tpu.iota {dimensions = array<i32: 0>} : vector<512x512xi32>
    %iota3A_3756 = tpu.iota {dimensions = array<i32: 1>} : vector<512x512xi32>
    %lt3A_3757 = arith.cmpi slt, %iota3A_3755, %iota3A_3756 : vector<512x512xi32>
    %get3A_3758 = arith.constant 3584 : index
    %get3A_3759 = arith.constant 0 : index
    %get3A_3760 = vector.load %arg0[%get3A_3758, %get3A_3759] : memref<5120x8xf32, #tpu.memory_space<vmem>>, vector<512x1xf32>
    %get3A_3761 = arith.constant 3584 : index
    %get3A_3762 = arith.constant 1 : index
    %get3A_3763 = vector.load %arg0[%get3A_3761, %get3A_3762] : memref<5120x8xf32, #tpu.memory_space<vmem>>, vector<512x1xf32>
    %get3A_3764 = arith.constant 3584 : index
    %get3A_3765 = arith.constant 2 : index
    %get3A_3766 = vector.load %arg0[%get3A_3764, %get3A_3765] : memref<5120x8xf32, #tpu.memory_space<vmem>>, vector<512x1xf32>
    %get3A_3767 = arith.constant 3584 : index
    %get3A_3768 = arith.constant 3 : index
    %get3A_3769 = vector.load %arg0[%get3A_3767, %get3A_3768] : memref<5120x8xf32, #tpu.memory_space<vmem>>, vector<512x1xf32>
    %sub3A_3770 = arith.subf %get3A_3766, %get3A_3760 : vector<512x1xf32>
    %sub3A_3771 = arith.subf %get3A_3769, %get3A_3763 : vector<512x1xf32>
    %mul3A_3772 = arith.mulf %sub3A_3770, %sub3A_3771 : vector<512x1xf32>
    %slice3A_3773 = vector.extract_strided_slice %transpose3A {offsets = [0, 3584], sizes = [1, 512], strides = [1, 1]} : vector<8x5120xf32> to vector<1x512xf32>
    %slice3A_3774 = vector.extract_strided_slice %transpose3A {offsets = [1, 3584], sizes = [1, 512], strides = [1, 1]} : vector<8x5120xf32> to vector<1x512xf32>
    %slice3A_3775 = vector.extract_strided_slice %transpose3A {offsets = [2, 3584], sizes = [1, 512], strides = [1, 1]} : vector<8x5120xf32> to vector<1x512xf32>
    %slice3A_3776 = vector.extract_strided_slice %transpose3A {offsets = [3, 3584], sizes = [1, 512], strides = [1, 1]} : vector<8x5120xf32> to vector<1x512xf32>
    %sub3A_3777 = arith.subf %slice3A_3775, %slice3A_3773 : vector<1x512xf32>
    %sub3A_3778 = arith.subf %slice3A_3776, %slice3A_3774 : vector<1x512xf32>
    %mul3A_3779 = arith.mulf %sub3A_3777, %sub3A_3778 : vector<1x512xf32>
    %max3A_3780 = vector.broadcast %get3A_3760 : vector<512x1xf32> to vector<512x512xf32>
    %max3A_3781 = vector.broadcast %slice3A_3773 : vector<1x512xf32> to vector<512x512xf32>
    %max3A_3782 = arith.maximumf %max3A_3780, %max3A_3781 : vector<512x512xf32>
    %max3A_3783 = vector.broadcast %get3A_3763 : vector<512x1xf32> to vector<512x512xf32>
    %max3A_3784 = vector.broadcast %slice3A_3774 : vector<1x512xf32> to vector<512x512xf32>
    %max3A_3785 = arith.maximumf %max3A_3783, %max3A_3784 : vector<512x512xf32>
    %min3A_3786 = vector.broadcast %get3A_3766 : vector<512x1xf32> to vector<512x512xf32>
    %min3A_3787 = vector.broadcast %slice3A_3775 : vector<1x512xf32> to vector<512x512xf32>
    %min3A_3788 = arith.minimumf %min3A_3786, %min3A_3787 : vector<512x512xf32>
    %min3A_3789 = vector.broadcast %get3A_3769 : vector<512x1xf32> to vector<512x512xf32>
    %min3A_3790 = vector.broadcast %slice3A_3776 : vector<1x512xf32> to vector<512x512xf32>
    %min3A_3791 = arith.minimumf %min3A_3789, %min3A_3790 : vector<512x512xf32>
    %sub3A_3792 = arith.subf %min3A_3788, %max3A_3782 : vector<512x512xf32>
    %max3A_3793 = arith.constant 0.000000e+00 : f32
    %max3A_3794 = vector.broadcast %max3A_3793 : f32 to vector<512x512xf32>
    %max3A_3795 = arith.maximumf %sub3A_3792, %max3A_3794 : vector<512x512xf32>
    %sub3A_3796 = arith.subf %min3A_3791, %max3A_3785 : vector<512x512xf32>
    %max3A_3797 = arith.constant 0.000000e+00 : f32
    %max3A_3798 = vector.broadcast %max3A_3797 : f32 to vector<512x512xf32>
    %max3A_3799 = arith.maximumf %sub3A_3796, %max3A_3798 : vector<512x512xf32>
    %mul3A_3800 = arith.mulf %max3A_3795, %max3A_3799 : vector<512x512xf32>
    %add3A_3801 = vector.broadcast %mul3A_3772 : vector<512x1xf32> to vector<512x512xf32>
    %add3A_3802 = vector.broadcast %mul3A_3779 : vector<1x512xf32> to vector<512x512xf32>
    %add3A_3803 = arith.addf %add3A_3801, %add3A_3802 : vector<512x512xf32>
    %sub3A_3804 = arith.subf %add3A_3803, %mul3A_3800 : vector<512x512xf32>
    %add3A_3805 = arith.constant 9.99999993E-9 : f32
    %add3A_3806 = vector.broadcast %add3A_3805 : f32 to vector<512x512xf32>
    %add3A_3807 = arith.addf %sub3A_3804, %add3A_3806 : vector<512x512xf32>
    %div3A_3808 = arith.divf %mul3A_3800, %add3A_3807 : vector<512x512xf32>
    %gt3A_3809 = arith.constant 1.000000e-01 : f32
    %gt3A_3810 = vector.broadcast %gt3A_3809 : f32 to vector<512x512xf32>
    %gt3A_3811 = arith.cmpf ogt, %div3A_3808, %gt3A_3810 : vector<512x512xf32>
    %and3A_3812 = arith.andi %gt3A_3811, %lt3A_3757 : vector<512x512xi1>
    %jit3A_3813 = arith.constant 1.000000e+00 : f32
    %jit3A_3814 = arith.constant 0.000000e+00 : f32
    %broadcast_in_dim3A_3815 = vector.broadcast %jit3A_3813 : f32 to vector<512x512xf32>
    %broadcast_in_dim3A_3816 = vector.broadcast %jit3A_3814 : f32 to vector<512x512xf32>
    %select_n3A_3817 = arith.select %and3A_3812, %broadcast_in_dim3A_3815, %broadcast_in_dim3A_3816 : vector<512x512xi1>, vector<512x512xf32>
    %convert_element_type3A_3818 = arith.truncf %select_n3A_3817 : vector<512x512xf32> to vector<512x512xbf16>
    %swap3A_3819 = arith.constant 0 : index
    %swap3A_3820 = arith.constant 0 : index
    %swap3A_3821 = vector.load %arg2[%swap3A_3819, %swap3A_3820] : memref<512x512xbf16, #tpu.memory_space<vmem>>, vector<512x512xbf16>
    tpu.vector_store %arg2[%swap3A_3819, %swap3A_3820], %convert_element_type3A_3818 {strides = array<i32>} : memref<512x512xbf16, #tpu.memory_space<vmem>>, vector<512x512xbf16>,
    %get3A_3822 = arith.constant 0 : index
    %get3A_3823 = arith.constant 3584 : index
    %get3A_3824 = vector.load %arg3[%get3A_3822, %get3A_3823] : memref<1x5120xf32, #tpu.memory_space<vmem>>, vector<1x512xf32>
    %while3A_3825 = arith.constant true
    %while3A_3826:2 = scf.while (%while3A_4411 = %get3A_3824, %while3A_4412 = %while3A_3825) : (vector<1x512xf32>, i1) -> (vector<1x512xf32>, i1) {
      scf.condition(%while3A_4412) %while3A_4411, %while3A_4412 : vector<1x512xf32>, i1
    } do {
    ^bb0(%while3A_4411: vector<1x512xf32>, %while3A_4412: i1):
      %convert_element_type3A_4413 = arith.truncf %while3A_4411 : vector<1x512xf32> to vector<1x512xbf16>
      %get3A_4414 = arith.constant 0 : index
      %get3A_4415 = arith.constant 0 : index
      %get3A_4416 = vector.load %arg2[%get3A_4414, %get3A_4415] : memref<512x512xbf16, #tpu.memory_space<vmem>>, vector<512x512xbf16>
      %dot_general3A_4417 = arith.constant dense<0.000000e+00> : vector<1x512xf32>
      %dot_general3A_4418 = tpu.matmul %convert_element_type3A_4413, %get3A_4416, %dot_general3A_4417 {dimension_numbers = #tpu.dot_dimension_numbers<[1], [0], [0], [1], [0, 0, 1, 1], [], []>, transpose_lhs_hint = false} : vector<1x512xbf16>, vector<512x512xbf16>, vector<1x512xf32> -> vector<1x512xf32>
      %gt3A_4419 = arith.constant 0.000000e+00 : f32
      %gt3A_4420 = vector.broadcast %gt3A_4419 : f32 to vector<1x512xf32>
      %gt3A_4421 = arith.cmpf ogt, %dot_general3A_4418, %gt3A_4420 : vector<1x512xf32>
      %jit3A_4422 = arith.constant 0.000000e+00 : f32
      %broadcast_in_dim3A_4423 = vector.broadcast %jit3A_4422 : f32 to vector<1x512xf32>
      %select_n3A_4424 = arith.select %gt3A_4421, %broadcast_in_dim3A_4423, %get3A_3824 : vector<1x512xi1>, vector<1x512xf32>
      %ne3A = arith.cmpf one, %select_n3A_4424, %while3A_4411 : vector<1x512xf32>
      %reduce_or3A = arith.constant 1.000000e+00 : f32
      %reduce_or3A_4425 = arith.constant 0.000000e+00 : f32
      %reduce_or3A_4426 = vector.broadcast %reduce_or3A : f32 to vector<1x512xf32>
      %reduce_or3A_4427 = vector.broadcast %reduce_or3A_4425 : f32 to vector<1x512xf32>
      %reduce_or3A_4428 = arith.select %ne3A, %reduce_or3A_4426, %reduce_or3A_4427 : vector<1x512xi1>, vector<1x512xf32>
      %reduce_or3A_4429 = vector.shape_cast %reduce_or3A_4428 : vector<1x512xf32> to vector<1x1x512xf32>
      %reduce_or3A_4430 = arith.constant dense<0xFF800000> : vector<1xf32>
      %reduce_or3A_4431 = vector.multi_reduction <maximumf>, %reduce_or3A_4429, %reduce_or3A_4430 [1, 2] : vector<1x1x512xf32> to vector<1xf32>
      %reduce_or3A_4432 = vector.shape_cast %reduce_or3A_4431 : vector<1xf32> to vector<1x1x1xf32>
      %reduce_or3A_4433 = vector.extract %reduce_or3A_4432[0, 0, 0] : f32 from vector<1x1x1xf32>
      %reduce_or3A_4434 = arith.constant 0.000000e+00 : f32
      %reduce_or3A_4435 = arith.cmpf ogt, %reduce_or3A_4433, %reduce_or3A_4434 : f32
      scf.yield %select_n3A_4424, %reduce_or3A_4435 : vector<1x512xf32>, i1
    }
    %swap3A_3827 = arith.constant 0 : index
    %swap3A_3828 = arith.constant 3584 : index
    %swap3A_3829 = vector.load %arg3[%swap3A_3827, %swap3A_3828] : memref<1x5120xf32, #tpu.memory_space<vmem>>, vector<1x512xf32>
    tpu.vector_store %arg3[%swap3A_3827, %swap3A_3828], %while3A_3826#0 {strides = array<i32>} : memref<1x5120xf32, #tpu.memory_space<vmem>>, vector<1x512xf32>,
    %convert_element_type3A_3830 = arith.truncf %while3A_3826#0 : vector<1x512xf32> to vector<1x512xbf16>
    %get3A_3831 = arith.constant 3584 : index
    %get3A_3832 = arith.constant 0 : index
    %get3A_3833 = vector.load %arg0[%get3A_3831, %get3A_3832] : memref<5120x8xf32, #tpu.memory_space<vmem>>, vector<512x1xf32>
    %get3A_3834 = arith.constant 3584 : index
    %get3A_3835 = arith.constant 1 : index
    %get3A_3836 = vector.load %arg0[%get3A_3834, %get3A_3835] : memref<5120x8xf32, #tpu.memory_space<vmem>>, vector<512x1xf32>
    %get3A_3837 = arith.constant 3584 : index
    %get3A_3838 = arith.constant 2 : index
    %get3A_3839 = vector.load %arg0[%get3A_3837, %get3A_3838] : memref<5120x8xf32, #tpu.memory_space<vmem>>, vector<512x1xf32>
    %get3A_3840 = arith.constant 3584 : index
    %get3A_3841 = arith.constant 3 : index
    %get3A_3842 = vector.load %arg0[%get3A_3840, %get3A_3841] : memref<5120x8xf32, #tpu.memory_space<vmem>>, vector<512x1xf32>
    %sub3A_3843 = arith.subf %get3A_3839, %get3A_3833 : vector<512x1xf32>
    %sub3A_3844 = arith.subf %get3A_3842, %get3A_3836 : vector<512x1xf32>
    %mul3A_3845 = arith.mulf %sub3A_3843, %sub3A_3844 : vector<512x1xf32>
    %slice3A_3846 = vector.extract_strided_slice %transpose3A {offsets = [0, 4096], sizes = [1, 512], strides = [1, 1]} : vector<8x5120xf32> to vector<1x512xf32>
    %slice3A_3847 = vector.extract_strided_slice %transpose3A {offsets = [1, 4096], sizes = [1, 512], strides = [1, 1]} : vector<8x5120xf32> to vector<1x512xf32>
    %slice3A_3848 = vector.extract_strided_slice %transpose3A {offsets = [2, 4096], sizes = [1, 512], strides = [1, 1]} : vector<8x5120xf32> to vector<1x512xf32>
    %slice3A_3849 = vector.extract_strided_slice %transpose3A {offsets = [3, 4096], sizes = [1, 512], strides = [1, 1]} : vector<8x5120xf32> to vector<1x512xf32>
    %sub3A_3850 = arith.subf %slice3A_3848, %slice3A_3846 : vector<1x512xf32>
    %sub3A_3851 = arith.subf %slice3A_3849, %slice3A_3847 : vector<1x512xf32>
    %mul3A_3852 = arith.mulf %sub3A_3850, %sub3A_3851 : vector<1x512xf32>
    %max3A_3853 = vector.broadcast %get3A_3833 : vector<512x1xf32> to vector<512x512xf32>
    %max3A_3854 = vector.broadcast %slice3A_3846 : vector<1x512xf32> to vector<512x512xf32>
    %max3A_3855 = arith.maximumf %max3A_3853, %max3A_3854 : vector<512x512xf32>
    %max3A_3856 = vector.broadcast %get3A_3836 : vector<512x1xf32> to vector<512x512xf32>
    %max3A_3857 = vector.broadcast %slice3A_3847 : vector<1x512xf32> to vector<512x512xf32>
    %max3A_3858 = arith.maximumf %max3A_3856, %max3A_3857 : vector<512x512xf32>
    %min3A_3859 = vector.broadcast %get3A_3839 : vector<512x1xf32> to vector<512x512xf32>
    %min3A_3860 = vector.broadcast %slice3A_3848 : vector<1x512xf32> to vector<512x512xf32>
    %min3A_3861 = arith.minimumf %min3A_3859, %min3A_3860 : vector<512x512xf32>
    %min3A_3862 = vector.broadcast %get3A_3842 : vector<512x1xf32> to vector<512x512xf32>
    %min3A_3863 = vector.broadcast %slice3A_3849 : vector<1x512xf32> to vector<512x512xf32>
    %min3A_3864 = arith.minimumf %min3A_3862, %min3A_3863 : vector<512x512xf32>
    %sub3A_3865 = arith.subf %min3A_3861, %max3A_3855 : vector<512x512xf32>
    %max3A_3866 = arith.constant 0.000000e+00 : f32
    %max3A_3867 = vector.broadcast %max3A_3866 : f32 to vector<512x512xf32>
    %max3A_3868 = arith.maximumf %sub3A_3865, %max3A_3867 : vector<512x512xf32>
    %sub3A_3869 = arith.subf %min3A_3864, %max3A_3858 : vector<512x512xf32>
    %max3A_3870 = arith.constant 0.000000e+00 : f32
    %max3A_3871 = vector.broadcast %max3A_3870 : f32 to vector<512x512xf32>
    %max3A_3872 = arith.maximumf %sub3A_3869, %max3A_3871 : vector<512x512xf32>
    %mul3A_3873 = arith.mulf %max3A_3868, %max3A_3872 : vector<512x512xf32>
    %add3A_3874 = vector.broadcast %mul3A_3845 : vector<512x1xf32> to vector<512x512xf32>
    %add3A_3875 = vector.broadcast %mul3A_3852 : vector<1x512xf32> to vector<512x512xf32>
    %add3A_3876 = arith.addf %add3A_3874, %add3A_3875 : vector<512x512xf32>
    %sub3A_3877 = arith.subf %add3A_3876, %mul3A_3873 : vector<512x512xf32>
    %add3A_3878 = arith.constant 9.99999993E-9 : f32
    %add3A_3879 = vector.broadcast %add3A_3878 : f32 to vector<512x512xf32>
    %add3A_3880 = arith.addf %sub3A_3877, %add3A_3879 : vector<512x512xf32>
    %div3A_3881 = arith.divf %mul3A_3873, %add3A_3880 : vector<512x512xf32>
    %gt3A_3882 = arith.constant 1.000000e-01 : f32
    %gt3A_3883 = vector.broadcast %gt3A_3882 : f32 to vector<512x512xf32>
    %gt3A_3884 = arith.cmpf ogt, %div3A_3881, %gt3A_3883 : vector<512x512xf32>
    %jit3A_3885 = arith.constant 1.000000e+00 : f32
    %jit3A_3886 = arith.constant 0.000000e+00 : f32
    %broadcast_in_dim3A_3887 = vector.broadcast %jit3A_3885 : f32 to vector<512x512xf32>
    %broadcast_in_dim3A_3888 = vector.broadcast %jit3A_3886 : f32 to vector<512x512xf32>
    %select_n3A_3889 = arith.select %gt3A_3884, %broadcast_in_dim3A_3887, %broadcast_in_dim3A_3888 : vector<512x512xi1>, vector<512x512xf32>
    %convert_element_type3A_3890 = arith.truncf %select_n3A_3889 : vector<512x512xf32> to vector<512x512xbf16>
    %dot_general3A_3891 = arith.constant dense<0.000000e+00> : vector<1x512xf32>
    %dot_general3A_3892 = tpu.matmul %convert_element_type3A_3830, %convert_element_type3A_3890, %dot_general3A_3891 {dimension_numbers = #tpu.dot_dimension_numbers<[1], [0], [0], [1], [0, 0, 1, 1], [], []>, transpose_lhs_hint = false} : vector<1x512xbf16>, vector<512x512xbf16>, vector<1x512xf32> -> vector<1x512xf32>
    %get3A_3893 = arith.constant 0 : index
    %get3A_3894 = arith.constant 4096 : index
    %get3A_3895 = vector.load %arg3[%get3A_3893, %get3A_3894] : memref<1x5120xf32, #tpu.memory_space<vmem>>, vector<1x512xf32>
    %gt3A_3896 = arith.constant 0.000000e+00 : f32
    %gt3A_3897 = vector.broadcast %gt3A_3896 : f32 to vector<1x512xf32>
    %gt3A_3898 = arith.cmpf ogt, %dot_general3A_3892, %gt3A_3897 : vector<1x512xf32>
    %jit3A_3899 = arith.constant 0.000000e+00 : f32
    %jit3A_3900 = arith.constant 1.000000e+00 : f32
    %broadcast_in_dim3A_3901 = vector.broadcast %jit3A_3899 : f32 to vector<1x512xf32>
    %broadcast_in_dim3A_3902 = vector.broadcast %jit3A_3900 : f32 to vector<1x512xf32>
    %select_n3A_3903 = arith.select %gt3A_3898, %broadcast_in_dim3A_3901, %broadcast_in_dim3A_3902 : vector<1x512xi1>, vector<1x512xf32>
    %mul3A_3904 = arith.mulf %get3A_3895, %select_n3A_3903 : vector<1x512xf32>
    %swap3A_3905 = arith.constant 0 : index
    %swap3A_3906 = arith.constant 4096 : index
    %swap3A_3907 = vector.load %arg3[%swap3A_3905, %swap3A_3906] : memref<1x5120xf32, #tpu.memory_space<vmem>>, vector<1x512xf32>
    tpu.vector_store %arg3[%swap3A_3905, %swap3A_3906], %mul3A_3904 {strides = array<i32>} : memref<1x5120xf32, #tpu.memory_space<vmem>>, vector<1x512xf32>,
    %get3A_3908 = arith.constant 3584 : index
    %get3A_3909 = arith.constant 0 : index
    %get3A_3910 = vector.load %arg0[%get3A_3908, %get3A_3909] : memref<5120x8xf32, #tpu.memory_space<vmem>>, vector<512x1xf32>
    %get3A_3911 = arith.constant 3584 : index
    %get3A_3912 = arith.constant 1 : index
    %get3A_3913 = vector.load %arg0[%get3A_3911, %get3A_3912] : memref<5120x8xf32, #tpu.memory_space<vmem>>, vector<512x1xf32>
    %get3A_3914 = arith.constant 3584 : index
    %get3A_3915 = arith.constant 2 : index
    %get3A_3916 = vector.load %arg0[%get3A_3914, %get3A_3915] : memref<5120x8xf32, #tpu.memory_space<vmem>>, vector<512x1xf32>
    %get3A_3917 = arith.constant 3584 : index
    %get3A_3918 = arith.constant 3 : index
    %get3A_3919 = vector.load %arg0[%get3A_3917, %get3A_3918] : memref<5120x8xf32, #tpu.memory_space<vmem>>, vector<512x1xf32>
    %sub3A_3920 = arith.subf %get3A_3916, %get3A_3910 : vector<512x1xf32>
    %sub3A_3921 = arith.subf %get3A_3919, %get3A_3913 : vector<512x1xf32>
    %mul3A_3922 = arith.mulf %sub3A_3920, %sub3A_3921 : vector<512x1xf32>
    %slice3A_3923 = vector.extract_strided_slice %transpose3A {offsets = [0, 4608], sizes = [1, 512], strides = [1, 1]} : vector<8x5120xf32> to vector<1x512xf32>
    %slice3A_3924 = vector.extract_strided_slice %transpose3A {offsets = [1, 4608], sizes = [1, 512], strides = [1, 1]} : vector<8x5120xf32> to vector<1x512xf32>
    %slice3A_3925 = vector.extract_strided_slice %transpose3A {offsets = [2, 4608], sizes = [1, 512], strides = [1, 1]} : vector<8x5120xf32> to vector<1x512xf32>
    %slice3A_3926 = vector.extract_strided_slice %transpose3A {offsets = [3, 4608], sizes = [1, 512], strides = [1, 1]} : vector<8x5120xf32> to vector<1x512xf32>
    %sub3A_3927 = arith.subf %slice3A_3925, %slice3A_3923 : vector<1x512xf32>
    %sub3A_3928 = arith.subf %slice3A_3926, %slice3A_3924 : vector<1x512xf32>
    %mul3A_3929 = arith.mulf %sub3A_3927, %sub3A_3928 : vector<1x512xf32>
    %max3A_3930 = vector.broadcast %get3A_3910 : vector<512x1xf32> to vector<512x512xf32>
    %max3A_3931 = vector.broadcast %slice3A_3923 : vector<1x512xf32> to vector<512x512xf32>
    %max3A_3932 = arith.maximumf %max3A_3930, %max3A_3931 : vector<512x512xf32>
    %max3A_3933 = vector.broadcast %get3A_3913 : vector<512x1xf32> to vector<512x512xf32>
    %max3A_3934 = vector.broadcast %slice3A_3924 : vector<1x512xf32> to vector<512x512xf32>
    %max3A_3935 = arith.maximumf %max3A_3933, %max3A_3934 : vector<512x512xf32>
    %min3A_3936 = vector.broadcast %get3A_3916 : vector<512x1xf32> to vector<512x512xf32>
    %min3A_3937 = vector.broadcast %slice3A_3925 : vector<1x512xf32> to vector<512x512xf32>
    %min3A_3938 = arith.minimumf %min3A_3936, %min3A_3937 : vector<512x512xf32>
    %min3A_3939 = vector.broadcast %get3A_3919 : vector<512x1xf32> to vector<512x512xf32>
    %min3A_3940 = vector.broadcast %slice3A_3926 : vector<1x512xf32> to vector<512x512xf32>
    %min3A_3941 = arith.minimumf %min3A_3939, %min3A_3940 : vector<512x512xf32>
    %sub3A_3942 = arith.subf %min3A_3938, %max3A_3932 : vector<512x512xf32>
    %max3A_3943 = arith.constant 0.000000e+00 : f32
    %max3A_3944 = vector.broadcast %max3A_3943 : f32 to vector<512x512xf32>
    %max3A_3945 = arith.maximumf %sub3A_3942, %max3A_3944 : vector<512x512xf32>
    %sub3A_3946 = arith.subf %min3A_3941, %max3A_3935 : vector<512x512xf32>
    %max3A_3947 = arith.constant 0.000000e+00 : f32
    %max3A_3948 = vector.broadcast %max3A_3947 : f32 to vector<512x512xf32>
    %max3A_3949 = arith.maximumf %sub3A_3946, %max3A_3948 : vector<512x512xf32>
    %mul3A_3950 = arith.mulf %max3A_3945, %max3A_3949 : vector<512x512xf32>
    %add3A_3951 = vector.broadcast %mul3A_3922 : vector<512x1xf32> to vector<512x512xf32>
    %add3A_3952 = vector.broadcast %mul3A_3929 : vector<1x512xf32> to vector<512x512xf32>
    %add3A_3953 = arith.addf %add3A_3951, %add3A_3952 : vector<512x512xf32>
    %sub3A_3954 = arith.subf %add3A_3953, %mul3A_3950 : vector<512x512xf32>
    %add3A_3955 = arith.constant 9.99999993E-9 : f32
    %add3A_3956 = vector.broadcast %add3A_3955 : f32 to vector<512x512xf32>
    %add3A_3957 = arith.addf %sub3A_3954, %add3A_3956 : vector<512x512xf32>
    %div3A_3958 = arith.divf %mul3A_3950, %add3A_3957 : vector<512x512xf32>
    %gt3A_3959 = arith.constant 1.000000e-01 : f32
    %gt3A_3960 = vector.broadcast %gt3A_3959 : f32 to vector<512x512xf32>
    %gt3A_3961 = arith.cmpf ogt, %div3A_3958, %gt3A_3960 : vector<512x512xf32>
    %jit3A_3962 = arith.constant 1.000000e+00 : f32
    %jit3A_3963 = arith.constant 0.000000e+00 : f32
    %broadcast_in_dim3A_3964 = vector.broadcast %jit3A_3962 : f32 to vector<512x512xf32>
    %broadcast_in_dim3A_3965 = vector.broadcast %jit3A_3963 : f32 to vector<512x512xf32>
    %select_n3A_3966 = arith.select %gt3A_3961, %broadcast_in_dim3A_3964, %broadcast_in_dim3A_3965 : vector<512x512xi1>, vector<512x512xf32>
    %convert_element_type3A_3967 = arith.truncf %select_n3A_3966 : vector<512x512xf32> to vector<512x512xbf16>
    %dot_general3A_3968 = arith.constant dense<0.000000e+00> : vector<1x512xf32>
    %dot_general3A_3969 = tpu.matmul %convert_element_type3A_3830, %convert_element_type3A_3967, %dot_general3A_3968 {dimension_numbers = #tpu.dot_dimension_numbers<[1], [0], [0], [1], [0, 0, 1, 1], [], []>, transpose_lhs_hint = false} : vector<1x512xbf16>, vector<512x512xbf16>, vector<1x512xf32> -> vector<1x512xf32>
    %get3A_3970 = arith.constant 0 : index
    %get3A_3971 = arith.constant 4608 : index
    %get3A_3972 = vector.load %arg3[%get3A_3970, %get3A_3971] : memref<1x5120xf32, #tpu.memory_space<vmem>>, vector<1x512xf32>
    %gt3A_3973 = arith.constant 0.000000e+00 : f32
    %gt3A_3974 = vector.broadcast %gt3A_3973 : f32 to vector<1x512xf32>
    %gt3A_3975 = arith.cmpf ogt, %dot_general3A_3969, %gt3A_3974 : vector<1x512xf32>
    %jit3A_3976 = arith.constant 0.000000e+00 : f32
    %jit3A_3977 = arith.constant 1.000000e+00 : f32
    %broadcast_in_dim3A_3978 = vector.broadcast %jit3A_3976 : f32 to vector<1x512xf32>
    %broadcast_in_dim3A_3979 = vector.broadcast %jit3A_3977 : f32 to vector<1x512xf32>
    %select_n3A_3980 = arith.select %gt3A_3975, %broadcast_in_dim3A_3978, %broadcast_in_dim3A_3979 : vector<1x512xi1>, vector<1x512xf32>
    %mul3A_3981 = arith.mulf %get3A_3972, %select_n3A_3980 : vector<1x512xf32>
    %swap3A_3982 = arith.constant 0 : index
    %swap3A_3983 = arith.constant 4608 : index
    %swap3A_3984 = vector.load %arg3[%swap3A_3982, %swap3A_3983] : memref<1x5120xf32, #tpu.memory_space<vmem>>, vector<1x512xf32>
    tpu.vector_store %arg3[%swap3A_3982, %swap3A_3983], %mul3A_3981 {strides = array<i32>} : memref<1x5120xf32, #tpu.memory_space<vmem>>, vector<1x512xf32>,
    %iota3A_3985 = tpu.iota {dimensions = array<i32: 0>} : vector<512x512xi32>
    %iota3A_3986 = tpu.iota {dimensions = array<i32: 1>} : vector<512x512xi32>
    %lt3A_3987 = arith.cmpi slt, %iota3A_3985, %iota3A_3986 : vector<512x512xi32>
    %get3A_3988 = arith.constant 4096 : index
    %get3A_3989 = arith.constant 0 : index
    %get3A_3990 = vector.load %arg0[%get3A_3988, %get3A_3989] : memref<5120x8xf32, #tpu.memory_space<vmem>>, vector<512x1xf32>
    %get3A_3991 = arith.constant 4096 : index
    %get3A_3992 = arith.constant 1 : index
    %get3A_3993 = vector.load %arg0[%get3A_3991, %get3A_3992] : memref<5120x8xf32, #tpu.memory_space<vmem>>, vector<512x1xf32>
    %get3A_3994 = arith.constant 4096 : index
    %get3A_3995 = arith.constant 2 : index
    %get3A_3996 = vector.load %arg0[%get3A_3994, %get3A_3995] : memref<5120x8xf32, #tpu.memory_space<vmem>>, vector<512x1xf32>
    %get3A_3997 = arith.constant 4096 : index
    %get3A_3998 = arith.constant 3 : index
    %get3A_3999 = vector.load %arg0[%get3A_3997, %get3A_3998] : memref<5120x8xf32, #tpu.memory_space<vmem>>, vector<512x1xf32>
    %sub3A_4000 = arith.subf %get3A_3996, %get3A_3990 : vector<512x1xf32>
    %sub3A_4001 = arith.subf %get3A_3999, %get3A_3993 : vector<512x1xf32>
    %mul3A_4002 = arith.mulf %sub3A_4000, %sub3A_4001 : vector<512x1xf32>
    %slice3A_4003 = vector.extract_strided_slice %transpose3A {offsets = [0, 4096], sizes = [1, 512], strides = [1, 1]} : vector<8x5120xf32> to vector<1x512xf32>
    %slice3A_4004 = vector.extract_strided_slice %transpose3A {offsets = [1, 4096], sizes = [1, 512], strides = [1, 1]} : vector<8x5120xf32> to vector<1x512xf32>
    %slice3A_4005 = vector.extract_strided_slice %transpose3A {offsets = [2, 4096], sizes = [1, 512], strides = [1, 1]} : vector<8x5120xf32> to vector<1x512xf32>
    %slice3A_4006 = vector.extract_strided_slice %transpose3A {offsets = [3, 4096], sizes = [1, 512], strides = [1, 1]} : vector<8x5120xf32> to vector<1x512xf32>
    %sub3A_4007 = arith.subf %slice3A_4005, %slice3A_4003 : vector<1x512xf32>
    %sub3A_4008 = arith.subf %slice3A_4006, %slice3A_4004 : vector<1x512xf32>
    %mul3A_4009 = arith.mulf %sub3A_4007, %sub3A_4008 : vector<1x512xf32>
    %max3A_4010 = vector.broadcast %get3A_3990 : vector<512x1xf32> to vector<512x512xf32>
    %max3A_4011 = vector.broadcast %slice3A_4003 : vector<1x512xf32> to vector<512x512xf32>
    %max3A_4012 = arith.maximumf %max3A_4010, %max3A_4011 : vector<512x512xf32>
    %max3A_4013 = vector.broadcast %get3A_3993 : vector<512x1xf32> to vector<512x512xf32>
    %max3A_4014 = vector.broadcast %slice3A_4004 : vector<1x512xf32> to vector<512x512xf32>
    %max3A_4015 = arith.maximumf %max3A_4013, %max3A_4014 : vector<512x512xf32>
    %min3A_4016 = vector.broadcast %get3A_3996 : vector<512x1xf32> to vector<512x512xf32>
    %min3A_4017 = vector.broadcast %slice3A_4005 : vector<1x512xf32> to vector<512x512xf32>
    %min3A_4018 = arith.minimumf %min3A_4016, %min3A_4017 : vector<512x512xf32>
    %min3A_4019 = vector.broadcast %get3A_3999 : vector<512x1xf32> to vector<512x512xf32>
    %min3A_4020 = vector.broadcast %slice3A_4006 : vector<1x512xf32> to vector<512x512xf32>
    %min3A_4021 = arith.minimumf %min3A_4019, %min3A_4020 : vector<512x512xf32>
    %sub3A_4022 = arith.subf %min3A_4018, %max3A_4012 : vector<512x512xf32>
    %max3A_4023 = arith.constant 0.000000e+00 : f32
    %max3A_4024 = vector.broadcast %max3A_4023 : f32 to vector<512x512xf32>
    %max3A_4025 = arith.maximumf %sub3A_4022, %max3A_4024 : vector<512x512xf32>
    %sub3A_4026 = arith.subf %min3A_4021, %max3A_4015 : vector<512x512xf32>
    %max3A_4027 = arith.constant 0.000000e+00 : f32
    %max3A_4028 = vector.broadcast %max3A_4027 : f32 to vector<512x512xf32>
    %max3A_4029 = arith.maximumf %sub3A_4026, %max3A_4028 : vector<512x512xf32>
    %mul3A_4030 = arith.mulf %max3A_4025, %max3A_4029 : vector<512x512xf32>
    %add3A_4031 = vector.broadcast %mul3A_4002 : vector<512x1xf32> to vector<512x512xf32>
    %add3A_4032 = vector.broadcast %mul3A_4009 : vector<1x512xf32> to vector<512x512xf32>
    %add3A_4033 = arith.addf %add3A_4031, %add3A_4032 : vector<512x512xf32>
    %sub3A_4034 = arith.subf %add3A_4033, %mul3A_4030 : vector<512x512xf32>
    %add3A_4035 = arith.constant 9.99999993E-9 : f32
    %add3A_4036 = vector.broadcast %add3A_4035 : f32 to vector<512x512xf32>
    %add3A_4037 = arith.addf %sub3A_4034, %add3A_4036 : vector<512x512xf32>
    %div3A_4038 = arith.divf %mul3A_4030, %add3A_4037 : vector<512x512xf32>
    %gt3A_4039 = arith.constant 1.000000e-01 : f32
    %gt3A_4040 = vector.broadcast %gt3A_4039 : f32 to vector<512x512xf32>
    %gt3A_4041 = arith.cmpf ogt, %div3A_4038, %gt3A_4040 : vector<512x512xf32>
    %and3A_4042 = arith.andi %gt3A_4041, %lt3A_3987 : vector<512x512xi1>
    %jit3A_4043 = arith.constant 1.000000e+00 : f32
    %jit3A_4044 = arith.constant 0.000000e+00 : f32
    %broadcast_in_dim3A_4045 = vector.broadcast %jit3A_4043 : f32 to vector<512x512xf32>
    %broadcast_in_dim3A_4046 = vector.broadcast %jit3A_4044 : f32 to vector<512x512xf32>
    %select_n3A_4047 = arith.select %and3A_4042, %broadcast_in_dim3A_4045, %broadcast_in_dim3A_4046 : vector<512x512xi1>, vector<512x512xf32>
    %convert_element_type3A_4048 = arith.truncf %select_n3A_4047 : vector<512x512xf32> to vector<512x512xbf16>
    %swap3A_4049 = arith.constant 0 : index
    %swap3A_4050 = arith.constant 0 : index
    %swap3A_4051 = vector.load %arg2[%swap3A_4049, %swap3A_4050] : memref<512x512xbf16, #tpu.memory_space<vmem>>, vector<512x512xbf16>
    tpu.vector_store %arg2[%swap3A_4049, %swap3A_4050], %convert_element_type3A_4048 {strides = array<i32>} : memref<512x512xbf16, #tpu.memory_space<vmem>>, vector<512x512xbf16>,
    %get3A_4052 = arith.constant 0 : index
    %get3A_4053 = arith.constant 4096 : index
    %get3A_4054 = vector.load %arg3[%get3A_4052, %get3A_4053] : memref<1x5120xf32, #tpu.memory_space<vmem>>, vector<1x512xf32>
    %while3A_4055 = arith.constant true
    %while3A_4056:2 = scf.while (%while3A_4411 = %get3A_4054, %while3A_4412 = %while3A_4055) : (vector<1x512xf32>, i1) -> (vector<1x512xf32>, i1) {
      scf.condition(%while3A_4412) %while3A_4411, %while3A_4412 : vector<1x512xf32>, i1
    } do {
    ^bb0(%while3A_4411: vector<1x512xf32>, %while3A_4412: i1):
      %convert_element_type3A_4413 = arith.truncf %while3A_4411 : vector<1x512xf32> to vector<1x512xbf16>
      %get3A_4414 = arith.constant 0 : index
      %get3A_4415 = arith.constant 0 : index
      %get3A_4416 = vector.load %arg2[%get3A_4414, %get3A_4415] : memref<512x512xbf16, #tpu.memory_space<vmem>>, vector<512x512xbf16>
      %dot_general3A_4417 = arith.constant dense<0.000000e+00> : vector<1x512xf32>
      %dot_general3A_4418 = tpu.matmul %convert_element_type3A_4413, %get3A_4416, %dot_general3A_4417 {dimension_numbers = #tpu.dot_dimension_numbers<[1], [0], [0], [1], [0, 0, 1, 1], [], []>, transpose_lhs_hint = false} : vector<1x512xbf16>, vector<512x512xbf16>, vector<1x512xf32> -> vector<1x512xf32>
      %gt3A_4419 = arith.constant 0.000000e+00 : f32
      %gt3A_4420 = vector.broadcast %gt3A_4419 : f32 to vector<1x512xf32>
      %gt3A_4421 = arith.cmpf ogt, %dot_general3A_4418, %gt3A_4420 : vector<1x512xf32>
      %jit3A_4422 = arith.constant 0.000000e+00 : f32
      %broadcast_in_dim3A_4423 = vector.broadcast %jit3A_4422 : f32 to vector<1x512xf32>
      %select_n3A_4424 = arith.select %gt3A_4421, %broadcast_in_dim3A_4423, %get3A_4054 : vector<1x512xi1>, vector<1x512xf32>
      %ne3A = arith.cmpf one, %select_n3A_4424, %while3A_4411 : vector<1x512xf32>
      %reduce_or3A = arith.constant 1.000000e+00 : f32
      %reduce_or3A_4425 = arith.constant 0.000000e+00 : f32
      %reduce_or3A_4426 = vector.broadcast %reduce_or3A : f32 to vector<1x512xf32>
      %reduce_or3A_4427 = vector.broadcast %reduce_or3A_4425 : f32 to vector<1x512xf32>
      %reduce_or3A_4428 = arith.select %ne3A, %reduce_or3A_4426, %reduce_or3A_4427 : vector<1x512xi1>, vector<1x512xf32>
      %reduce_or3A_4429 = vector.shape_cast %reduce_or3A_4428 : vector<1x512xf32> to vector<1x1x512xf32>
      %reduce_or3A_4430 = arith.constant dense<0xFF800000> : vector<1xf32>
      %reduce_or3A_4431 = vector.multi_reduction <maximumf>, %reduce_or3A_4429, %reduce_or3A_4430 [1, 2] : vector<1x1x512xf32> to vector<1xf32>
      %reduce_or3A_4432 = vector.shape_cast %reduce_or3A_4431 : vector<1xf32> to vector<1x1x1xf32>
      %reduce_or3A_4433 = vector.extract %reduce_or3A_4432[0, 0, 0] : f32 from vector<1x1x1xf32>
      %reduce_or3A_4434 = arith.constant 0.000000e+00 : f32
      %reduce_or3A_4435 = arith.cmpf ogt, %reduce_or3A_4433, %reduce_or3A_4434 : f32
      scf.yield %select_n3A_4424, %reduce_or3A_4435 : vector<1x512xf32>, i1
    }
    %swap3A_4057 = arith.constant 0 : index
    %swap3A_4058 = arith.constant 4096 : index
    %swap3A_4059 = vector.load %arg3[%swap3A_4057, %swap3A_4058] : memref<1x5120xf32, #tpu.memory_space<vmem>>, vector<1x512xf32>
    tpu.vector_store %arg3[%swap3A_4057, %swap3A_4058], %while3A_4056#0 {strides = array<i32>} : memref<1x5120xf32, #tpu.memory_space<vmem>>, vector<1x512xf32>,
    %convert_element_type3A_4060 = arith.truncf %while3A_4056#0 : vector<1x512xf32> to vector<1x512xbf16>
    %get3A_4061 = arith.constant 4096 : index
    %get3A_4062 = arith.constant 0 : index
    %get3A_4063 = vector.load %arg0[%get3A_4061, %get3A_4062] : memref<5120x8xf32, #tpu.memory_space<vmem>>, vector<512x1xf32>
    %get3A_4064 = arith.constant 4096 : index
    %get3A_4065 = arith.constant 1 : index
    %get3A_4066 = vector.load %arg0[%get3A_4064, %get3A_4065] : memref<5120x8xf32, #tpu.memory_space<vmem>>, vector<512x1xf32>
    %get3A_4067 = arith.constant 4096 : index
    %get3A_4068 = arith.constant 2 : index
    %get3A_4069 = vector.load %arg0[%get3A_4067, %get3A_4068] : memref<5120x8xf32, #tpu.memory_space<vmem>>, vector<512x1xf32>
    %get3A_4070 = arith.constant 4096 : index
    %get3A_4071 = arith.constant 3 : index
    %get3A_4072 = vector.load %arg0[%get3A_4070, %get3A_4071] : memref<5120x8xf32, #tpu.memory_space<vmem>>, vector<512x1xf32>
    %sub3A_4073 = arith.subf %get3A_4069, %get3A_4063 : vector<512x1xf32>
    %sub3A_4074 = arith.subf %get3A_4072, %get3A_4066 : vector<512x1xf32>
    %mul3A_4075 = arith.mulf %sub3A_4073, %sub3A_4074 : vector<512x1xf32>
    %slice3A_4076 = vector.extract_strided_slice %transpose3A {offsets = [0, 4608], sizes = [1, 512], strides = [1, 1]} : vector<8x5120xf32> to vector<1x512xf32>
    %slice3A_4077 = vector.extract_strided_slice %transpose3A {offsets = [1, 4608], sizes = [1, 512], strides = [1, 1]} : vector<8x5120xf32> to vector<1x512xf32>
    %slice3A_4078 = vector.extract_strided_slice %transpose3A {offsets = [2, 4608], sizes = [1, 512], strides = [1, 1]} : vector<8x5120xf32> to vector<1x512xf32>
    %slice3A_4079 = vector.extract_strided_slice %transpose3A {offsets = [3, 4608], sizes = [1, 512], strides = [1, 1]} : vector<8x5120xf32> to vector<1x512xf32>
    %sub3A_4080 = arith.subf %slice3A_4078, %slice3A_4076 : vector<1x512xf32>
    %sub3A_4081 = arith.subf %slice3A_4079, %slice3A_4077 : vector<1x512xf32>
    %mul3A_4082 = arith.mulf %sub3A_4080, %sub3A_4081 : vector<1x512xf32>
    %max3A_4083 = vector.broadcast %get3A_4063 : vector<512x1xf32> to vector<512x512xf32>
    %max3A_4084 = vector.broadcast %slice3A_4076 : vector<1x512xf32> to vector<512x512xf32>
    %max3A_4085 = arith.maximumf %max3A_4083, %max3A_4084 : vector<512x512xf32>
    %max3A_4086 = vector.broadcast %get3A_4066 : vector<512x1xf32> to vector<512x512xf32>
    %max3A_4087 = vector.broadcast %slice3A_4077 : vector<1x512xf32> to vector<512x512xf32>
    %max3A_4088 = arith.maximumf %max3A_4086, %max3A_4087 : vector<512x512xf32>
    %min3A_4089 = vector.broadcast %get3A_4069 : vector<512x1xf32> to vector<512x512xf32>
    %min3A_4090 = vector.broadcast %slice3A_4078 : vector<1x512xf32> to vector<512x512xf32>
    %min3A_4091 = arith.minimumf %min3A_4089, %min3A_4090 : vector<512x512xf32>
    %min3A_4092 = vector.broadcast %get3A_4072 : vector<512x1xf32> to vector<512x512xf32>
    %min3A_4093 = vector.broadcast %slice3A_4079 : vector<1x512xf32> to vector<512x512xf32>
    %min3A_4094 = arith.minimumf %min3A_4092, %min3A_4093 : vector<512x512xf32>
    %sub3A_4095 = arith.subf %min3A_4091, %max3A_4085 : vector<512x512xf32>
    %max3A_4096 = arith.constant 0.000000e+00 : f32
    %max3A_4097 = vector.broadcast %max3A_4096 : f32 to vector<512x512xf32>
    %max3A_4098 = arith.maximumf %sub3A_4095, %max3A_4097 : vector<512x512xf32>
    %sub3A_4099 = arith.subf %min3A_4094, %max3A_4088 : vector<512x512xf32>
    %max3A_4100 = arith.constant 0.000000e+00 : f32
    %max3A_4101 = vector.broadcast %max3A_4100 : f32 to vector<512x512xf32>
    %max3A_4102 = arith.maximumf %sub3A_4099, %max3A_4101 : vector<512x512xf32>
    %mul3A_4103 = arith.mulf %max3A_4098, %max3A_4102 : vector<512x512xf32>
    %add3A_4104 = vector.broadcast %mul3A_4075 : vector<512x1xf32> to vector<512x512xf32>
    %add3A_4105 = vector.broadcast %mul3A_4082 : vector<1x512xf32> to vector<512x512xf32>
    %add3A_4106 = arith.addf %add3A_4104, %add3A_4105 : vector<512x512xf32>
    %sub3A_4107 = arith.subf %add3A_4106, %mul3A_4103 : vector<512x512xf32>
    %add3A_4108 = arith.constant 9.99999993E-9 : f32
    %add3A_4109 = vector.broadcast %add3A_4108 : f32 to vector<512x512xf32>
    %add3A_4110 = arith.addf %sub3A_4107, %add3A_4109 : vector<512x512xf32>
    %div3A_4111 = arith.divf %mul3A_4103, %add3A_4110 : vector<512x512xf32>
    %gt3A_4112 = arith.constant 1.000000e-01 : f32
    %gt3A_4113 = vector.broadcast %gt3A_4112 : f32 to vector<512x512xf32>
    %gt3A_4114 = arith.cmpf ogt, %div3A_4111, %gt3A_4113 : vector<512x512xf32>
    %jit3A_4115 = arith.constant 1.000000e+00 : f32
    %jit3A_4116 = arith.constant 0.000000e+00 : f32
    %broadcast_in_dim3A_4117 = vector.broadcast %jit3A_4115 : f32 to vector<512x512xf32>
    %broadcast_in_dim3A_4118 = vector.broadcast %jit3A_4116 : f32 to vector<512x512xf32>
    %select_n3A_4119 = arith.select %gt3A_4114, %broadcast_in_dim3A_4117, %broadcast_in_dim3A_4118 : vector<512x512xi1>, vector<512x512xf32>
    %convert_element_type3A_4120 = arith.truncf %select_n3A_4119 : vector<512x512xf32> to vector<512x512xbf16>
    %dot_general3A_4121 = arith.constant dense<0.000000e+00> : vector<1x512xf32>
    %dot_general3A_4122 = tpu.matmul %convert_element_type3A_4060, %convert_element_type3A_4120, %dot_general3A_4121 {dimension_numbers = #tpu.dot_dimension_numbers<[1], [0], [0], [1], [0, 0, 1, 1], [], []>, transpose_lhs_hint = false} : vector<1x512xbf16>, vector<512x512xbf16>, vector<1x512xf32> -> vector<1x512xf32>
    %get3A_4123 = arith.constant 0 : index
    %get3A_4124 = arith.constant 4608 : index
    %get3A_4125 = vector.load %arg3[%get3A_4123, %get3A_4124] : memref<1x5120xf32, #tpu.memory_space<vmem>>, vector<1x512xf32>
    %gt3A_4126 = arith.constant 0.000000e+00 : f32
    %gt3A_4127 = vector.broadcast %gt3A_4126 : f32 to vector<1x512xf32>
    %gt3A_4128 = arith.cmpf ogt, %dot_general3A_4122, %gt3A_4127 : vector<1x512xf32>
    %jit3A_4129 = arith.constant 0.000000e+00 : f32
    %jit3A_4130 = arith.constant 1.000000e+00 : f32
    %broadcast_in_dim3A_4131 = vector.broadcast %jit3A_4129 : f32 to vector<1x512xf32>
    %broadcast_in_dim3A_4132 = vector.broadcast %jit3A_4130 : f32 to vector<1x512xf32>
    %select_n3A_4133 = arith.select %gt3A_4128, %broadcast_in_dim3A_4131, %broadcast_in_dim3A_4132 : vector<1x512xi1>, vector<1x512xf32>
    %mul3A_4134 = arith.mulf %get3A_4125, %select_n3A_4133 : vector<1x512xf32>
    %swap3A_4135 = arith.constant 0 : index
    %swap3A_4136 = arith.constant 4608 : index
    %swap3A_4137 = vector.load %arg3[%swap3A_4135, %swap3A_4136] : memref<1x5120xf32, #tpu.memory_space<vmem>>, vector<1x512xf32>
    tpu.vector_store %arg3[%swap3A_4135, %swap3A_4136], %mul3A_4134 {strides = array<i32>} : memref<1x5120xf32, #tpu.memory_space<vmem>>, vector<1x512xf32>,
    %iota3A_4138 = tpu.iota {dimensions = array<i32: 0>} : vector<512x512xi32>
    %iota3A_4139 = tpu.iota {dimensions = array<i32: 1>} : vector<512x512xi32>
    %lt3A_4140 = arith.cmpi slt, %iota3A_4138, %iota3A_4139 : vector<512x512xi32>
    %get3A_4141 = arith.constant 4608 : index
    %get3A_4142 = arith.constant 0 : index
    %get3A_4143 = vector.load %arg0[%get3A_4141, %get3A_4142] : memref<5120x8xf32, #tpu.memory_space<vmem>>, vector<512x1xf32>
    %get3A_4144 = arith.constant 4608 : index
    %get3A_4145 = arith.constant 1 : index
    %get3A_4146 = vector.load %arg0[%get3A_4144, %get3A_4145] : memref<5120x8xf32, #tpu.memory_space<vmem>>, vector<512x1xf32>
    %get3A_4147 = arith.constant 4608 : index
    %get3A_4148 = arith.constant 2 : index
    %get3A_4149 = vector.load %arg0[%get3A_4147, %get3A_4148] : memref<5120x8xf32, #tpu.memory_space<vmem>>, vector<512x1xf32>
    %get3A_4150 = arith.constant 4608 : index
    %get3A_4151 = arith.constant 3 : index
    %get3A_4152 = vector.load %arg0[%get3A_4150, %get3A_4151] : memref<5120x8xf32, #tpu.memory_space<vmem>>, vector<512x1xf32>
    %sub3A_4153 = arith.subf %get3A_4149, %get3A_4143 : vector<512x1xf32>
    %sub3A_4154 = arith.subf %get3A_4152, %get3A_4146 : vector<512x1xf32>
    %mul3A_4155 = arith.mulf %sub3A_4153, %sub3A_4154 : vector<512x1xf32>
    %slice3A_4156 = vector.extract_strided_slice %transpose3A {offsets = [0, 4608], sizes = [1, 512], strides = [1, 1]} : vector<8x5120xf32> to vector<1x512xf32>
    %slice3A_4157 = vector.extract_strided_slice %transpose3A {offsets = [1, 4608], sizes = [1, 512], strides = [1, 1]} : vector<8x5120xf32> to vector<1x512xf32>
    %slice3A_4158 = vector.extract_strided_slice %transpose3A {offsets = [2, 4608], sizes = [1, 512], strides = [1, 1]} : vector<8x5120xf32> to vector<1x512xf32>
    %slice3A_4159 = vector.extract_strided_slice %transpose3A {offsets = [3, 4608], sizes = [1, 512], strides = [1, 1]} : vector<8x5120xf32> to vector<1x512xf32>
    %sub3A_4160 = arith.subf %slice3A_4158, %slice3A_4156 : vector<1x512xf32>
    %sub3A_4161 = arith.subf %slice3A_4159, %slice3A_4157 : vector<1x512xf32>
    %mul3A_4162 = arith.mulf %sub3A_4160, %sub3A_4161 : vector<1x512xf32>
    %max3A_4163 = vector.broadcast %get3A_4143 : vector<512x1xf32> to vector<512x512xf32>
    %max3A_4164 = vector.broadcast %slice3A_4156 : vector<1x512xf32> to vector<512x512xf32>
    %max3A_4165 = arith.maximumf %max3A_4163, %max3A_4164 : vector<512x512xf32>
    %max3A_4166 = vector.broadcast %get3A_4146 : vector<512x1xf32> to vector<512x512xf32>
    %max3A_4167 = vector.broadcast %slice3A_4157 : vector<1x512xf32> to vector<512x512xf32>
    %max3A_4168 = arith.maximumf %max3A_4166, %max3A_4167 : vector<512x512xf32>
    %min3A_4169 = vector.broadcast %get3A_4149 : vector<512x1xf32> to vector<512x512xf32>
    %min3A_4170 = vector.broadcast %slice3A_4158 : vector<1x512xf32> to vector<512x512xf32>
    %min3A_4171 = arith.minimumf %min3A_4169, %min3A_4170 : vector<512x512xf32>
    %min3A_4172 = vector.broadcast %get3A_4152 : vector<512x1xf32> to vector<512x512xf32>
    %min3A_4173 = vector.broadcast %slice3A_4159 : vector<1x512xf32> to vector<512x512xf32>
    %min3A_4174 = arith.minimumf %min3A_4172, %min3A_4173 : vector<512x512xf32>
    %sub3A_4175 = arith.subf %min3A_4171, %max3A_4165 : vector<512x512xf32>
    %max3A_4176 = arith.constant 0.000000e+00 : f32
    %max3A_4177 = vector.broadcast %max3A_4176 : f32 to vector<512x512xf32>
    %max3A_4178 = arith.maximumf %sub3A_4175, %max3A_4177 : vector<512x512xf32>
    %sub3A_4179 = arith.subf %min3A_4174, %max3A_4168 : vector<512x512xf32>
    %max3A_4180 = arith.constant 0.000000e+00 : f32
    %max3A_4181 = vector.broadcast %max3A_4180 : f32 to vector<512x512xf32>
    %max3A_4182 = arith.maximumf %sub3A_4179, %max3A_4181 : vector<512x512xf32>
    %mul3A_4183 = arith.mulf %max3A_4178, %max3A_4182 : vector<512x512xf32>
    %add3A_4184 = vector.broadcast %mul3A_4155 : vector<512x1xf32> to vector<512x512xf32>
    %add3A_4185 = vector.broadcast %mul3A_4162 : vector<1x512xf32> to vector<512x512xf32>
    %add3A_4186 = arith.addf %add3A_4184, %add3A_4185 : vector<512x512xf32>
    %sub3A_4187 = arith.subf %add3A_4186, %mul3A_4183 : vector<512x512xf32>
    %add3A_4188 = arith.constant 9.99999993E-9 : f32
    %add3A_4189 = vector.broadcast %add3A_4188 : f32 to vector<512x512xf32>
    %add3A_4190 = arith.addf %sub3A_4187, %add3A_4189 : vector<512x512xf32>
    %div3A_4191 = arith.divf %mul3A_4183, %add3A_4190 : vector<512x512xf32>
    %gt3A_4192 = arith.constant 1.000000e-01 : f32
    %gt3A_4193 = vector.broadcast %gt3A_4192 : f32 to vector<512x512xf32>
    %gt3A_4194 = arith.cmpf ogt, %div3A_4191, %gt3A_4193 : vector<512x512xf32>
    %and3A_4195 = arith.andi %gt3A_4194, %lt3A_4140 : vector<512x512xi1>
    %jit3A_4196 = arith.constant 1.000000e+00 : f32
    %jit3A_4197 = arith.constant 0.000000e+00 : f32
    %broadcast_in_dim3A_4198 = vector.broadcast %jit3A_4196 : f32 to vector<512x512xf32>
    %broadcast_in_dim3A_4199 = vector.broadcast %jit3A_4197 : f32 to vector<512x512xf32>
    %select_n3A_4200 = arith.select %and3A_4195, %broadcast_in_dim3A_4198, %broadcast_in_dim3A_4199 : vector<512x512xi1>, vector<512x512xf32>
    %convert_element_type3A_4201 = arith.truncf %select_n3A_4200 : vector<512x512xf32> to vector<512x512xbf16>
    %swap3A_4202 = arith.constant 0 : index
    %swap3A_4203 = arith.constant 0 : index
    %swap3A_4204 = vector.load %arg2[%swap3A_4202, %swap3A_4203] : memref<512x512xbf16, #tpu.memory_space<vmem>>, vector<512x512xbf16>
    tpu.vector_store %arg2[%swap3A_4202, %swap3A_4203], %convert_element_type3A_4201 {strides = array<i32>} : memref<512x512xbf16, #tpu.memory_space<vmem>>, vector<512x512xbf16>,
    %get3A_4205 = arith.constant 0 : index
    %get3A_4206 = arith.constant 4608 : index
    %get3A_4207 = vector.load %arg3[%get3A_4205, %get3A_4206] : memref<1x5120xf32, #tpu.memory_space<vmem>>, vector<1x512xf32>
    %while3A_4208 = arith.constant true
    %while3A_4209:2 = scf.while (%while3A_4411 = %get3A_4207, %while3A_4412 = %while3A_4208) : (vector<1x512xf32>, i1) -> (vector<1x512xf32>, i1) {
      scf.condition(%while3A_4412) %while3A_4411, %while3A_4412 : vector<1x512xf32>, i1
    } do {
    ^bb0(%while3A_4411: vector<1x512xf32>, %while3A_4412: i1):
      %convert_element_type3A_4413 = arith.truncf %while3A_4411 : vector<1x512xf32> to vector<1x512xbf16>
      %get3A_4414 = arith.constant 0 : index
      %get3A_4415 = arith.constant 0 : index
      %get3A_4416 = vector.load %arg2[%get3A_4414, %get3A_4415] : memref<512x512xbf16, #tpu.memory_space<vmem>>, vector<512x512xbf16>
      %dot_general3A_4417 = arith.constant dense<0.000000e+00> : vector<1x512xf32>
      %dot_general3A_4418 = tpu.matmul %convert_element_type3A_4413, %get3A_4416, %dot_general3A_4417 {dimension_numbers = #tpu.dot_dimension_numbers<[1], [0], [0], [1], [0, 0, 1, 1], [], []>, transpose_lhs_hint = false} : vector<1x512xbf16>, vector<512x512xbf16>, vector<1x512xf32> -> vector<1x512xf32>
      %gt3A_4419 = arith.constant 0.000000e+00 : f32
      %gt3A_4420 = vector.broadcast %gt3A_4419 : f32 to vector<1x512xf32>
      %gt3A_4421 = arith.cmpf ogt, %dot_general3A_4418, %gt3A_4420 : vector<1x512xf32>
      %jit3A_4422 = arith.constant 0.000000e+00 : f32
      %broadcast_in_dim3A_4423 = vector.broadcast %jit3A_4422 : f32 to vector<1x512xf32>
      %select_n3A_4424 = arith.select %gt3A_4421, %broadcast_in_dim3A_4423, %get3A_4207 : vector<1x512xi1>, vector<1x512xf32>
      %ne3A = arith.cmpf one, %select_n3A_4424, %while3A_4411 : vector<1x512xf32>
      %reduce_or3A = arith.constant 1.000000e+00 : f32
      %reduce_or3A_4425 = arith.constant 0.000000e+00 : f32
      %reduce_or3A_4426 = vector.broadcast %reduce_or3A : f32 to vector<1x512xf32>
      %reduce_or3A_4427 = vector.broadcast %reduce_or3A_4425 : f32 to vector<1x512xf32>
      %reduce_or3A_4428 = arith.select %ne3A, %reduce_or3A_4426, %reduce_or3A_4427 : vector<1x512xi1>, vector<1x512xf32>
      %reduce_or3A_4429 = vector.shape_cast %reduce_or3A_4428 : vector<1x512xf32> to vector<1x1x512xf32>
      %reduce_or3A_4430 = arith.constant dense<0xFF800000> : vector<1xf32>
      %reduce_or3A_4431 = vector.multi_reduction <maximumf>, %reduce_or3A_4429, %reduce_or3A_4430 [1, 2] : vector<1x1x512xf32> to vector<1xf32>
      %reduce_or3A_4432 = vector.shape_cast %reduce_or3A_4431 : vector<1xf32> to vector<1x1x1xf32>
      %reduce_or3A_4433 = vector.extract %reduce_or3A_4432[0, 0, 0] : f32 from vector<1x1x1xf32>
      %reduce_or3A_4434 = arith.constant 0.000000e+00 : f32
      %reduce_or3A_4435 = arith.cmpf ogt, %reduce_or3A_4433, %reduce_or3A_4434 : f32
      scf.yield %select_n3A_4424, %reduce_or3A_4435 : vector<1x512xf32>, i1
    }
    %swap3A_4210 = arith.constant 0 : index
    %swap3A_4211 = arith.constant 4608 : index
    %swap3A_4212 = vector.load %arg3[%swap3A_4210, %swap3A_4211] : memref<1x5120xf32, #tpu.memory_space<vmem>>, vector<1x512xf32>
    tpu.vector_store %arg3[%swap3A_4210, %swap3A_4211], %while3A_4209#0 {strides = array<i32>} : memref<1x5120xf32, #tpu.memory_space<vmem>>, vector<1x512xf32>,
    %slice3A_4213 = vector.extract_strided_slice %transpose3A {offsets = [4, 0], sizes = [1, 5120], strides = [1, 1]} : vector<8x5120xf32> to vector<1x5120xf32>
    %get3A_4214 = arith.constant 0 : index
    %get3A_4215 = arith.constant 0 : index
    %get3A_4216 = vector.load %arg3[%get3A_4214, %get3A_4215] : memref<1x5120xf32, #tpu.memory_space<vmem>>, vector<1x5120xf32>
    %gt3A_4217 = arith.constant 0xFF800000 : f32
    %gt3A_4218 = vector.broadcast %gt3A_4217 : f32 to vector<1x5120xf32>
    %gt3A_4219 = arith.cmpf ogt, %slice3A_4213, %gt3A_4218 : vector<1x5120xf32>
    %jit3A_4220 = arith.constant 1.000000e+00 : f32
    %jit3A_4221 = arith.constant 0.000000e+00 : f32
    %broadcast_in_dim3A_4222 = vector.broadcast %jit3A_4220 : f32 to vector<1x5120xf32>
    %broadcast_in_dim3A_4223 = vector.broadcast %jit3A_4221 : f32 to vector<1x5120xf32>
    %select_n3A_4224 = arith.select %gt3A_4219, %broadcast_in_dim3A_4222, %broadcast_in_dim3A_4223 : vector<1x5120xi1>, vector<1x5120xf32>
    %mul3A_4225 = arith.mulf %get3A_4216, %select_n3A_4224 : vector<1x5120xf32>
    %broadcast_in_dim3A_4226 = arith.constant 0.000000e+00 : f32
    %broadcast_in_dim3A_4227 = vector.broadcast %broadcast_in_dim3A_4226 : f32 to vector<1x1xf32>
    %slice3A_4228 = vector.extract_strided_slice %mul3A_4225 {offsets = [0, 0], sizes = [1, 5119], strides = [1, 1]} : vector<1x5120xf32> to vector<1x5119xf32>
    %concatenate3A = tpu.concatenate %broadcast_in_dim3A_4227, %slice3A_4228 in 1 : vector<1x1xf32>, vector<1x5119xf32> -> vector<1x5120xf32>
    %add3A_4229 = arith.addf %mul3A_4225, %concatenate3A : vector<1x5120xf32>
    %broadcast_in_dim3A_4230 = arith.constant 0.000000e+00 : f32
    %broadcast_in_dim3A_4231 = vector.broadcast %broadcast_in_dim3A_4230 : f32 to vector<1x2xf32>
    %slice3A_4232 = vector.extract_strided_slice %add3A_4229 {offsets = [0, 0], sizes = [1, 5118], strides = [1, 1]} : vector<1x5120xf32> to vector<1x5118xf32>
    %concatenate3A_4233 = tpu.concatenate %broadcast_in_dim3A_4231, %slice3A_4232 in 1 : vector<1x2xf32>, vector<1x5118xf32> -> vector<1x5120xf32>
    %add3A_4234 = arith.addf %add3A_4229, %concatenate3A_4233 : vector<1x5120xf32>
    %broadcast_in_dim3A_4235 = arith.constant 0.000000e+00 : f32
    %broadcast_in_dim3A_4236 = vector.broadcast %broadcast_in_dim3A_4235 : f32 to vector<1x4xf32>
    %slice3A_4237 = vector.extract_strided_slice %add3A_4234 {offsets = [0, 0], sizes = [1, 5116], strides = [1, 1]} : vector<1x5120xf32> to vector<1x5116xf32>
    %concatenate3A_4238 = tpu.concatenate %broadcast_in_dim3A_4236, %slice3A_4237 in 1 : vector<1x4xf32>, vector<1x5116xf32> -> vector<1x5120xf32>
    %add3A_4239 = arith.addf %add3A_4234, %concatenate3A_4238 : vector<1x5120xf32>
    %broadcast_in_dim3A_4240 = arith.constant 0.000000e+00 : f32
    %broadcast_in_dim3A_4241 = vector.broadcast %broadcast_in_dim3A_4240 : f32 to vector<1x8xf32>
    %slice3A_4242 = vector.extract_strided_slice %add3A_4239 {offsets = [0, 0], sizes = [1, 5112], strides = [1, 1]} : vector<1x5120xf32> to vector<1x5112xf32>
    %concatenate3A_4243 = tpu.concatenate %broadcast_in_dim3A_4241, %slice3A_4242 in 1 : vector<1x8xf32>, vector<1x5112xf32> -> vector<1x5120xf32>
    %add3A_4244 = arith.addf %add3A_4239, %concatenate3A_4243 : vector<1x5120xf32>
    %broadcast_in_dim3A_4245 = arith.constant 0.000000e+00 : f32
    %broadcast_in_dim3A_4246 = vector.broadcast %broadcast_in_dim3A_4245 : f32 to vector<1x16xf32>
    %slice3A_4247 = vector.extract_strided_slice %add3A_4244 {offsets = [0, 0], sizes = [1, 5104], strides = [1, 1]} : vector<1x5120xf32> to vector<1x5104xf32>
    %concatenate3A_4248 = tpu.concatenate %broadcast_in_dim3A_4246, %slice3A_4247 in 1 : vector<1x16xf32>, vector<1x5104xf32> -> vector<1x5120xf32>
    %add3A_4249 = arith.addf %add3A_4244, %concatenate3A_4248 : vector<1x5120xf32>
    %broadcast_in_dim3A_4250 = arith.constant 0.000000e+00 : f32
    %broadcast_in_dim3A_4251 = vector.broadcast %broadcast_in_dim3A_4250 : f32 to vector<1x32xf32>
    %slice3A_4252 = vector.extract_strided_slice %add3A_4249 {offsets = [0, 0], sizes = [1, 5088], strides = [1, 1]} : vector<1x5120xf32> to vector<1x5088xf32>
    %concatenate3A_4253 = tpu.concatenate %broadcast_in_dim3A_4251, %slice3A_4252 in 1 : vector<1x32xf32>, vector<1x5088xf32> -> vector<1x5120xf32>
    %add3A_4254 = arith.addf %add3A_4249, %concatenate3A_4253 : vector<1x5120xf32>
    %broadcast_in_dim3A_4255 = arith.constant 0.000000e+00 : f32
    %broadcast_in_dim3A_4256 = vector.broadcast %broadcast_in_dim3A_4255 : f32 to vector<1x64xf32>
    %slice3A_4257 = vector.extract_strided_slice %add3A_4254 {offsets = [0, 0], sizes = [1, 5056], strides = [1, 1]} : vector<1x5120xf32> to vector<1x5056xf32>
    %concatenate3A_4258 = tpu.concatenate %broadcast_in_dim3A_4256, %slice3A_4257 in 1 : vector<1x64xf32>, vector<1x5056xf32> -> vector<1x5120xf32>
    %add3A_4259 = arith.addf %add3A_4254, %concatenate3A_4258 : vector<1x5120xf32>
    %broadcast_in_dim3A_4260 = arith.constant 0.000000e+00 : f32
    %broadcast_in_dim3A_4261 = vector.broadcast %broadcast_in_dim3A_4260 : f32 to vector<1x128xf32>
    %slice3A_4262 = vector.extract_strided_slice %add3A_4259 {offsets = [0, 0], sizes = [1, 4992], strides = [1, 1]} : vector<1x5120xf32> to vector<1x4992xf32>
    %concatenate3A_4263 = tpu.concatenate %broadcast_in_dim3A_4261, %slice3A_4262 in 1 : vector<1x128xf32>, vector<1x4992xf32> -> vector<1x5120xf32>
    %add3A_4264 = arith.addf %add3A_4259, %concatenate3A_4263 : vector<1x5120xf32>
    %broadcast_in_dim3A_4265 = arith.constant 0.000000e+00 : f32
    %broadcast_in_dim3A_4266 = vector.broadcast %broadcast_in_dim3A_4265 : f32 to vector<1x256xf32>
    %slice3A_4267 = vector.extract_strided_slice %add3A_4264 {offsets = [0, 0], sizes = [1, 4864], strides = [1, 1]} : vector<1x5120xf32> to vector<1x4864xf32>
    %concatenate3A_4268 = tpu.concatenate %broadcast_in_dim3A_4266, %slice3A_4267 in 1 : vector<1x256xf32>, vector<1x4864xf32> -> vector<1x5120xf32>
    %add3A_4269 = arith.addf %add3A_4264, %concatenate3A_4268 : vector<1x5120xf32>
    %broadcast_in_dim3A_4270 = arith.constant 0.000000e+00 : f32
    %broadcast_in_dim3A_4271 = vector.broadcast %broadcast_in_dim3A_4270 : f32 to vector<1x512xf32>
    %slice3A_4272 = vector.extract_strided_slice %add3A_4269 {offsets = [0, 0], sizes = [1, 4608], strides = [1, 1]} : vector<1x5120xf32> to vector<1x4608xf32>
    %concatenate3A_4273 = tpu.concatenate %broadcast_in_dim3A_4271, %slice3A_4272 in 1 : vector<1x512xf32>, vector<1x4608xf32> -> vector<1x5120xf32>
    %add3A_4274 = arith.addf %add3A_4269, %concatenate3A_4273 : vector<1x5120xf32>
    %broadcast_in_dim3A_4275 = arith.constant 0.000000e+00 : f32
    %broadcast_in_dim3A_4276 = vector.broadcast %broadcast_in_dim3A_4275 : f32 to vector<1x1024xf32>
    %slice3A_4277 = vector.extract_strided_slice %add3A_4274 {offsets = [0, 0], sizes = [1, 4096], strides = [1, 1]} : vector<1x5120xf32> to vector<1x4096xf32>
    %concatenate3A_4278 = tpu.concatenate %broadcast_in_dim3A_4276, %slice3A_4277 in 1 : vector<1x1024xf32>, vector<1x4096xf32> -> vector<1x5120xf32>
    %add3A_4279 = arith.addf %add3A_4274, %concatenate3A_4278 : vector<1x5120xf32>
    %broadcast_in_dim3A_4280 = arith.constant 0.000000e+00 : f32
    %broadcast_in_dim3A_4281 = vector.broadcast %broadcast_in_dim3A_4280 : f32 to vector<1x2048xf32>
    %slice3A_4282 = vector.extract_strided_slice %add3A_4279 {offsets = [0, 0], sizes = [1, 3072], strides = [1, 1]} : vector<1x5120xf32> to vector<1x3072xf32>
    %concatenate3A_4283 = tpu.concatenate %broadcast_in_dim3A_4281, %slice3A_4282 in 1 : vector<1x2048xf32>, vector<1x3072xf32> -> vector<1x5120xf32>
    %add3A_4284 = arith.addf %add3A_4279, %concatenate3A_4283 : vector<1x5120xf32>
    %broadcast_in_dim3A_4285 = arith.constant 0.000000e+00 : f32
    %broadcast_in_dim3A_4286 = vector.broadcast %broadcast_in_dim3A_4285 : f32 to vector<1x4096xf32>
    %slice3A_4287 = vector.extract_strided_slice %add3A_4284 {offsets = [0, 0], sizes = [1, 1024], strides = [1, 1]} : vector<1x5120xf32> to vector<1x1024xf32>
    %concatenate3A_4288 = tpu.concatenate %broadcast_in_dim3A_4286, %slice3A_4287 in 1 : vector<1x4096xf32>, vector<1x1024xf32> -> vector<1x5120xf32>
    %add3A_4289 = arith.addf %add3A_4284, %concatenate3A_4288 : vector<1x5120xf32>
    %slice3A_4290 = vector.extract_strided_slice %add3A_4289 {offsets = [0, 5119], sizes = [1, 1], strides = [1, 1]} : vector<1x5120xf32> to vector<1x1xf32>
    %iota3A_4291 = tpu.iota {dimensions = array<i32: 1>} : vector<1x5120xi32>
    %convert_element_type3A_4292 = arith.sitofp %iota3A_4291 : vector<1x5120xi32> to vector<1x5120xf32>
    %add3A_4293 = arith.constant 1.000000e+00 : f32
    %add3A_4294 = vector.broadcast %add3A_4293 : f32 to vector<1x5120xf32>
    %add3A_4295 = arith.addf %add3A_4294, %convert_element_type3A_4292 : vector<1x5120xf32>
    %sub3A_4296 = arith.subf %add3A_4295, %add3A_4289 : vector<1x5120xf32>
    %gt3A_4297 = arith.constant 0.000000e+00 : f32
    %gt3A_4298 = vector.broadcast %gt3A_4297 : f32 to vector<1x5120xf32>
    %gt3A_4299 = arith.cmpf ogt, %mul3A_4225, %gt3A_4298 : vector<1x5120xf32>
    %sub3A_4300 = arith.constant 1.000000e+00 : f32
    %sub3A_4301 = vector.broadcast %sub3A_4300 : f32 to vector<1x5120xf32>
    %sub3A_4302 = arith.subf %add3A_4289, %sub3A_4301 : vector<1x5120xf32>
    %add3A_4303 = vector.broadcast %slice3A_4290 : vector<1x1xf32> to vector<1x5120xf32>
    %add3A_4304 = arith.addf %add3A_4303, %sub3A_4296 : vector<1x5120xf32>
    %sub3A_4305 = arith.constant 1.000000e+00 : f32
    %sub3A_4306 = vector.broadcast %sub3A_4305 : f32 to vector<1x5120xf32>
    %sub3A_4307 = arith.subf %add3A_4304, %sub3A_4306 : vector<1x5120xf32>
    %select_n3A_4308 = arith.select %gt3A_4299, %sub3A_4302, %sub3A_4307 : vector<1x5120xi1>, vector<1x5120xf32>
    %iota3A_4309 = tpu.iota {dimensions = array<i32: 0>} : vector<384x5120xi32>
    %convert_element_type3A_4310 = arith.sitofp %iota3A_4309 : vector<384x5120xi32> to vector<384x5120xf32>
    %eq3A = vector.broadcast %select_n3A_4308 : vector<1x5120xf32> to vector<384x5120xf32>
    %eq3A_4311 = arith.cmpf oeq, %eq3A, %convert_element_type3A_4310 : vector<384x5120xf32>
    %lt3A_4312 = arith.constant 3.000000e+02 : f32
    %lt3A_4313 = vector.broadcast %lt3A_4312 : f32 to vector<384x5120xf32>
    %lt3A_4314 = arith.cmpf olt, %convert_element_type3A_4310, %lt3A_4313 : vector<384x5120xf32>
    %and3A_4315 = arith.andi %eq3A_4311, %lt3A_4314 : vector<384x5120xi1>
    %slice3A_4316 = vector.extract_strided_slice %transpose3A {offsets = [0, 0], sizes = [1, 5120], strides = [1, 1]} : vector<8x5120xf32> to vector<1x5120xf32>
    %jit3A_4317 = arith.constant 0.000000e+00 : f32
    %broadcast_in_dim3A_4318 = vector.shape_cast %slice3A_4316 : vector<1x5120xf32> to vector<1x5120xf32>
    %broadcast_in_dim3A_4319 = vector.broadcast %broadcast_in_dim3A_4318 : vector<1x5120xf32> to vector<384x5120xf32>
    %broadcast_in_dim3A_4320 = vector.broadcast %jit3A_4317 : f32 to vector<384x5120xf32>
    %select_n3A_4321 = arith.select %and3A_4315, %broadcast_in_dim3A_4319, %broadcast_in_dim3A_4320 : vector<384x5120xi1>, vector<384x5120xf32>
    %reduce_sum3A = arith.constant dense<0.000000e+00> : vector<384xf32>
    %reduce_sum3A_4322 = vector.multi_reduction <add>, %select_n3A_4321, %reduce_sum3A [1] : vector<384x5120xf32> to vector<384xf32>
    %broadcast_in_dim3A_4323 = vector.shape_cast %reduce_sum3A_4322 : vector<384xf32> to vector<384x1xf32>
    %swap3A_4324 = arith.constant 0 : index
    %swap3A_4325 = arith.constant 0 : index
    %swap3A_4326 = vector.load %arg1[%swap3A_4324, %swap3A_4325] : memref<384x8xf32, #tpu.memory_space<vmem>>, vector<384x1xf32>
    tpu.vector_store %arg1[%swap3A_4324, %swap3A_4325], %broadcast_in_dim3A_4323 {strides = array<i32>} : memref<384x8xf32, #tpu.memory_space<vmem>>, vector<384x1xf32>,
    %slice3A_4327 = vector.extract_strided_slice %transpose3A {offsets = [1, 0], sizes = [1, 5120], strides = [1, 1]} : vector<8x5120xf32> to vector<1x5120xf32>
    %jit3A_4328 = arith.constant 0.000000e+00 : f32
    %broadcast_in_dim3A_4329 = vector.shape_cast %slice3A_4327 : vector<1x5120xf32> to vector<1x5120xf32>
    %broadcast_in_dim3A_4330 = vector.broadcast %broadcast_in_dim3A_4329 : vector<1x5120xf32> to vector<384x5120xf32>
    %broadcast_in_dim3A_4331 = vector.broadcast %jit3A_4328 : f32 to vector<384x5120xf32>
    %select_n3A_4332 = arith.select %and3A_4315, %broadcast_in_dim3A_4330, %broadcast_in_dim3A_4331 : vector<384x5120xi1>, vector<384x5120xf32>
    %reduce_sum3A_4333 = arith.constant dense<0.000000e+00> : vector<384xf32>
    %reduce_sum3A_4334 = vector.multi_reduction <add>, %select_n3A_4332, %reduce_sum3A_4333 [1] : vector<384x5120xf32> to vector<384xf32>
    %broadcast_in_dim3A_4335 = vector.shape_cast %reduce_sum3A_4334 : vector<384xf32> to vector<384x1xf32>
    %swap3A_4336 = arith.constant 0 : index
    %swap3A_4337 = arith.constant 1 : index
    %swap3A_4338 = vector.load %arg1[%swap3A_4336, %swap3A_4337] : memref<384x8xf32, #tpu.memory_space<vmem>>, vector<384x1xf32>
    tpu.vector_store %arg1[%swap3A_4336, %swap3A_4337], %broadcast_in_dim3A_4335 {strides = array<i32>} : memref<384x8xf32, #tpu.memory_space<vmem>>, vector<384x1xf32>,
    %slice3A_4339 = vector.extract_strided_slice %transpose3A {offsets = [2, 0], sizes = [1, 5120], strides = [1, 1]} : vector<8x5120xf32> to vector<1x5120xf32>
    %jit3A_4340 = arith.constant 0.000000e+00 : f32
    %broadcast_in_dim3A_4341 = vector.shape_cast %slice3A_4339 : vector<1x5120xf32> to vector<1x5120xf32>
    %broadcast_in_dim3A_4342 = vector.broadcast %broadcast_in_dim3A_4341 : vector<1x5120xf32> to vector<384x5120xf32>
    %broadcast_in_dim3A_4343 = vector.broadcast %jit3A_4340 : f32 to vector<384x5120xf32>
    %select_n3A_4344 = arith.select %and3A_4315, %broadcast_in_dim3A_4342, %broadcast_in_dim3A_4343 : vector<384x5120xi1>, vector<384x5120xf32>
    %reduce_sum3A_4345 = arith.constant dense<0.000000e+00> : vector<384xf32>
    %reduce_sum3A_4346 = vector.multi_reduction <add>, %select_n3A_4344, %reduce_sum3A_4345 [1] : vector<384x5120xf32> to vector<384xf32>
    %broadcast_in_dim3A_4347 = vector.shape_cast %reduce_sum3A_4346 : vector<384xf32> to vector<384x1xf32>
    %swap3A_4348 = arith.constant 0 : index
    %swap3A_4349 = arith.constant 2 : index
    %swap3A_4350 = vector.load %arg1[%swap3A_4348, %swap3A_4349] : memref<384x8xf32, #tpu.memory_space<vmem>>, vector<384x1xf32>
    tpu.vector_store %arg1[%swap3A_4348, %swap3A_4349], %broadcast_in_dim3A_4347 {strides = array<i32>} : memref<384x8xf32, #tpu.memory_space<vmem>>, vector<384x1xf32>,
    %slice3A_4351 = vector.extract_strided_slice %transpose3A {offsets = [3, 0], sizes = [1, 5120], strides = [1, 1]} : vector<8x5120xf32> to vector<1x5120xf32>
    %jit3A_4352 = arith.constant 0.000000e+00 : f32
    %broadcast_in_dim3A_4353 = vector.shape_cast %slice3A_4351 : vector<1x5120xf32> to vector<1x5120xf32>
    %broadcast_in_dim3A_4354 = vector.broadcast %broadcast_in_dim3A_4353 : vector<1x5120xf32> to vector<384x5120xf32>
    %broadcast_in_dim3A_4355 = vector.broadcast %jit3A_4352 : f32 to vector<384x5120xf32>
    %select_n3A_4356 = arith.select %and3A_4315, %broadcast_in_dim3A_4354, %broadcast_in_dim3A_4355 : vector<384x5120xi1>, vector<384x5120xf32>
    %reduce_sum3A_4357 = arith.constant dense<0.000000e+00> : vector<384xf32>
    %reduce_sum3A_4358 = vector.multi_reduction <add>, %select_n3A_4356, %reduce_sum3A_4357 [1] : vector<384x5120xf32> to vector<384xf32>
    %broadcast_in_dim3A_4359 = vector.shape_cast %reduce_sum3A_4358 : vector<384xf32> to vector<384x1xf32>
    %swap3A_4360 = arith.constant 0 : index
    %swap3A_4361 = arith.constant 3 : index
    %swap3A_4362 = vector.load %arg1[%swap3A_4360, %swap3A_4361] : memref<384x8xf32, #tpu.memory_space<vmem>>, vector<384x1xf32>
    tpu.vector_store %arg1[%swap3A_4360, %swap3A_4361], %broadcast_in_dim3A_4359 {strides = array<i32>} : memref<384x8xf32, #tpu.memory_space<vmem>>, vector<384x1xf32>,
    %slice3A_4363 = vector.extract_strided_slice %transpose3A {offsets = [4, 0], sizes = [1, 5120], strides = [1, 1]} : vector<8x5120xf32> to vector<1x5120xf32>
    %jit3A_4364 = arith.constant 0.000000e+00 : f32
    %broadcast_in_dim3A_4365 = vector.shape_cast %slice3A_4363 : vector<1x5120xf32> to vector<1x5120xf32>
    %broadcast_in_dim3A_4366 = vector.broadcast %broadcast_in_dim3A_4365 : vector<1x5120xf32> to vector<384x5120xf32>
    %broadcast_in_dim3A_4367 = vector.broadcast %jit3A_4364 : f32 to vector<384x5120xf32>
    %select_n3A_4368 = arith.select %and3A_4315, %broadcast_in_dim3A_4366, %broadcast_in_dim3A_4367 : vector<384x5120xi1>, vector<384x5120xf32>
    %reduce_sum3A_4369 = arith.constant dense<0.000000e+00> : vector<384xf32>
    %reduce_sum3A_4370 = vector.multi_reduction <add>, %select_n3A_4368, %reduce_sum3A_4369 [1] : vector<384x5120xf32> to vector<384xf32>
    %broadcast_in_dim3A_4371 = vector.shape_cast %reduce_sum3A_4370 : vector<384xf32> to vector<384x1xf32>
    %swap3A_4372 = arith.constant 0 : index
    %swap3A_4373 = arith.constant 4 : index
    %swap3A_4374 = vector.load %arg1[%swap3A_4372, %swap3A_4373] : memref<384x8xf32, #tpu.memory_space<vmem>>, vector<384x1xf32>
    tpu.vector_store %arg1[%swap3A_4372, %swap3A_4373], %broadcast_in_dim3A_4371 {strides = array<i32>} : memref<384x8xf32, #tpu.memory_space<vmem>>, vector<384x1xf32>,
    %slice3A_4375 = vector.extract_strided_slice %transpose3A {offsets = [5, 0], sizes = [1, 5120], strides = [1, 1]} : vector<8x5120xf32> to vector<1x5120xf32>
    %jit3A_4376 = arith.constant 0.000000e+00 : f32
    %broadcast_in_dim3A_4377 = vector.shape_cast %slice3A_4375 : vector<1x5120xf32> to vector<1x5120xf32>
    %broadcast_in_dim3A_4378 = vector.broadcast %broadcast_in_dim3A_4377 : vector<1x5120xf32> to vector<384x5120xf32>
    %broadcast_in_dim3A_4379 = vector.broadcast %jit3A_4376 : f32 to vector<384x5120xf32>
    %select_n3A_4380 = arith.select %and3A_4315, %broadcast_in_dim3A_4378, %broadcast_in_dim3A_4379 : vector<384x5120xi1>, vector<384x5120xf32>
    %reduce_sum3A_4381 = arith.constant dense<0.000000e+00> : vector<384xf32>
    %reduce_sum3A_4382 = vector.multi_reduction <add>, %select_n3A_4380, %reduce_sum3A_4381 [1] : vector<384x5120xf32> to vector<384xf32>
    %broadcast_in_dim3A_4383 = vector.shape_cast %reduce_sum3A_4382 : vector<384xf32> to vector<384x1xf32>
    %swap3A_4384 = arith.constant 0 : index
    %swap3A_4385 = arith.constant 5 : index
    %swap3A_4386 = vector.load %arg1[%swap3A_4384, %swap3A_4385] : memref<384x8xf32, #tpu.memory_space<vmem>>, vector<384x1xf32>
    tpu.vector_store %arg1[%swap3A_4384, %swap3A_4385], %broadcast_in_dim3A_4383 {strides = array<i32>} : memref<384x8xf32, #tpu.memory_space<vmem>>, vector<384x1xf32>,
    %slice3A_4387 = vector.extract_strided_slice %transpose3A {offsets = [6, 0], sizes = [1, 5120], strides = [1, 1]} : vector<8x5120xf32> to vector<1x5120xf32>
    %jit3A_4388 = arith.constant 0.000000e+00 : f32
    %broadcast_in_dim3A_4389 = vector.shape_cast %slice3A_4387 : vector<1x5120xf32> to vector<1x5120xf32>
    %broadcast_in_dim3A_4390 = vector.broadcast %broadcast_in_dim3A_4389 : vector<1x5120xf32> to vector<384x5120xf32>
    %broadcast_in_dim3A_4391 = vector.broadcast %jit3A_4388 : f32 to vector<384x5120xf32>
    %select_n3A_4392 = arith.select %and3A_4315, %broadcast_in_dim3A_4390, %broadcast_in_dim3A_4391 : vector<384x5120xi1>, vector<384x5120xf32>
    %reduce_sum3A_4393 = arith.constant dense<0.000000e+00> : vector<384xf32>
    %reduce_sum3A_4394 = vector.multi_reduction <add>, %select_n3A_4392, %reduce_sum3A_4393 [1] : vector<384x5120xf32> to vector<384xf32>
    %broadcast_in_dim3A_4395 = vector.shape_cast %reduce_sum3A_4394 : vector<384xf32> to vector<384x1xf32>
    %swap3A_4396 = arith.constant 0 : index
    %swap3A_4397 = arith.constant 6 : index
    %swap3A_4398 = vector.load %arg1[%swap3A_4396, %swap3A_4397] : memref<384x8xf32, #tpu.memory_space<vmem>>, vector<384x1xf32>
    tpu.vector_store %arg1[%swap3A_4396, %swap3A_4397], %broadcast_in_dim3A_4395 {strides = array<i32>} : memref<384x8xf32, #tpu.memory_space<vmem>>, vector<384x1xf32>,
    %slice3A_4399 = vector.extract_strided_slice %transpose3A {offsets = [7, 0], sizes = [1, 5120], strides = [1, 1]} : vector<8x5120xf32> to vector<1x5120xf32>
    %jit3A_4400 = arith.constant 0.000000e+00 : f32
    %broadcast_in_dim3A_4401 = vector.shape_cast %slice3A_4399 : vector<1x5120xf32> to vector<1x5120xf32>
    %broadcast_in_dim3A_4402 = vector.broadcast %broadcast_in_dim3A_4401 : vector<1x5120xf32> to vector<384x5120xf32>
    %broadcast_in_dim3A_4403 = vector.broadcast %jit3A_4400 : f32 to vector<384x5120xf32>
    %select_n3A_4404 = arith.select %and3A_4315, %broadcast_in_dim3A_4402, %broadcast_in_dim3A_4403 : vector<384x5120xi1>, vector<384x5120xf32>
    %reduce_sum3A_4405 = arith.constant dense<0.000000e+00> : vector<384xf32>
    %reduce_sum3A_4406 = vector.multi_reduction <add>, %select_n3A_4404, %reduce_sum3A_4405 [1] : vector<384x5120xf32> to vector<384xf32>
    %broadcast_in_dim3A_4407 = vector.shape_cast %reduce_sum3A_4406 : vector<384xf32> to vector<384x1xf32>
    %swap3A_4408 = arith.constant 0 : index
    %swap3A_4409 = arith.constant 7 : index
    %swap3A_4410 = vector.load %arg1[%swap3A_4408, %swap3A_4409] : memref<384x8xf32, #tpu.memory_space<vmem>>, vector<384x1xf32>
    tpu.vector_store %arg1[%swap3A_4408, %swap3A_4409], %broadcast_in_dim3A_4407 {strides = array<i32>} : memref<384x8xf32, #tpu.memory_space<vmem>>, vector<384x1xf32>,
    return
  }
}

</mosaic_0001>

<sc_bundles>
// kernel: kernel.5.cloned.1.call-start
scs
__scs_entry_jumppad:
0x0: {  	(pc) =	sbr.rel $0x88, $3  }
0x1: {  	(tag) =	ssettag $0x0;
	lr =	simm.s32 $0x1  }
0x2: {  	[smem:$0x3F9D] =	sst lr;
	_ =	strace $0xD0000000  }
0x3: {  	_ = 	snop  }
0x4: {  	_ = 	snop  }
0x5: {  	_ = 	snop  }
0x6: {  	_ = 	snop  }
0x7: {  	_ = 	snop  }
__scs_overlays_trampoline_lowered:
0x8: {  	[smem:$0x3FAC] =	sst s0  }
0x9: {  	[smem:$0x3FAD] =	sst s1  }
0xa: {  	[smem:$0x3FAE] =	sst s2  }
0xb: {  	[smem:$0x3FAF] =	sst s3  }
0xc: {  	[smem:$0x3FB0] =	sst s4  }
0xd: {  	[smem:$0x3FB1] =	sst s5  }
0xe: {  	[smem:$0x3FB2] =	sst s6  }
0xf: {  	[smem:$0x3FB3] =	sst s7  }
0x10: {  	[smem:$0x3FB4] =	sst s8  }
0x11: {  	[smem:$0x3FB5] =	sst s9;
	s0 =	simm.s32 @!p0 $0x0  }
0x12: {  	s1 =	sld [smem:$0x3F9B];
	s0 =	simm.s32 @p0 $0x1  }
0x13: {  	[smem:$0x3FB6] =	sst s0;
	s0 =	simm.s32 @!p1 $0x0  }
0x14: {  	s2 =	sld [smem:$0x3F9A];
	s0 =	simm.s32 @p1 $0x1  }
0x15: {  	[smem:$0x3FB7] =	sst s0;
	s0 =	simm.s32 @!p2 $0x0  }
0x16: {  	s3 =	sld [smem:$0x3FDB];
	s0 =	simm.s32 @p2 $0x1  }
0x17: {  	s4 =	simm.s32 $0x1BF5;
	[smem:$0x3FB9] =	sst s0  }
0x18: {  	s0 =	sld [smem:$0x3F9C];
	_ =	swait.ge [sflag:s4], $0x0  }
0x19: {  	s7 =	sld [smem:$0x3F9D]  }
0x1a: {  	s8 =	sadd.s32 $0xFFFFE003, lr  }
0x1b: {  	s9 =	sadd.s32 $0xFFFFFEF7, lr;
	s5 =	simm.s32 $0xFFFFFFFF;
	p2 =	slt.u32 s8, $0xFFFFF086  }
0x1c: {  	p1 =	slt.u32 s9, $0xF7A;
	s5 =	simm.s32 @!p2 $0x0  }
0x1d: {  	s5 =	simm.s32 @p1 $0x1;
	p0 =	seq.s32 s7, s2  }
0x1e: {  	s7 =	smul.u32 @!p0 $0xF7A, s2;
	p2 =	seq.s32 @!p0 s5, $0x0  }
0x1f: {  	s9 =	smul.u32 $0xF7A, s1;
	s8 =	simm.s32 @!p0 $0x1BF5;
	p2 =	por !p2, p0  }
0x20: {  	[sflag:s8] =	ssyncset.s32 @!p0 $0xFFFFF086;
	s6 =	sadd.s32 @!p0 s3, s7;
	s7 =	simm.s32 @!p0 $0x108  }
0x21: {  	s3 =	sadd.s32 s3, s9;
	s6 =	sadd.s32 @!p0 $0x88, s6;
	s7 =	simm.s32 @p2 $0x1082  }
0x22: {  	[simem:s7], [sflag:s8] =	dma.local @!p0 [hbm:s6], $0xF7A  }
0x23: {  	s9 =	sor.u32 $0xD0000000, s2;
	s6 =	simm.s32 $0x108;
	_ =	swait.ge @!p0 [sflag:s8], $0x0  }
0x24: {  	s3 =	sadd.s32 $0x88, s3;
	s6 =	simm.s32 @!p1 $0x1082;
	[sflag:s4] =	ssyncset.s32 $0xFFFFF086  }
0x25: {  	[simem:s6], [sflag:s4] =	dma.local [hbm:s3], $0xF7A  }
0x26: {  	[smem:$0x3F9D] =	sst s1;
	(tag) =	ssettag s2;
	_ =	strace s9  }
0x27: {  	s1 =	sld [smem:$0x3FAD]  }
0x28: {  	s2 =	sld [smem:$0x3FAE]  }
0x29: {  	s4 =	sld [smem:$0x3FB0]  }
0x2a: {  	p0 =	seq.s32 s5, $0x0;
	s5 =	sld [smem:$0x3FB1]  }
0x2b: {  	s6 =	sld [smem:$0x3FB2]  }
0x2c: {  	s7 =	sld [smem:$0x3FB3]  }
0x2d: {  	s3 =	simm.s32 $0x108;
	s8 =	sld [smem:$0x3FB4]  }
0x2e: {  	s3 =	simm.s32 @!p0 $0x1082;
	s9 =	sld [smem:$0x3FB5]  }
0x2f: {  	lr =	sadd.s32 s0, s3;
	s0 =	sld [smem:$0x3FAC]  }
0x30: {  	s3 =	sld [smem:$0x3FAF]  }
0x31: {  	[smem:$0x3FB8] =	sst s10  }
0x32: {  	s10 =	sld [smem:$0x3FB6];
	_ =	sdelay $0x3  }
0x33: {  	p0 =	seq.s32 s10, $0x1;
	s10 =	sld [smem:$0x3FB8];
	_ =	sdelay $0x3  }
0x34: {  	[smem:$0x3FB8] =	sst s10  }
0x35: {  	s10 =	sld [smem:$0x3FB7];
	_ =	sdelay $0x3  }
0x36: {  	p1 =	seq.s32 s10, $0x1;
	s10 =	sld [smem:$0x3FB8];
	_ =	sdelay $0x3  }
0x37: {  	[smem:$0x3FB8] =	sst s10  }
0x38: {  	s10 =	sld [smem:$0x3FB9]  }
0x39: {  	_ = 	snop;
	(pc) =	sbr.ind lr, $3  }
0x3a: {  	_ = 	snop  }
0x3b: {  	_ = 	snop  }
0x3c: {  	p2 =	seq.s32 s10, $0x1;
	s10 =	sld [smem:$0x3FB8]  }
0x3d: {  	_ =	shalt  }
0x3e: {  	_ =	shalt  }
0x3f: {  	_ =	shalt  }
0x40: {  	_ =	shalt  }
0x41: {  	_ =	shalt  }
0x42: {  	_ =	shalt  }
0x43: {  	_ =	shalt  }
0x44: {  	_ =	shalt  }
0x45: {  	_ =	shalt  }
0x46: {  	_ =	shalt  }
0x47: {  	_ =	shalt  }
0x48: {  	_ =	shalt  }
0x49: {  	_ =	shalt  }
0x4a: {  	_ =	shalt  }
0x4b: {  	_ =	shalt  }
0x4c: {  	_ =	shalt  }
0x4d: {  	_ =	shalt  }
0x4e: {  	_ =	shalt  }
0x4f: {  	_ =	shalt  }
0x50: {  	_ =	shalt  }
0x51: {  	_ =	shalt  }
0x52: {  	_ =	shalt  }
0x53: {  	_ =	shalt  }
0x54: {  	_ =	shalt  }
0x55: {  	_ =	shalt  }
0x56: {  	_ =	shalt  }
0x57: {  	_ =	shalt  }
0x58: {  	_ =	shalt  }
0x59: {  	_ =	shalt  }
0x5a: {  	_ =	shalt  }
0x5b: {  	_ =	shalt  }
0x5c: {  	_ =	shalt  }
0x5d: {  	_ =	shalt  }
0x5e: {  	_ =	shalt  }
0x5f: {  	_ =	shalt  }
0x60: {  	_ =	shalt  }
0x61: {  	_ =	shalt  }
0x62: {  	_ =	shalt  }
0x63: {  	_ =	shalt  }
0x64: {  	_ =	shalt  }
0x65: {  	_ =	shalt  }
0x66: {  	_ =	shalt  }
0x67: {  	_ =	shalt  }
0x68: {  	_ =	shalt  }
0x69: {  	_ =	shalt  }
0x6a: {  	_ =	shalt  }
0x6b: {  	_ =	shalt  }
0x6c: {  	_ =	shalt  }
0x6d: {  	_ =	shalt  }
0x6e: {  	_ =	shalt  }
0x6f: {  	_ =	shalt  }
0x70: {  	_ =	shalt  }
0x71: {  	_ =	shalt  }
0x72: {  	_ =	shalt  }
0x73: {  	_ =	shalt  }
0x74: {  	_ =	shalt  }
0x75: {  	_ =	shalt  }
0x76: {  	_ =	shalt  }
0x77: {  	_ =	shalt  }
0x78: {  	_ =	shalt  }
0x79: {  	_ =	shalt  }
0x7a: {  	_ =	shalt  }
0x7b: {  	_ =	shalt  }
0x7c: {  	_ =	shalt  }
0x7d: {  	_ =	shalt  }
0x7e: {  	_ =	shalt  }
0x7f: {  	_ =	shalt  }
0x80: {  	_ =	shalt  }
0x81: {  	_ =	shalt  }
0x82: {  	_ =	shalt  }
0x83: {  	_ =	shalt  }
0x84: {  	_ =	shalt  }
0x85: {  	_ =	shalt  }
0x86: {  	_ =	shalt  }
0x87: {  	_ =	shalt  }
.Lfunc_end0:
.L_simem_size_0:
called_computation_lowered:
.L_overlay_start_0:
0x88: {  	s2 =	sld [smem:$0x3FD9]  }
0x89: {  	s3 =	sld [smem:$0x3FFE];
	_ =	sdelay $0x1  }
0x8a: {  	s1 =	srdreg.scid  }
0x8b: {  	s0 =	sand.u32 $0x1, s1  }
0x8c: {  	s16 =	sshll.u32 s0, $0xA;
	s2 =	sadd.s32 s3, s2  }
0x8d: {  	s2 =	sadd.s32 s2, s16  }
0x8e: {  	[smem:$0x3FC4] =	sst s2  }
0x8f: {  	_ = 	snop  }
0x90: {  	(tm) =	ssettm $0x1  }
0x91: {  	s17 =	sld [smem:$0x3FFB];
	_ =	sdelay $0x3  }
0x92: {  	_ =	strace s17  }
0x93: {  	s2 =	sld [smem:$0x3FFC];
	_ =	sdelay $0x3  }
0x94: {  	_ =	strace s2  }
0x95: {  	s2 =	sld [smem:$0x3FFD];
	_ =	sdelay $0x3  }
0x96: {  	_ =	strace s2  }
0x97: {  	_ =	strace $0x8FFFFFFF  }
0x98: {  	s18 =	sld [smem:$0x3FDB];
	_ =	sdelay $0x1  }
0x99: {  	s19 =	simm.s32 $_scs_section_size  }
0x9a: {  	s4 =	simm.s32 $_size__tile_overlayer_lowered;
	s5 =	simm.s32 $_tile_overlayer_lowered  }
0x9b: {  	s22 =	simm.s32 $0x1BFF;
	s21 =	sshll.u32 s5, $0x1;
	s2 =	sadd.s32 s19, s18  }
0x9c: {  	s6 =	simm.s32 $0x0;
	s20 =	sshll.u32 s4, $0x1;
	s4 =	sadd.s32 s21, s2  }
0x9d: {  	[timem:s6], [sflag:s22] =	dma.local [hbm:s4], s20  }
0x9e: {  	_ =	swait.ge [sflag:s22], s20  }
0x9f: {  	s3 =	ssub.s32 $0x0, s20;
	[sflag:s22] =	ssyncset.done $0x0  }
0xa0: {  	[sflag:s22] =	ssyncadd.s32 s3;
	_ =	sdelay $0x1  }
0xa1: {  	s23 =	simm.s32 $0x1B8B  }
0xa2: {  	_ =	swait.ge [sflag:s23], $0x1  }
0xa3: {  	[sflag:s23] =	ssyncset.done $0x0  }
0xa4: {  	s25 =	simm.s32 $0x1B8E;
	s24 =	sld [smem:$0x3FFE];
	[sflag:s23] =	ssyncadd.s32 $0xFFFFFFFF  }
0xa5: {  	s26 =	simm.s32 $execute0_lowered;
	[smem:$0x3FD2] =	sst s25  }
0xa6: {  	s4 =	sshll.u32 s26, $0x1;
	_ =	strace $0x80000046;
	[dreg:$0x1] =	wrdreg $0xFFFFFFFF  }
0xa7: {  	s28 =	simm.s32 $_size_execute0_lowered;
	s2 =	sadd.s32 s2, s4;
	[dreg:$0x0] =	wrdreg $0x0  }
0xa8: {  	s4 =	sshll.u32 s28, $0x1;
	[dreg:$0x2] =	wrdreg s2  }
0xa9: {  	[dreg:$0x3] =	wrdreg s4  }
0xaa: {  	[dreg:$0x4] =	wrdreg $0xC0  }
0xab: {  	_ =	task [dreg:s6], $0x5FFFF  }
0xac: {  	[dreg:$0x1] =	wrdreg $0xFFFFFFFF  }
0xad: {  	[dreg:$0x0] =	wrdreg $0x60  }
0xae: {  	[dreg:$0x2] =	wrdreg s24  }
0xaf: {  	[dreg:$0x3] =	wrdreg $0x9  }
0xb0: {  	_ =	task.clear_ibuf [dreg:s6], $0x4FFFF;
	_ =	strace $0x90000046  }
0xb1: {  	s29 =	simm.s32 $0x9;
	_ =	strace $0x80000048  }
0xb2: {  	_ =	swait.ge [sflag:s29], $0x1  }
0xb3: {  	[sflag:s29] =	ssyncadd.s32 $0xFFFFFFFF  }
0xb4: {  	_ =	strace $0x90000048  }
0xb5: {  	_ =	sfence  }
0xb6: {  	s30 =	sld [smem:$0x0];
	_ =	sdelay $0x2  }
0xb7: {  	s31 =	sshll.u32 s1, $0xD;
	s1 =	sshrl.u32 s1, $0x2  }
0xb8: {  	s3 =	sand.u32 $0x4000, s31;
	s1 =	sadd.s32 s1, s30  }
0xb9: {  	s0 =	sor.u32 s3, s0;
	s1 =	sshll.u32 s1, $0x11  }
0xba: {  	s0 =	sor.u32 s1, s0  }
0xbb: {  	s0 =	sadd.s32 $0x8F2B, s0  }
0xbc: {  	[sflag:s0] =	ssyncadd.remote.s32 $0x1  }
0xbd: {  	_ =	sfence.sel $0xFFFF  }
0xbe: {  	[dreg:$0x0] =	wrdreg $0xFFFFFFFF;
	(pc) =	sbr.abs _section_cstart, $3  }
0xbf: {  	[dreg:$0x1] =	wrdreg $0xFFFFFFFF  }
0xc0: {  	_ =	task.clear_ibuf [dreg:s6], $0x2FFFF;
	_ =	strace $0x9FFFFFFF  }
0xc1: {  	(tm) =	ssettm $0x7FFFFFFF  }
tec
execute0_lowered:
.L_overlay_start_1:
0x0: {  	(tag) =	ssettag $0x1  }
0x1: {  	s1 =	srdreg.scid;
	s0 =	stileid.u32  }
0x2: {  	s10 =	sand.u32 $0x1, s1;
	s29 =	sshll.u32 s0, $0x1  }
0x3: {  	s11 =	sor.u32 s10, s29  }
0x4: {  	s2 =	rddreg [dreg:$0x0];
	s4 =	smul.u32 $0x14, s11  }
0x5: {  	s3 =	simm.s32 $0x0;
	s1 =	rddreg [dreg:$0x1]  }
0x6: {  	[smem:$0x7FF] =	sst s3;
	s4 =	sadd.s32 s4, s2  }
0x7: {  	_ =	strace $0x80000047;
	s5 =	sadd.s32 $0x1400, s4;
	s4 =	simm.s32 $0x2  }
0x8: {  	[tilespmem:s3], [sflag:$0x2] =	stream.linear.gather [hbm4b:s5+s3], $0xA0, $0x38;
	[tilespmem:$0x5A0] =	vst v63  }
0x9: {  	_ =	swait.ge [sflag:s4], $0xA0  }
0xa: {  	[sflag:s4] =	ssyncset.done $0x0  }
0xb: {  	s6 =	simm.s32 $0x50;
	s7 =	simm.s32 $0xA0;
	[sflag:s4] =	ssyncadd.s32 $0xFFFFFF60  }
0xc: {  	[tilespmem:s7], [sflag:$0x1] =	stream.indirect.gather [hbm4b:s2+s6], $0x8, s3, s6, $0xb8;
	[tilespmem:$0x5A0] =	vst v63  }
0xd: {  	s8 =	simm.s32 $0x320;
	s9 =	simm.s32 $0x1;
	s10 =	ssub.s32 $0x2, s10  }
0xe: {  	[tilespmem:s8], [sflag:$0x1] =	stream.indirect.gather [hbm4b:s2+s6], $0x8, s6, s6, $0xb8;
	[tilespmem:$0x5A0] =	vst v63  }
0xf: {  	s12 =	sshrl.u32 s10, $0x1;
	_ =	swait.ge [sflag:s9], $0x280  }
0x10: {  	s12 =	ssub.s32 s10, s12;
	[sflag:s9] =	ssyncset.done $0x0  }
0x11: {  	s11 =	smul.u32 $0xA0, s11;
	s31 =	smax.u32 s12, $0x1;
	[sflag:s9] =	ssyncadd.s32 $0xFFFFFD80  }
0x12: {  	p0 =	sne.s32 s31, $0x1;
	_ =	swait.ge [sflag:s9], $0x280  }
.Ltmp0:
0x13: {  	s30 =	sadd.s32 s11, s2;
	[sflag:s9] =	ssyncset.done $0x0;
	(pc) =	sbr.rel @!p0 .LBB2_2-.Ltmp0, $4  }
0x14: {  	s10 =	sadd.s32 $0x1800, s30;
	[sflag:s9] =	ssyncadd.s32 $0xFFFFFD80  }
0x15: {  	[hbm4b:s10+s3] =	stream.linear.scatter [tilespmem:s7], [sflag:$0x2], $0x500, $0x38;
	[tilespmem:$0x5A0] =	vst v63  }
0x16: {  	_ =	swait.ge [sflag:s4], $0x500  }
0x17: {  	s11 =	sadd.s32 $0xFFFFFFFF, s31;
	[sflag:s4] =	ssyncset.done $0x0  }
.LBB2_1:
0x18: {  	p0 =	sne.s32 s11, $0x1;
	s11 =	sadd.s32 $0xFFFFFFFF, s11;
	[sflag:s4] =	ssyncadd.s32 $0xFFFFFB00  }
0x19: {  	[tilespmem:s3], [sflag:$0x2] =	stream.linear.gather [hbm4b:s5+s3], $0xA0, $0x38;
	[tilespmem:$0x5A0] =	vst v63  }
0x1a: {  	_ =	swait.ge [sflag:s4], $0xA0  }
0x1b: {  	[sflag:s4] =	ssyncset.done $0x0  }
0x1c: {  	[sflag:s4] =	ssyncadd.s32 $0xFFFFFF60  }
0x1d: {  	[tilespmem:s7], [sflag:$0x1] =	stream.indirect.gather [hbm4b:s2+s6], $0x8, s3, s6, $0xb8;
	[tilespmem:$0x5A0] =	vst v63  }
0x1e: {  	_ = 	snop  }
0x1f: {  	[tilespmem:s8], [sflag:$0x1] =	stream.indirect.gather [hbm4b:s2+s6], $0x8, s6, s6, $0xb8;
	[tilespmem:$0x5A0] =	vst v63  }
0x20: {  	_ =	swait.ge [sflag:s9], $0x280  }
0x21: {  	[sflag:s9] =	ssyncset.done $0x0  }
0x22: {  	[sflag:s9] =	ssyncadd.s32 $0xFFFFFD80  }
0x23: {  	_ =	swait.ge [sflag:s9], $0x280  }
.Ltmp1:
0x24: {  	[sflag:s9] =	ssyncset.done $0x0;
	(pc) =	sbr.rel @p0 .LBB2_1-.Ltmp1, $4  }
0x25: {  	[sflag:s9] =	ssyncadd.s32 $0xFFFFFD80  }
0x26: {  	[hbm4b:s10+s3] =	stream.linear.scatter [tilespmem:s7], [sflag:$0x2], $0x500, $0x38;
	[tilespmem:$0x5A0] =	vst v63  }
0x27: {  	_ =	swait.ge [sflag:s4], $0x500  }
0x28: {  	[sflag:s4] =	ssyncset.done $0x0  }
.LBB2_2:
0x29: {  	[sflag:s4] =	ssyncadd.s32 $0xFFFFFB00  }
0x2a: {  	_ =	sfence.sel $0x180000  }
0x2b: {  	[bflag:$0x0] =	sbarrier.arrive $0xFFFF  }
0x2c: {  	p0 =	sne.s32 s0, $0x0;
	_ =	strace $0x90000047  }
0x2d: {  	s0 =	sadd.s32 @!p0 $0x100000, s1;
	[bflag:$0x2] =	sbarrier.arrive $0xFFFF  }
0x2e: {  	[sflag:s0] =	ssyncadd.tile.s32 @!p0 $0x1;
	_ =	shalt  }
.Lfunc_end2:
_tile_overlayer_lowered:
.L_overlay_start_2:
0x2f: {  	(tag) =	ssettag $0x2  }
0x30: {  	s0 =	rddreg [dreg:$0x0];
	s2 =	stileid.u32  }
0x31: {  	s1 =	rddreg [dreg:$0x1];
	p0 =	sne.s32 s2, $0x0  }
0x32: {  	s3 =	rddreg [dreg:$0x2];
	[bflag:$0x3] =	sbarrier.arrive $0xFFFF;
	s2 =	simm.s32 @!p0 $0x1C02  }
0x33: {  	[timem:s3], [sflag:s2] =	dma.local @!p0 [hbm:s0], s1  }
0x34: {  	s0 =	simm.s32 @!p0 $0x2  }
0x35: {  	_ =	swait.ge @!p0 [sflag:s0], s1  }
0x36: {  	s1 =	ssub.s32 @!p0 $0x0, s1;
	[sflag:s0] =	ssyncset.done @!p0 $0x0  }
0x37: {  	[sflag:s0] =	ssyncadd.s32 @!p0 s1  }
0x38: {  	[bflag:$0x3] =	sbarrier.arrive $0xFFFF  }
0x39: {  	_ =	shalt  }

</sc_bundles>
